<compile_context>
chip_gen: v7x
topology: tpu7x:2x2x1
jax: 0.10.2.dev20260603
libtpu: 0.0.44.dev20260713+nightly
codegen_flags: <defaults>
</compile_context>

<pallas_src>
import functools

import jax
import jax.numpy as jnp
from jax import lax
from jax.experimental import pallas as pl
from jax.experimental.pallas import tpu as pltpu
from jax.experimental.pallas import tpu_sc as plsc

N = 10000
NP = 10240
E = 320000
ETOT = E + N
EP = 331776
H = 2
OUT_CH = 128

_sc_cache = {}


def _sc_mesh():
    if "mesh" not in _sc_cache:
        _sc_cache["mesh"] = plsc.VectorSubcoreMesh(
            core_axis_name="c", subcore_axis_name="s")
    return _sc_cache["mesh"]



def _mm_body(x_ref, w_ref, o_ref):
    o_ref[...] = jnp.dot(x_ref[...], w_ref[...],
                         preferred_element_type=jnp.float32)


_CW = 128


def _mm_plain(x, w):
    n, k = x.shape
    m = w.shape[1]
    br = 1000
    return pl.pallas_call(
        _mm_body,
        grid=(n // br,),
        in_specs=[
            pl.BlockSpec((br, k), lambda i: (i, 0)),
            pl.BlockSpec((k, m), lambda i: (0, 0)),
        ],
        out_specs=pl.BlockSpec((br, m), lambda i: (i, 0)),
        out_shape=jax.ShapeDtypeStruct((n, m), jnp.float32),
    )(x, w)


def _norm_body(z_ref, s0_ref, s1_ref, b_ref, o_ref):
    z = z_ref[...]
    c = z.shape[1] // 2
    s0 = s0_ref[...][:, :1] + 1e-16
    s1 = s1_ref[...][:, :1] + 1e-16
    zn = jnp.concatenate([z[:, :c] / s0, z[:, c:] / s1], axis=1)
    v = zn + b_ref[...]
    o_ref[...] = jnp.where(v > 0, v, jnp.exp(jnp.minimum(v, 0.0)) - 1.0)


def _normalize(z, s0, s1, b):
    n, m = z.shape
    br = 1000
    return pl.pallas_call(
        _norm_body,
        grid=(n // br,),
        in_specs=[
            pl.BlockSpec((br, m), lambda i: (i, 0)),
            pl.BlockSpec((br, 16), lambda i: (i, 0)),
            pl.BlockSpec((br, 16), lambda i: (i, 0)),
            pl.BlockSpec((1, m), lambda i: (0, 0)),
        ],
        out_specs=pl.BlockSpec((br, m), lambda i: (i, 0)),
        out_shape=jax.ShapeDtypeStruct((n, m), jnp.float32),
    )(z, s0, s1, b)



_E_CHUNK1 = EP // 32
_E_STEPS1 = _E_CHUNK1 // 16


def _k1_body(src_hbm, dst_hbm, tab_hbm, g_hbm, ex_hbm, s0_hbm, s1_hbm,
             srcv, dstv, tabv, gv, ex0v, ex1v, s0p, s1p):
    wid = lax.axis_index("s") * 2 + lax.axis_index("c")
    base = wid * _E_CHUNK1
    pltpu.sync_copy(src_hbm.at[pl.ds(base, _E_CHUNK1)], srcv)
    pltpu.sync_copy(dst_hbm.at[pl.ds(base, _E_CHUNK1)], dstv)
    pltpu.sync_copy(tab_hbm, tabv)
    pltpu.sync_copy(g_hbm, gv)
    g0 = gv[pl.ds(0, 16)]
    g1 = gv[pl.ds(16, 16)]
    iota = lax.iota(jnp.int32, 16)
    zero16 = jnp.zeros((16,), jnp.float32)

    def zstep(j, _):
        s0p[pl.ds(j * 16, 16)] = zero16
        s1p[pl.ds(j * 16, 16)] = zero16
        return 0

    lax.fori_loop(0, NP // 16, zstep, 0)

    def step(j, _):
        sv = srcv[pl.ds(j * 16, 16)]
        dv = dstv[pl.ds(j * 16, 16)]
        valid = (iota + (base + j * 16)) < ETOT
        as0 = plsc.load_gather(tabv, [sv])
        ad0 = plsc.load_gather(tabv, [dv + 2 * NP])
        e0 = as0 + ad0
        e0 = jnp.where(e0 > 0, e0, 0.2 * e0)
        x0 = jnp.where(valid, jnp.exp(e0 - g0), 0.0)
        ex0v[pl.ds(j * 16, 16)] = x0
        plsc.addupdate_scatter(s0p, [dv], x0)
        as1 = plsc.load_gather(tabv, [sv + NP])
        ad1 = plsc.load_gather(tabv, [dv + 3 * NP])
        e1 = as1 + ad1
        e1 = jnp.where(e1 > 0, e1, 0.2 * e1)
        x1 = jnp.where(valid, jnp.exp(e1 - g1), 0.0)
        ex1v[pl.ds(j * 16, 16)] = x1
        plsc.addupdate_scatter(s1p, [dv], x1)
        return 0

    lax.fori_loop(0, _E_STEPS1, step, 0)
    pltpu.sync_copy(ex0v, ex_hbm.at[0, pl.ds(base, _E_CHUNK1)])
    pltpu.sync_copy(ex1v, ex_hbm.at[1, pl.ds(base, _E_CHUNK1)])
    pltpu.sync_copy(s0p, s0_hbm.at[wid])
    pltpu.sync_copy(s1p, s1_hbm.at[wid])


def _get_k1():
    if "k1" not in _sc_cache:
        _sc_cache["k1"] = pl.kernel(
            _k1_body,
            out_type=(
                jax.ShapeDtypeStruct((H, EP), jnp.float32),
                jax.ShapeDtypeStruct((32, NP), jnp.float32),
                jax.ShapeDtypeStruct((32, NP), jnp.float32),
            ),
            mesh=_sc_mesh(),
            compiler_params=pltpu.CompilerParams(needs_layout_passes=False),
            scratch_types=[
                pltpu.VMEM((_E_CHUNK1,), jnp.int32),
                pltpu.VMEM((_E_CHUNK1,), jnp.int32),
                pltpu.VMEM((4 * NP,), jnp.float32),
                pltpu.VMEM((32,), jnp.float32),
                pltpu.VMEM((_E_CHUNK1,), jnp.float32),
                pltpu.VMEM((_E_CHUNK1,), jnp.float32),
                pltpu.VMEM((NP,), jnp.float32),
                pltpu.VMEM((NP,), jnp.float32),
            ],
        )
    return _sc_cache["k1"]


_BB = 128


_E_CHUNKP = EP // 32
_NBATCHP = _E_CHUNKP // _BB


def _make_k4p(off):

    def _k4(src_hbm, dst_hbm, ex_hbm, htab_hbm, zcw_hbm, out_hbm,
            srcv, dstv, exv, gidx, didx, stage, spq, sem):
        c = lax.axis_index("c")
        t = lax.axis_index("s")
        wid = t * 2 + c
        ebase = wid * _E_CHUNKP
        pltpu.sync_copy(src_hbm.at[pl.ds(ebase, _E_CHUNKP)], srcv)
        pltpu.sync_copy(dst_hbm.at[pl.ds(ebase, _E_CHUNKP)], dstv)
        pltpu.sync_copy(ex_hbm.at[pl.ds(ebase, _E_CHUNKP)], exv)
        pltpu.sync_copy(zcw_hbm, spq.at[pl.ds(t * 640, 640)])
        plsc.subcore_barrier()

        def batch(bi, _):
            lb = bi * _BB
            for j in range(_BB // 16):
                sv = srcv[pl.ds(lb + j * 16, 16)]
                gidx[pl.ds(j * 16, 16)] = sv + off
                didx[pl.ds(j * 16, 16)] = dstv[pl.ds(lb + j * 16, 16)]
            pltpu.async_copy(htab_hbm.at[gidx], stage, sem).wait()

            def row(i, _):
                iv = jnp.full((16,), lb + i, jnp.int32)
                exs = plsc.load_gather(exv, [iv])
                for j in range(_CW // 16):
                    stage[i, pl.ds(j * 16, 16)] = (
                        stage[i, pl.ds(j * 16, 16)] * exs)
                return 0

            lax.fori_loop(0, _BB, row, 0)
            pltpu.sync_copy(stage, spq.at[didx], add=True)
            return 0

        lax.fori_loop(0, _NBATCHP, batch, 0)
        plsc.subcore_barrier()
        pltpu.sync_copy(spq.at[pl.ds(t * 640, 640)],
                        out_hbm.at[c, pl.ds(t * 640, 640)])

    return pl.kernel(
        _k4,
        out_type=jax.ShapeDtypeStruct((2, NP, _CW), jnp.float32),
        mesh=_sc_mesh(),
        compiler_params=pltpu.CompilerParams(needs_layout_passes=False),
        scratch_types=[
            pltpu.VMEM((_E_CHUNKP,), jnp.int32),
            pltpu.VMEM((_E_CHUNKP,), jnp.int32),
            pltpu.VMEM((_E_CHUNKP,), jnp.float32),
            pltpu.VMEM((_BB,), jnp.int32),
            pltpu.VMEM((_BB,), jnp.int32),
            pltpu.VMEM((_BB, _CW), jnp.float32),
            pltpu.VMEM_SHARED((NP, _CW), jnp.float32),
            pltpu.SemaphoreType.DMA,
        ],
    )


def _get_k4p(off):
    key = ("k4p", off)
    if key not in _sc_cache:
        _sc_cache[key] = _make_k4p(off)
    return _sc_cache[key]



def _attn_proj(a_src, a_dst, heads, out_ch):
    eye = jnp.eye(heads, dtype=jnp.float32)
    A_s = (a_src[:, :, None] * eye[:, None, :]).reshape(heads * out_ch, heads)
    A_d = (a_dst[:, :, None] * eye[:, None, :]).reshape(heads * out_ch, heads)
    return jnp.concatenate([A_s, A_d], axis=1)


def _gat_layer(x, src_p, dst_p, zcw, W, a_src, a_dst, b, out_ch):
    n = x.shape[0]
    nq = (H * out_ch) // _CW
    nsub = nq // 2
    h = _mm_plain(x, W)
    htab = h.reshape(n, nq, _CW).transpose(1, 0, 2).reshape(nq * n, _CW)

    Wa = W @ _attn_proj(a_src, a_dst, H, out_ch)
    Wa_pad = jnp.pad(Wa, ((0, 0), (0, 124)))
    al = _mm_plain(x, Wa_pad)
    alv = al[:, :4]
    gm = jnp.max(alv, axis=0)
    g = jnp.maximum(gm[:2] + gm[2:], 0.0)
    g32 = jnp.repeat(g, 16)
    tab = jnp.pad(alv.T, ((0, 0), (0, NP - n))).reshape(4 * NP)

    ex, s0p, s1p = _get_k1()(src_p, dst_p, tab, g32)
    planes = []
    for q in range(nq):
        head = q // nsub
        part = _get_k4p(q * N)(src_p, dst_p, ex[head], htab, zcw)
        planes.append(part[0] + part[1])
    z = jnp.stack(planes)[:, :n, :].transpose(1, 0, 2).reshape(n, nq * _CW)
    s0 = jnp.broadcast_to(s0p.sum(axis=0)[:n, None], (n, 16))
    s1 = jnp.broadcast_to(s1p.sum(axis=0)[:n, None], (n, 16))
    return _normalize(z, s0, s1, b.reshape(1, -1))


def kernel(x, edge_index, W1, a_src1, a_dst1, b1, W2, a_src2, a_dst2, b2):
    n = x.shape[0]
    loop = jnp.arange(n, dtype=edge_index.dtype)
    src = jnp.concatenate([edge_index[0], loop]).astype(jnp.int32)
    dst = jnp.concatenate([edge_index[1], loop]).astype(jnp.int32)
    src_p = jnp.pad(src, (0, EP - ETOT))
    dst_p = jnp.pad(dst, (0, EP - ETOT))
    zcw = jnp.zeros((640, _CW), jnp.float32)

    h1 = _gat_layer(x, src_p, dst_p, zcw,
                    W1, a_src1, a_dst1, b1, 2 * OUT_CH)
    h2 = _gat_layer(h1, src_p, dst_p, zcw,
                    W2, a_src2, a_dst2, b2, OUT_CH)
    return (h2, x)

# --- scband reference (transcript-rebuilt; emitter-appended) ---
"""Pipeline reference for scband-encoder-23828478558447 (READ-ONLY COPY).

The authoritative reference and input builder live on the scoring server;
editing this copy changes nothing except your own understanding.
"""

import jax, jax.numpy as jnp
import numpy as np

N = 10000
E = 320000
IN = 128
OUT = 128
H = 2


def gat_conv(x, edge_index, W, a_src, a_dst, b, heads, out_ch):
    n = x.shape[0]
    loop = jnp.arange(n, dtype=edge_index.dtype)
    src = jnp.concatenate([edge_index[0], loop])
    dst = jnp.concatenate([edge_index[1], loop])
    h = (x @ W).reshape(n, heads, out_ch)
    alpha_s = (h * a_src[None, :, :]).sum(-1)  # [n, H]
    alpha_d = (h * a_dst[None, :, :]).sum(-1)  # [n, H]
    e = alpha_s[src] + alpha_d[dst]            # [Etot, H]
    e = jnp.where(e > 0, e, 0.2 * e)           # LeakyReLU(0.2)
    m = jax.ops.segment_max(e, dst, num_segments=n)
    ex = jnp.exp(e - m[dst])
    s = jax.ops.segment_sum(ex, dst, num_segments=n)
    alpha = ex / (s[dst] + 1e-16)
    msg = h[src] * alpha[:, :, None]
    out = jax.ops.segment_sum(msg, dst, num_segments=n)
    return out.reshape(n, heads * out_ch) + b


def setup_inputs(seed: int = 0) -> dict:
    key = jax.random.key(seed)
    ks = jax.random.split(key, 12)
    x = jax.random.normal(ks[0], (N, IN), dtype=jnp.float32)
    edge_index = jax.random.randint(ks[1], (2, E), 0, N)
    c1 = 2 * OUT  # per-head out channels of conv1
    W1 = jax.random.normal(ks[2], (IN, H * c1), dtype=jnp.float32) * 0.05
    a_src1 = jax.random.normal(ks[3], (H, c1), dtype=jnp.float32) * 0.05
    a_dst1 = jax.random.normal(ks[4], (H, c1), dtype=jnp.float32) * 0.05
    b1 = jnp.zeros((H * c1,), dtype=jnp.float32)
    in2 = H * c1  # 2*n_head*out_channels = 512
    W2 = jax.random.normal(ks[5], (in2, H * OUT), dtype=jnp.float32) * 0.05
    a_src2 = jax.random.normal(ks[6], (H, OUT), dtype=jnp.float32) * 0.05
    a_dst2 = jax.random.normal(ks[7], (H, OUT), dtype=jnp.float32) * 0.05
    b2 = jnp.zeros((H * OUT,), dtype=jnp.float32)
    return {"x": x, "edge_index": edge_index, "W1": W1, "a_src1": a_src1,
            "a_dst1": a_dst1, "b1": b1, "W2": W2, "a_src2": a_src2,
            "a_dst2": a_dst2, "b2": b2}


def reference(x, edge_index, W1, a_src1, a_dst1, b1, W2, a_src2, a_dst2, b2):
    # feature_encoder with no extra feature sources acts as identity
    encoded = x
    h1 = jax.nn.elu(gat_conv(encoded, edge_index, W1, a_src1, a_dst1, b1, H, 2 * OUT))
    h2 = jax.nn.elu(gat_conv(h1, edge_index, W2, a_src2, a_dst2, b2, H, OUT))
    return (h2, encoded)

if __name__ == "__main__":
    import jax
    _d = setup_inputs()
    print(jax.jit(kernel)(*tuple(_d.values())))

</pallas_src>

<mosaic_0001>
#map = affine_map<(d0, d1) -> (0)>
#map1 = affine_map<(d0, d1) -> (0, 0)>
module attributes {stable_mosaic.version = 14 : i64} {
  func.func @_k1_body(%arg0: i32, %arg1: i32, %arg2: memref<331776xi32, #tpu.memory_space<hbm>>, %arg3: memref<331776xi32, #tpu.memory_space<hbm>>, %arg4: memref<40960xf32, #tpu.memory_space<hbm>>, %arg5: memref<32xf32, #tpu.memory_space<hbm>>, %arg6: memref<2x331776xf32, #tpu.memory_space<hbm>>, %arg7: memref<32x10240xf32, #tpu.memory_space<hbm>>, %arg8: memref<32x10240xf32, #tpu.memory_space<hbm>>, %arg9: memref<10368xi32, #tpu.memory_space<vmem>>, %arg10: memref<10368xi32, #tpu.memory_space<vmem>>, %arg11: memref<40960xf32, #tpu.memory_space<vmem>>, %arg12: memref<32xf32, #tpu.memory_space<vmem>>, %arg13: memref<10368xf32, #tpu.memory_space<vmem>>, %arg14: memref<10368xf32, #tpu.memory_space<vmem>>, %arg15: memref<10240xf32, #tpu.memory_space<vmem>>, %arg16: memref<10240xf32, #tpu.memory_space<vmem>>) attributes {dimension_semantics = [#tpu.dimension_semantics<core_parallel>, #tpu.dimension_semantics<subcore_parallel>], iteration_bounds = array<i64: 2, 16>, scalar_prefetch = 0 : i64, scratch_operands = 8 : i64, tpu.core_type = #tpu.core_type<sc_vector_subcore>, window_params = [{transform_indices = #map}, {transform_indices = #map}, {transform_indices = #map}, {transform_indices = #map}, {transform_indices = #map1}, {transform_indices = #map1}, {transform_indices = #map1}]} {
    %mul3A = arith.constant 2 : i32
    %mul3A_0 = arith.muli %arg1, %mul3A : i32
    %add3A = arith.addi %mul3A_0, %arg0 : i32
    %mul3A_1 = arith.constant 10368 : i32
    %mul3A_2 = arith.muli %add3A, %mul3A_1 : i32
    "tpu.region"() ({
      %run_scoped3A_21 = tpu.sem_alloc : memref<!tpu.dma_semaphore, #tpu.memory_space<semaphore_mem>>
      %dma_start3A = tpu.memref_slice %arg2[%mul3A_2] : memref<331776xi32, #tpu.memory_space<hbm>> -> memref<10368xi32, #tpu.memory_space<hbm>>
      %dma_start3A_22 = tpu.memref_slice %arg2[%mul3A_2] : memref<331776xi32, #tpu.memory_space<hbm>> -> memref<10368xi32, #tpu.memory_space<hbm>>
      tpu.enqueue_dma source(%dma_start3A_22 : memref<10368xi32, #tpu.memory_space<hbm>>) target(%arg9 : memref<10368xi32, #tpu.memory_space<vmem>>) target_semaphore(%run_scoped3A_21 : memref<!tpu.dma_semaphore, #tpu.memory_space<semaphore_mem>>)
      %dma_wait3A = tpu.memref_slice %arg2[%mul3A_2] : memref<331776xi32, #tpu.memory_space<hbm>> -> memref<10368xi32, #tpu.memory_space<hbm>>
      %dma_wait3A_23 = tpu.memref_slice %arg2[%mul3A_2] : memref<331776xi32, #tpu.memory_space<hbm>> -> memref<10368xi32, #tpu.memory_space<hbm>>
      tpu.wait_dma2 semaphore(%run_scoped3A_21 : memref<!tpu.dma_semaphore, #tpu.memory_space<semaphore_mem>>) src(%dma_wait3A_23 : memref<10368xi32, #tpu.memory_space<hbm>>) dst(%arg9 : memref<10368xi32, #tpu.memory_space<vmem>>)
      tpu.yield
    }) : () -> ()
    "tpu.region"() ({
      %run_scoped3A_21 = tpu.sem_alloc : memref<!tpu.dma_semaphore, #tpu.memory_space<semaphore_mem>>
      %dma_start3A = tpu.memref_slice %arg3[%mul3A_2] : memref<331776xi32, #tpu.memory_space<hbm>> -> memref<10368xi32, #tpu.memory_space<hbm>>
      %dma_start3A_22 = tpu.memref_slice %arg3[%mul3A_2] : memref<331776xi32, #tpu.memory_space<hbm>> -> memref<10368xi32, #tpu.memory_space<hbm>>
      tpu.enqueue_dma source(%dma_start3A_22 : memref<10368xi32, #tpu.memory_space<hbm>>) target(%arg10 : memref<10368xi32, #tpu.memory_space<vmem>>) target_semaphore(%run_scoped3A_21 : memref<!tpu.dma_semaphore, #tpu.memory_space<semaphore_mem>>)
      %dma_wait3A = tpu.memref_slice %arg3[%mul3A_2] : memref<331776xi32, #tpu.memory_space<hbm>> -> memref<10368xi32, #tpu.memory_space<hbm>>
      %dma_wait3A_23 = tpu.memref_slice %arg3[%mul3A_2] : memref<331776xi32, #tpu.memory_space<hbm>> -> memref<10368xi32, #tpu.memory_space<hbm>>
      tpu.wait_dma2 semaphore(%run_scoped3A_21 : memref<!tpu.dma_semaphore, #tpu.memory_space<semaphore_mem>>) src(%dma_wait3A_23 : memref<10368xi32, #tpu.memory_space<hbm>>) dst(%arg10 : memref<10368xi32, #tpu.memory_space<vmem>>)
      tpu.yield
    }) : () -> ()
    "tpu.region"() ({
      %run_scoped3A_21 = tpu.sem_alloc : memref<!tpu.dma_semaphore, #tpu.memory_space<semaphore_mem>>
      tpu.enqueue_dma source(%arg4 : memref<40960xf32, #tpu.memory_space<hbm>>) target(%arg11 : memref<40960xf32, #tpu.memory_space<vmem>>) target_semaphore(%run_scoped3A_21 : memref<!tpu.dma_semaphore, #tpu.memory_space<semaphore_mem>>)
      tpu.wait_dma2 semaphore(%run_scoped3A_21 : memref<!tpu.dma_semaphore, #tpu.memory_space<semaphore_mem>>) src(%arg4 : memref<40960xf32, #tpu.memory_space<hbm>>) dst(%arg11 : memref<40960xf32, #tpu.memory_space<vmem>>)
      tpu.yield
    }) : () -> ()
    "tpu.region"() ({
      %run_scoped3A_21 = tpu.sem_alloc : memref<!tpu.dma_semaphore, #tpu.memory_space<semaphore_mem>>
      tpu.enqueue_dma source(%arg5 : memref<32xf32, #tpu.memory_space<hbm>>) target(%arg12 : memref<32xf32, #tpu.memory_space<vmem>>) target_semaphore(%run_scoped3A_21 : memref<!tpu.dma_semaphore, #tpu.memory_space<semaphore_mem>>)
      tpu.wait_dma2 semaphore(%run_scoped3A_21 : memref<!tpu.dma_semaphore, #tpu.memory_space<semaphore_mem>>) src(%arg5 : memref<32xf32, #tpu.memory_space<hbm>>) dst(%arg12 : memref<32xf32, #tpu.memory_space<vmem>>)
      tpu.yield
    }) : () -> ()
    %get3A = arith.constant 0 : index
    %get3A_3 = tpu.vector_load %arg12[%get3A] {strides = array<i32>} : memref<32xf32, #tpu.memory_space<vmem>>, vector<16xf32>,
    %get3A_4 = arith.constant 16 : index
    %get3A_5 = tpu.vector_load %arg12[%get3A_4] {strides = array<i32>} : memref<32xf32, #tpu.memory_space<vmem>>, vector<16xf32>,
    %iota3A = tpu.iota {dimensions = array<i32: 0>} : vector<16xi32>
    %broadcast_in_dim3A = arith.constant 0.000000e+00 : f32
    %broadcast_in_dim3A_6 = vector.broadcast %broadcast_in_dim3A : f32 to vector<16xf32>
    %scan3A = arith.constant 0 : i32
    %scan3A_7 = arith.constant 0 : i32
    %scan3A_8 = arith.constant 640 : i32
    %scan3A_9 = arith.addi %scan3A_7, %scan3A_8 : i32
    %scan3A_10 = arith.constant 1 : i32
    %scan3A_11 = scf.for %scan3A_21 = %scan3A_7 to %scan3A_9 step %scan3A_10 iter_args(%scan3A_22 = %scan3A) -> (i32)  : i32 {
      %mul3A_23 = arith.constant 16 : i32
      %mul3A_24 = arith.muli %scan3A_21, %mul3A_23 : i32
      %swap3A = arith.index_cast %mul3A_24 : i32 to index
      %swap3A_25 = tpu.vector_load %arg15[%swap3A] {strides = array<i32>} : memref<10240xf32, #tpu.memory_space<vmem>>, vector<16xf32>,
      tpu.vector_store %arg15[%swap3A], %broadcast_in_dim3A_6 {strides = array<i32>} : memref<10240xf32, #tpu.memory_space<vmem>>, vector<16xf32>,
      %mul3A_26 = arith.constant 16 : i32
      %mul3A_27 = arith.muli %scan3A_21, %mul3A_26 : i32
      %swap3A_28 = arith.index_cast %mul3A_27 : i32 to index
      %swap3A_29 = tpu.vector_load %arg16[%swap3A_28] {strides = array<i32>} : memref<10240xf32, #tpu.memory_space<vmem>>, vector<16xf32>,
      tpu.vector_store %arg16[%swap3A_28], %broadcast_in_dim3A_6 {strides = array<i32>} : memref<10240xf32, #tpu.memory_space<vmem>>, vector<16xf32>,
      %scan3A_30 = arith.constant 0 : i32
      scf.yield %scan3A_30 : i32
    }
    %scan3A_12 = arith.constant 640 : i32
    %scan3A_13 = arith.constant 0 : i32
    %scan3A_14 = arith.constant 0 : i32
    %scan3A_15 = arith.constant 648 : i32
    %scan3A_16 = arith.addi %scan3A_14, %scan3A_15 : i32
    %scan3A_17 = arith.constant 1 : i32
    %scan3A_18 = scf.for %scan3A_21 = %scan3A_14 to %scan3A_16 step %scan3A_17 iter_args(%scan3A_22 = %scan3A_13) -> (i32)  : i32 {
      %mul3A_23 = arith.constant 16 : i32
      %mul3A_24 = arith.muli %scan3A_21, %mul3A_23 : i32
      %get3A_25 = arith.index_cast %mul3A_24 : i32 to index
      %get3A_26 = tpu.vector_load %arg9[%get3A_25] {strides = array<i32>} : memref<10368xi32, #tpu.memory_space<vmem>>, vector<16xi32>,
      %mul3A_27 = arith.constant 16 : i32
      %mul3A_28 = arith.muli %scan3A_21, %mul3A_27 : i32
      %get3A_29 = arith.index_cast %mul3A_28 : i32 to index
      %get3A_30 = tpu.vector_load %arg10[%get3A_29] {strides = array<i32>} : memref<10368xi32, #tpu.memory_space<vmem>>, vector<16xi32>,
      %mul3A_31 = arith.constant 16 : i32
      %mul3A_32 = arith.muli %scan3A_21, %mul3A_31 : i32
      %add3A_33 = arith.addi %mul3A_2, %mul3A_32 : i32
      %add3A_34 = vector.broadcast %add3A_33 : i32 to vector<16xi32>
      %add3A_35 = arith.addi %iota3A, %add3A_34 : vector<16xi32>
      %lt3A = arith.constant 330000 : i32
      %lt3A_36 = vector.broadcast %lt3A : i32 to vector<16xi32>
      %lt3A_37 = arith.cmpi slt, %add3A_35, %lt3A_36 : vector<16xi32>
      %gather3A = tpu.vector_load_idx %arg11[%get3A_26] : memref<40960xf32, #tpu.memory_space<vmem>>[vector<16xi32>], vector<16xf32>,
      %add3A_38 = arith.constant 20480 : i32
      %add3A_39 = vector.broadcast %add3A_38 : i32 to vector<16xi32>
      %add3A_40 = arith.addi %get3A_30, %add3A_39 : vector<16xi32>
      %gather3A_41 = tpu.vector_load_idx %arg11[%add3A_40] : memref<40960xf32, #tpu.memory_space<vmem>>[vector<16xi32>], vector<16xf32>,
      %add3A_42 = arith.addf %gather3A, %gather3A_41 : vector<16xf32>
      %gt3A = arith.constant 0.000000e+00 : f32
      %gt3A_43 = vector.broadcast %gt3A : f32 to vector<16xf32>
      %gt3A_44 = arith.cmpf ogt, %add3A_42, %gt3A_43 : vector<16xf32>
      %mul3A_45 = arith.constant 2.000000e-01 : f32
      %mul3A_46 = vector.broadcast %mul3A_45 : f32 to vector<16xf32>
      %mul3A_47 = arith.mulf %mul3A_46, %add3A_42 : vector<16xf32>
      %select_n3A = arith.select %gt3A_44, %add3A_42, %mul3A_47 : vector<16xi1>, vector<16xf32>
      %sub3A = arith.subf %select_n3A, %get3A_3 : vector<16xf32>
      %exp3A = math.exp %sub3A : vector<16xf32>
      %jit3A = arith.constant 0.000000e+00 : f32
      %broadcast_in_dim3A_48 = vector.broadcast %jit3A : f32 to vector<16xf32>
      %select_n3A_49 = arith.select %lt3A_37, %exp3A, %broadcast_in_dim3A_48 : vector<16xi1>, vector<16xf32>
      %mul3A_50 = arith.constant 16 : i32
      %mul3A_51 = arith.muli %scan3A_21, %mul3A_50 : i32
      %swap3A = arith.index_cast %mul3A_51 : i32 to index
      %swap3A_52 = tpu.vector_load %arg13[%swap3A] {strides = array<i32>} : memref<10368xf32, #tpu.memory_space<vmem>>, vector<16xf32>,
      tpu.vector_store %arg13[%swap3A], %select_n3A_49 {strides = array<i32>} : memref<10368xf32, #tpu.memory_space<vmem>>, vector<16xf32>,
      tpu.vector_store_idx %arg15[%get3A_30], %select_n3A_49 {add = true} : memref<10240xf32, #tpu.memory_space<vmem>>[vector<16xi32>], vector<16xf32>,
      %add3A_53 = arith.constant 10240 : i32
      %add3A_54 = vector.broadcast %add3A_53 : i32 to vector<16xi32>
      %add3A_55 = arith.addi %get3A_26, %add3A_54 : vector<16xi32>
      %gather3A_56 = tpu.vector_load_idx %arg11[%add3A_55] : memref<40960xf32, #tpu.memory_space<vmem>>[vector<16xi32>], vector<16xf32>,
      %add3A_57 = arith.constant 30720 : i32
      %add3A_58 = vector.broadcast %add3A_57 : i32 to vector<16xi32>
      %add3A_59 = arith.addi %get3A_30, %add3A_58 : vector<16xi32>
      %gather3A_60 = tpu.vector_load_idx %arg11[%add3A_59] : memref<40960xf32, #tpu.memory_space<vmem>>[vector<16xi32>], vector<16xf32>,
      %add3A_61 = arith.addf %gather3A_56, %gather3A_60 : vector<16xf32>
      %gt3A_62 = arith.constant 0.000000e+00 : f32
      %gt3A_63 = vector.broadcast %gt3A_62 : f32 to vector<16xf32>
      %gt3A_64 = arith.cmpf ogt, %add3A_61, %gt3A_63 : vector<16xf32>
      %mul3A_65 = arith.constant 2.000000e-01 : f32
      %mul3A_66 = vector.broadcast %mul3A_65 : f32 to vector<16xf32>
      %mul3A_67 = arith.mulf %mul3A_66, %add3A_61 : vector<16xf32>
      %select_n3A_68 = arith.select %gt3A_64, %add3A_61, %mul3A_67 : vector<16xi1>, vector<16xf32>
      %sub3A_69 = arith.subf %select_n3A_68, %get3A_5 : vector<16xf32>
      %exp3A_70 = math.exp %sub3A_69 : vector<16xf32>
      %jit3A_71 = arith.constant 0.000000e+00 : f32
      %broadcast_in_dim3A_72 = vector.broadcast %jit3A_71 : f32 to vector<16xf32>
      %select_n3A_73 = arith.select %lt3A_37, %exp3A_70, %broadcast_in_dim3A_72 : vector<16xi1>, vector<16xf32>
      %mul3A_74 = arith.constant 16 : i32
      %mul3A_75 = arith.muli %scan3A_21, %mul3A_74 : i32
      %swap3A_76 = arith.index_cast %mul3A_75 : i32 to index
      %swap3A_77 = tpu.vector_load %arg14[%swap3A_76] {strides = array<i32>} : memref<10368xf32, #tpu.memory_space<vmem>>, vector<16xf32>,
      tpu.vector_store %arg14[%swap3A_76], %select_n3A_73 {strides = array<i32>} : memref<10368xf32, #tpu.memory_space<vmem>>, vector<16xf32>,
      tpu.vector_store_idx %arg16[%get3A_30], %select_n3A_73 {add = true} : memref<10240xf32, #tpu.memory_space<vmem>>[vector<16xi32>], vector<16xf32>,
      %scan3A_78 = arith.constant 0 : i32
      scf.yield %scan3A_78 : i32
    }
    %scan3A_19 = arith.constant 648 : i32
    %run_scoped3A = arith.constant 0 : i32
    "tpu.region"() ({
      %run_scoped3A_21 = tpu.sem_alloc : memref<!tpu.dma_semaphore, #tpu.memory_space<semaphore_mem>>
      %dma_start3A = tpu.memref_slice %arg6[%run_scoped3A, %mul3A_2] : memref<2x331776xf32, #tpu.memory_space<hbm>> -> memref<1x10368xf32, #tpu.memory_space<hbm>>
      %dma_start3A_22 = tpu.memref_squeeze %dma_start3A : memref<1x10368xf32, #tpu.memory_space<hbm>> -> memref<10368xf32, #tpu.memory_space<hbm>>
      %dma_start3A_23 = tpu.memref_slice %arg6[%run_scoped3A, %mul3A_2] : memref<2x331776xf32, #tpu.memory_space<hbm>> -> memref<1x10368xf32, #tpu.memory_space<hbm>>
      %dma_start3A_24 = tpu.memref_squeeze %dma_start3A_23 : memref<1x10368xf32, #tpu.memory_space<hbm>> -> memref<10368xf32, #tpu.memory_space<hbm>>
      tpu.enqueue_dma source(%arg13 : memref<10368xf32, #tpu.memory_space<vmem>>) target(%dma_start3A_24 : memref<10368xf32, #tpu.memory_space<hbm>>) target_semaphore(%run_scoped3A_21 : memref<!tpu.dma_semaphore, #tpu.memory_space<semaphore_mem>>)
      %dma_wait3A = tpu.memref_slice %arg6[%run_scoped3A, %mul3A_2] : memref<2x331776xf32, #tpu.memory_space<hbm>> -> memref<1x10368xf32, #tpu.memory_space<hbm>>
      %dma_wait3A_25 = tpu.memref_squeeze %dma_wait3A : memref<1x10368xf32, #tpu.memory_space<hbm>> -> memref<10368xf32, #tpu.memory_space<hbm>>
      %dma_wait3A_26 = tpu.memref_slice %arg6[%run_scoped3A, %mul3A_2] : memref<2x331776xf32, #tpu.memory_space<hbm>> -> memref<1x10368xf32, #tpu.memory_space<hbm>>
      %dma_wait3A_27 = tpu.memref_squeeze %dma_wait3A_26 : memref<1x10368xf32, #tpu.memory_space<hbm>> -> memref<10368xf32, #tpu.memory_space<hbm>>
      tpu.wait_dma2 semaphore(%run_scoped3A_21 : memref<!tpu.dma_semaphore, #tpu.memory_space<semaphore_mem>>) src(%arg13 : memref<10368xf32, #tpu.memory_space<vmem>>) dst(%dma_wait3A_27 : memref<10368xf32, #tpu.memory_space<hbm>>)
      tpu.yield
    }) : () -> ()
    %run_scoped3A_20 = arith.constant 1 : i32
    "tpu.region"() ({
      %run_scoped3A_21 = tpu.sem_alloc : memref<!tpu.dma_semaphore, #tpu.memory_space<semaphore_mem>>
      %dma_start3A = tpu.memref_slice %arg6[%run_scoped3A_20, %mul3A_2] : memref<2x331776xf32, #tpu.memory_space<hbm>> -> memref<1x10368xf32, #tpu.memory_space<hbm>>
      %dma_start3A_22 = tpu.memref_squeeze %dma_start3A : memref<1x10368xf32, #tpu.memory_space<hbm>> -> memref<10368xf32, #tpu.memory_space<hbm>>
      %dma_start3A_23 = tpu.memref_slice %arg6[%run_scoped3A_20, %mul3A_2] : memref<2x331776xf32, #tpu.memory_space<hbm>> -> memref<1x10368xf32, #tpu.memory_space<hbm>>
      %dma_start3A_24 = tpu.memref_squeeze %dma_start3A_23 : memref<1x10368xf32, #tpu.memory_space<hbm>> -> memref<10368xf32, #tpu.memory_space<hbm>>
      tpu.enqueue_dma source(%arg14 : memref<10368xf32, #tpu.memory_space<vmem>>) target(%dma_start3A_24 : memref<10368xf32, #tpu.memory_space<hbm>>) target_semaphore(%run_scoped3A_21 : memref<!tpu.dma_semaphore, #tpu.memory_space<semaphore_mem>>)
      %dma_wait3A = tpu.memref_slice %arg6[%run_scoped3A_20, %mul3A_2] : memref<2x331776xf32, #tpu.memory_space<hbm>> -> memref<1x10368xf32, #tpu.memory_space<hbm>>
      %dma_wait3A_25 = tpu.memref_squeeze %dma_wait3A : memref<1x10368xf32, #tpu.memory_space<hbm>> -> memref<10368xf32, #tpu.memory_space<hbm>>
      %dma_wait3A_26 = tpu.memref_slice %arg6[%run_scoped3A_20, %mul3A_2] : memref<2x331776xf32, #tpu.memory_space<hbm>> -> memref<1x10368xf32, #tpu.memory_space<hbm>>
      %dma_wait3A_27 = tpu.memref_squeeze %dma_wait3A_26 : memref<1x10368xf32, #tpu.memory_space<hbm>> -> memref<10368xf32, #tpu.memory_space<hbm>>
      tpu.wait_dma2 semaphore(%run_scoped3A_21 : memref<!tpu.dma_semaphore, #tpu.memory_space<semaphore_mem>>) src(%arg14 : memref<10368xf32, #tpu.memory_space<vmem>>) dst(%dma_wait3A_27 : memref<10368xf32, #tpu.memory_space<hbm>>)
      tpu.yield
    }) : () -> ()
    "tpu.region"() ({
      %run_scoped3A_21 = tpu.sem_alloc : memref<!tpu.dma_semaphore, #tpu.memory_space<semaphore_mem>>
      %dma_start3A = arith.constant 0 : i32
      %dma_start3A_22 = tpu.memref_slice %arg7[%add3A, %dma_start3A] : memref<32x10240xf32, #tpu.memory_space<hbm>> -> memref<1x10240xf32, #tpu.memory_space<hbm>>
      %dma_start3A_23 = tpu.memref_squeeze %dma_start3A_22 : memref<1x10240xf32, #tpu.memory_space<hbm>> -> memref<10240xf32, #tpu.memory_space<hbm>>
      %dma_start3A_24 = arith.constant 0 : i32
      %dma_start3A_25 = tpu.memref_slice %arg7[%add3A, %dma_start3A_24] : memref<32x10240xf32, #tpu.memory_space<hbm>> -> memref<1x10240xf32, #tpu.memory_space<hbm>>
      %dma_start3A_26 = tpu.memref_squeeze %dma_start3A_25 : memref<1x10240xf32, #tpu.memory_space<hbm>> -> memref<10240xf32, #tpu.memory_space<hbm>>
      tpu.enqueue_dma source(%arg15 : memref<10240xf32, #tpu.memory_space<vmem>>) target(%dma_start3A_26 : memref<10240xf32, #tpu.memory_space<hbm>>) target_semaphore(%run_scoped3A_21 : memref<!tpu.dma_semaphore, #tpu.memory_space<semaphore_mem>>)
      %dma_wait3A = arith.constant 0 : i32
      %dma_wait3A_27 = tpu.memref_slice %arg7[%add3A, %dma_wait3A] : memref<32x10240xf32, #tpu.memory_space<hbm>> -> memref<1x10240xf32, #tpu.memory_space<hbm>>
      %dma_wait3A_28 = tpu.memref_squeeze %dma_wait3A_27 : memref<1x10240xf32, #tpu.memory_space<hbm>> -> memref<10240xf32, #tpu.memory_space<hbm>>
      %dma_wait3A_29 = arith.constant 0 : i32
      %dma_wait3A_30 = tpu.memref_slice %arg7[%add3A, %dma_wait3A_29] : memref<32x10240xf32, #tpu.memory_space<hbm>> -> memref<1x10240xf32, #tpu.memory_space<hbm>>
      %dma_wait3A_31 = tpu.memref_squeeze %dma_wait3A_30 : memref<1x10240xf32, #tpu.memory_space<hbm>> -> memref<10240xf32, #tpu.memory_space<hbm>>
      tpu.wait_dma2 semaphore(%run_scoped3A_21 : memref<!tpu.dma_semaphore, #tpu.memory_space<semaphore_mem>>) src(%arg15 : memref<10240xf32, #tpu.memory_space<vmem>>) dst(%dma_wait3A_31 : memref<10240xf32, #tpu.memory_space<hbm>>)
      tpu.yield
    }) : () -> ()
    "tpu.region"() ({
      %run_scoped3A_21 = tpu.sem_alloc : memref<!tpu.dma_semaphore, #tpu.memory_space<semaphore_mem>>
      %dma_start3A = arith.constant 0 : i32
      %dma_start3A_22 = tpu.memref_slice %arg8[%add3A, %dma_start3A] : memref<32x10240xf32, #tpu.memory_space<hbm>> -> memref<1x10240xf32, #tpu.memory_space<hbm>>
      %dma_start3A_23 = tpu.memref_squeeze %dma_start3A_22 : memref<1x10240xf32, #tpu.memory_space<hbm>> -> memref<10240xf32, #tpu.memory_space<hbm>>
      %dma_start3A_24 = arith.constant 0 : i32
      %dma_start3A_25 = tpu.memref_slice %arg8[%add3A, %dma_start3A_24] : memref<32x10240xf32, #tpu.memory_space<hbm>> -> memref<1x10240xf32, #tpu.memory_space<hbm>>
      %dma_start3A_26 = tpu.memref_squeeze %dma_start3A_25 : memref<1x10240xf32, #tpu.memory_space<hbm>> -> memref<10240xf32, #tpu.memory_space<hbm>>
      tpu.enqueue_dma source(%arg16 : memref<10240xf32, #tpu.memory_space<vmem>>) target(%dma_start3A_26 : memref<10240xf32, #tpu.memory_space<hbm>>) target_semaphore(%run_scoped3A_21 : memref<!tpu.dma_semaphore, #tpu.memory_space<semaphore_mem>>)
      %dma_wait3A = arith.constant 0 : i32
      %dma_wait3A_27 = tpu.memref_slice %arg8[%add3A, %dma_wait3A] : memref<32x10240xf32, #tpu.memory_space<hbm>> -> memref<1x10240xf32, #tpu.memory_space<hbm>>
      %dma_wait3A_28 = tpu.memref_squeeze %dma_wait3A_27 : memref<1x10240xf32, #tpu.memory_space<hbm>> -> memref<10240xf32, #tpu.memory_space<hbm>>
      %dma_wait3A_29 = arith.constant 0 : i32
      %dma_wait3A_30 = tpu.memref_slice %arg8[%add3A, %dma_wait3A_29] : memref<32x10240xf32, #tpu.memory_space<hbm>> -> memref<1x10240xf32, #tpu.memory_space<hbm>>
      %dma_wait3A_31 = tpu.memref_squeeze %dma_wait3A_30 : memref<1x10240xf32, #tpu.memory_space<hbm>> -> memref<10240xf32, #tpu.memory_space<hbm>>
      tpu.wait_dma2 semaphore(%run_scoped3A_21 : memref<!tpu.dma_semaphore, #tpu.memory_space<semaphore_mem>>) src(%arg16 : memref<10240xf32, #tpu.memory_space<vmem>>) dst(%dma_wait3A_31 : memref<10240xf32, #tpu.memory_space<hbm>>)
      tpu.yield
    }) : () -> ()
    return
  }
}

#map = affine_map<(d0, d1) -> (0)>
#map1 = affine_map<(d0, d1) -> (0, 0)>
#map2 = affine_map<(d0, d1) -> (0, 0, 0)>
module attributes {stable_mosaic.version = 14 : i64} {
  func.func @_k4(%arg0: i32, %arg1: i32, %arg2: memref<331776xi32, #tpu.memory_space<hbm>>, %arg3: memref<331776xi32, #tpu.memory_space<hbm>>, %arg4: memref<331776xf32, #tpu.memory_space<hbm>>, %arg5: memref<40000x128xf32, #tpu.memory_space<hbm>>, %arg6: memref<640x128xf32, #tpu.memory_space<hbm>>, %arg7: memref<2x10240x128xf32, #tpu.memory_space<hbm>>, %arg8: memref<10368xi32, #tpu.memory_space<vmem>>, %arg9: memref<10368xi32, #tpu.memory_space<vmem>>, %arg10: memref<10368xf32, #tpu.memory_space<vmem>>, %arg11: memref<128xi32, #tpu.memory_space<vmem>>, %arg12: memref<128xi32, #tpu.memory_space<vmem>>, %arg13: memref<128x128xf32, #tpu.memory_space<vmem>>, %arg14: memref<10240x128xf32, #tpu.memory_space<vmem_shared>>, %arg15: memref<!tpu.dma_semaphore, #tpu.memory_space<semaphore_mem>>) attributes {dimension_semantics = [#tpu.dimension_semantics<core_parallel>, #tpu.dimension_semantics<subcore_parallel>], iteration_bounds = array<i64: 2, 16>, scalar_prefetch = 0 : i64, scratch_operands = 8 : i64, tpu.core_type = #tpu.core_type<sc_vector_subcore>, window_params = [{transform_indices = #map}, {transform_indices = #map}, {transform_indices = #map}, {transform_indices = #map1}, {transform_indices = #map1}, {transform_indices = #map2}]} {
    %mul3A = arith.constant 2 : i32
    %mul3A_0 = arith.muli %arg1, %mul3A : i32
    %add3A = arith.addi %mul3A_0, %arg0 : i32
    %mul3A_1 = arith.constant 10368 : i32
    %mul3A_2 = arith.muli %add3A, %mul3A_1 : i32
    "tpu.region"() ({
      %run_scoped3A = tpu.sem_alloc : memref<!tpu.dma_semaphore, #tpu.memory_space<semaphore_mem>>
      %dma_start3A = tpu.memref_slice %arg2[%mul3A_2] : memref<331776xi32, #tpu.memory_space<hbm>> -> memref<10368xi32, #tpu.memory_space<hbm>>
      %dma_start3A_16 = tpu.memref_slice %arg2[%mul3A_2] : memref<331776xi32, #tpu.memory_space<hbm>> -> memref<10368xi32, #tpu.memory_space<hbm>>
      tpu.enqueue_dma source(%dma_start3A_16 : memref<10368xi32, #tpu.memory_space<hbm>>) target(%arg8 : memref<10368xi32, #tpu.memory_space<vmem>>) target_semaphore(%run_scoped3A : memref<!tpu.dma_semaphore, #tpu.memory_space<semaphore_mem>>)
      %dma_wait3A = tpu.memref_slice %arg2[%mul3A_2] : memref<331776xi32, #tpu.memory_space<hbm>> -> memref<10368xi32, #tpu.memory_space<hbm>>
      %dma_wait3A_17 = tpu.memref_slice %arg2[%mul3A_2] : memref<331776xi32, #tpu.memory_space<hbm>> -> memref<10368xi32, #tpu.memory_space<hbm>>
      tpu.wait_dma2 semaphore(%run_scoped3A : memref<!tpu.dma_semaphore, #tpu.memory_space<semaphore_mem>>) src(%dma_wait3A_17 : memref<10368xi32, #tpu.memory_space<hbm>>) dst(%arg8 : memref<10368xi32, #tpu.memory_space<vmem>>)
      tpu.yield
    }) : () -> ()
    "tpu.region"() ({
      %run_scoped3A = tpu.sem_alloc : memref<!tpu.dma_semaphore, #tpu.memory_space<semaphore_mem>>
      %dma_start3A = tpu.memref_slice %arg3[%mul3A_2] : memref<331776xi32, #tpu.memory_space<hbm>> -> memref<10368xi32, #tpu.memory_space<hbm>>
      %dma_start3A_16 = tpu.memref_slice %arg3[%mul3A_2] : memref<331776xi32, #tpu.memory_space<hbm>> -> memref<10368xi32, #tpu.memory_space<hbm>>
      tpu.enqueue_dma source(%dma_start3A_16 : memref<10368xi32, #tpu.memory_space<hbm>>) target(%arg9 : memref<10368xi32, #tpu.memory_space<vmem>>) target_semaphore(%run_scoped3A : memref<!tpu.dma_semaphore, #tpu.memory_space<semaphore_mem>>)
      %dma_wait3A = tpu.memref_slice %arg3[%mul3A_2] : memref<331776xi32, #tpu.memory_space<hbm>> -> memref<10368xi32, #tpu.memory_space<hbm>>
      %dma_wait3A_17 = tpu.memref_slice %arg3[%mul3A_2] : memref<331776xi32, #tpu.memory_space<hbm>> -> memref<10368xi32, #tpu.memory_space<hbm>>
      tpu.wait_dma2 semaphore(%run_scoped3A : memref<!tpu.dma_semaphore, #tpu.memory_space<semaphore_mem>>) src(%dma_wait3A_17 : memref<10368xi32, #tpu.memory_space<hbm>>) dst(%arg9 : memref<10368xi32, #tpu.memory_space<vmem>>)
      tpu.yield
    }) : () -> ()
    "tpu.region"() ({
      %run_scoped3A = tpu.sem_alloc : memref<!tpu.dma_semaphore, #tpu.memory_space<semaphore_mem>>
      %dma_start3A = tpu.memref_slice %arg4[%mul3A_2] : memref<331776xf32, #tpu.memory_space<hbm>> -> memref<10368xf32, #tpu.memory_space<hbm>>
      %dma_start3A_16 = tpu.memref_slice %arg4[%mul3A_2] : memref<331776xf32, #tpu.memory_space<hbm>> -> memref<10368xf32, #tpu.memory_space<hbm>>
      tpu.enqueue_dma source(%dma_start3A_16 : memref<10368xf32, #tpu.memory_space<hbm>>) target(%arg10 : memref<10368xf32, #tpu.memory_space<vmem>>) target_semaphore(%run_scoped3A : memref<!tpu.dma_semaphore, #tpu.memory_space<semaphore_mem>>)
      %dma_wait3A = tpu.memref_slice %arg4[%mul3A_2] : memref<331776xf32, #tpu.memory_space<hbm>> -> memref<10368xf32, #tpu.memory_space<hbm>>
      %dma_wait3A_17 = tpu.memref_slice %arg4[%mul3A_2] : memref<331776xf32, #tpu.memory_space<hbm>> -> memref<10368xf32, #tpu.memory_space<hbm>>
      tpu.wait_dma2 semaphore(%run_scoped3A : memref<!tpu.dma_semaphore, #tpu.memory_space<semaphore_mem>>) src(%dma_wait3A_17 : memref<10368xf32, #tpu.memory_space<hbm>>) dst(%arg10 : memref<10368xf32, #tpu.memory_space<vmem>>)
      tpu.yield
    }) : () -> ()
    %mul3A_3 = arith.constant 640 : i32
    %mul3A_4 = arith.muli %arg1, %mul3A_3 : i32
    "tpu.region"() ({
      %run_scoped3A = tpu.sem_alloc : memref<!tpu.dma_semaphore, #tpu.memory_space<semaphore_mem>>
      %dma_start3A = arith.constant 0 : i32
      %dma_start3A_16 = tpu.memref_slice %arg14[%mul3A_4, %dma_start3A] : memref<10240x128xf32, #tpu.memory_space<vmem_shared>> -> memref<640x128xf32, #tpu.memory_space<vmem_shared>>
      tpu.enqueue_dma source(%arg6 : memref<640x128xf32, #tpu.memory_space<hbm>>) target(%dma_start3A_16 : memref<640x128xf32, #tpu.memory_space<vmem_shared>>) target_semaphore(%run_scoped3A : memref<!tpu.dma_semaphore, #tpu.memory_space<semaphore_mem>>)
      %dma_wait3A = arith.constant 0 : i32
      %dma_wait3A_17 = tpu.memref_slice %arg14[%mul3A_4, %dma_wait3A] : memref<10240x128xf32, #tpu.memory_space<vmem_shared>> -> memref<640x128xf32, #tpu.memory_space<vmem_shared>>
      tpu.wait_dma2 semaphore(%run_scoped3A : memref<!tpu.dma_semaphore, #tpu.memory_space<semaphore_mem>>) src(%arg6 : memref<640x128xf32, #tpu.memory_space<hbm>>) dst(%dma_wait3A_17 : memref<640x128xf32, #tpu.memory_space<vmem_shared>>)
      tpu.yield
    }) : () -> ()
    %barrier3A = arith.constant 0 : index
    tpu.barrier barrier_id(%barrier3A)
    %scan3A = arith.constant 0 : i32
    %scan3A_5 = arith.constant 0 : i32
    %scan3A_6 = arith.constant 81 : i32
    %scan3A_7 = arith.addi %scan3A_5, %scan3A_6 : i32
    %scan3A_8 = arith.constant 1 : i32
    %scan3A_9 = scf.for %scan3A_16 = %scan3A_5 to %scan3A_7 step %scan3A_8 iter_args(%scan3A_17 = %scan3A) -> (i32)  : i32 {
      %mul3A_18 = arith.constant 128 : i32
      %mul3A_19 = arith.muli %scan3A_16, %mul3A_18 : i32
      %add3A_20 = arith.constant 0 : i32
      %add3A_21 = arith.addi %mul3A_19, %add3A_20 : i32
      %get3A = arith.index_cast %add3A_21 : i32 to index
      %get3A_22 = tpu.vector_load %arg8[%get3A] {strides = array<i32>} : memref<10368xi32, #tpu.memory_space<vmem>>, vector<16xi32>,
      %add3A_23 = arith.constant 0 : i32
      %add3A_24 = vector.broadcast %add3A_23 : i32 to vector<16xi32>
      %add3A_25 = arith.addi %get3A_22, %add3A_24 : vector<16xi32>
      %swap3A = arith.constant 0 : index
      %swap3A_26 = tpu.vector_load %arg11[%swap3A] {strides = array<i32>} : memref<128xi32, #tpu.memory_space<vmem>>, vector<16xi32>,
      tpu.vector_store %arg11[%swap3A], %add3A_25 {strides = array<i32>} : memref<128xi32, #tpu.memory_space<vmem>>, vector<16xi32>,
      %add3A_27 = arith.constant 0 : i32
      %add3A_28 = arith.addi %mul3A_19, %add3A_27 : i32
      %get3A_29 = arith.index_cast %add3A_28 : i32 to index
      %get3A_30 = tpu.vector_load %arg9[%get3A_29] {strides = array<i32>} : memref<10368xi32, #tpu.memory_space<vmem>>, vector<16xi32>,
      %swap3A_31 = arith.constant 0 : index
      %swap3A_32 = tpu.vector_load %arg12[%swap3A_31] {strides = array<i32>} : memref<128xi32, #tpu.memory_space<vmem>>, vector<16xi32>,
      tpu.vector_store %arg12[%swap3A_31], %get3A_30 {strides = array<i32>} : memref<128xi32, #tpu.memory_space<vmem>>, vector<16xi32>,
      %add3A_33 = arith.constant 16 : i32
      %add3A_34 = arith.addi %mul3A_19, %add3A_33 : i32
      %get3A_35 = arith.index_cast %add3A_34 : i32 to index
      %get3A_36 = tpu.vector_load %arg8[%get3A_35] {strides = array<i32>} : memref<10368xi32, #tpu.memory_space<vmem>>, vector<16xi32>,
      %add3A_37 = arith.constant 0 : i32
      %add3A_38 = vector.broadcast %add3A_37 : i32 to vector<16xi32>
      %add3A_39 = arith.addi %get3A_36, %add3A_38 : vector<16xi32>
      %swap3A_40 = arith.constant 16 : index
      %swap3A_41 = tpu.vector_load %arg11[%swap3A_40] {strides = array<i32>} : memref<128xi32, #tpu.memory_space<vmem>>, vector<16xi32>,
      tpu.vector_store %arg11[%swap3A_40], %add3A_39 {strides = array<i32>} : memref<128xi32, #tpu.memory_space<vmem>>, vector<16xi32>,
      %add3A_42 = arith.constant 16 : i32
      %add3A_43 = arith.addi %mul3A_19, %add3A_42 : i32
      %get3A_44 = arith.index_cast %add3A_43 : i32 to index
      %get3A_45 = tpu.vector_load %arg9[%get3A_44] {strides = array<i32>} : memref<10368xi32, #tpu.memory_space<vmem>>, vector<16xi32>,
      %swap3A_46 = arith.constant 16 : index
      %swap3A_47 = tpu.vector_load %arg12[%swap3A_46] {strides = array<i32>} : memref<128xi32, #tpu.memory_space<vmem>>, vector<16xi32>,
      tpu.vector_store %arg12[%swap3A_46], %get3A_45 {strides = array<i32>} : memref<128xi32, #tpu.memory_space<vmem>>, vector<16xi32>,
      %add3A_48 = arith.constant 32 : i32
      %add3A_49 = arith.addi %mul3A_19, %add3A_48 : i32
      %get3A_50 = arith.index_cast %add3A_49 : i32 to index
      %get3A_51 = tpu.vector_load %arg8[%get3A_50] {strides = array<i32>} : memref<10368xi32, #tpu.memory_space<vmem>>, vector<16xi32>,
      %add3A_52 = arith.constant 0 : i32
      %add3A_53 = vector.broadcast %add3A_52 : i32 to vector<16xi32>
      %add3A_54 = arith.addi %get3A_51, %add3A_53 : vector<16xi32>
      %swap3A_55 = arith.constant 32 : index
      %swap3A_56 = tpu.vector_load %arg11[%swap3A_55] {strides = array<i32>} : memref<128xi32, #tpu.memory_space<vmem>>, vector<16xi32>,
      tpu.vector_store %arg11[%swap3A_55], %add3A_54 {strides = array<i32>} : memref<128xi32, #tpu.memory_space<vmem>>, vector<16xi32>,
      %add3A_57 = arith.constant 32 : i32
      %add3A_58 = arith.addi %mul3A_19, %add3A_57 : i32
      %get3A_59 = arith.index_cast %add3A_58 : i32 to index
      %get3A_60 = tpu.vector_load %arg9[%get3A_59] {strides = array<i32>} : memref<10368xi32, #tpu.memory_space<vmem>>, vector<16xi32>,
      %swap3A_61 = arith.constant 32 : index
      %swap3A_62 = tpu.vector_load %arg12[%swap3A_61] {strides = array<i32>} : memref<128xi32, #tpu.memory_space<vmem>>, vector<16xi32>,
      tpu.vector_store %arg12[%swap3A_61], %get3A_60 {strides = array<i32>} : memref<128xi32, #tpu.memory_space<vmem>>, vector<16xi32>,
      %add3A_63 = arith.constant 48 : i32
      %add3A_64 = arith.addi %mul3A_19, %add3A_63 : i32
      %get3A_65 = arith.index_cast %add3A_64 : i32 to index
      %get3A_66 = tpu.vector_load %arg8[%get3A_65] {strides = array<i32>} : memref<10368xi32, #tpu.memory_space<vmem>>, vector<16xi32>,
      %add3A_67 = arith.constant 0 : i32
      %add3A_68 = vector.broadcast %add3A_67 : i32 to vector<16xi32>
      %add3A_69 = arith.addi %get3A_66, %add3A_68 : vector<16xi32>
      %swap3A_70 = arith.constant 48 : index
      %swap3A_71 = tpu.vector_load %arg11[%swap3A_70] {strides = array<i32>} : memref<128xi32, #tpu.memory_space<vmem>>, vector<16xi32>,
      tpu.vector_store %arg11[%swap3A_70], %add3A_69 {strides = array<i32>} : memref<128xi32, #tpu.memory_space<vmem>>, vector<16xi32>,
      %add3A_72 = arith.constant 48 : i32
      %add3A_73 = arith.addi %mul3A_19, %add3A_72 : i32
      %get3A_74 = arith.index_cast %add3A_73 : i32 to index
      %get3A_75 = tpu.vector_load %arg9[%get3A_74] {strides = array<i32>} : memref<10368xi32, #tpu.memory_space<vmem>>, vector<16xi32>,
      %swap3A_76 = arith.constant 48 : index
      %swap3A_77 = tpu.vector_load %arg12[%swap3A_76] {strides = array<i32>} : memref<128xi32, #tpu.memory_space<vmem>>, vector<16xi32>,
      tpu.vector_store %arg12[%swap3A_76], %get3A_75 {strides = array<i32>} : memref<128xi32, #tpu.memory_space<vmem>>, vector<16xi32>,
      %add3A_78 = arith.constant 64 : i32
      %add3A_79 = arith.addi %mul3A_19, %add3A_78 : i32
      %get3A_80 = arith.index_cast %add3A_79 : i32 to index
      %get3A_81 = tpu.vector_load %arg8[%get3A_80] {strides = array<i32>} : memref<10368xi32, #tpu.memory_space<vmem>>, vector<16xi32>,
      %add3A_82 = arith.constant 0 : i32
      %add3A_83 = vector.broadcast %add3A_82 : i32 to vector<16xi32>
      %add3A_84 = arith.addi %get3A_81, %add3A_83 : vector<16xi32>
      %swap3A_85 = arith.constant 64 : index
      %swap3A_86 = tpu.vector_load %arg11[%swap3A_85] {strides = array<i32>} : memref<128xi32, #tpu.memory_space<vmem>>, vector<16xi32>,
      tpu.vector_store %arg11[%swap3A_85], %add3A_84 {strides = array<i32>} : memref<128xi32, #tpu.memory_space<vmem>>, vector<16xi32>,
      %add3A_87 = arith.constant 64 : i32
      %add3A_88 = arith.addi %mul3A_19, %add3A_87 : i32
      %get3A_89 = arith.index_cast %add3A_88 : i32 to index
      %get3A_90 = tpu.vector_load %arg9[%get3A_89] {strides = array<i32>} : memref<10368xi32, #tpu.memory_space<vmem>>, vector<16xi32>,
      %swap3A_91 = arith.constant 64 : index
      %swap3A_92 = tpu.vector_load %arg12[%swap3A_91] {strides = array<i32>} : memref<128xi32, #tpu.memory_space<vmem>>, vector<16xi32>,
      tpu.vector_store %arg12[%swap3A_91], %get3A_90 {strides = array<i32>} : memref<128xi32, #tpu.memory_space<vmem>>, vector<16xi32>,
      %add3A_93 = arith.constant 80 : i32
      %add3A_94 = arith.addi %mul3A_19, %add3A_93 : i32
      %get3A_95 = arith.index_cast %add3A_94 : i32 to index
      %get3A_96 = tpu.vector_load %arg8[%get3A_95] {strides = array<i32>} : memref<10368xi32, #tpu.memory_space<vmem>>, vector<16xi32>,
      %add3A_97 = arith.constant 0 : i32
      %add3A_98 = vector.broadcast %add3A_97 : i32 to vector<16xi32>
      %add3A_99 = arith.addi %get3A_96, %add3A_98 : vector<16xi32>
      %swap3A_100 = arith.constant 80 : index
      %swap3A_101 = tpu.vector_load %arg11[%swap3A_100] {strides = array<i32>} : memref<128xi32, #tpu.memory_space<vmem>>, vector<16xi32>,
      tpu.vector_store %arg11[%swap3A_100], %add3A_99 {strides = array<i32>} : memref<128xi32, #tpu.memory_space<vmem>>, vector<16xi32>,
      %add3A_102 = arith.constant 80 : i32
      %add3A_103 = arith.addi %mul3A_19, %add3A_102 : i32
      %get3A_104 = arith.index_cast %add3A_103 : i32 to index
      %get3A_105 = tpu.vector_load %arg9[%get3A_104] {strides = array<i32>} : memref<10368xi32, #tpu.memory_space<vmem>>, vector<16xi32>,
      %swap3A_106 = arith.constant 80 : index
      %swap3A_107 = tpu.vector_load %arg12[%swap3A_106] {strides = array<i32>} : memref<128xi32, #tpu.memory_space<vmem>>, vector<16xi32>,
      tpu.vector_store %arg12[%swap3A_106], %get3A_105 {strides = array<i32>} : memref<128xi32, #tpu.memory_space<vmem>>, vector<16xi32>,
      %add3A_108 = arith.constant 96 : i32
      %add3A_109 = arith.addi %mul3A_19, %add3A_108 : i32
      %get3A_110 = arith.index_cast %add3A_109 : i32 to index
      %get3A_111 = tpu.vector_load %arg8[%get3A_110] {strides = array<i32>} : memref<10368xi32, #tpu.memory_space<vmem>>, vector<16xi32>,
      %add3A_112 = arith.constant 0 : i32
      %add3A_113 = vector.broadcast %add3A_112 : i32 to vector<16xi32>
      %add3A_114 = arith.addi %get3A_111, %add3A_113 : vector<16xi32>
      %swap3A_115 = arith.constant 96 : index
      %swap3A_116 = tpu.vector_load %arg11[%swap3A_115] {strides = array<i32>} : memref<128xi32, #tpu.memory_space<vmem>>, vector<16xi32>,
      tpu.vector_store %arg11[%swap3A_115], %add3A_114 {strides = array<i32>} : memref<128xi32, #tpu.memory_space<vmem>>, vector<16xi32>,
      %add3A_117 = arith.constant 96 : i32
      %add3A_118 = arith.addi %mul3A_19, %add3A_117 : i32
      %get3A_119 = arith.index_cast %add3A_118 : i32 to index
      %get3A_120 = tpu.vector_load %arg9[%get3A_119] {strides = array<i32>} : memref<10368xi32, #tpu.memory_space<vmem>>, vector<16xi32>,
      %swap3A_121 = arith.constant 96 : index
      %swap3A_122 = tpu.vector_load %arg12[%swap3A_121] {strides = array<i32>} : memref<128xi32, #tpu.memory_space<vmem>>, vector<16xi32>,
      tpu.vector_store %arg12[%swap3A_121], %get3A_120 {strides = array<i32>} : memref<128xi32, #tpu.memory_space<vmem>>, vector<16xi32>,
      %add3A_123 = arith.constant 112 : i32
      %add3A_124 = arith.addi %mul3A_19, %add3A_123 : i32
      %get3A_125 = arith.index_cast %add3A_124 : i32 to index
      %get3A_126 = tpu.vector_load %arg8[%get3A_125] {strides = array<i32>} : memref<10368xi32, #tpu.memory_space<vmem>>, vector<16xi32>,
      %add3A_127 = arith.constant 0 : i32
      %add3A_128 = vector.broadcast %add3A_127 : i32 to vector<16xi32>
      %add3A_129 = arith.addi %get3A_126, %add3A_128 : vector<16xi32>
      %swap3A_130 = arith.constant 112 : index
      %swap3A_131 = tpu.vector_load %arg11[%swap3A_130] {strides = array<i32>} : memref<128xi32, #tpu.memory_space<vmem>>, vector<16xi32>,
      tpu.vector_store %arg11[%swap3A_130], %add3A_129 {strides = array<i32>} : memref<128xi32, #tpu.memory_space<vmem>>, vector<16xi32>,
      %add3A_132 = arith.constant 112 : i32
      %add3A_133 = arith.addi %mul3A_19, %add3A_132 : i32
      %get3A_134 = arith.index_cast %add3A_133 : i32 to index
      %get3A_135 = tpu.vector_load %arg9[%get3A_134] {strides = array<i32>} : memref<10368xi32, #tpu.memory_space<vmem>>, vector<16xi32>,
      %swap3A_136 = arith.constant 112 : index
      %swap3A_137 = tpu.vector_load %arg12[%swap3A_136] {strides = array<i32>} : memref<128xi32, #tpu.memory_space<vmem>>, vector<16xi32>,
      tpu.vector_store %arg12[%swap3A_136], %get3A_135 {strides = array<i32>} : memref<128xi32, #tpu.memory_space<vmem>>, vector<16xi32>,
      %dma_start3A = arith.constant 0 : i32
      %dma_start3A_138 = arith.constant 0 : i32
      %dma_start3A_139 = tpu.memref_slice %arg5[%dma_start3A, %dma_start3A_138] : memref<40000x128xf32, #tpu.memory_space<hbm>> -> memref<40000x128xf32, #tpu.memory_space<hbm>>
      tpu.enqueue_indirect_dma source(%dma_start3A_139 : memref<40000x128xf32, #tpu.memory_space<hbm>>) target(%arg13 : memref<128x128xf32, #tpu.memory_space<vmem>>) offsets(%arg11 : memref<128xi32, #tpu.memory_space<vmem>>) semaphore(%arg15 : memref<!tpu.dma_semaphore, #tpu.memory_space<semaphore_mem>>)
      %dma_wait3A = arith.constant 0 : i32
      %dma_wait3A_140 = arith.constant 0 : i32
      %dma_wait3A_141 = tpu.memref_slice %arg5[%dma_wait3A, %dma_wait3A_140] : memref<40000x128xf32, #tpu.memory_space<hbm>> -> memref<40000x128xf32, #tpu.memory_space<hbm>>
      tpu.wait_indirect_dma semaphore(%arg15 : memref<!tpu.dma_semaphore, #tpu.memory_space<semaphore_mem>>) src(%dma_wait3A_141 : memref<40000x128xf32, #tpu.memory_space<hbm>>) dst(%arg13 : memref<128x128xf32, #tpu.memory_space<vmem>>)
      %scan3A_142 = arith.constant 0 : i32
      %scan3A_143 = arith.constant 0 : i32
      %scan3A_144 = arith.constant 128 : i32
      %scan3A_145 = arith.addi %scan3A_143, %scan3A_144 : i32
      %scan3A_146 = arith.constant 1 : i32
      %scan3A_147 = scf.for %scan3A_150 = %scan3A_143 to %scan3A_145 step %scan3A_146 iter_args(%scan3A_151 = %scan3A_142) -> (i32)  : i32 {
        %add3A_152 = arith.addi %mul3A_19, %scan3A_150 : i32
        %broadcast_in_dim3A = vector.broadcast %add3A_152 : i32 to vector<16xi32>
        %gather3A = tpu.vector_load_idx %arg10[%broadcast_in_dim3A] : memref<10368xf32, #tpu.memory_space<vmem>>[vector<16xi32>], vector<16xf32>,
        %get3A_153 = arith.index_cast %scan3A_150 : i32 to index
        %get3A_154 = arith.constant 0 : index
        %get3A_155 = tpu.vector_load %arg13[%get3A_153, %get3A_154] {strides = array<i32>} : memref<128x128xf32, #tpu.memory_space<vmem>>, vector<16xf32>,
        %mul3A_156 = arith.mulf %get3A_155, %gather3A : vector<16xf32>
        %swap3A_157 = arith.index_cast %scan3A_150 : i32 to index
        %swap3A_158 = arith.constant 0 : index
        %swap3A_159 = tpu.vector_load %arg13[%swap3A_157, %swap3A_158] {strides = array<i32>} : memref<128x128xf32, #tpu.memory_space<vmem>>, vector<16xf32>,
        tpu.vector_store %arg13[%swap3A_157, %swap3A_158], %mul3A_156 {strides = array<i32>} : memref<128x128xf32, #tpu.memory_space<vmem>>, vector<16xf32>,
        %get3A_160 = arith.index_cast %scan3A_150 : i32 to index
        %get3A_161 = arith.constant 16 : index
        %get3A_162 = tpu.vector_load %arg13[%get3A_160, %get3A_161] {strides = array<i32>} : memref<128x128xf32, #tpu.memory_space<vmem>>, vector<16xf32>,
        %mul3A_163 = arith.mulf %get3A_162, %gather3A : vector<16xf32>
        %swap3A_164 = arith.index_cast %scan3A_150 : i32 to index
        %swap3A_165 = arith.constant 16 : index
        %swap3A_166 = tpu.vector_load %arg13[%swap3A_164, %swap3A_165] {strides = array<i32>} : memref<128x128xf32, #tpu.memory_space<vmem>>, vector<16xf32>,
        tpu.vector_store %arg13[%swap3A_164, %swap3A_165], %mul3A_163 {strides = array<i32>} : memref<128x128xf32, #tpu.memory_space<vmem>>, vector<16xf32>,
        %get3A_167 = arith.index_cast %scan3A_150 : i32 to index
        %get3A_168 = arith.constant 32 : index
        %get3A_169 = tpu.vector_load %arg13[%get3A_167, %get3A_168] {strides = array<i32>} : memref<128x128xf32, #tpu.memory_space<vmem>>, vector<16xf32>,
        %mul3A_170 = arith.mulf %get3A_169, %gather3A : vector<16xf32>
        %swap3A_171 = arith.index_cast %scan3A_150 : i32 to index
        %swap3A_172 = arith.constant 32 : index
        %swap3A_173 = tpu.vector_load %arg13[%swap3A_171, %swap3A_172] {strides = array<i32>} : memref<128x128xf32, #tpu.memory_space<vmem>>, vector<16xf32>,
        tpu.vector_store %arg13[%swap3A_171, %swap3A_172], %mul3A_170 {strides = array<i32>} : memref<128x128xf32, #tpu.memory_space<vmem>>, vector<16xf32>,
        %get3A_174 = arith.index_cast %scan3A_150 : i32 to index
        %get3A_175 = arith.constant 48 : index
        %get3A_176 = tpu.vector_load %arg13[%get3A_174, %get3A_175] {strides = array<i32>} : memref<128x128xf32, #tpu.memory_space<vmem>>, vector<16xf32>,
        %mul3A_177 = arith.mulf %get3A_176, %gather3A : vector<16xf32>
        %swap3A_178 = arith.index_cast %scan3A_150 : i32 to index
        %swap3A_179 = arith.constant 48 : index
        %swap3A_180 = tpu.vector_load %arg13[%swap3A_178, %swap3A_179] {strides = array<i32>} : memref<128x128xf32, #tpu.memory_space<vmem>>, vector<16xf32>,
        tpu.vector_store %arg13[%swap3A_178, %swap3A_179], %mul3A_177 {strides = array<i32>} : memref<128x128xf32, #tpu.memory_space<vmem>>, vector<16xf32>,
        %get3A_181 = arith.index_cast %scan3A_150 : i32 to index
        %get3A_182 = arith.constant 64 : index
        %get3A_183 = tpu.vector_load %arg13[%get3A_181, %get3A_182] {strides = array<i32>} : memref<128x128xf32, #tpu.memory_space<vmem>>, vector<16xf32>,
        %mul3A_184 = arith.mulf %get3A_183, %gather3A : vector<16xf32>
        %swap3A_185 = arith.index_cast %scan3A_150 : i32 to index
        %swap3A_186 = arith.constant 64 : index
        %swap3A_187 = tpu.vector_load %arg13[%swap3A_185, %swap3A_186] {strides = array<i32>} : memref<128x128xf32, #tpu.memory_space<vmem>>, vector<16xf32>,
        tpu.vector_store %arg13[%swap3A_185, %swap3A_186], %mul3A_184 {strides = array<i32>} : memref<128x128xf32, #tpu.memory_space<vmem>>, vector<16xf32>,
        %get3A_188 = arith.index_cast %scan3A_150 : i32 to index
        %get3A_189 = arith.constant 80 : index
        %get3A_190 = tpu.vector_load %arg13[%get3A_188, %get3A_189] {strides = array<i32>} : memref<128x128xf32, #tpu.memory_space<vmem>>, vector<16xf32>,
        %mul3A_191 = arith.mulf %get3A_190, %gather3A : vector<16xf32>
        %swap3A_192 = arith.index_cast %scan3A_150 : i32 to index
        %swap3A_193 = arith.constant 80 : index
        %swap3A_194 = tpu.vector_load %arg13[%swap3A_192, %swap3A_193] {strides = array<i32>} : memref<128x128xf32, #tpu.memory_space<vmem>>, vector<16xf32>,
        tpu.vector_store %arg13[%swap3A_192, %swap3A_193], %mul3A_191 {strides = array<i32>} : memref<128x128xf32, #tpu.memory_space<vmem>>, vector<16xf32>,
        %get3A_195 = arith.index_cast %scan3A_150 : i32 to index
        %get3A_196 = arith.constant 96 : index
        %get3A_197 = tpu.vector_load %arg13[%get3A_195, %get3A_196] {strides = array<i32>} : memref<128x128xf32, #tpu.memory_space<vmem>>, vector<16xf32>,
        %mul3A_198 = arith.mulf %get3A_197, %gather3A : vector<16xf32>
        %swap3A_199 = arith.index_cast %scan3A_150 : i32 to index
        %swap3A_200 = arith.constant 96 : index
        %swap3A_201 = tpu.vector_load %arg13[%swap3A_199, %swap3A_200] {strides = array<i32>} : memref<128x128xf32, #tpu.memory_space<vmem>>, vector<16xf32>,
        tpu.vector_store %arg13[%swap3A_199, %swap3A_200], %mul3A_198 {strides = array<i32>} : memref<128x128xf32, #tpu.memory_space<vmem>>, vector<16xf32>,
        %get3A_202 = arith.index_cast %scan3A_150 : i32 to index
        %get3A_203 = arith.constant 112 : index
        %get3A_204 = tpu.vector_load %arg13[%get3A_202, %get3A_203] {strides = array<i32>} : memref<128x128xf32, #tpu.memory_space<vmem>>, vector<16xf32>,
        %mul3A_205 = arith.mulf %get3A_204, %gather3A : vector<16xf32>
        %swap3A_206 = arith.index_cast %scan3A_150 : i32 to index
        %swap3A_207 = arith.constant 112 : index
        %swap3A_208 = tpu.vector_load %arg13[%swap3A_206, %swap3A_207] {strides = array<i32>} : memref<128x128xf32, #tpu.memory_space<vmem>>, vector<16xf32>,
        tpu.vector_store %arg13[%swap3A_206, %swap3A_207], %mul3A_205 {strides = array<i32>} : memref<128x128xf32, #tpu.memory_space<vmem>>, vector<16xf32>,
        %scan3A_209 = arith.constant 0 : i32
        scf.yield %scan3A_209 : i32
      }
      %scan3A_148 = arith.constant 128 : i32
      "tpu.region"() ({
        %run_scoped3A = tpu.sem_alloc : memref<!tpu.dma_semaphore, #tpu.memory_space<semaphore_mem>>
        %dma_start3A_150 = arith.constant 0 : i32
        %dma_start3A_151 = arith.constant 0 : i32
        %dma_start3A_152 = tpu.memref_slice %arg14[%dma_start3A_150, %dma_start3A_151] : memref<10240x128xf32, #tpu.memory_space<vmem_shared>> -> memref<10240x128xf32, #tpu.memory_space<vmem_shared>>
        tpu.enqueue_indirect_dma source(%arg13 : memref<128x128xf32, #tpu.memory_space<vmem>>) target(%dma_start3A_152 : memref<10240x128xf32, #tpu.memory_space<vmem_shared>>) offsets(%arg12 : memref<128xi32, #tpu.memory_space<vmem>>) semaphore(%run_scoped3A : memref<!tpu.dma_semaphore, #tpu.memory_space<semaphore_mem>>) {add = true}
        %dma_wait3A_153 = arith.constant 0 : i32
        %dma_wait3A_154 = arith.constant 0 : i32
        %dma_wait3A_155 = tpu.memref_slice %arg14[%dma_wait3A_153, %dma_wait3A_154] : memref<10240x128xf32, #tpu.memory_space<vmem_shared>> -> memref<10240x128xf32, #tpu.memory_space<vmem_shared>>
        tpu.wait_indirect_dma semaphore(%run_scoped3A : memref<!tpu.dma_semaphore, #tpu.memory_space<semaphore_mem>>) src(%arg13 : memref<128x128xf32, #tpu.memory_space<vmem>>) dst(%dma_wait3A_155 : memref<10240x128xf32, #tpu.memory_space<vmem_shared>>)
        tpu.yield
      }) : () -> ()
      %scan3A_149 = arith.constant 0 : i32
      scf.yield %scan3A_149 : i32
    }
    %scan3A_10 = arith.constant 81 : i32
    %barrier3A_11 = arith.constant 0 : index
    tpu.barrier barrier_id(%barrier3A_11)
    %mul3A_12 = arith.constant 640 : i32
    %mul3A_13 = arith.muli %arg1, %mul3A_12 : i32
    %mul3A_14 = arith.constant 640 : i32
    %mul3A_15 = arith.muli %arg1, %mul3A_14 : i32
    "tpu.region"() ({
      %run_scoped3A = tpu.sem_alloc : memref<!tpu.dma_semaphore, #tpu.memory_space<semaphore_mem>>
      %dma_start3A = arith.constant 0 : i32
      %dma_start3A_16 = tpu.memref_slice %arg7[%arg0, %mul3A_15, %dma_start3A] : memref<2x10240x128xf32, #tpu.memory_space<hbm>> -> memref<1x640x128xf32, #tpu.memory_space<hbm>>
      %dma_start3A_17 = tpu.memref_squeeze %dma_start3A_16 : memref<1x640x128xf32, #tpu.memory_space<hbm>> -> memref<640x128xf32, #tpu.memory_space<hbm>>
      %dma_start3A_18 = arith.constant 0 : i32
      %dma_start3A_19 = tpu.memref_slice %arg14[%mul3A_13, %dma_start3A_18] : memref<10240x128xf32, #tpu.memory_space<vmem_shared>> -> memref<640x128xf32, #tpu.memory_space<vmem_shared>>
      tpu.enqueue_dma source(%dma_start3A_19 : memref<640x128xf32, #tpu.memory_space<vmem_shared>>) target(%dma_start3A_17 : memref<640x128xf32, #tpu.memory_space<hbm>>) target_semaphore(%run_scoped3A : memref<!tpu.dma_semaphore, #tpu.memory_space<semaphore_mem>>)
      %dma_wait3A = arith.constant 0 : i32
      %dma_wait3A_20 = tpu.memref_slice %arg7[%arg0, %mul3A_15, %dma_wait3A] : memref<2x10240x128xf32, #tpu.memory_space<hbm>> -> memref<1x640x128xf32, #tpu.memory_space<hbm>>
      %dma_wait3A_21 = tpu.memref_squeeze %dma_wait3A_20 : memref<1x640x128xf32, #tpu.memory_space<hbm>> -> memref<640x128xf32, #tpu.memory_space<hbm>>
      %dma_wait3A_22 = arith.constant 0 : i32
      %dma_wait3A_23 = tpu.memref_slice %arg14[%mul3A_13, %dma_wait3A_22] : memref<10240x128xf32, #tpu.memory_space<vmem_shared>> -> memref<640x128xf32, #tpu.memory_space<vmem_shared>>
      tpu.wait_dma2 semaphore(%run_scoped3A : memref<!tpu.dma_semaphore, #tpu.memory_space<semaphore_mem>>) src(%dma_wait3A_23 : memref<640x128xf32, #tpu.memory_space<vmem_shared>>) dst(%dma_wait3A_21 : memref<640x128xf32, #tpu.memory_space<hbm>>)
      tpu.yield
    }) : () -> ()
    return
  }
}

#map = affine_map<(d0, d1) -> (0)>
#map1 = affine_map<(d0, d1) -> (0, 0)>
#map2 = affine_map<(d0, d1) -> (0, 0, 0)>
module attributes {stable_mosaic.version = 14 : i64} {
  func.func @_k4(%arg0: i32, %arg1: i32, %arg2: memref<331776xi32, #tpu.memory_space<hbm>>, %arg3: memref<331776xi32, #tpu.memory_space<hbm>>, %arg4: memref<331776xf32, #tpu.memory_space<hbm>>, %arg5: memref<40000x128xf32, #tpu.memory_space<hbm>>, %arg6: memref<640x128xf32, #tpu.memory_space<hbm>>, %arg7: memref<2x10240x128xf32, #tpu.memory_space<hbm>>, %arg8: memref<10368xi32, #tpu.memory_space<vmem>>, %arg9: memref<10368xi32, #tpu.memory_space<vmem>>, %arg10: memref<10368xf32, #tpu.memory_space<vmem>>, %arg11: memref<128xi32, #tpu.memory_space<vmem>>, %arg12: memref<128xi32, #tpu.memory_space<vmem>>, %arg13: memref<128x128xf32, #tpu.memory_space<vmem>>, %arg14: memref<10240x128xf32, #tpu.memory_space<vmem_shared>>, %arg15: memref<!tpu.dma_semaphore, #tpu.memory_space<semaphore_mem>>) attributes {dimension_semantics = [#tpu.dimension_semantics<core_parallel>, #tpu.dimension_semantics<subcore_parallel>], iteration_bounds = array<i64: 2, 16>, scalar_prefetch = 0 : i64, scratch_operands = 8 : i64, tpu.core_type = #tpu.core_type<sc_vector_subcore>, window_params = [{transform_indices = #map}, {transform_indices = #map}, {transform_indices = #map}, {transform_indices = #map1}, {transform_indices = #map1}, {transform_indices = #map2}]} {
    %mul3A = arith.constant 2 : i32
    %mul3A_0 = arith.muli %arg1, %mul3A : i32
    %add3A = arith.addi %mul3A_0, %arg0 : i32
    %mul3A_1 = arith.constant 10368 : i32
    %mul3A_2 = arith.muli %add3A, %mul3A_1 : i32
    "tpu.region"() ({
      %run_scoped3A = tpu.sem_alloc : memref<!tpu.dma_semaphore, #tpu.memory_space<semaphore_mem>>
      %dma_start3A = tpu.memref_slice %arg2[%mul3A_2] : memref<331776xi32, #tpu.memory_space<hbm>> -> memref<10368xi32, #tpu.memory_space<hbm>>
      %dma_start3A_16 = tpu.memref_slice %arg2[%mul3A_2] : memref<331776xi32, #tpu.memory_space<hbm>> -> memref<10368xi32, #tpu.memory_space<hbm>>
      tpu.enqueue_dma source(%dma_start3A_16 : memref<10368xi32, #tpu.memory_space<hbm>>) target(%arg8 : memref<10368xi32, #tpu.memory_space<vmem>>) target_semaphore(%run_scoped3A : memref<!tpu.dma_semaphore, #tpu.memory_space<semaphore_mem>>)
      %dma_wait3A = tpu.memref_slice %arg2[%mul3A_2] : memref<331776xi32, #tpu.memory_space<hbm>> -> memref<10368xi32, #tpu.memory_space<hbm>>
      %dma_wait3A_17 = tpu.memref_slice %arg2[%mul3A_2] : memref<331776xi32, #tpu.memory_space<hbm>> -> memref<10368xi32, #tpu.memory_space<hbm>>
      tpu.wait_dma2 semaphore(%run_scoped3A : memref<!tpu.dma_semaphore, #tpu.memory_space<semaphore_mem>>) src(%dma_wait3A_17 : memref<10368xi32, #tpu.memory_space<hbm>>) dst(%arg8 : memref<10368xi32, #tpu.memory_space<vmem>>)
      tpu.yield
    }) : () -> ()
    "tpu.region"() ({
      %run_scoped3A = tpu.sem_alloc : memref<!tpu.dma_semaphore, #tpu.memory_space<semaphore_mem>>
      %dma_start3A = tpu.memref_slice %arg3[%mul3A_2] : memref<331776xi32, #tpu.memory_space<hbm>> -> memref<10368xi32, #tpu.memory_space<hbm>>
      %dma_start3A_16 = tpu.memref_slice %arg3[%mul3A_2] : memref<331776xi32, #tpu.memory_space<hbm>> -> memref<10368xi32, #tpu.memory_space<hbm>>
      tpu.enqueue_dma source(%dma_start3A_16 : memref<10368xi32, #tpu.memory_space<hbm>>) target(%arg9 : memref<10368xi32, #tpu.memory_space<vmem>>) target_semaphore(%run_scoped3A : memref<!tpu.dma_semaphore, #tpu.memory_space<semaphore_mem>>)
      %dma_wait3A = tpu.memref_slice %arg3[%mul3A_2] : memref<331776xi32, #tpu.memory_space<hbm>> -> memref<10368xi32, #tpu.memory_space<hbm>>
      %dma_wait3A_17 = tpu.memref_slice %arg3[%mul3A_2] : memref<331776xi32, #tpu.memory_space<hbm>> -> memref<10368xi32, #tpu.memory_space<hbm>>
      tpu.wait_dma2 semaphore(%run_scoped3A : memref<!tpu.dma_semaphore, #tpu.memory_space<semaphore_mem>>) src(%dma_wait3A_17 : memref<10368xi32, #tpu.memory_space<hbm>>) dst(%arg9 : memref<10368xi32, #tpu.memory_space<vmem>>)
      tpu.yield
    }) : () -> ()
    "tpu.region"() ({
      %run_scoped3A = tpu.sem_alloc : memref<!tpu.dma_semaphore, #tpu.memory_space<semaphore_mem>>
      %dma_start3A = tpu.memref_slice %arg4[%mul3A_2] : memref<331776xf32, #tpu.memory_space<hbm>> -> memref<10368xf32, #tpu.memory_space<hbm>>
      %dma_start3A_16 = tpu.memref_slice %arg4[%mul3A_2] : memref<331776xf32, #tpu.memory_space<hbm>> -> memref<10368xf32, #tpu.memory_space<hbm>>
      tpu.enqueue_dma source(%dma_start3A_16 : memref<10368xf32, #tpu.memory_space<hbm>>) target(%arg10 : memref<10368xf32, #tpu.memory_space<vmem>>) target_semaphore(%run_scoped3A : memref<!tpu.dma_semaphore, #tpu.memory_space<semaphore_mem>>)
      %dma_wait3A = tpu.memref_slice %arg4[%mul3A_2] : memref<331776xf32, #tpu.memory_space<hbm>> -> memref<10368xf32, #tpu.memory_space<hbm>>
      %dma_wait3A_17 = tpu.memref_slice %arg4[%mul3A_2] : memref<331776xf32, #tpu.memory_space<hbm>> -> memref<10368xf32, #tpu.memory_space<hbm>>
      tpu.wait_dma2 semaphore(%run_scoped3A : memref<!tpu.dma_semaphore, #tpu.memory_space<semaphore_mem>>) src(%dma_wait3A_17 : memref<10368xf32, #tpu.memory_space<hbm>>) dst(%arg10 : memref<10368xf32, #tpu.memory_space<vmem>>)
      tpu.yield
    }) : () -> ()
    %mul3A_3 = arith.constant 640 : i32
    %mul3A_4 = arith.muli %arg1, %mul3A_3 : i32
    "tpu.region"() ({
      %run_scoped3A = tpu.sem_alloc : memref<!tpu.dma_semaphore, #tpu.memory_space<semaphore_mem>>
      %dma_start3A = arith.constant 0 : i32
      %dma_start3A_16 = tpu.memref_slice %arg14[%mul3A_4, %dma_start3A] : memref<10240x128xf32, #tpu.memory_space<vmem_shared>> -> memref<640x128xf32, #tpu.memory_space<vmem_shared>>
      tpu.enqueue_dma source(%arg6 : memref<640x128xf32, #tpu.memory_space<hbm>>) target(%dma_start3A_16 : memref<640x128xf32, #tpu.memory_space<vmem_shared>>) target_semaphore(%run_scoped3A : memref<!tpu.dma_semaphore, #tpu.memory_space<semaphore_mem>>)
      %dma_wait3A = arith.constant 0 : i32
      %dma_wait3A_17 = tpu.memref_slice %arg14[%mul3A_4, %dma_wait3A] : memref<10240x128xf32, #tpu.memory_space<vmem_shared>> -> memref<640x128xf32, #tpu.memory_space<vmem_shared>>
      tpu.wait_dma2 semaphore(%run_scoped3A : memref<!tpu.dma_semaphore, #tpu.memory_space<semaphore_mem>>) src(%arg6 : memref<640x128xf32, #tpu.memory_space<hbm>>) dst(%dma_wait3A_17 : memref<640x128xf32, #tpu.memory_space<vmem_shared>>)
      tpu.yield
    }) : () -> ()
    %barrier3A = arith.constant 0 : index
    tpu.barrier barrier_id(%barrier3A)
    %scan3A = arith.constant 0 : i32
    %scan3A_5 = arith.constant 0 : i32
    %scan3A_6 = arith.constant 81 : i32
    %scan3A_7 = arith.addi %scan3A_5, %scan3A_6 : i32
    %scan3A_8 = arith.constant 1 : i32
    %scan3A_9 = scf.for %scan3A_16 = %scan3A_5 to %scan3A_7 step %scan3A_8 iter_args(%scan3A_17 = %scan3A) -> (i32)  : i32 {
      %mul3A_18 = arith.constant 128 : i32
      %mul3A_19 = arith.muli %scan3A_16, %mul3A_18 : i32
      %add3A_20 = arith.constant 0 : i32
      %add3A_21 = arith.addi %mul3A_19, %add3A_20 : i32
      %get3A = arith.index_cast %add3A_21 : i32 to index
      %get3A_22 = tpu.vector_load %arg8[%get3A] {strides = array<i32>} : memref<10368xi32, #tpu.memory_space<vmem>>, vector<16xi32>,
      %add3A_23 = arith.constant 20000 : i32
      %add3A_24 = vector.broadcast %add3A_23 : i32 to vector<16xi32>
      %add3A_25 = arith.addi %get3A_22, %add3A_24 : vector<16xi32>
      %swap3A = arith.constant 0 : index
      %swap3A_26 = tpu.vector_load %arg11[%swap3A] {strides = array<i32>} : memref<128xi32, #tpu.memory_space<vmem>>, vector<16xi32>,
      tpu.vector_store %arg11[%swap3A], %add3A_25 {strides = array<i32>} : memref<128xi32, #tpu.memory_space<vmem>>, vector<16xi32>,
      %add3A_27 = arith.constant 0 : i32
      %add3A_28 = arith.addi %mul3A_19, %add3A_27 : i32
      %get3A_29 = arith.index_cast %add3A_28 : i32 to index
      %get3A_30 = tpu.vector_load %arg9[%get3A_29] {strides = array<i32>} : memref<10368xi32, #tpu.memory_space<vmem>>, vector<16xi32>,
      %swap3A_31 = arith.constant 0 : index
      %swap3A_32 = tpu.vector_load %arg12[%swap3A_31] {strides = array<i32>} : memref<128xi32, #tpu.memory_space<vmem>>, vector<16xi32>,
      tpu.vector_store %arg12[%swap3A_31], %get3A_30 {strides = array<i32>} : memref<128xi32, #tpu.memory_space<vmem>>, vector<16xi32>,
      %add3A_33 = arith.constant 16 : i32
      %add3A_34 = arith.addi %mul3A_19, %add3A_33 : i32
      %get3A_35 = arith.index_cast %add3A_34 : i32 to index
      %get3A_36 = tpu.vector_load %arg8[%get3A_35] {strides = array<i32>} : memref<10368xi32, #tpu.memory_space<vmem>>, vector<16xi32>,
      %add3A_37 = arith.constant 20000 : i32
      %add3A_38 = vector.broadcast %add3A_37 : i32 to vector<16xi32>
      %add3A_39 = arith.addi %get3A_36, %add3A_38 : vector<16xi32>
      %swap3A_40 = arith.constant 16 : index
      %swap3A_41 = tpu.vector_load %arg11[%swap3A_40] {strides = array<i32>} : memref<128xi32, #tpu.memory_space<vmem>>, vector<16xi32>,
      tpu.vector_store %arg11[%swap3A_40], %add3A_39 {strides = array<i32>} : memref<128xi32, #tpu.memory_space<vmem>>, vector<16xi32>,
      %add3A_42 = arith.constant 16 : i32
      %add3A_43 = arith.addi %mul3A_19, %add3A_42 : i32
      %get3A_44 = arith.index_cast %add3A_43 : i32 to index
      %get3A_45 = tpu.vector_load %arg9[%get3A_44] {strides = array<i32>} : memref<10368xi32, #tpu.memory_space<vmem>>, vector<16xi32>,
      %swap3A_46 = arith.constant 16 : index
      %swap3A_47 = tpu.vector_load %arg12[%swap3A_46] {strides = array<i32>} : memref<128xi32, #tpu.memory_space<vmem>>, vector<16xi32>,
      tpu.vector_store %arg12[%swap3A_46], %get3A_45 {strides = array<i32>} : memref<128xi32, #tpu.memory_space<vmem>>, vector<16xi32>,
      %add3A_48 = arith.constant 32 : i32
      %add3A_49 = arith.addi %mul3A_19, %add3A_48 : i32
      %get3A_50 = arith.index_cast %add3A_49 : i32 to index
      %get3A_51 = tpu.vector_load %arg8[%get3A_50] {strides = array<i32>} : memref<10368xi32, #tpu.memory_space<vmem>>, vector<16xi32>,
      %add3A_52 = arith.constant 20000 : i32
      %add3A_53 = vector.broadcast %add3A_52 : i32 to vector<16xi32>
      %add3A_54 = arith.addi %get3A_51, %add3A_53 : vector<16xi32>
      %swap3A_55 = arith.constant 32 : index
      %swap3A_56 = tpu.vector_load %arg11[%swap3A_55] {strides = array<i32>} : memref<128xi32, #tpu.memory_space<vmem>>, vector<16xi32>,
      tpu.vector_store %arg11[%swap3A_55], %add3A_54 {strides = array<i32>} : memref<128xi32, #tpu.memory_space<vmem>>, vector<16xi32>,
      %add3A_57 = arith.constant 32 : i32
      %add3A_58 = arith.addi %mul3A_19, %add3A_57 : i32
      %get3A_59 = arith.index_cast %add3A_58 : i32 to index
      %get3A_60 = tpu.vector_load %arg9[%get3A_59] {strides = array<i32>} : memref<10368xi32, #tpu.memory_space<vmem>>, vector<16xi32>,
      %swap3A_61 = arith.constant 32 : index
      %swap3A_62 = tpu.vector_load %arg12[%swap3A_61] {strides = array<i32>} : memref<128xi32, #tpu.memory_space<vmem>>, vector<16xi32>,
      tpu.vector_store %arg12[%swap3A_61], %get3A_60 {strides = array<i32>} : memref<128xi32, #tpu.memory_space<vmem>>, vector<16xi32>,
      %add3A_63 = arith.constant 48 : i32
      %add3A_64 = arith.addi %mul3A_19, %add3A_63 : i32
      %get3A_65 = arith.index_cast %add3A_64 : i32 to index
      %get3A_66 = tpu.vector_load %arg8[%get3A_65] {strides = array<i32>} : memref<10368xi32, #tpu.memory_space<vmem>>, vector<16xi32>,
      %add3A_67 = arith.constant 20000 : i32
      %add3A_68 = vector.broadcast %add3A_67 : i32 to vector<16xi32>
      %add3A_69 = arith.addi %get3A_66, %add3A_68 : vector<16xi32>
      %swap3A_70 = arith.constant 48 : index
      %swap3A_71 = tpu.vector_load %arg11[%swap3A_70] {strides = array<i32>} : memref<128xi32, #tpu.memory_space<vmem>>, vector<16xi32>,
      tpu.vector_store %arg11[%swap3A_70], %add3A_69 {strides = array<i32>} : memref<128xi32, #tpu.memory_space<vmem>>, vector<16xi32>,
      %add3A_72 = arith.constant 48 : i32
      %add3A_73 = arith.addi %mul3A_19, %add3A_72 : i32
      %get3A_74 = arith.index_cast %add3A_73 : i32 to index
      %get3A_75 = tpu.vector_load %arg9[%get3A_74] {strides = array<i32>} : memref<10368xi32, #tpu.memory_space<vmem>>, vector<16xi32>,
      %swap3A_76 = arith.constant 48 : index
      %swap3A_77 = tpu.vector_load %arg12[%swap3A_76] {strides = array<i32>} : memref<128xi32, #tpu.memory_space<vmem>>, vector<16xi32>,
      tpu.vector_store %arg12[%swap3A_76], %get3A_75 {strides = array<i32>} : memref<128xi32, #tpu.memory_space<vmem>>, vector<16xi32>,
      %add3A_78 = arith.constant 64 : i32
      %add3A_79 = arith.addi %mul3A_19, %add3A_78 : i32
      %get3A_80 = arith.index_cast %add3A_79 : i32 to index
      %get3A_81 = tpu.vector_load %arg8[%get3A_80] {strides = array<i32>} : memref<10368xi32, #tpu.memory_space<vmem>>, vector<16xi32>,
      %add3A_82 = arith.constant 20000 : i32
      %add3A_83 = vector.broadcast %add3A_82 : i32 to vector<16xi32>
      %add3A_84 = arith.addi %get3A_81, %add3A_83 : vector<16xi32>
      %swap3A_85 = arith.constant 64 : index
      %swap3A_86 = tpu.vector_load %arg11[%swap3A_85] {strides = array<i32>} : memref<128xi32, #tpu.memory_space<vmem>>, vector<16xi32>,
      tpu.vector_store %arg11[%swap3A_85], %add3A_84 {strides = array<i32>} : memref<128xi32, #tpu.memory_space<vmem>>, vector<16xi32>,
      %add3A_87 = arith.constant 64 : i32
      %add3A_88 = arith.addi %mul3A_19, %add3A_87 : i32
      %get3A_89 = arith.index_cast %add3A_88 : i32 to index
      %get3A_90 = tpu.vector_load %arg9[%get3A_89] {strides = array<i32>} : memref<10368xi32, #tpu.memory_space<vmem>>, vector<16xi32>,
      %swap3A_91 = arith.constant 64 : index
      %swap3A_92 = tpu.vector_load %arg12[%swap3A_91] {strides = array<i32>} : memref<128xi32, #tpu.memory_space<vmem>>, vector<16xi32>,
      tpu.vector_store %arg12[%swap3A_91], %get3A_90 {strides = array<i32>} : memref<128xi32, #tpu.memory_space<vmem>>, vector<16xi32>,
      %add3A_93 = arith.constant 80 : i32
      %add3A_94 = arith.addi %mul3A_19, %add3A_93 : i32
      %get3A_95 = arith.index_cast %add3A_94 : i32 to index
      %get3A_96 = tpu.vector_load %arg8[%get3A_95] {strides = array<i32>} : memref<10368xi32, #tpu.memory_space<vmem>>, vector<16xi32>,
      %add3A_97 = arith.constant 20000 : i32
      %add3A_98 = vector.broadcast %add3A_97 : i32 to vector<16xi32>
      %add3A_99 = arith.addi %get3A_96, %add3A_98 : vector<16xi32>
      %swap3A_100 = arith.constant 80 : index
      %swap3A_101 = tpu.vector_load %arg11[%swap3A_100] {strides = array<i32>} : memref<128xi32, #tpu.memory_space<vmem>>, vector<16xi32>,
      tpu.vector_store %arg11[%swap3A_100], %add3A_99 {strides = array<i32>} : memref<128xi32, #tpu.memory_space<vmem>>, vector<16xi32>,
      %add3A_102 = arith.constant 80 : i32
      %add3A_103 = arith.addi %mul3A_19, %add3A_102 : i32
      %get3A_104 = arith.index_cast %add3A_103 : i32 to index
      %get3A_105 = tpu.vector_load %arg9[%get3A_104] {strides = array<i32>} : memref<10368xi32, #tpu.memory_space<vmem>>, vector<16xi32>,
      %swap3A_106 = arith.constant 80 : index
      %swap3A_107 = tpu.vector_load %arg12[%swap3A_106] {strides = array<i32>} : memref<128xi32, #tpu.memory_space<vmem>>, vector<16xi32>,
      tpu.vector_store %arg12[%swap3A_106], %get3A_105 {strides = array<i32>} : memref<128xi32, #tpu.memory_space<vmem>>, vector<16xi32>,
      %add3A_108 = arith.constant 96 : i32
      %add3A_109 = arith.addi %mul3A_19, %add3A_108 : i32
      %get3A_110 = arith.index_cast %add3A_109 : i32 to index
      %get3A_111 = tpu.vector_load %arg8[%get3A_110] {strides = array<i32>} : memref<10368xi32, #tpu.memory_space<vmem>>, vector<16xi32>,
      %add3A_112 = arith.constant 20000 : i32
      %add3A_113 = vector.broadcast %add3A_112 : i32 to vector<16xi32>
      %add3A_114 = arith.addi %get3A_111, %add3A_113 : vector<16xi32>
      %swap3A_115 = arith.constant 96 : index
      %swap3A_116 = tpu.vector_load %arg11[%swap3A_115] {strides = array<i32>} : memref<128xi32, #tpu.memory_space<vmem>>, vector<16xi32>,
      tpu.vector_store %arg11[%swap3A_115], %add3A_114 {strides = array<i32>} : memref<128xi32, #tpu.memory_space<vmem>>, vector<16xi32>,
      %add3A_117 = arith.constant 96 : i32
      %add3A_118 = arith.addi %mul3A_19, %add3A_117 : i32
      %get3A_119 = arith.index_cast %add3A_118 : i32 to index
      %get3A_120 = tpu.vector_load %arg9[%get3A_119] {strides = array<i32>} : memref<10368xi32, #tpu.memory_space<vmem>>, vector<16xi32>,
      %swap3A_121 = arith.constant 96 : index
      %swap3A_122 = tpu.vector_load %arg12[%swap3A_121] {strides = array<i32>} : memref<128xi32, #tpu.memory_space<vmem>>, vector<16xi32>,
      tpu.vector_store %arg12[%swap3A_121], %get3A_120 {strides = array<i32>} : memref<128xi32, #tpu.memory_space<vmem>>, vector<16xi32>,
      %add3A_123 = arith.constant 112 : i32
      %add3A_124 = arith.addi %mul3A_19, %add3A_123 : i32
      %get3A_125 = arith.index_cast %add3A_124 : i32 to index
      %get3A_126 = tpu.vector_load %arg8[%get3A_125] {strides = array<i32>} : memref<10368xi32, #tpu.memory_space<vmem>>, vector<16xi32>,
      %add3A_127 = arith.constant 20000 : i32
      %add3A_128 = vector.broadcast %add3A_127 : i32 to vector<16xi32>
      %add3A_129 = arith.addi %get3A_126, %add3A_128 : vector<16xi32>
      %swap3A_130 = arith.constant 112 : index
      %swap3A_131 = tpu.vector_load %arg11[%swap3A_130] {strides = array<i32>} : memref<128xi32, #tpu.memory_space<vmem>>, vector<16xi32>,
      tpu.vector_store %arg11[%swap3A_130], %add3A_129 {strides = array<i32>} : memref<128xi32, #tpu.memory_space<vmem>>, vector<16xi32>,
      %add3A_132 = arith.constant 112 : i32
      %add3A_133 = arith.addi %mul3A_19, %add3A_132 : i32
      %get3A_134 = arith.index_cast %add3A_133 : i32 to index
      %get3A_135 = tpu.vector_load %arg9[%get3A_134] {strides = array<i32>} : memref<10368xi32, #tpu.memory_space<vmem>>, vector<16xi32>,
      %swap3A_136 = arith.constant 112 : index
      %swap3A_137 = tpu.vector_load %arg12[%swap3A_136] {strides = array<i32>} : memref<128xi32, #tpu.memory_space<vmem>>, vector<16xi32>,
      tpu.vector_store %arg12[%swap3A_136], %get3A_135 {strides = array<i32>} : memref<128xi32, #tpu.memory_space<vmem>>, vector<16xi32>,
      %dma_start3A = arith.constant 0 : i32
      %dma_start3A_138 = arith.constant 0 : i32
      %dma_start3A_139 = tpu.memref_slice %arg5[%dma_start3A, %dma_start3A_138] : memref<40000x128xf32, #tpu.memory_space<hbm>> -> memref<40000x128xf32, #tpu.memory_space<hbm>>
      tpu.enqueue_indirect_dma source(%dma_start3A_139 : memref<40000x128xf32, #tpu.memory_space<hbm>>) target(%arg13 : memref<128x128xf32, #tpu.memory_space<vmem>>) offsets(%arg11 : memref<128xi32, #tpu.memory_space<vmem>>) semaphore(%arg15 : memref<!tpu.dma_semaphore, #tpu.memory_space<semaphore_mem>>)
      %dma_wait3A = arith.constant 0 : i32
      %dma_wait3A_140 = arith.constant 0 : i32
      %dma_wait3A_141 = tpu.memref_slice %arg5[%dma_wait3A, %dma_wait3A_140] : memref<40000x128xf32, #tpu.memory_space<hbm>> -> memref<40000x128xf32, #tpu.memory_space<hbm>>
      tpu.wait_indirect_dma semaphore(%arg15 : memref<!tpu.dma_semaphore, #tpu.memory_space<semaphore_mem>>) src(%dma_wait3A_141 : memref<40000x128xf32, #tpu.memory_space<hbm>>) dst(%arg13 : memref<128x128xf32, #tpu.memory_space<vmem>>)
      %scan3A_142 = arith.constant 0 : i32
      %scan3A_143 = arith.constant 0 : i32
      %scan3A_144 = arith.constant 128 : i32
      %scan3A_145 = arith.addi %scan3A_143, %scan3A_144 : i32
      %scan3A_146 = arith.constant 1 : i32
      %scan3A_147 = scf.for %scan3A_150 = %scan3A_143 to %scan3A_145 step %scan3A_146 iter_args(%scan3A_151 = %scan3A_142) -> (i32)  : i32 {
        %add3A_152 = arith.addi %mul3A_19, %scan3A_150 : i32
        %broadcast_in_dim3A = vector.broadcast %add3A_152 : i32 to vector<16xi32>
        %gather3A = tpu.vector_load_idx %arg10[%broadcast_in_dim3A] : memref<10368xf32, #tpu.memory_space<vmem>>[vector<16xi32>], vector<16xf32>,
        %get3A_153 = arith.index_cast %scan3A_150 : i32 to index
        %get3A_154 = arith.constant 0 : index
        %get3A_155 = tpu.vector_load %arg13[%get3A_153, %get3A_154] {strides = array<i32>} : memref<128x128xf32, #tpu.memory_space<vmem>>, vector<16xf32>,
        %mul3A_156 = arith.mulf %get3A_155, %gather3A : vector<16xf32>
        %swap3A_157 = arith.index_cast %scan3A_150 : i32 to index
        %swap3A_158 = arith.constant 0 : index
        %swap3A_159 = tpu.vector_load %arg13[%swap3A_157, %swap3A_158] {strides = array<i32>} : memref<128x128xf32, #tpu.memory_space<vmem>>, vector<16xf32>,
        tpu.vector_store %arg13[%swap3A_157, %swap3A_158], %mul3A_156 {strides = array<i32>} : memref<128x128xf32, #tpu.memory_space<vmem>>, vector<16xf32>,
        %get3A_160 = arith.index_cast %scan3A_150 : i32 to index
        %get3A_161 = arith.constant 16 : index
        %get3A_162 = tpu.vector_load %arg13[%get3A_160, %get3A_161] {strides = array<i32>} : memref<128x128xf32, #tpu.memory_space<vmem>>, vector<16xf32>,
        %mul3A_163 = arith.mulf %get3A_162, %gather3A : vector<16xf32>
        %swap3A_164 = arith.index_cast %scan3A_150 : i32 to index
        %swap3A_165 = arith.constant 16 : index
        %swap3A_166 = tpu.vector_load %arg13[%swap3A_164, %swap3A_165] {strides = array<i32>} : memref<128x128xf32, #tpu.memory_space<vmem>>, vector<16xf32>,
        tpu.vector_store %arg13[%swap3A_164, %swap3A_165], %mul3A_163 {strides = array<i32>} : memref<128x128xf32, #tpu.memory_space<vmem>>, vector<16xf32>,
        %get3A_167 = arith.index_cast %scan3A_150 : i32 to index
        %get3A_168 = arith.constant 32 : index
        %get3A_169 = tpu.vector_load %arg13[%get3A_167, %get3A_168] {strides = array<i32>} : memref<128x128xf32, #tpu.memory_space<vmem>>, vector<16xf32>,
        %mul3A_170 = arith.mulf %get3A_169, %gather3A : vector<16xf32>
        %swap3A_171 = arith.index_cast %scan3A_150 : i32 to index
        %swap3A_172 = arith.constant 32 : index
        %swap3A_173 = tpu.vector_load %arg13[%swap3A_171, %swap3A_172] {strides = array<i32>} : memref<128x128xf32, #tpu.memory_space<vmem>>, vector<16xf32>,
        tpu.vector_store %arg13[%swap3A_171, %swap3A_172], %mul3A_170 {strides = array<i32>} : memref<128x128xf32, #tpu.memory_space<vmem>>, vector<16xf32>,
        %get3A_174 = arith.index_cast %scan3A_150 : i32 to index
        %get3A_175 = arith.constant 48 : index
        %get3A_176 = tpu.vector_load %arg13[%get3A_174, %get3A_175] {strides = array<i32>} : memref<128x128xf32, #tpu.memory_space<vmem>>, vector<16xf32>,
        %mul3A_177 = arith.mulf %get3A_176, %gather3A : vector<16xf32>
        %swap3A_178 = arith.index_cast %scan3A_150 : i32 to index
        %swap3A_179 = arith.constant 48 : index
        %swap3A_180 = tpu.vector_load %arg13[%swap3A_178, %swap3A_179] {strides = array<i32>} : memref<128x128xf32, #tpu.memory_space<vmem>>, vector<16xf32>,
        tpu.vector_store %arg13[%swap3A_178, %swap3A_179], %mul3A_177 {strides = array<i32>} : memref<128x128xf32, #tpu.memory_space<vmem>>, vector<16xf32>,
        %get3A_181 = arith.index_cast %scan3A_150 : i32 to index
        %get3A_182 = arith.constant 64 : index
        %get3A_183 = tpu.vector_load %arg13[%get3A_181, %get3A_182] {strides = array<i32>} : memref<128x128xf32, #tpu.memory_space<vmem>>, vector<16xf32>,
        %mul3A_184 = arith.mulf %get3A_183, %gather3A : vector<16xf32>
        %swap3A_185 = arith.index_cast %scan3A_150 : i32 to index
        %swap3A_186 = arith.constant 64 : index
        %swap3A_187 = tpu.vector_load %arg13[%swap3A_185, %swap3A_186] {strides = array<i32>} : memref<128x128xf32, #tpu.memory_space<vmem>>, vector<16xf32>,
        tpu.vector_store %arg13[%swap3A_185, %swap3A_186], %mul3A_184 {strides = array<i32>} : memref<128x128xf32, #tpu.memory_space<vmem>>, vector<16xf32>,
        %get3A_188 = arith.index_cast %scan3A_150 : i32 to index
        %get3A_189 = arith.constant 80 : index
        %get3A_190 = tpu.vector_load %arg13[%get3A_188, %get3A_189] {strides = array<i32>} : memref<128x128xf32, #tpu.memory_space<vmem>>, vector<16xf32>,
        %mul3A_191 = arith.mulf %get3A_190, %gather3A : vector<16xf32>
        %swap3A_192 = arith.index_cast %scan3A_150 : i32 to index
        %swap3A_193 = arith.constant 80 : index
        %swap3A_194 = tpu.vector_load %arg13[%swap3A_192, %swap3A_193] {strides = array<i32>} : memref<128x128xf32, #tpu.memory_space<vmem>>, vector<16xf32>,
        tpu.vector_store %arg13[%swap3A_192, %swap3A_193], %mul3A_191 {strides = array<i32>} : memref<128x128xf32, #tpu.memory_space<vmem>>, vector<16xf32>,
        %get3A_195 = arith.index_cast %scan3A_150 : i32 to index
        %get3A_196 = arith.constant 96 : index
        %get3A_197 = tpu.vector_load %arg13[%get3A_195, %get3A_196] {strides = array<i32>} : memref<128x128xf32, #tpu.memory_space<vmem>>, vector<16xf32>,
        %mul3A_198 = arith.mulf %get3A_197, %gather3A : vector<16xf32>
        %swap3A_199 = arith.index_cast %scan3A_150 : i32 to index
        %swap3A_200 = arith.constant 96 : index
        %swap3A_201 = tpu.vector_load %arg13[%swap3A_199, %swap3A_200] {strides = array<i32>} : memref<128x128xf32, #tpu.memory_space<vmem>>, vector<16xf32>,
        tpu.vector_store %arg13[%swap3A_199, %swap3A_200], %mul3A_198 {strides = array<i32>} : memref<128x128xf32, #tpu.memory_space<vmem>>, vector<16xf32>,
        %get3A_202 = arith.index_cast %scan3A_150 : i32 to index
        %get3A_203 = arith.constant 112 : index
        %get3A_204 = tpu.vector_load %arg13[%get3A_202, %get3A_203] {strides = array<i32>} : memref<128x128xf32, #tpu.memory_space<vmem>>, vector<16xf32>,
        %mul3A_205 = arith.mulf %get3A_204, %gather3A : vector<16xf32>
        %swap3A_206 = arith.index_cast %scan3A_150 : i32 to index
        %swap3A_207 = arith.constant 112 : index
        %swap3A_208 = tpu.vector_load %arg13[%swap3A_206, %swap3A_207] {strides = array<i32>} : memref<128x128xf32, #tpu.memory_space<vmem>>, vector<16xf32>,
        tpu.vector_store %arg13[%swap3A_206, %swap3A_207], %mul3A_205 {strides = array<i32>} : memref<128x128xf32, #tpu.memory_space<vmem>>, vector<16xf32>,
        %scan3A_209 = arith.constant 0 : i32
        scf.yield %scan3A_209 : i32
      }
      %scan3A_148 = arith.constant 128 : i32
      "tpu.region"() ({
        %run_scoped3A = tpu.sem_alloc : memref<!tpu.dma_semaphore, #tpu.memory_space<semaphore_mem>>
        %dma_start3A_150 = arith.constant 0 : i32
        %dma_start3A_151 = arith.constant 0 : i32
        %dma_start3A_152 = tpu.memref_slice %arg14[%dma_start3A_150, %dma_start3A_151] : memref<10240x128xf32, #tpu.memory_space<vmem_shared>> -> memref<10240x128xf32, #tpu.memory_space<vmem_shared>>
        tpu.enqueue_indirect_dma source(%arg13 : memref<128x128xf32, #tpu.memory_space<vmem>>) target(%dma_start3A_152 : memref<10240x128xf32, #tpu.memory_space<vmem_shared>>) offsets(%arg12 : memref<128xi32, #tpu.memory_space<vmem>>) semaphore(%run_scoped3A : memref<!tpu.dma_semaphore, #tpu.memory_space<semaphore_mem>>) {add = true}
        %dma_wait3A_153 = arith.constant 0 : i32
        %dma_wait3A_154 = arith.constant 0 : i32
        %dma_wait3A_155 = tpu.memref_slice %arg14[%dma_wait3A_153, %dma_wait3A_154] : memref<10240x128xf32, #tpu.memory_space<vmem_shared>> -> memref<10240x128xf32, #tpu.memory_space<vmem_shared>>
        tpu.wait_indirect_dma semaphore(%run_scoped3A : memref<!tpu.dma_semaphore, #tpu.memory_space<semaphore_mem>>) src(%arg13 : memref<128x128xf32, #tpu.memory_space<vmem>>) dst(%dma_wait3A_155 : memref<10240x128xf32, #tpu.memory_space<vmem_shared>>)
        tpu.yield
      }) : () -> ()
      %scan3A_149 = arith.constant 0 : i32
      scf.yield %scan3A_149 : i32
    }
    %scan3A_10 = arith.constant 81 : i32
    %barrier3A_11 = arith.constant 0 : index
    tpu.barrier barrier_id(%barrier3A_11)
    %mul3A_12 = arith.constant 640 : i32
    %mul3A_13 = arith.muli %arg1, %mul3A_12 : i32
    %mul3A_14 = arith.constant 640 : i32
    %mul3A_15 = arith.muli %arg1, %mul3A_14 : i32
    "tpu.region"() ({
      %run_scoped3A = tpu.sem_alloc : memref<!tpu.dma_semaphore, #tpu.memory_space<semaphore_mem>>
      %dma_start3A = arith.constant 0 : i32
      %dma_start3A_16 = tpu.memref_slice %arg7[%arg0, %mul3A_15, %dma_start3A] : memref<2x10240x128xf32, #tpu.memory_space<hbm>> -> memref<1x640x128xf32, #tpu.memory_space<hbm>>
      %dma_start3A_17 = tpu.memref_squeeze %dma_start3A_16 : memref<1x640x128xf32, #tpu.memory_space<hbm>> -> memref<640x128xf32, #tpu.memory_space<hbm>>
      %dma_start3A_18 = arith.constant 0 : i32
      %dma_start3A_19 = tpu.memref_slice %arg14[%mul3A_13, %dma_start3A_18] : memref<10240x128xf32, #tpu.memory_space<vmem_shared>> -> memref<640x128xf32, #tpu.memory_space<vmem_shared>>
      tpu.enqueue_dma source(%dma_start3A_19 : memref<640x128xf32, #tpu.memory_space<vmem_shared>>) target(%dma_start3A_17 : memref<640x128xf32, #tpu.memory_space<hbm>>) target_semaphore(%run_scoped3A : memref<!tpu.dma_semaphore, #tpu.memory_space<semaphore_mem>>)
      %dma_wait3A = arith.constant 0 : i32
      %dma_wait3A_20 = tpu.memref_slice %arg7[%arg0, %mul3A_15, %dma_wait3A] : memref<2x10240x128xf32, #tpu.memory_space<hbm>> -> memref<1x640x128xf32, #tpu.memory_space<hbm>>
      %dma_wait3A_21 = tpu.memref_squeeze %dma_wait3A_20 : memref<1x640x128xf32, #tpu.memory_space<hbm>> -> memref<640x128xf32, #tpu.memory_space<hbm>>
      %dma_wait3A_22 = arith.constant 0 : i32
      %dma_wait3A_23 = tpu.memref_slice %arg14[%mul3A_13, %dma_wait3A_22] : memref<10240x128xf32, #tpu.memory_space<vmem_shared>> -> memref<640x128xf32, #tpu.memory_space<vmem_shared>>
      tpu.wait_dma2 semaphore(%run_scoped3A : memref<!tpu.dma_semaphore, #tpu.memory_space<semaphore_mem>>) src(%dma_wait3A_23 : memref<640x128xf32, #tpu.memory_space<vmem_shared>>) dst(%dma_wait3A_21 : memref<640x128xf32, #tpu.memory_space<hbm>>)
      tpu.yield
    }) : () -> ()
    return
  }
}

#map = affine_map<(d0, d1) -> (0)>
#map1 = affine_map<(d0, d1) -> (0, 0)>
#map2 = affine_map<(d0, d1) -> (0, 0, 0)>
module attributes {stable_mosaic.version = 14 : i64} {
  func.func @_k4(%arg0: i32, %arg1: i32, %arg2: memref<331776xi32, #tpu.memory_space<hbm>>, %arg3: memref<331776xi32, #tpu.memory_space<hbm>>, %arg4: memref<331776xf32, #tpu.memory_space<hbm>>, %arg5: memref<40000x128xf32, #tpu.memory_space<hbm>>, %arg6: memref<640x128xf32, #tpu.memory_space<hbm>>, %arg7: memref<2x10240x128xf32, #tpu.memory_space<hbm>>, %arg8: memref<10368xi32, #tpu.memory_space<vmem>>, %arg9: memref<10368xi32, #tpu.memory_space<vmem>>, %arg10: memref<10368xf32, #tpu.memory_space<vmem>>, %arg11: memref<128xi32, #tpu.memory_space<vmem>>, %arg12: memref<128xi32, #tpu.memory_space<vmem>>, %arg13: memref<128x128xf32, #tpu.memory_space<vmem>>, %arg14: memref<10240x128xf32, #tpu.memory_space<vmem_shared>>, %arg15: memref<!tpu.dma_semaphore, #tpu.memory_space<semaphore_mem>>) attributes {dimension_semantics = [#tpu.dimension_semantics<core_parallel>, #tpu.dimension_semantics<subcore_parallel>], iteration_bounds = array<i64: 2, 16>, scalar_prefetch = 0 : i64, scratch_operands = 8 : i64, tpu.core_type = #tpu.core_type<sc_vector_subcore>, window_params = [{transform_indices = #map}, {transform_indices = #map}, {transform_indices = #map}, {transform_indices = #map1}, {transform_indices = #map1}, {transform_indices = #map2}]} {
    %mul3A = arith.constant 2 : i32
    %mul3A_0 = arith.muli %arg1, %mul3A : i32
    %add3A = arith.addi %mul3A_0, %arg0 : i32
    %mul3A_1 = arith.constant 10368 : i32
    %mul3A_2 = arith.muli %add3A, %mul3A_1 : i32
    "tpu.region"() ({
      %run_scoped3A = tpu.sem_alloc : memref<!tpu.dma_semaphore, #tpu.memory_space<semaphore_mem>>
      %dma_start3A = tpu.memref_slice %arg2[%mul3A_2] : memref<331776xi32, #tpu.memory_space<hbm>> -> memref<10368xi32, #tpu.memory_space<hbm>>
      %dma_start3A_16 = tpu.memref_slice %arg2[%mul3A_2] : memref<331776xi32, #tpu.memory_space<hbm>> -> memref<10368xi32, #tpu.memory_space<hbm>>
      tpu.enqueue_dma source(%dma_start3A_16 : memref<10368xi32, #tpu.memory_space<hbm>>) target(%arg8 : memref<10368xi32, #tpu.memory_space<vmem>>) target_semaphore(%run_scoped3A : memref<!tpu.dma_semaphore, #tpu.memory_space<semaphore_mem>>)
      %dma_wait3A = tpu.memref_slice %arg2[%mul3A_2] : memref<331776xi32, #tpu.memory_space<hbm>> -> memref<10368xi32, #tpu.memory_space<hbm>>
      %dma_wait3A_17 = tpu.memref_slice %arg2[%mul3A_2] : memref<331776xi32, #tpu.memory_space<hbm>> -> memref<10368xi32, #tpu.memory_space<hbm>>
      tpu.wait_dma2 semaphore(%run_scoped3A : memref<!tpu.dma_semaphore, #tpu.memory_space<semaphore_mem>>) src(%dma_wait3A_17 : memref<10368xi32, #tpu.memory_space<hbm>>) dst(%arg8 : memref<10368xi32, #tpu.memory_space<vmem>>)
      tpu.yield
    }) : () -> ()
    "tpu.region"() ({
      %run_scoped3A = tpu.sem_alloc : memref<!tpu.dma_semaphore, #tpu.memory_space<semaphore_mem>>
      %dma_start3A = tpu.memref_slice %arg3[%mul3A_2] : memref<331776xi32, #tpu.memory_space<hbm>> -> memref<10368xi32, #tpu.memory_space<hbm>>
      %dma_start3A_16 = tpu.memref_slice %arg3[%mul3A_2] : memref<331776xi32, #tpu.memory_space<hbm>> -> memref<10368xi32, #tpu.memory_space<hbm>>
      tpu.enqueue_dma source(%dma_start3A_16 : memref<10368xi32, #tpu.memory_space<hbm>>) target(%arg9 : memref<10368xi32, #tpu.memory_space<vmem>>) target_semaphore(%run_scoped3A : memref<!tpu.dma_semaphore, #tpu.memory_space<semaphore_mem>>)
      %dma_wait3A = tpu.memref_slice %arg3[%mul3A_2] : memref<331776xi32, #tpu.memory_space<hbm>> -> memref<10368xi32, #tpu.memory_space<hbm>>
      %dma_wait3A_17 = tpu.memref_slice %arg3[%mul3A_2] : memref<331776xi32, #tpu.memory_space<hbm>> -> memref<10368xi32, #tpu.memory_space<hbm>>
      tpu.wait_dma2 semaphore(%run_scoped3A : memref<!tpu.dma_semaphore, #tpu.memory_space<semaphore_mem>>) src(%dma_wait3A_17 : memref<10368xi32, #tpu.memory_space<hbm>>) dst(%arg9 : memref<10368xi32, #tpu.memory_space<vmem>>)
      tpu.yield
    }) : () -> ()
    "tpu.region"() ({
      %run_scoped3A = tpu.sem_alloc : memref<!tpu.dma_semaphore, #tpu.memory_space<semaphore_mem>>
      %dma_start3A = tpu.memref_slice %arg4[%mul3A_2] : memref<331776xf32, #tpu.memory_space<hbm>> -> memref<10368xf32, #tpu.memory_space<hbm>>
      %dma_start3A_16 = tpu.memref_slice %arg4[%mul3A_2] : memref<331776xf32, #tpu.memory_space<hbm>> -> memref<10368xf32, #tpu.memory_space<hbm>>
      tpu.enqueue_dma source(%dma_start3A_16 : memref<10368xf32, #tpu.memory_space<hbm>>) target(%arg10 : memref<10368xf32, #tpu.memory_space<vmem>>) target_semaphore(%run_scoped3A : memref<!tpu.dma_semaphore, #tpu.memory_space<semaphore_mem>>)
      %dma_wait3A = tpu.memref_slice %arg4[%mul3A_2] : memref<331776xf32, #tpu.memory_space<hbm>> -> memref<10368xf32, #tpu.memory_space<hbm>>
      %dma_wait3A_17 = tpu.memref_slice %arg4[%mul3A_2] : memref<331776xf32, #tpu.memory_space<hbm>> -> memref<10368xf32, #tpu.memory_space<hbm>>
      tpu.wait_dma2 semaphore(%run_scoped3A : memref<!tpu.dma_semaphore, #tpu.memory_space<semaphore_mem>>) src(%dma_wait3A_17 : memref<10368xf32, #tpu.memory_space<hbm>>) dst(%arg10 : memref<10368xf32, #tpu.memory_space<vmem>>)
      tpu.yield
    }) : () -> ()
    %mul3A_3 = arith.constant 640 : i32
    %mul3A_4 = arith.muli %arg1, %mul3A_3 : i32
    "tpu.region"() ({
      %run_scoped3A = tpu.sem_alloc : memref<!tpu.dma_semaphore, #tpu.memory_space<semaphore_mem>>
      %dma_start3A = arith.constant 0 : i32
      %dma_start3A_16 = tpu.memref_slice %arg14[%mul3A_4, %dma_start3A] : memref<10240x128xf32, #tpu.memory_space<vmem_shared>> -> memref<640x128xf32, #tpu.memory_space<vmem_shared>>
      tpu.enqueue_dma source(%arg6 : memref<640x128xf32, #tpu.memory_space<hbm>>) target(%dma_start3A_16 : memref<640x128xf32, #tpu.memory_space<vmem_shared>>) target_semaphore(%run_scoped3A : memref<!tpu.dma_semaphore, #tpu.memory_space<semaphore_mem>>)
      %dma_wait3A = arith.constant 0 : i32
      %dma_wait3A_17 = tpu.memref_slice %arg14[%mul3A_4, %dma_wait3A] : memref<10240x128xf32, #tpu.memory_space<vmem_shared>> -> memref<640x128xf32, #tpu.memory_space<vmem_shared>>
      tpu.wait_dma2 semaphore(%run_scoped3A : memref<!tpu.dma_semaphore, #tpu.memory_space<semaphore_mem>>) src(%arg6 : memref<640x128xf32, #tpu.memory_space<hbm>>) dst(%dma_wait3A_17 : memref<640x128xf32, #tpu.memory_space<vmem_shared>>)
      tpu.yield
    }) : () -> ()
    %barrier3A = arith.constant 0 : index
    tpu.barrier barrier_id(%barrier3A)
    %scan3A = arith.constant 0 : i32
    %scan3A_5 = arith.constant 0 : i32
    %scan3A_6 = arith.constant 81 : i32
    %scan3A_7 = arith.addi %scan3A_5, %scan3A_6 : i32
    %scan3A_8 = arith.constant 1 : i32
    %scan3A_9 = scf.for %scan3A_16 = %scan3A_5 to %scan3A_7 step %scan3A_8 iter_args(%scan3A_17 = %scan3A) -> (i32)  : i32 {
      %mul3A_18 = arith.constant 128 : i32
      %mul3A_19 = arith.muli %scan3A_16, %mul3A_18 : i32
      %add3A_20 = arith.constant 0 : i32
      %add3A_21 = arith.addi %mul3A_19, %add3A_20 : i32
      %get3A = arith.index_cast %add3A_21 : i32 to index
      %get3A_22 = tpu.vector_load %arg8[%get3A] {strides = array<i32>} : memref<10368xi32, #tpu.memory_space<vmem>>, vector<16xi32>,
      %add3A_23 = arith.constant 10000 : i32
      %add3A_24 = vector.broadcast %add3A_23 : i32 to vector<16xi32>
      %add3A_25 = arith.addi %get3A_22, %add3A_24 : vector<16xi32>
      %swap3A = arith.constant 0 : index
      %swap3A_26 = tpu.vector_load %arg11[%swap3A] {strides = array<i32>} : memref<128xi32, #tpu.memory_space<vmem>>, vector<16xi32>,
      tpu.vector_store %arg11[%swap3A], %add3A_25 {strides = array<i32>} : memref<128xi32, #tpu.memory_space<vmem>>, vector<16xi32>,
      %add3A_27 = arith.constant 0 : i32
      %add3A_28 = arith.addi %mul3A_19, %add3A_27 : i32
      %get3A_29 = arith.index_cast %add3A_28 : i32 to index
      %get3A_30 = tpu.vector_load %arg9[%get3A_29] {strides = array<i32>} : memref<10368xi32, #tpu.memory_space<vmem>>, vector<16xi32>,
      %swap3A_31 = arith.constant 0 : index
      %swap3A_32 = tpu.vector_load %arg12[%swap3A_31] {strides = array<i32>} : memref<128xi32, #tpu.memory_space<vmem>>, vector<16xi32>,
      tpu.vector_store %arg12[%swap3A_31], %get3A_30 {strides = array<i32>} : memref<128xi32, #tpu.memory_space<vmem>>, vector<16xi32>,
      %add3A_33 = arith.constant 16 : i32
      %add3A_34 = arith.addi %mul3A_19, %add3A_33 : i32
      %get3A_35 = arith.index_cast %add3A_34 : i32 to index
      %get3A_36 = tpu.vector_load %arg8[%get3A_35] {strides = array<i32>} : memref<10368xi32, #tpu.memory_space<vmem>>, vector<16xi32>,
      %add3A_37 = arith.constant 10000 : i32
      %add3A_38 = vector.broadcast %add3A_37 : i32 to vector<16xi32>
      %add3A_39 = arith.addi %get3A_36, %add3A_38 : vector<16xi32>
      %swap3A_40 = arith.constant 16 : index
      %swap3A_41 = tpu.vector_load %arg11[%swap3A_40] {strides = array<i32>} : memref<128xi32, #tpu.memory_space<vmem>>, vector<16xi32>,
      tpu.vector_store %arg11[%swap3A_40], %add3A_39 {strides = array<i32>} : memref<128xi32, #tpu.memory_space<vmem>>, vector<16xi32>,
      %add3A_42 = arith.constant 16 : i32
      %add3A_43 = arith.addi %mul3A_19, %add3A_42 : i32
      %get3A_44 = arith.index_cast %add3A_43 : i32 to index
      %get3A_45 = tpu.vector_load %arg9[%get3A_44] {strides = array<i32>} : memref<10368xi32, #tpu.memory_space<vmem>>, vector<16xi32>,
      %swap3A_46 = arith.constant 16 : index
      %swap3A_47 = tpu.vector_load %arg12[%swap3A_46] {strides = array<i32>} : memref<128xi32, #tpu.memory_space<vmem>>, vector<16xi32>,
      tpu.vector_store %arg12[%swap3A_46], %get3A_45 {strides = array<i32>} : memref<128xi32, #tpu.memory_space<vmem>>, vector<16xi32>,
      %add3A_48 = arith.constant 32 : i32
      %add3A_49 = arith.addi %mul3A_19, %add3A_48 : i32
      %get3A_50 = arith.index_cast %add3A_49 : i32 to index
      %get3A_51 = tpu.vector_load %arg8[%get3A_50] {strides = array<i32>} : memref<10368xi32, #tpu.memory_space<vmem>>, vector<16xi32>,
      %add3A_52 = arith.constant 10000 : i32
      %add3A_53 = vector.broadcast %add3A_52 : i32 to vector<16xi32>
      %add3A_54 = arith.addi %get3A_51, %add3A_53 : vector<16xi32>
      %swap3A_55 = arith.constant 32 : index
      %swap3A_56 = tpu.vector_load %arg11[%swap3A_55] {strides = array<i32>} : memref<128xi32, #tpu.memory_space<vmem>>, vector<16xi32>,
      tpu.vector_store %arg11[%swap3A_55], %add3A_54 {strides = array<i32>} : memref<128xi32, #tpu.memory_space<vmem>>, vector<16xi32>,
      %add3A_57 = arith.constant 32 : i32
      %add3A_58 = arith.addi %mul3A_19, %add3A_57 : i32
      %get3A_59 = arith.index_cast %add3A_58 : i32 to index
      %get3A_60 = tpu.vector_load %arg9[%get3A_59] {strides = array<i32>} : memref<10368xi32, #tpu.memory_space<vmem>>, vector<16xi32>,
      %swap3A_61 = arith.constant 32 : index
      %swap3A_62 = tpu.vector_load %arg12[%swap3A_61] {strides = array<i32>} : memref<128xi32, #tpu.memory_space<vmem>>, vector<16xi32>,
      tpu.vector_store %arg12[%swap3A_61], %get3A_60 {strides = array<i32>} : memref<128xi32, #tpu.memory_space<vmem>>, vector<16xi32>,
      %add3A_63 = arith.constant 48 : i32
      %add3A_64 = arith.addi %mul3A_19, %add3A_63 : i32
      %get3A_65 = arith.index_cast %add3A_64 : i32 to index
      %get3A_66 = tpu.vector_load %arg8[%get3A_65] {strides = array<i32>} : memref<10368xi32, #tpu.memory_space<vmem>>, vector<16xi32>,
      %add3A_67 = arith.constant 10000 : i32
      %add3A_68 = vector.broadcast %add3A_67 : i32 to vector<16xi32>
      %add3A_69 = arith.addi %get3A_66, %add3A_68 : vector<16xi32>
      %swap3A_70 = arith.constant 48 : index
      %swap3A_71 = tpu.vector_load %arg11[%swap3A_70] {strides = array<i32>} : memref<128xi32, #tpu.memory_space<vmem>>, vector<16xi32>,
      tpu.vector_store %arg11[%swap3A_70], %add3A_69 {strides = array<i32>} : memref<128xi32, #tpu.memory_space<vmem>>, vector<16xi32>,
      %add3A_72 = arith.constant 48 : i32
      %add3A_73 = arith.addi %mul3A_19, %add3A_72 : i32
      %get3A_74 = arith.index_cast %add3A_73 : i32 to index
      %get3A_75 = tpu.vector_load %arg9[%get3A_74] {strides = array<i32>} : memref<10368xi32, #tpu.memory_space<vmem>>, vector<16xi32>,
      %swap3A_76 = arith.constant 48 : index
      %swap3A_77 = tpu.vector_load %arg12[%swap3A_76] {strides = array<i32>} : memref<128xi32, #tpu.memory_space<vmem>>, vector<16xi32>,
      tpu.vector_store %arg12[%swap3A_76], %get3A_75 {strides = array<i32>} : memref<128xi32, #tpu.memory_space<vmem>>, vector<16xi32>,
      %add3A_78 = arith.constant 64 : i32
      %add3A_79 = arith.addi %mul3A_19, %add3A_78 : i32
      %get3A_80 = arith.index_cast %add3A_79 : i32 to index
      %get3A_81 = tpu.vector_load %arg8[%get3A_80] {strides = array<i32>} : memref<10368xi32, #tpu.memory_space<vmem>>, vector<16xi32>,
      %add3A_82 = arith.constant 10000 : i32
      %add3A_83 = vector.broadcast %add3A_82 : i32 to vector<16xi32>
      %add3A_84 = arith.addi %get3A_81, %add3A_83 : vector<16xi32>
      %swap3A_85 = arith.constant 64 : index
      %swap3A_86 = tpu.vector_load %arg11[%swap3A_85] {strides = array<i32>} : memref<128xi32, #tpu.memory_space<vmem>>, vector<16xi32>,
      tpu.vector_store %arg11[%swap3A_85], %add3A_84 {strides = array<i32>} : memref<128xi32, #tpu.memory_space<vmem>>, vector<16xi32>,
      %add3A_87 = arith.constant 64 : i32
      %add3A_88 = arith.addi %mul3A_19, %add3A_87 : i32
      %get3A_89 = arith.index_cast %add3A_88 : i32 to index
      %get3A_90 = tpu.vector_load %arg9[%get3A_89] {strides = array<i32>} : memref<10368xi32, #tpu.memory_space<vmem>>, vector<16xi32>,
      %swap3A_91 = arith.constant 64 : index
      %swap3A_92 = tpu.vector_load %arg12[%swap3A_91] {strides = array<i32>} : memref<128xi32, #tpu.memory_space<vmem>>, vector<16xi32>,
      tpu.vector_store %arg12[%swap3A_91], %get3A_90 {strides = array<i32>} : memref<128xi32, #tpu.memory_space<vmem>>, vector<16xi32>,
      %add3A_93 = arith.constant 80 : i32
      %add3A_94 = arith.addi %mul3A_19, %add3A_93 : i32
      %get3A_95 = arith.index_cast %add3A_94 : i32 to index
      %get3A_96 = tpu.vector_load %arg8[%get3A_95] {strides = array<i32>} : memref<10368xi32, #tpu.memory_space<vmem>>, vector<16xi32>,
      %add3A_97 = arith.constant 10000 : i32
      %add3A_98 = vector.broadcast %add3A_97 : i32 to vector<16xi32>
      %add3A_99 = arith.addi %get3A_96, %add3A_98 : vector<16xi32>
      %swap3A_100 = arith.constant 80 : index
      %swap3A_101 = tpu.vector_load %arg11[%swap3A_100] {strides = array<i32>} : memref<128xi32, #tpu.memory_space<vmem>>, vector<16xi32>,
      tpu.vector_store %arg11[%swap3A_100], %add3A_99 {strides = array<i32>} : memref<128xi32, #tpu.memory_space<vmem>>, vector<16xi32>,
      %add3A_102 = arith.constant 80 : i32
      %add3A_103 = arith.addi %mul3A_19, %add3A_102 : i32
      %get3A_104 = arith.index_cast %add3A_103 : i32 to index
      %get3A_105 = tpu.vector_load %arg9[%get3A_104] {strides = array<i32>} : memref<10368xi32, #tpu.memory_space<vmem>>, vector<16xi32>,
      %swap3A_106 = arith.constant 80 : index
      %swap3A_107 = tpu.vector_load %arg12[%swap3A_106] {strides = array<i32>} : memref<128xi32, #tpu.memory_space<vmem>>, vector<16xi32>,
      tpu.vector_store %arg12[%swap3A_106], %get3A_105 {strides = array<i32>} : memref<128xi32, #tpu.memory_space<vmem>>, vector<16xi32>,
      %add3A_108 = arith.constant 96 : i32
      %add3A_109 = arith.addi %mul3A_19, %add3A_108 : i32
      %get3A_110 = arith.index_cast %add3A_109 : i32 to index
      %get3A_111 = tpu.vector_load %arg8[%get3A_110] {strides = array<i32>} : memref<10368xi32, #tpu.memory_space<vmem>>, vector<16xi32>,
      %add3A_112 = arith.constant 10000 : i32
      %add3A_113 = vector.broadcast %add3A_112 : i32 to vector<16xi32>
      %add3A_114 = arith.addi %get3A_111, %add3A_113 : vector<16xi32>
      %swap3A_115 = arith.constant 96 : index
      %swap3A_116 = tpu.vector_load %arg11[%swap3A_115] {strides = array<i32>} : memref<128xi32, #tpu.memory_space<vmem>>, vector<16xi32>,
      tpu.vector_store %arg11[%swap3A_115], %add3A_114 {strides = array<i32>} : memref<128xi32, #tpu.memory_space<vmem>>, vector<16xi32>,
      %add3A_117 = arith.constant 96 : i32
      %add3A_118 = arith.addi %mul3A_19, %add3A_117 : i32
      %get3A_119 = arith.index_cast %add3A_118 : i32 to index
      %get3A_120 = tpu.vector_load %arg9[%get3A_119] {strides = array<i32>} : memref<10368xi32, #tpu.memory_space<vmem>>, vector<16xi32>,
      %swap3A_121 = arith.constant 96 : index
      %swap3A_122 = tpu.vector_load %arg12[%swap3A_121] {strides = array<i32>} : memref<128xi32, #tpu.memory_space<vmem>>, vector<16xi32>,
      tpu.vector_store %arg12[%swap3A_121], %get3A_120 {strides = array<i32>} : memref<128xi32, #tpu.memory_space<vmem>>, vector<16xi32>,
      %add3A_123 = arith.constant 112 : i32
      %add3A_124 = arith.addi %mul3A_19, %add3A_123 : i32
      %get3A_125 = arith.index_cast %add3A_124 : i32 to index
      %get3A_126 = tpu.vector_load %arg8[%get3A_125] {strides = array<i32>} : memref<10368xi32, #tpu.memory_space<vmem>>, vector<16xi32>,
      %add3A_127 = arith.constant 10000 : i32
      %add3A_128 = vector.broadcast %add3A_127 : i32 to vector<16xi32>
      %add3A_129 = arith.addi %get3A_126, %add3A_128 : vector<16xi32>
      %swap3A_130 = arith.constant 112 : index
      %swap3A_131 = tpu.vector_load %arg11[%swap3A_130] {strides = array<i32>} : memref<128xi32, #tpu.memory_space<vmem>>, vector<16xi32>,
      tpu.vector_store %arg11[%swap3A_130], %add3A_129 {strides = array<i32>} : memref<128xi32, #tpu.memory_space<vmem>>, vector<16xi32>,
      %add3A_132 = arith.constant 112 : i32
      %add3A_133 = arith.addi %mul3A_19, %add3A_132 : i32
      %get3A_134 = arith.index_cast %add3A_133 : i32 to index
      %get3A_135 = tpu.vector_load %arg9[%get3A_134] {strides = array<i32>} : memref<10368xi32, #tpu.memory_space<vmem>>, vector<16xi32>,
      %swap3A_136 = arith.constant 112 : index
      %swap3A_137 = tpu.vector_load %arg12[%swap3A_136] {strides = array<i32>} : memref<128xi32, #tpu.memory_space<vmem>>, vector<16xi32>,
      tpu.vector_store %arg12[%swap3A_136], %get3A_135 {strides = array<i32>} : memref<128xi32, #tpu.memory_space<vmem>>, vector<16xi32>,
      %dma_start3A = arith.constant 0 : i32
      %dma_start3A_138 = arith.constant 0 : i32
      %dma_start3A_139 = tpu.memref_slice %arg5[%dma_start3A, %dma_start3A_138] : memref<40000x128xf32, #tpu.memory_space<hbm>> -> memref<40000x128xf32, #tpu.memory_space<hbm>>
      tpu.enqueue_indirect_dma source(%dma_start3A_139 : memref<40000x128xf32, #tpu.memory_space<hbm>>) target(%arg13 : memref<128x128xf32, #tpu.memory_space<vmem>>) offsets(%arg11 : memref<128xi32, #tpu.memory_space<vmem>>) semaphore(%arg15 : memref<!tpu.dma_semaphore, #tpu.memory_space<semaphore_mem>>)
      %dma_wait3A = arith.constant 0 : i32
      %dma_wait3A_140 = arith.constant 0 : i32
      %dma_wait3A_141 = tpu.memref_slice %arg5[%dma_wait3A, %dma_wait3A_140] : memref<40000x128xf32, #tpu.memory_space<hbm>> -> memref<40000x128xf32, #tpu.memory_space<hbm>>
      tpu.wait_indirect_dma semaphore(%arg15 : memref<!tpu.dma_semaphore, #tpu.memory_space<semaphore_mem>>) src(%dma_wait3A_141 : memref<40000x128xf32, #tpu.memory_space<hbm>>) dst(%arg13 : memref<128x128xf32, #tpu.memory_space<vmem>>)
      %scan3A_142 = arith.constant 0 : i32
      %scan3A_143 = arith.constant 0 : i32
      %scan3A_144 = arith.constant 128 : i32
      %scan3A_145 = arith.addi %scan3A_143, %scan3A_144 : i32
      %scan3A_146 = arith.constant 1 : i32
      %scan3A_147 = scf.for %scan3A_150 = %scan3A_143 to %scan3A_145 step %scan3A_146 iter_args(%scan3A_151 = %scan3A_142) -> (i32)  : i32 {
        %add3A_152 = arith.addi %mul3A_19, %scan3A_150 : i32
        %broadcast_in_dim3A = vector.broadcast %add3A_152 : i32 to vector<16xi32>
        %gather3A = tpu.vector_load_idx %arg10[%broadcast_in_dim3A] : memref<10368xf32, #tpu.memory_space<vmem>>[vector<16xi32>], vector<16xf32>,
        %get3A_153 = arith.index_cast %scan3A_150 : i32 to index
        %get3A_154 = arith.constant 0 : index
        %get3A_155 = tpu.vector_load %arg13[%get3A_153, %get3A_154] {strides = array<i32>} : memref<128x128xf32, #tpu.memory_space<vmem>>, vector<16xf32>,
        %mul3A_156 = arith.mulf %get3A_155, %gather3A : vector<16xf32>
        %swap3A_157 = arith.index_cast %scan3A_150 : i32 to index
        %swap3A_158 = arith.constant 0 : index
        %swap3A_159 = tpu.vector_load %arg13[%swap3A_157, %swap3A_158] {strides = array<i32>} : memref<128x128xf32, #tpu.memory_space<vmem>>, vector<16xf32>,
        tpu.vector_store %arg13[%swap3A_157, %swap3A_158], %mul3A_156 {strides = array<i32>} : memref<128x128xf32, #tpu.memory_space<vmem>>, vector<16xf32>,
        %get3A_160 = arith.index_cast %scan3A_150 : i32 to index
        %get3A_161 = arith.constant 16 : index
        %get3A_162 = tpu.vector_load %arg13[%get3A_160, %get3A_161] {strides = array<i32>} : memref<128x128xf32, #tpu.memory_space<vmem>>, vector<16xf32>,
        %mul3A_163 = arith.mulf %get3A_162, %gather3A : vector<16xf32>
        %swap3A_164 = arith.index_cast %scan3A_150 : i32 to index
        %swap3A_165 = arith.constant 16 : index
        %swap3A_166 = tpu.vector_load %arg13[%swap3A_164, %swap3A_165] {strides = array<i32>} : memref<128x128xf32, #tpu.memory_space<vmem>>, vector<16xf32>,
        tpu.vector_store %arg13[%swap3A_164, %swap3A_165], %mul3A_163 {strides = array<i32>} : memref<128x128xf32, #tpu.memory_space<vmem>>, vector<16xf32>,
        %get3A_167 = arith.index_cast %scan3A_150 : i32 to index
        %get3A_168 = arith.constant 32 : index
        %get3A_169 = tpu.vector_load %arg13[%get3A_167, %get3A_168] {strides = array<i32>} : memref<128x128xf32, #tpu.memory_space<vmem>>, vector<16xf32>,
        %mul3A_170 = arith.mulf %get3A_169, %gather3A : vector<16xf32>
        %swap3A_171 = arith.index_cast %scan3A_150 : i32 to index
        %swap3A_172 = arith.constant 32 : index
        %swap3A_173 = tpu.vector_load %arg13[%swap3A_171, %swap3A_172] {strides = array<i32>} : memref<128x128xf32, #tpu.memory_space<vmem>>, vector<16xf32>,
        tpu.vector_store %arg13[%swap3A_171, %swap3A_172], %mul3A_170 {strides = array<i32>} : memref<128x128xf32, #tpu.memory_space<vmem>>, vector<16xf32>,
        %get3A_174 = arith.index_cast %scan3A_150 : i32 to index
        %get3A_175 = arith.constant 48 : index
        %get3A_176 = tpu.vector_load %arg13[%get3A_174, %get3A_175] {strides = array<i32>} : memref<128x128xf32, #tpu.memory_space<vmem>>, vector<16xf32>,
        %mul3A_177 = arith.mulf %get3A_176, %gather3A : vector<16xf32>
        %swap3A_178 = arith.index_cast %scan3A_150 : i32 to index
        %swap3A_179 = arith.constant 48 : index
        %swap3A_180 = tpu.vector_load %arg13[%swap3A_178, %swap3A_179] {strides = array<i32>} : memref<128x128xf32, #tpu.memory_space<vmem>>, vector<16xf32>,
        tpu.vector_store %arg13[%swap3A_178, %swap3A_179], %mul3A_177 {strides = array<i32>} : memref<128x128xf32, #tpu.memory_space<vmem>>, vector<16xf32>,
        %get3A_181 = arith.index_cast %scan3A_150 : i32 to index
        %get3A_182 = arith.constant 64 : index
        %get3A_183 = tpu.vector_load %arg13[%get3A_181, %get3A_182] {strides = array<i32>} : memref<128x128xf32, #tpu.memory_space<vmem>>, vector<16xf32>,
        %mul3A_184 = arith.mulf %get3A_183, %gather3A : vector<16xf32>
        %swap3A_185 = arith.index_cast %scan3A_150 : i32 to index
        %swap3A_186 = arith.constant 64 : index
        %swap3A_187 = tpu.vector_load %arg13[%swap3A_185, %swap3A_186] {strides = array<i32>} : memref<128x128xf32, #tpu.memory_space<vmem>>, vector<16xf32>,
        tpu.vector_store %arg13[%swap3A_185, %swap3A_186], %mul3A_184 {strides = array<i32>} : memref<128x128xf32, #tpu.memory_space<vmem>>, vector<16xf32>,
        %get3A_188 = arith.index_cast %scan3A_150 : i32 to index
        %get3A_189 = arith.constant 80 : index
        %get3A_190 = tpu.vector_load %arg13[%get3A_188, %get3A_189] {strides = array<i32>} : memref<128x128xf32, #tpu.memory_space<vmem>>, vector<16xf32>,
        %mul3A_191 = arith.mulf %get3A_190, %gather3A : vector<16xf32>
        %swap3A_192 = arith.index_cast %scan3A_150 : i32 to index
        %swap3A_193 = arith.constant 80 : index
        %swap3A_194 = tpu.vector_load %arg13[%swap3A_192, %swap3A_193] {strides = array<i32>} : memref<128x128xf32, #tpu.memory_space<vmem>>, vector<16xf32>,
        tpu.vector_store %arg13[%swap3A_192, %swap3A_193], %mul3A_191 {strides = array<i32>} : memref<128x128xf32, #tpu.memory_space<vmem>>, vector<16xf32>,
        %get3A_195 = arith.index_cast %scan3A_150 : i32 to index
        %get3A_196 = arith.constant 96 : index
        %get3A_197 = tpu.vector_load %arg13[%get3A_195, %get3A_196] {strides = array<i32>} : memref<128x128xf32, #tpu.memory_space<vmem>>, vector<16xf32>,
        %mul3A_198 = arith.mulf %get3A_197, %gather3A : vector<16xf32>
        %swap3A_199 = arith.index_cast %scan3A_150 : i32 to index
        %swap3A_200 = arith.constant 96 : index
        %swap3A_201 = tpu.vector_load %arg13[%swap3A_199, %swap3A_200] {strides = array<i32>} : memref<128x128xf32, #tpu.memory_space<vmem>>, vector<16xf32>,
        tpu.vector_store %arg13[%swap3A_199, %swap3A_200], %mul3A_198 {strides = array<i32>} : memref<128x128xf32, #tpu.memory_space<vmem>>, vector<16xf32>,
        %get3A_202 = arith.index_cast %scan3A_150 : i32 to index
        %get3A_203 = arith.constant 112 : index
        %get3A_204 = tpu.vector_load %arg13[%get3A_202, %get3A_203] {strides = array<i32>} : memref<128x128xf32, #tpu.memory_space<vmem>>, vector<16xf32>,
        %mul3A_205 = arith.mulf %get3A_204, %gather3A : vector<16xf32>
        %swap3A_206 = arith.index_cast %scan3A_150 : i32 to index
        %swap3A_207 = arith.constant 112 : index
        %swap3A_208 = tpu.vector_load %arg13[%swap3A_206, %swap3A_207] {strides = array<i32>} : memref<128x128xf32, #tpu.memory_space<vmem>>, vector<16xf32>,
        tpu.vector_store %arg13[%swap3A_206, %swap3A_207], %mul3A_205 {strides = array<i32>} : memref<128x128xf32, #tpu.memory_space<vmem>>, vector<16xf32>,
        %scan3A_209 = arith.constant 0 : i32
        scf.yield %scan3A_209 : i32
      }
      %scan3A_148 = arith.constant 128 : i32
      "tpu.region"() ({
        %run_scoped3A = tpu.sem_alloc : memref<!tpu.dma_semaphore, #tpu.memory_space<semaphore_mem>>
        %dma_start3A_150 = arith.constant 0 : i32
        %dma_start3A_151 = arith.constant 0 : i32
        %dma_start3A_152 = tpu.memref_slice %arg14[%dma_start3A_150, %dma_start3A_151] : memref<10240x128xf32, #tpu.memory_space<vmem_shared>> -> memref<10240x128xf32, #tpu.memory_space<vmem_shared>>
        tpu.enqueue_indirect_dma source(%arg13 : memref<128x128xf32, #tpu.memory_space<vmem>>) target(%dma_start3A_152 : memref<10240x128xf32, #tpu.memory_space<vmem_shared>>) offsets(%arg12 : memref<128xi32, #tpu.memory_space<vmem>>) semaphore(%run_scoped3A : memref<!tpu.dma_semaphore, #tpu.memory_space<semaphore_mem>>) {add = true}
        %dma_wait3A_153 = arith.constant 0 : i32
        %dma_wait3A_154 = arith.constant 0 : i32
        %dma_wait3A_155 = tpu.memref_slice %arg14[%dma_wait3A_153, %dma_wait3A_154] : memref<10240x128xf32, #tpu.memory_space<vmem_shared>> -> memref<10240x128xf32, #tpu.memory_space<vmem_shared>>
        tpu.wait_indirect_dma semaphore(%run_scoped3A : memref<!tpu.dma_semaphore, #tpu.memory_space<semaphore_mem>>) src(%arg13 : memref<128x128xf32, #tpu.memory_space<vmem>>) dst(%dma_wait3A_155 : memref<10240x128xf32, #tpu.memory_space<vmem_shared>>)
        tpu.yield
      }) : () -> ()
      %scan3A_149 = arith.constant 0 : i32
      scf.yield %scan3A_149 : i32
    }
    %scan3A_10 = arith.constant 81 : i32
    %barrier3A_11 = arith.constant 0 : index
    tpu.barrier barrier_id(%barrier3A_11)
    %mul3A_12 = arith.constant 640 : i32
    %mul3A_13 = arith.muli %arg1, %mul3A_12 : i32
    %mul3A_14 = arith.constant 640 : i32
    %mul3A_15 = arith.muli %arg1, %mul3A_14 : i32
    "tpu.region"() ({
      %run_scoped3A = tpu.sem_alloc : memref<!tpu.dma_semaphore, #tpu.memory_space<semaphore_mem>>
      %dma_start3A = arith.constant 0 : i32
      %dma_start3A_16 = tpu.memref_slice %arg7[%arg0, %mul3A_15, %dma_start3A] : memref<2x10240x128xf32, #tpu.memory_space<hbm>> -> memref<1x640x128xf32, #tpu.memory_space<hbm>>
      %dma_start3A_17 = tpu.memref_squeeze %dma_start3A_16 : memref<1x640x128xf32, #tpu.memory_space<hbm>> -> memref<640x128xf32, #tpu.memory_space<hbm>>
      %dma_start3A_18 = arith.constant 0 : i32
      %dma_start3A_19 = tpu.memref_slice %arg14[%mul3A_13, %dma_start3A_18] : memref<10240x128xf32, #tpu.memory_space<vmem_shared>> -> memref<640x128xf32, #tpu.memory_space<vmem_shared>>
      tpu.enqueue_dma source(%dma_start3A_19 : memref<640x128xf32, #tpu.memory_space<vmem_shared>>) target(%dma_start3A_17 : memref<640x128xf32, #tpu.memory_space<hbm>>) target_semaphore(%run_scoped3A : memref<!tpu.dma_semaphore, #tpu.memory_space<semaphore_mem>>)
      %dma_wait3A = arith.constant 0 : i32
      %dma_wait3A_20 = tpu.memref_slice %arg7[%arg0, %mul3A_15, %dma_wait3A] : memref<2x10240x128xf32, #tpu.memory_space<hbm>> -> memref<1x640x128xf32, #tpu.memory_space<hbm>>
      %dma_wait3A_21 = tpu.memref_squeeze %dma_wait3A_20 : memref<1x640x128xf32, #tpu.memory_space<hbm>> -> memref<640x128xf32, #tpu.memory_space<hbm>>
      %dma_wait3A_22 = arith.constant 0 : i32
      %dma_wait3A_23 = tpu.memref_slice %arg14[%mul3A_13, %dma_wait3A_22] : memref<10240x128xf32, #tpu.memory_space<vmem_shared>> -> memref<640x128xf32, #tpu.memory_space<vmem_shared>>
      tpu.wait_dma2 semaphore(%run_scoped3A : memref<!tpu.dma_semaphore, #tpu.memory_space<semaphore_mem>>) src(%dma_wait3A_23 : memref<640x128xf32, #tpu.memory_space<vmem_shared>>) dst(%dma_wait3A_21 : memref<640x128xf32, #tpu.memory_space<hbm>>)
      tpu.yield
    }) : () -> ()
    return
  }
}

#map = affine_map<(d0, d1) -> (0)>
#map1 = affine_map<(d0, d1) -> (0, 0)>
#map2 = affine_map<(d0, d1) -> (0, 0, 0)>
module attributes {stable_mosaic.version = 14 : i64} {
  func.func @_k4(%arg0: i32, %arg1: i32, %arg2: memref<331776xi32, #tpu.memory_space<hbm>>, %arg3: memref<331776xi32, #tpu.memory_space<hbm>>, %arg4: memref<331776xf32, #tpu.memory_space<hbm>>, %arg5: memref<40000x128xf32, #tpu.memory_space<hbm>>, %arg6: memref<640x128xf32, #tpu.memory_space<hbm>>, %arg7: memref<2x10240x128xf32, #tpu.memory_space<hbm>>, %arg8: memref<10368xi32, #tpu.memory_space<vmem>>, %arg9: memref<10368xi32, #tpu.memory_space<vmem>>, %arg10: memref<10368xf32, #tpu.memory_space<vmem>>, %arg11: memref<128xi32, #tpu.memory_space<vmem>>, %arg12: memref<128xi32, #tpu.memory_space<vmem>>, %arg13: memref<128x128xf32, #tpu.memory_space<vmem>>, %arg14: memref<10240x128xf32, #tpu.memory_space<vmem_shared>>, %arg15: memref<!tpu.dma_semaphore, #tpu.memory_space<semaphore_mem>>) attributes {dimension_semantics = [#tpu.dimension_semantics<core_parallel>, #tpu.dimension_semantics<subcore_parallel>], iteration_bounds = array<i64: 2, 16>, scalar_prefetch = 0 : i64, scratch_operands = 8 : i64, tpu.core_type = #tpu.core_type<sc_vector_subcore>, window_params = [{transform_indices = #map}, {transform_indices = #map}, {transform_indices = #map}, {transform_indices = #map1}, {transform_indices = #map1}, {transform_indices = #map2}]} {
    %mul3A = arith.constant 2 : i32
    %mul3A_0 = arith.muli %arg1, %mul3A : i32
    %add3A = arith.addi %mul3A_0, %arg0 : i32
    %mul3A_1 = arith.constant 10368 : i32
    %mul3A_2 = arith.muli %add3A, %mul3A_1 : i32
    "tpu.region"() ({
      %run_scoped3A = tpu.sem_alloc : memref<!tpu.dma_semaphore, #tpu.memory_space<semaphore_mem>>
      %dma_start3A = tpu.memref_slice %arg2[%mul3A_2] : memref<331776xi32, #tpu.memory_space<hbm>> -> memref<10368xi32, #tpu.memory_space<hbm>>
      %dma_start3A_16 = tpu.memref_slice %arg2[%mul3A_2] : memref<331776xi32, #tpu.memory_space<hbm>> -> memref<10368xi32, #tpu.memory_space<hbm>>
      tpu.enqueue_dma source(%dma_start3A_16 : memref<10368xi32, #tpu.memory_space<hbm>>) target(%arg8 : memref<10368xi32, #tpu.memory_space<vmem>>) target_semaphore(%run_scoped3A : memref<!tpu.dma_semaphore, #tpu.memory_space<semaphore_mem>>)
      %dma_wait3A = tpu.memref_slice %arg2[%mul3A_2] : memref<331776xi32, #tpu.memory_space<hbm>> -> memref<10368xi32, #tpu.memory_space<hbm>>
      %dma_wait3A_17 = tpu.memref_slice %arg2[%mul3A_2] : memref<331776xi32, #tpu.memory_space<hbm>> -> memref<10368xi32, #tpu.memory_space<hbm>>
      tpu.wait_dma2 semaphore(%run_scoped3A : memref<!tpu.dma_semaphore, #tpu.memory_space<semaphore_mem>>) src(%dma_wait3A_17 : memref<10368xi32, #tpu.memory_space<hbm>>) dst(%arg8 : memref<10368xi32, #tpu.memory_space<vmem>>)
      tpu.yield
    }) : () -> ()
    "tpu.region"() ({
      %run_scoped3A = tpu.sem_alloc : memref<!tpu.dma_semaphore, #tpu.memory_space<semaphore_mem>>
      %dma_start3A = tpu.memref_slice %arg3[%mul3A_2] : memref<331776xi32, #tpu.memory_space<hbm>> -> memref<10368xi32, #tpu.memory_space<hbm>>
      %dma_start3A_16 = tpu.memref_slice %arg3[%mul3A_2] : memref<331776xi32, #tpu.memory_space<hbm>> -> memref<10368xi32, #tpu.memory_space<hbm>>
      tpu.enqueue_dma source(%dma_start3A_16 : memref<10368xi32, #tpu.memory_space<hbm>>) target(%arg9 : memref<10368xi32, #tpu.memory_space<vmem>>) target_semaphore(%run_scoped3A : memref<!tpu.dma_semaphore, #tpu.memory_space<semaphore_mem>>)
      %dma_wait3A = tpu.memref_slice %arg3[%mul3A_2] : memref<331776xi32, #tpu.memory_space<hbm>> -> memref<10368xi32, #tpu.memory_space<hbm>>
      %dma_wait3A_17 = tpu.memref_slice %arg3[%mul3A_2] : memref<331776xi32, #tpu.memory_space<hbm>> -> memref<10368xi32, #tpu.memory_space<hbm>>
      tpu.wait_dma2 semaphore(%run_scoped3A : memref<!tpu.dma_semaphore, #tpu.memory_space<semaphore_mem>>) src(%dma_wait3A_17 : memref<10368xi32, #tpu.memory_space<hbm>>) dst(%arg9 : memref<10368xi32, #tpu.memory_space<vmem>>)
      tpu.yield
    }) : () -> ()
    "tpu.region"() ({
      %run_scoped3A = tpu.sem_alloc : memref<!tpu.dma_semaphore, #tpu.memory_space<semaphore_mem>>
      %dma_start3A = tpu.memref_slice %arg4[%mul3A_2] : memref<331776xf32, #tpu.memory_space<hbm>> -> memref<10368xf32, #tpu.memory_space<hbm>>
      %dma_start3A_16 = tpu.memref_slice %arg4[%mul3A_2] : memref<331776xf32, #tpu.memory_space<hbm>> -> memref<10368xf32, #tpu.memory_space<hbm>>
      tpu.enqueue_dma source(%dma_start3A_16 : memref<10368xf32, #tpu.memory_space<hbm>>) target(%arg10 : memref<10368xf32, #tpu.memory_space<vmem>>) target_semaphore(%run_scoped3A : memref<!tpu.dma_semaphore, #tpu.memory_space<semaphore_mem>>)
      %dma_wait3A = tpu.memref_slice %arg4[%mul3A_2] : memref<331776xf32, #tpu.memory_space<hbm>> -> memref<10368xf32, #tpu.memory_space<hbm>>
      %dma_wait3A_17 = tpu.memref_slice %arg4[%mul3A_2] : memref<331776xf32, #tpu.memory_space<hbm>> -> memref<10368xf32, #tpu.memory_space<hbm>>
      tpu.wait_dma2 semaphore(%run_scoped3A : memref<!tpu.dma_semaphore, #tpu.memory_space<semaphore_mem>>) src(%dma_wait3A_17 : memref<10368xf32, #tpu.memory_space<hbm>>) dst(%arg10 : memref<10368xf32, #tpu.memory_space<vmem>>)
      tpu.yield
    }) : () -> ()
    %mul3A_3 = arith.constant 640 : i32
    %mul3A_4 = arith.muli %arg1, %mul3A_3 : i32
    "tpu.region"() ({
      %run_scoped3A = tpu.sem_alloc : memref<!tpu.dma_semaphore, #tpu.memory_space<semaphore_mem>>
      %dma_start3A = arith.constant 0 : i32
      %dma_start3A_16 = tpu.memref_slice %arg14[%mul3A_4, %dma_start3A] : memref<10240x128xf32, #tpu.memory_space<vmem_shared>> -> memref<640x128xf32, #tpu.memory_space<vmem_shared>>
      tpu.enqueue_dma source(%arg6 : memref<640x128xf32, #tpu.memory_space<hbm>>) target(%dma_start3A_16 : memref<640x128xf32, #tpu.memory_space<vmem_shared>>) target_semaphore(%run_scoped3A : memref<!tpu.dma_semaphore, #tpu.memory_space<semaphore_mem>>)
      %dma_wait3A = arith.constant 0 : i32
      %dma_wait3A_17 = tpu.memref_slice %arg14[%mul3A_4, %dma_wait3A] : memref<10240x128xf32, #tpu.memory_space<vmem_shared>> -> memref<640x128xf32, #tpu.memory_space<vmem_shared>>
      tpu.wait_dma2 semaphore(%run_scoped3A : memref<!tpu.dma_semaphore, #tpu.memory_space<semaphore_mem>>) src(%arg6 : memref<640x128xf32, #tpu.memory_space<hbm>>) dst(%dma_wait3A_17 : memref<640x128xf32, #tpu.memory_space<vmem_shared>>)
      tpu.yield
    }) : () -> ()
    %barrier3A = arith.constant 0 : index
    tpu.barrier barrier_id(%barrier3A)
    %scan3A = arith.constant 0 : i32
    %scan3A_5 = arith.constant 0 : i32
    %scan3A_6 = arith.constant 81 : i32
    %scan3A_7 = arith.addi %scan3A_5, %scan3A_6 : i32
    %scan3A_8 = arith.constant 1 : i32
    %scan3A_9 = scf.for %scan3A_16 = %scan3A_5 to %scan3A_7 step %scan3A_8 iter_args(%scan3A_17 = %scan3A) -> (i32)  : i32 {
      %mul3A_18 = arith.constant 128 : i32
      %mul3A_19 = arith.muli %scan3A_16, %mul3A_18 : i32
      %add3A_20 = arith.constant 0 : i32
      %add3A_21 = arith.addi %mul3A_19, %add3A_20 : i32
      %get3A = arith.index_cast %add3A_21 : i32 to index
      %get3A_22 = tpu.vector_load %arg8[%get3A] {strides = array<i32>} : memref<10368xi32, #tpu.memory_space<vmem>>, vector<16xi32>,
      %add3A_23 = arith.constant 30000 : i32
      %add3A_24 = vector.broadcast %add3A_23 : i32 to vector<16xi32>
      %add3A_25 = arith.addi %get3A_22, %add3A_24 : vector<16xi32>
      %swap3A = arith.constant 0 : index
      %swap3A_26 = tpu.vector_load %arg11[%swap3A] {strides = array<i32>} : memref<128xi32, #tpu.memory_space<vmem>>, vector<16xi32>,
      tpu.vector_store %arg11[%swap3A], %add3A_25 {strides = array<i32>} : memref<128xi32, #tpu.memory_space<vmem>>, vector<16xi32>,
      %add3A_27 = arith.constant 0 : i32
      %add3A_28 = arith.addi %mul3A_19, %add3A_27 : i32
      %get3A_29 = arith.index_cast %add3A_28 : i32 to index
      %get3A_30 = tpu.vector_load %arg9[%get3A_29] {strides = array<i32>} : memref<10368xi32, #tpu.memory_space<vmem>>, vector<16xi32>,
      %swap3A_31 = arith.constant 0 : index
      %swap3A_32 = tpu.vector_load %arg12[%swap3A_31] {strides = array<i32>} : memref<128xi32, #tpu.memory_space<vmem>>, vector<16xi32>,
      tpu.vector_store %arg12[%swap3A_31], %get3A_30 {strides = array<i32>} : memref<128xi32, #tpu.memory_space<vmem>>, vector<16xi32>,
      %add3A_33 = arith.constant 16 : i32
      %add3A_34 = arith.addi %mul3A_19, %add3A_33 : i32
      %get3A_35 = arith.index_cast %add3A_34 : i32 to index
      %get3A_36 = tpu.vector_load %arg8[%get3A_35] {strides = array<i32>} : memref<10368xi32, #tpu.memory_space<vmem>>, vector<16xi32>,
      %add3A_37 = arith.constant 30000 : i32
      %add3A_38 = vector.broadcast %add3A_37 : i32 to vector<16xi32>
      %add3A_39 = arith.addi %get3A_36, %add3A_38 : vector<16xi32>
      %swap3A_40 = arith.constant 16 : index
      %swap3A_41 = tpu.vector_load %arg11[%swap3A_40] {strides = array<i32>} : memref<128xi32, #tpu.memory_space<vmem>>, vector<16xi32>,
      tpu.vector_store %arg11[%swap3A_40], %add3A_39 {strides = array<i32>} : memref<128xi32, #tpu.memory_space<vmem>>, vector<16xi32>,
      %add3A_42 = arith.constant 16 : i32
      %add3A_43 = arith.addi %mul3A_19, %add3A_42 : i32
      %get3A_44 = arith.index_cast %add3A_43 : i32 to index
      %get3A_45 = tpu.vector_load %arg9[%get3A_44] {strides = array<i32>} : memref<10368xi32, #tpu.memory_space<vmem>>, vector<16xi32>,
      %swap3A_46 = arith.constant 16 : index
      %swap3A_47 = tpu.vector_load %arg12[%swap3A_46] {strides = array<i32>} : memref<128xi32, #tpu.memory_space<vmem>>, vector<16xi32>,
      tpu.vector_store %arg12[%swap3A_46], %get3A_45 {strides = array<i32>} : memref<128xi32, #tpu.memory_space<vmem>>, vector<16xi32>,
      %add3A_48 = arith.constant 32 : i32
      %add3A_49 = arith.addi %mul3A_19, %add3A_48 : i32
      %get3A_50 = arith.index_cast %add3A_49 : i32 to index
      %get3A_51 = tpu.vector_load %arg8[%get3A_50] {strides = array<i32>} : memref<10368xi32, #tpu.memory_space<vmem>>, vector<16xi32>,
      %add3A_52 = arith.constant 30000 : i32
      %add3A_53 = vector.broadcast %add3A_52 : i32 to vector<16xi32>
      %add3A_54 = arith.addi %get3A_51, %add3A_53 : vector<16xi32>
      %swap3A_55 = arith.constant 32 : index
      %swap3A_56 = tpu.vector_load %arg11[%swap3A_55] {strides = array<i32>} : memref<128xi32, #tpu.memory_space<vmem>>, vector<16xi32>,
      tpu.vector_store %arg11[%swap3A_55], %add3A_54 {strides = array<i32>} : memref<128xi32, #tpu.memory_space<vmem>>, vector<16xi32>,
      %add3A_57 = arith.constant 32 : i32
      %add3A_58 = arith.addi %mul3A_19, %add3A_57 : i32
      %get3A_59 = arith.index_cast %add3A_58 : i32 to index
      %get3A_60 = tpu.vector_load %arg9[%get3A_59] {strides = array<i32>} : memref<10368xi32, #tpu.memory_space<vmem>>, vector<16xi32>,
      %swap3A_61 = arith.constant 32 : index
      %swap3A_62 = tpu.vector_load %arg12[%swap3A_61] {strides = array<i32>} : memref<128xi32, #tpu.memory_space<vmem>>, vector<16xi32>,
      tpu.vector_store %arg12[%swap3A_61], %get3A_60 {strides = array<i32>} : memref<128xi32, #tpu.memory_space<vmem>>, vector<16xi32>,
      %add3A_63 = arith.constant 48 : i32
      %add3A_64 = arith.addi %mul3A_19, %add3A_63 : i32
      %get3A_65 = arith.index_cast %add3A_64 : i32 to index
      %get3A_66 = tpu.vector_load %arg8[%get3A_65] {strides = array<i32>} : memref<10368xi32, #tpu.memory_space<vmem>>, vector<16xi32>,
      %add3A_67 = arith.constant 30000 : i32
      %add3A_68 = vector.broadcast %add3A_67 : i32 to vector<16xi32>
      %add3A_69 = arith.addi %get3A_66, %add3A_68 : vector<16xi32>
      %swap3A_70 = arith.constant 48 : index
      %swap3A_71 = tpu.vector_load %arg11[%swap3A_70] {strides = array<i32>} : memref<128xi32, #tpu.memory_space<vmem>>, vector<16xi32>,
      tpu.vector_store %arg11[%swap3A_70], %add3A_69 {strides = array<i32>} : memref<128xi32, #tpu.memory_space<vmem>>, vector<16xi32>,
      %add3A_72 = arith.constant 48 : i32
      %add3A_73 = arith.addi %mul3A_19, %add3A_72 : i32
      %get3A_74 = arith.index_cast %add3A_73 : i32 to index
      %get3A_75 = tpu.vector_load %arg9[%get3A_74] {strides = array<i32>} : memref<10368xi32, #tpu.memory_space<vmem>>, vector<16xi32>,
      %swap3A_76 = arith.constant 48 : index
      %swap3A_77 = tpu.vector_load %arg12[%swap3A_76] {strides = array<i32>} : memref<128xi32, #tpu.memory_space<vmem>>, vector<16xi32>,
      tpu.vector_store %arg12[%swap3A_76], %get3A_75 {strides = array<i32>} : memref<128xi32, #tpu.memory_space<vmem>>, vector<16xi32>,
      %add3A_78 = arith.constant 64 : i32
      %add3A_79 = arith.addi %mul3A_19, %add3A_78 : i32
      %get3A_80 = arith.index_cast %add3A_79 : i32 to index
      %get3A_81 = tpu.vector_load %arg8[%get3A_80] {strides = array<i32>} : memref<10368xi32, #tpu.memory_space<vmem>>, vector<16xi32>,
      %add3A_82 = arith.constant 30000 : i32
      %add3A_83 = vector.broadcast %add3A_82 : i32 to vector<16xi32>
      %add3A_84 = arith.addi %get3A_81, %add3A_83 : vector<16xi32>
      %swap3A_85 = arith.constant 64 : index
      %swap3A_86 = tpu.vector_load %arg11[%swap3A_85] {strides = array<i32>} : memref<128xi32, #tpu.memory_space<vmem>>, vector<16xi32>,
      tpu.vector_store %arg11[%swap3A_85], %add3A_84 {strides = array<i32>} : memref<128xi32, #tpu.memory_space<vmem>>, vector<16xi32>,
      %add3A_87 = arith.constant 64 : i32
      %add3A_88 = arith.addi %mul3A_19, %add3A_87 : i32
      %get3A_89 = arith.index_cast %add3A_88 : i32 to index
      %get3A_90 = tpu.vector_load %arg9[%get3A_89] {strides = array<i32>} : memref<10368xi32, #tpu.memory_space<vmem>>, vector<16xi32>,
      %swap3A_91 = arith.constant 64 : index
      %swap3A_92 = tpu.vector_load %arg12[%swap3A_91] {strides = array<i32>} : memref<128xi32, #tpu.memory_space<vmem>>, vector<16xi32>,
      tpu.vector_store %arg12[%swap3A_91], %get3A_90 {strides = array<i32>} : memref<128xi32, #tpu.memory_space<vmem>>, vector<16xi32>,
      %add3A_93 = arith.constant 80 : i32
      %add3A_94 = arith.addi %mul3A_19, %add3A_93 : i32
      %get3A_95 = arith.index_cast %add3A_94 : i32 to index
      %get3A_96 = tpu.vector_load %arg8[%get3A_95] {strides = array<i32>} : memref<10368xi32, #tpu.memory_space<vmem>>, vector<16xi32>,
      %add3A_97 = arith.constant 30000 : i32
      %add3A_98 = vector.broadcast %add3A_97 : i32 to vector<16xi32>
      %add3A_99 = arith.addi %get3A_96, %add3A_98 : vector<16xi32>
      %swap3A_100 = arith.constant 80 : index
      %swap3A_101 = tpu.vector_load %arg11[%swap3A_100] {strides = array<i32>} : memref<128xi32, #tpu.memory_space<vmem>>, vector<16xi32>,
      tpu.vector_store %arg11[%swap3A_100], %add3A_99 {strides = array<i32>} : memref<128xi32, #tpu.memory_space<vmem>>, vector<16xi32>,
      %add3A_102 = arith.constant 80 : i32
      %add3A_103 = arith.addi %mul3A_19, %add3A_102 : i32
      %get3A_104 = arith.index_cast %add3A_103 : i32 to index
      %get3A_105 = tpu.vector_load %arg9[%get3A_104] {strides = array<i32>} : memref<10368xi32, #tpu.memory_space<vmem>>, vector<16xi32>,
      %swap3A_106 = arith.constant 80 : index
      %swap3A_107 = tpu.vector_load %arg12[%swap3A_106] {strides = array<i32>} : memref<128xi32, #tpu.memory_space<vmem>>, vector<16xi32>,
      tpu.vector_store %arg12[%swap3A_106], %get3A_105 {strides = array<i32>} : memref<128xi32, #tpu.memory_space<vmem>>, vector<16xi32>,
      %add3A_108 = arith.constant 96 : i32
      %add3A_109 = arith.addi %mul3A_19, %add3A_108 : i32
      %get3A_110 = arith.index_cast %add3A_109 : i32 to index
      %get3A_111 = tpu.vector_load %arg8[%get3A_110] {strides = array<i32>} : memref<10368xi32, #tpu.memory_space<vmem>>, vector<16xi32>,
      %add3A_112 = arith.constant 30000 : i32
      %add3A_113 = vector.broadcast %add3A_112 : i32 to vector<16xi32>
      %add3A_114 = arith.addi %get3A_111, %add3A_113 : vector<16xi32>
      %swap3A_115 = arith.constant 96 : index
      %swap3A_116 = tpu.vector_load %arg11[%swap3A_115] {strides = array<i32>} : memref<128xi32, #tpu.memory_space<vmem>>, vector<16xi32>,
      tpu.vector_store %arg11[%swap3A_115], %add3A_114 {strides = array<i32>} : memref<128xi32, #tpu.memory_space<vmem>>, vector<16xi32>,
      %add3A_117 = arith.constant 96 : i32
      %add3A_118 = arith.addi %mul3A_19, %add3A_117 : i32
      %get3A_119 = arith.index_cast %add3A_118 : i32 to index
      %get3A_120 = tpu.vector_load %arg9[%get3A_119] {strides = array<i32>} : memref<10368xi32, #tpu.memory_space<vmem>>, vector<16xi32>,
      %swap3A_121 = arith.constant 96 : index
      %swap3A_122 = tpu.vector_load %arg12[%swap3A_121] {strides = array<i32>} : memref<128xi32, #tpu.memory_space<vmem>>, vector<16xi32>,
      tpu.vector_store %arg12[%swap3A_121], %get3A_120 {strides = array<i32>} : memref<128xi32, #tpu.memory_space<vmem>>, vector<16xi32>,
      %add3A_123 = arith.constant 112 : i32
      %add3A_124 = arith.addi %mul3A_19, %add3A_123 : i32
      %get3A_125 = arith.index_cast %add3A_124 : i32 to index
      %get3A_126 = tpu.vector_load %arg8[%get3A_125] {strides = array<i32>} : memref<10368xi32, #tpu.memory_space<vmem>>, vector<16xi32>,
      %add3A_127 = arith.constant 30000 : i32
      %add3A_128 = vector.broadcast %add3A_127 : i32 to vector<16xi32>
      %add3A_129 = arith.addi %get3A_126, %add3A_128 : vector<16xi32>
      %swap3A_130 = arith.constant 112 : index
      %swap3A_131 = tpu.vector_load %arg11[%swap3A_130] {strides = array<i32>} : memref<128xi32, #tpu.memory_space<vmem>>, vector<16xi32>,
      tpu.vector_store %arg11[%swap3A_130], %add3A_129 {strides = array<i32>} : memref<128xi32, #tpu.memory_space<vmem>>, vector<16xi32>,
      %add3A_132 = arith.constant 112 : i32
      %add3A_133 = arith.addi %mul3A_19, %add3A_132 : i32
      %get3A_134 = arith.index_cast %add3A_133 : i32 to index
      %get3A_135 = tpu.vector_load %arg9[%get3A_134] {strides = array<i32>} : memref<10368xi32, #tpu.memory_space<vmem>>, vector<16xi32>,
      %swap3A_136 = arith.constant 112 : index
      %swap3A_137 = tpu.vector_load %arg12[%swap3A_136] {strides = array<i32>} : memref<128xi32, #tpu.memory_space<vmem>>, vector<16xi32>,
      tpu.vector_store %arg12[%swap3A_136], %get3A_135 {strides = array<i32>} : memref<128xi32, #tpu.memory_space<vmem>>, vector<16xi32>,
      %dma_start3A = arith.constant 0 : i32
      %dma_start3A_138 = arith.constant 0 : i32
      %dma_start3A_139 = tpu.memref_slice %arg5[%dma_start3A, %dma_start3A_138] : memref<40000x128xf32, #tpu.memory_space<hbm>> -> memref<40000x128xf32, #tpu.memory_space<hbm>>
      tpu.enqueue_indirect_dma source(%dma_start3A_139 : memref<40000x128xf32, #tpu.memory_space<hbm>>) target(%arg13 : memref<128x128xf32, #tpu.memory_space<vmem>>) offsets(%arg11 : memref<128xi32, #tpu.memory_space<vmem>>) semaphore(%arg15 : memref<!tpu.dma_semaphore, #tpu.memory_space<semaphore_mem>>)
      %dma_wait3A = arith.constant 0 : i32
      %dma_wait3A_140 = arith.constant 0 : i32
      %dma_wait3A_141 = tpu.memref_slice %arg5[%dma_wait3A, %dma_wait3A_140] : memref<40000x128xf32, #tpu.memory_space<hbm>> -> memref<40000x128xf32, #tpu.memory_space<hbm>>
      tpu.wait_indirect_dma semaphore(%arg15 : memref<!tpu.dma_semaphore, #tpu.memory_space<semaphore_mem>>) src(%dma_wait3A_141 : memref<40000x128xf32, #tpu.memory_space<hbm>>) dst(%arg13 : memref<128x128xf32, #tpu.memory_space<vmem>>)
      %scan3A_142 = arith.constant 0 : i32
      %scan3A_143 = arith.constant 0 : i32
      %scan3A_144 = arith.constant 128 : i32
      %scan3A_145 = arith.addi %scan3A_143, %scan3A_144 : i32
      %scan3A_146 = arith.constant 1 : i32
      %scan3A_147 = scf.for %scan3A_150 = %scan3A_143 to %scan3A_145 step %scan3A_146 iter_args(%scan3A_151 = %scan3A_142) -> (i32)  : i32 {
        %add3A_152 = arith.addi %mul3A_19, %scan3A_150 : i32
        %broadcast_in_dim3A = vector.broadcast %add3A_152 : i32 to vector<16xi32>
        %gather3A = tpu.vector_load_idx %arg10[%broadcast_in_dim3A] : memref<10368xf32, #tpu.memory_space<vmem>>[vector<16xi32>], vector<16xf32>,
        %get3A_153 = arith.index_cast %scan3A_150 : i32 to index
        %get3A_154 = arith.constant 0 : index
        %get3A_155 = tpu.vector_load %arg13[%get3A_153, %get3A_154] {strides = array<i32>} : memref<128x128xf32, #tpu.memory_space<vmem>>, vector<16xf32>,
        %mul3A_156 = arith.mulf %get3A_155, %gather3A : vector<16xf32>
        %swap3A_157 = arith.index_cast %scan3A_150 : i32 to index
        %swap3A_158 = arith.constant 0 : index
        %swap3A_159 = tpu.vector_load %arg13[%swap3A_157, %swap3A_158] {strides = array<i32>} : memref<128x128xf32, #tpu.memory_space<vmem>>, vector<16xf32>,
        tpu.vector_store %arg13[%swap3A_157, %swap3A_158], %mul3A_156 {strides = array<i32>} : memref<128x128xf32, #tpu.memory_space<vmem>>, vector<16xf32>,
        %get3A_160 = arith.index_cast %scan3A_150 : i32 to index
        %get3A_161 = arith.constant 16 : index
        %get3A_162 = tpu.vector_load %arg13[%get3A_160, %get3A_161] {strides = array<i32>} : memref<128x128xf32, #tpu.memory_space<vmem>>, vector<16xf32>,
        %mul3A_163 = arith.mulf %get3A_162, %gather3A : vector<16xf32>
        %swap3A_164 = arith.index_cast %scan3A_150 : i32 to index
        %swap3A_165 = arith.constant 16 : index
        %swap3A_166 = tpu.vector_load %arg13[%swap3A_164, %swap3A_165] {strides = array<i32>} : memref<128x128xf32, #tpu.memory_space<vmem>>, vector<16xf32>,
        tpu.vector_store %arg13[%swap3A_164, %swap3A_165], %mul3A_163 {strides = array<i32>} : memref<128x128xf32, #tpu.memory_space<vmem>>, vector<16xf32>,
        %get3A_167 = arith.index_cast %scan3A_150 : i32 to index
        %get3A_168 = arith.constant 32 : index
        %get3A_169 = tpu.vector_load %arg13[%get3A_167, %get3A_168] {strides = array<i32>} : memref<128x128xf32, #tpu.memory_space<vmem>>, vector<16xf32>,
        %mul3A_170 = arith.mulf %get3A_169, %gather3A : vector<16xf32>
        %swap3A_171 = arith.index_cast %scan3A_150 : i32 to index
        %swap3A_172 = arith.constant 32 : index
        %swap3A_173 = tpu.vector_load %arg13[%swap3A_171, %swap3A_172] {strides = array<i32>} : memref<128x128xf32, #tpu.memory_space<vmem>>, vector<16xf32>,
        tpu.vector_store %arg13[%swap3A_171, %swap3A_172], %mul3A_170 {strides = array<i32>} : memref<128x128xf32, #tpu.memory_space<vmem>>, vector<16xf32>,
        %get3A_174 = arith.index_cast %scan3A_150 : i32 to index
        %get3A_175 = arith.constant 48 : index
        %get3A_176 = tpu.vector_load %arg13[%get3A_174, %get3A_175] {strides = array<i32>} : memref<128x128xf32, #tpu.memory_space<vmem>>, vector<16xf32>,
        %mul3A_177 = arith.mulf %get3A_176, %gather3A : vector<16xf32>
        %swap3A_178 = arith.index_cast %scan3A_150 : i32 to index
        %swap3A_179 = arith.constant 48 : index
        %swap3A_180 = tpu.vector_load %arg13[%swap3A_178, %swap3A_179] {strides = array<i32>} : memref<128x128xf32, #tpu.memory_space<vmem>>, vector<16xf32>,
        tpu.vector_store %arg13[%swap3A_178, %swap3A_179], %mul3A_177 {strides = array<i32>} : memref<128x128xf32, #tpu.memory_space<vmem>>, vector<16xf32>,
        %get3A_181 = arith.index_cast %scan3A_150 : i32 to index
        %get3A_182 = arith.constant 64 : index
        %get3A_183 = tpu.vector_load %arg13[%get3A_181, %get3A_182] {strides = array<i32>} : memref<128x128xf32, #tpu.memory_space<vmem>>, vector<16xf32>,
        %mul3A_184 = arith.mulf %get3A_183, %gather3A : vector<16xf32>
        %swap3A_185 = arith.index_cast %scan3A_150 : i32 to index
        %swap3A_186 = arith.constant 64 : index
        %swap3A_187 = tpu.vector_load %arg13[%swap3A_185, %swap3A_186] {strides = array<i32>} : memref<128x128xf32, #tpu.memory_space<vmem>>, vector<16xf32>,
        tpu.vector_store %arg13[%swap3A_185, %swap3A_186], %mul3A_184 {strides = array<i32>} : memref<128x128xf32, #tpu.memory_space<vmem>>, vector<16xf32>,
        %get3A_188 = arith.index_cast %scan3A_150 : i32 to index
        %get3A_189 = arith.constant 80 : index
        %get3A_190 = tpu.vector_load %arg13[%get3A_188, %get3A_189] {strides = array<i32>} : memref<128x128xf32, #tpu.memory_space<vmem>>, vector<16xf32>,
        %mul3A_191 = arith.mulf %get3A_190, %gather3A : vector<16xf32>
        %swap3A_192 = arith.index_cast %scan3A_150 : i32 to index
        %swap3A_193 = arith.constant 80 : index
        %swap3A_194 = tpu.vector_load %arg13[%swap3A_192, %swap3A_193] {strides = array<i32>} : memref<128x128xf32, #tpu.memory_space<vmem>>, vector<16xf32>,
        tpu.vector_store %arg13[%swap3A_192, %swap3A_193], %mul3A_191 {strides = array<i32>} : memref<128x128xf32, #tpu.memory_space<vmem>>, vector<16xf32>,
        %get3A_195 = arith.index_cast %scan3A_150 : i32 to index
        %get3A_196 = arith.constant 96 : index
        %get3A_197 = tpu.vector_load %arg13[%get3A_195, %get3A_196] {strides = array<i32>} : memref<128x128xf32, #tpu.memory_space<vmem>>, vector<16xf32>,
        %mul3A_198 = arith.mulf %get3A_197, %gather3A : vector<16xf32>
        %swap3A_199 = arith.index_cast %scan3A_150 : i32 to index
        %swap3A_200 = arith.constant 96 : index
        %swap3A_201 = tpu.vector_load %arg13[%swap3A_199, %swap3A_200] {strides = array<i32>} : memref<128x128xf32, #tpu.memory_space<vmem>>, vector<16xf32>,
        tpu.vector_store %arg13[%swap3A_199, %swap3A_200], %mul3A_198 {strides = array<i32>} : memref<128x128xf32, #tpu.memory_space<vmem>>, vector<16xf32>,
        %get3A_202 = arith.index_cast %scan3A_150 : i32 to index
        %get3A_203 = arith.constant 112 : index
        %get3A_204 = tpu.vector_load %arg13[%get3A_202, %get3A_203] {strides = array<i32>} : memref<128x128xf32, #tpu.memory_space<vmem>>, vector<16xf32>,
        %mul3A_205 = arith.mulf %get3A_204, %gather3A : vector<16xf32>
        %swap3A_206 = arith.index_cast %scan3A_150 : i32 to index
        %swap3A_207 = arith.constant 112 : index
        %swap3A_208 = tpu.vector_load %arg13[%swap3A_206, %swap3A_207] {strides = array<i32>} : memref<128x128xf32, #tpu.memory_space<vmem>>, vector<16xf32>,
        tpu.vector_store %arg13[%swap3A_206, %swap3A_207], %mul3A_205 {strides = array<i32>} : memref<128x128xf32, #tpu.memory_space<vmem>>, vector<16xf32>,
        %scan3A_209 = arith.constant 0 : i32
        scf.yield %scan3A_209 : i32
      }
      %scan3A_148 = arith.constant 128 : i32
      "tpu.region"() ({
        %run_scoped3A = tpu.sem_alloc : memref<!tpu.dma_semaphore, #tpu.memory_space<semaphore_mem>>
        %dma_start3A_150 = arith.constant 0 : i32
        %dma_start3A_151 = arith.constant 0 : i32
        %dma_start3A_152 = tpu.memref_slice %arg14[%dma_start3A_150, %dma_start3A_151] : memref<10240x128xf32, #tpu.memory_space<vmem_shared>> -> memref<10240x128xf32, #tpu.memory_space<vmem_shared>>
        tpu.enqueue_indirect_dma source(%arg13 : memref<128x128xf32, #tpu.memory_space<vmem>>) target(%dma_start3A_152 : memref<10240x128xf32, #tpu.memory_space<vmem_shared>>) offsets(%arg12 : memref<128xi32, #tpu.memory_space<vmem>>) semaphore(%run_scoped3A : memref<!tpu.dma_semaphore, #tpu.memory_space<semaphore_mem>>) {add = true}
        %dma_wait3A_153 = arith.constant 0 : i32
        %dma_wait3A_154 = arith.constant 0 : i32
        %dma_wait3A_155 = tpu.memref_slice %arg14[%dma_wait3A_153, %dma_wait3A_154] : memref<10240x128xf32, #tpu.memory_space<vmem_shared>> -> memref<10240x128xf32, #tpu.memory_space<vmem_shared>>
        tpu.wait_indirect_dma semaphore(%run_scoped3A : memref<!tpu.dma_semaphore, #tpu.memory_space<semaphore_mem>>) src(%arg13 : memref<128x128xf32, #tpu.memory_space<vmem>>) dst(%dma_wait3A_155 : memref<10240x128xf32, #tpu.memory_space<vmem_shared>>)
        tpu.yield
      }) : () -> ()
      %scan3A_149 = arith.constant 0 : i32
      scf.yield %scan3A_149 : i32
    }
    %scan3A_10 = arith.constant 81 : i32
    %barrier3A_11 = arith.constant 0 : index
    tpu.barrier barrier_id(%barrier3A_11)
    %mul3A_12 = arith.constant 640 : i32
    %mul3A_13 = arith.muli %arg1, %mul3A_12 : i32
    %mul3A_14 = arith.constant 640 : i32
    %mul3A_15 = arith.muli %arg1, %mul3A_14 : i32
    "tpu.region"() ({
      %run_scoped3A = tpu.sem_alloc : memref<!tpu.dma_semaphore, #tpu.memory_space<semaphore_mem>>
      %dma_start3A = arith.constant 0 : i32
      %dma_start3A_16 = tpu.memref_slice %arg7[%arg0, %mul3A_15, %dma_start3A] : memref<2x10240x128xf32, #tpu.memory_space<hbm>> -> memref<1x640x128xf32, #tpu.memory_space<hbm>>
      %dma_start3A_17 = tpu.memref_squeeze %dma_start3A_16 : memref<1x640x128xf32, #tpu.memory_space<hbm>> -> memref<640x128xf32, #tpu.memory_space<hbm>>
      %dma_start3A_18 = arith.constant 0 : i32
      %dma_start3A_19 = tpu.memref_slice %arg14[%mul3A_13, %dma_start3A_18] : memref<10240x128xf32, #tpu.memory_space<vmem_shared>> -> memref<640x128xf32, #tpu.memory_space<vmem_shared>>
      tpu.enqueue_dma source(%dma_start3A_19 : memref<640x128xf32, #tpu.memory_space<vmem_shared>>) target(%dma_start3A_17 : memref<640x128xf32, #tpu.memory_space<hbm>>) target_semaphore(%run_scoped3A : memref<!tpu.dma_semaphore, #tpu.memory_space<semaphore_mem>>)
      %dma_wait3A = arith.constant 0 : i32
      %dma_wait3A_20 = tpu.memref_slice %arg7[%arg0, %mul3A_15, %dma_wait3A] : memref<2x10240x128xf32, #tpu.memory_space<hbm>> -> memref<1x640x128xf32, #tpu.memory_space<hbm>>
      %dma_wait3A_21 = tpu.memref_squeeze %dma_wait3A_20 : memref<1x640x128xf32, #tpu.memory_space<hbm>> -> memref<640x128xf32, #tpu.memory_space<hbm>>
      %dma_wait3A_22 = arith.constant 0 : i32
      %dma_wait3A_23 = tpu.memref_slice %arg14[%mul3A_13, %dma_wait3A_22] : memref<10240x128xf32, #tpu.memory_space<vmem_shared>> -> memref<640x128xf32, #tpu.memory_space<vmem_shared>>
      tpu.wait_dma2 semaphore(%run_scoped3A : memref<!tpu.dma_semaphore, #tpu.memory_space<semaphore_mem>>) src(%dma_wait3A_23 : memref<640x128xf32, #tpu.memory_space<vmem_shared>>) dst(%dma_wait3A_21 : memref<640x128xf32, #tpu.memory_space<hbm>>)
      tpu.yield
    }) : () -> ()
    return
  }
}

#map = affine_map<(d0, d1) -> (0)>
#map1 = affine_map<(d0, d1) -> (0, 0)>
module attributes {stable_mosaic.version = 14 : i64} {
  func.func @_k1_body(%arg0: i32, %arg1: i32, %arg2: memref<331776xi32, #tpu.memory_space<hbm>>, %arg3: memref<331776xi32, #tpu.memory_space<hbm>>, %arg4: memref<40960xf32, #tpu.memory_space<hbm>>, %arg5: memref<32xf32, #tpu.memory_space<hbm>>, %arg6: memref<2x331776xf32, #tpu.memory_space<hbm>>, %arg7: memref<32x10240xf32, #tpu.memory_space<hbm>>, %arg8: memref<32x10240xf32, #tpu.memory_space<hbm>>, %arg9: memref<10368xi32, #tpu.memory_space<vmem>>, %arg10: memref<10368xi32, #tpu.memory_space<vmem>>, %arg11: memref<40960xf32, #tpu.memory_space<vmem>>, %arg12: memref<32xf32, #tpu.memory_space<vmem>>, %arg13: memref<10368xf32, #tpu.memory_space<vmem>>, %arg14: memref<10368xf32, #tpu.memory_space<vmem>>, %arg15: memref<10240xf32, #tpu.memory_space<vmem>>, %arg16: memref<10240xf32, #tpu.memory_space<vmem>>) attributes {dimension_semantics = [#tpu.dimension_semantics<core_parallel>, #tpu.dimension_semantics<subcore_parallel>], iteration_bounds = array<i64: 2, 16>, scalar_prefetch = 0 : i64, scratch_operands = 8 : i64, tpu.core_type = #tpu.core_type<sc_vector_subcore>, window_params = [{transform_indices = #map}, {transform_indices = #map}, {transform_indices = #map}, {transform_indices = #map}, {transform_indices = #map1}, {transform_indices = #map1}, {transform_indices = #map1}]} {
    %mul3A = arith.constant 2 : i32
    %mul3A_0 = arith.muli %arg1, %mul3A : i32
    %add3A = arith.addi %mul3A_0, %arg0 : i32
    %mul3A_1 = arith.constant 10368 : i32
    %mul3A_2 = arith.muli %add3A, %mul3A_1 : i32
    "tpu.region"() ({
      %run_scoped3A_21 = tpu.sem_alloc : memref<!tpu.dma_semaphore, #tpu.memory_space<semaphore_mem>>
      %dma_start3A = tpu.memref_slice %arg2[%mul3A_2] : memref<331776xi32, #tpu.memory_space<hbm>> -> memref<10368xi32, #tpu.memory_space<hbm>>
      %dma_start3A_22 = tpu.memref_slice %arg2[%mul3A_2] : memref<331776xi32, #tpu.memory_space<hbm>> -> memref<10368xi32, #tpu.memory_space<hbm>>
      tpu.enqueue_dma source(%dma_start3A_22 : memref<10368xi32, #tpu.memory_space<hbm>>) target(%arg9 : memref<10368xi32, #tpu.memory_space<vmem>>) target_semaphore(%run_scoped3A_21 : memref<!tpu.dma_semaphore, #tpu.memory_space<semaphore_mem>>)
      %dma_wait3A = tpu.memref_slice %arg2[%mul3A_2] : memref<331776xi32, #tpu.memory_space<hbm>> -> memref<10368xi32, #tpu.memory_space<hbm>>
      %dma_wait3A_23 = tpu.memref_slice %arg2[%mul3A_2] : memref<331776xi32, #tpu.memory_space<hbm>> -> memref<10368xi32, #tpu.memory_space<hbm>>
      tpu.wait_dma2 semaphore(%run_scoped3A_21 : memref<!tpu.dma_semaphore, #tpu.memory_space<semaphore_mem>>) src(%dma_wait3A_23 : memref<10368xi32, #tpu.memory_space<hbm>>) dst(%arg9 : memref<10368xi32, #tpu.memory_space<vmem>>)
      tpu.yield
    }) : () -> ()
    "tpu.region"() ({
      %run_scoped3A_21 = tpu.sem_alloc : memref<!tpu.dma_semaphore, #tpu.memory_space<semaphore_mem>>
      %dma_start3A = tpu.memref_slice %arg3[%mul3A_2] : memref<331776xi32, #tpu.memory_space<hbm>> -> memref<10368xi32, #tpu.memory_space<hbm>>
      %dma_start3A_22 = tpu.memref_slice %arg3[%mul3A_2] : memref<331776xi32, #tpu.memory_space<hbm>> -> memref<10368xi32, #tpu.memory_space<hbm>>
      tpu.enqueue_dma source(%dma_start3A_22 : memref<10368xi32, #tpu.memory_space<hbm>>) target(%arg10 : memref<10368xi32, #tpu.memory_space<vmem>>) target_semaphore(%run_scoped3A_21 : memref<!tpu.dma_semaphore, #tpu.memory_space<semaphore_mem>>)
      %dma_wait3A = tpu.memref_slice %arg3[%mul3A_2] : memref<331776xi32, #tpu.memory_space<hbm>> -> memref<10368xi32, #tpu.memory_space<hbm>>
      %dma_wait3A_23 = tpu.memref_slice %arg3[%mul3A_2] : memref<331776xi32, #tpu.memory_space<hbm>> -> memref<10368xi32, #tpu.memory_space<hbm>>
      tpu.wait_dma2 semaphore(%run_scoped3A_21 : memref<!tpu.dma_semaphore, #tpu.memory_space<semaphore_mem>>) src(%dma_wait3A_23 : memref<10368xi32, #tpu.memory_space<hbm>>) dst(%arg10 : memref<10368xi32, #tpu.memory_space<vmem>>)
      tpu.yield
    }) : () -> ()
    "tpu.region"() ({
      %run_scoped3A_21 = tpu.sem_alloc : memref<!tpu.dma_semaphore, #tpu.memory_space<semaphore_mem>>
      tpu.enqueue_dma source(%arg4 : memref<40960xf32, #tpu.memory_space<hbm>>) target(%arg11 : memref<40960xf32, #tpu.memory_space<vmem>>) target_semaphore(%run_scoped3A_21 : memref<!tpu.dma_semaphore, #tpu.memory_space<semaphore_mem>>)
      tpu.wait_dma2 semaphore(%run_scoped3A_21 : memref<!tpu.dma_semaphore, #tpu.memory_space<semaphore_mem>>) src(%arg4 : memref<40960xf32, #tpu.memory_space<hbm>>) dst(%arg11 : memref<40960xf32, #tpu.memory_space<vmem>>)
      tpu.yield
    }) : () -> ()
    "tpu.region"() ({
      %run_scoped3A_21 = tpu.sem_alloc : memref<!tpu.dma_semaphore, #tpu.memory_space<semaphore_mem>>
      tpu.enqueue_dma source(%arg5 : memref<32xf32, #tpu.memory_space<hbm>>) target(%arg12 : memref<32xf32, #tpu.memory_space<vmem>>) target_semaphore(%run_scoped3A_21 : memref<!tpu.dma_semaphore, #tpu.memory_space<semaphore_mem>>)
      tpu.wait_dma2 semaphore(%run_scoped3A_21 : memref<!tpu.dma_semaphore, #tpu.memory_space<semaphore_mem>>) src(%arg5 : memref<32xf32, #tpu.memory_space<hbm>>) dst(%arg12 : memref<32xf32, #tpu.memory_space<vmem>>)
      tpu.yield
    }) : () -> ()
    %get3A = arith.constant 0 : index
    %get3A_3 = tpu.vector_load %arg12[%get3A] {strides = array<i32>} : memref<32xf32, #tpu.memory_space<vmem>>, vector<16xf32>,
    %get3A_4 = arith.constant 16 : index
    %get3A_5 = tpu.vector_load %arg12[%get3A_4] {strides = array<i32>} : memref<32xf32, #tpu.memory_space<vmem>>, vector<16xf32>,
    %iota3A = tpu.iota {dimensions = array<i32: 0>} : vector<16xi32>
    %broadcast_in_dim3A = arith.constant 0.000000e+00 : f32
    %broadcast_in_dim3A_6 = vector.broadcast %broadcast_in_dim3A : f32 to vector<16xf32>
    %scan3A = arith.constant 0 : i32
    %scan3A_7 = arith.constant 0 : i32
    %scan3A_8 = arith.constant 640 : i32
    %scan3A_9 = arith.addi %scan3A_7, %scan3A_8 : i32
    %scan3A_10 = arith.constant 1 : i32
    %scan3A_11 = scf.for %scan3A_21 = %scan3A_7 to %scan3A_9 step %scan3A_10 iter_args(%scan3A_22 = %scan3A) -> (i32)  : i32 {
      %mul3A_23 = arith.constant 16 : i32
      %mul3A_24 = arith.muli %scan3A_21, %mul3A_23 : i32
      %swap3A = arith.index_cast %mul3A_24 : i32 to index
      %swap3A_25 = tpu.vector_load %arg15[%swap3A] {strides = array<i32>} : memref<10240xf32, #tpu.memory_space<vmem>>, vector<16xf32>,
      tpu.vector_store %arg15[%swap3A], %broadcast_in_dim3A_6 {strides = array<i32>} : memref<10240xf32, #tpu.memory_space<vmem>>, vector<16xf32>,
      %mul3A_26 = arith.constant 16 : i32
      %mul3A_27 = arith.muli %scan3A_21, %mul3A_26 : i32
      %swap3A_28 = arith.index_cast %mul3A_27 : i32 to index
      %swap3A_29 = tpu.vector_load %arg16[%swap3A_28] {strides = array<i32>} : memref<10240xf32, #tpu.memory_space<vmem>>, vector<16xf32>,
      tpu.vector_store %arg16[%swap3A_28], %broadcast_in_dim3A_6 {strides = array<i32>} : memref<10240xf32, #tpu.memory_space<vmem>>, vector<16xf32>,
      %scan3A_30 = arith.constant 0 : i32
      scf.yield %scan3A_30 : i32
    }
    %scan3A_12 = arith.constant 640 : i32
    %scan3A_13 = arith.constant 0 : i32
    %scan3A_14 = arith.constant 0 : i32
    %scan3A_15 = arith.constant 648 : i32
    %scan3A_16 = arith.addi %scan3A_14, %scan3A_15 : i32
    %scan3A_17 = arith.constant 1 : i32
    %scan3A_18 = scf.for %scan3A_21 = %scan3A_14 to %scan3A_16 step %scan3A_17 iter_args(%scan3A_22 = %scan3A_13) -> (i32)  : i32 {
      %mul3A_23 = arith.constant 16 : i32
      %mul3A_24 = arith.muli %scan3A_21, %mul3A_23 : i32
      %get3A_25 = arith.index_cast %mul3A_24 : i32 to index
      %get3A_26 = tpu.vector_load %arg9[%get3A_25] {strides = array<i32>} : memref<10368xi32, #tpu.memory_space<vmem>>, vector<16xi32>,
      %mul3A_27 = arith.constant 16 : i32
      %mul3A_28 = arith.muli %scan3A_21, %mul3A_27 : i32
      %get3A_29 = arith.index_cast %mul3A_28 : i32 to index
      %get3A_30 = tpu.vector_load %arg10[%get3A_29] {strides = array<i32>} : memref<10368xi32, #tpu.memory_space<vmem>>, vector<16xi32>,
      %mul3A_31 = arith.constant 16 : i32
      %mul3A_32 = arith.muli %scan3A_21, %mul3A_31 : i32
      %add3A_33 = arith.addi %mul3A_2, %mul3A_32 : i32
      %add3A_34 = vector.broadcast %add3A_33 : i32 to vector<16xi32>
      %add3A_35 = arith.addi %iota3A, %add3A_34 : vector<16xi32>
      %lt3A = arith.constant 330000 : i32
      %lt3A_36 = vector.broadcast %lt3A : i32 to vector<16xi32>
      %lt3A_37 = arith.cmpi slt, %add3A_35, %lt3A_36 : vector<16xi32>
      %gather3A = tpu.vector_load_idx %arg11[%get3A_26] : memref<40960xf32, #tpu.memory_space<vmem>>[vector<16xi32>], vector<16xf32>,
      %add3A_38 = arith.constant 20480 : i32
      %add3A_39 = vector.broadcast %add3A_38 : i32 to vector<16xi32>
      %add3A_40 = arith.addi %get3A_30, %add3A_39 : vector<16xi32>
      %gather3A_41 = tpu.vector_load_idx %arg11[%add3A_40] : memref<40960xf32, #tpu.memory_space<vmem>>[vector<16xi32>], vector<16xf32>,
      %add3A_42 = arith.addf %gather3A, %gather3A_41 : vector<16xf32>
      %gt3A = arith.constant 0.000000e+00 : f32
      %gt3A_43 = vector.broadcast %gt3A : f32 to vector<16xf32>
      %gt3A_44 = arith.cmpf ogt, %add3A_42, %gt3A_43 : vector<16xf32>
      %mul3A_45 = arith.constant 2.000000e-01 : f32
      %mul3A_46 = vector.broadcast %mul3A_45 : f32 to vector<16xf32>
      %mul3A_47 = arith.mulf %mul3A_46, %add3A_42 : vector<16xf32>
      %select_n3A = arith.select %gt3A_44, %add3A_42, %mul3A_47 : vector<16xi1>, vector<16xf32>
      %sub3A = arith.subf %select_n3A, %get3A_3 : vector<16xf32>
      %exp3A = math.exp %sub3A : vector<16xf32>
      %jit3A = arith.constant 0.000000e+00 : f32
      %broadcast_in_dim3A_48 = vector.broadcast %jit3A : f32 to vector<16xf32>
      %select_n3A_49 = arith.select %lt3A_37, %exp3A, %broadcast_in_dim3A_48 : vector<16xi1>, vector<16xf32>
      %mul3A_50 = arith.constant 16 : i32
      %mul3A_51 = arith.muli %scan3A_21, %mul3A_50 : i32
      %swap3A = arith.index_cast %mul3A_51 : i32 to index
      %swap3A_52 = tpu.vector_load %arg13[%swap3A] {strides = array<i32>} : memref<10368xf32, #tpu.memory_space<vmem>>, vector<16xf32>,
      tpu.vector_store %arg13[%swap3A], %select_n3A_49 {strides = array<i32>} : memref<10368xf32, #tpu.memory_space<vmem>>, vector<16xf32>,
      tpu.vector_store_idx %arg15[%get3A_30], %select_n3A_49 {add = true} : memref<10240xf32, #tpu.memory_space<vmem>>[vector<16xi32>], vector<16xf32>,
      %add3A_53 = arith.constant 10240 : i32
      %add3A_54 = vector.broadcast %add3A_53 : i32 to vector<16xi32>
      %add3A_55 = arith.addi %get3A_26, %add3A_54 : vector<16xi32>
      %gather3A_56 = tpu.vector_load_idx %arg11[%add3A_55] : memref<40960xf32, #tpu.memory_space<vmem>>[vector<16xi32>], vector<16xf32>,
      %add3A_57 = arith.constant 30720 : i32
      %add3A_58 = vector.broadcast %add3A_57 : i32 to vector<16xi32>
      %add3A_59 = arith.addi %get3A_30, %add3A_58 : vector<16xi32>
      %gather3A_60 = tpu.vector_load_idx %arg11[%add3A_59] : memref<40960xf32, #tpu.memory_space<vmem>>[vector<16xi32>], vector<16xf32>,
      %add3A_61 = arith.addf %gather3A_56, %gather3A_60 : vector<16xf32>
      %gt3A_62 = arith.constant 0.000000e+00 : f32
      %gt3A_63 = vector.broadcast %gt3A_62 : f32 to vector<16xf32>
      %gt3A_64 = arith.cmpf ogt, %add3A_61, %gt3A_63 : vector<16xf32>
      %mul3A_65 = arith.constant 2.000000e-01 : f32
      %mul3A_66 = vector.broadcast %mul3A_65 : f32 to vector<16xf32>
      %mul3A_67 = arith.mulf %mul3A_66, %add3A_61 : vector<16xf32>
      %select_n3A_68 = arith.select %gt3A_64, %add3A_61, %mul3A_67 : vector<16xi1>, vector<16xf32>
      %sub3A_69 = arith.subf %select_n3A_68, %get3A_5 : vector<16xf32>
      %exp3A_70 = math.exp %sub3A_69 : vector<16xf32>
      %jit3A_71 = arith.constant 0.000000e+00 : f32
      %broadcast_in_dim3A_72 = vector.broadcast %jit3A_71 : f32 to vector<16xf32>
      %select_n3A_73 = arith.select %lt3A_37, %exp3A_70, %broadcast_in_dim3A_72 : vector<16xi1>, vector<16xf32>
      %mul3A_74 = arith.constant 16 : i32
      %mul3A_75 = arith.muli %scan3A_21, %mul3A_74 : i32
      %swap3A_76 = arith.index_cast %mul3A_75 : i32 to index
      %swap3A_77 = tpu.vector_load %arg14[%swap3A_76] {strides = array<i32>} : memref<10368xf32, #tpu.memory_space<vmem>>, vector<16xf32>,
      tpu.vector_store %arg14[%swap3A_76], %select_n3A_73 {strides = array<i32>} : memref<10368xf32, #tpu.memory_space<vmem>>, vector<16xf32>,
      tpu.vector_store_idx %arg16[%get3A_30], %select_n3A_73 {add = true} : memref<10240xf32, #tpu.memory_space<vmem>>[vector<16xi32>], vector<16xf32>,
      %scan3A_78 = arith.constant 0 : i32
      scf.yield %scan3A_78 : i32
    }
    %scan3A_19 = arith.constant 648 : i32
    %run_scoped3A = arith.constant 0 : i32
    "tpu.region"() ({
      %run_scoped3A_21 = tpu.sem_alloc : memref<!tpu.dma_semaphore, #tpu.memory_space<semaphore_mem>>
      %dma_start3A = tpu.memref_slice %arg6[%run_scoped3A, %mul3A_2] : memref<2x331776xf32, #tpu.memory_space<hbm>> -> memref<1x10368xf32, #tpu.memory_space<hbm>>
      %dma_start3A_22 = tpu.memref_squeeze %dma_start3A : memref<1x10368xf32, #tpu.memory_space<hbm>> -> memref<10368xf32, #tpu.memory_space<hbm>>
      %dma_start3A_23 = tpu.memref_slice %arg6[%run_scoped3A, %mul3A_2] : memref<2x331776xf32, #tpu.memory_space<hbm>> -> memref<1x10368xf32, #tpu.memory_space<hbm>>
      %dma_start3A_24 = tpu.memref_squeeze %dma_start3A_23 : memref<1x10368xf32, #tpu.memory_space<hbm>> -> memref<10368xf32, #tpu.memory_space<hbm>>
      tpu.enqueue_dma source(%arg13 : memref<10368xf32, #tpu.memory_space<vmem>>) target(%dma_start3A_24 : memref<10368xf32, #tpu.memory_space<hbm>>) target_semaphore(%run_scoped3A_21 : memref<!tpu.dma_semaphore, #tpu.memory_space<semaphore_mem>>)
      %dma_wait3A = tpu.memref_slice %arg6[%run_scoped3A, %mul3A_2] : memref<2x331776xf32, #tpu.memory_space<hbm>> -> memref<1x10368xf32, #tpu.memory_space<hbm>>
      %dma_wait3A_25 = tpu.memref_squeeze %dma_wait3A : memref<1x10368xf32, #tpu.memory_space<hbm>> -> memref<10368xf32, #tpu.memory_space<hbm>>
      %dma_wait3A_26 = tpu.memref_slice %arg6[%run_scoped3A, %mul3A_2] : memref<2x331776xf32, #tpu.memory_space<hbm>> -> memref<1x10368xf32, #tpu.memory_space<hbm>>
      %dma_wait3A_27 = tpu.memref_squeeze %dma_wait3A_26 : memref<1x10368xf32, #tpu.memory_space<hbm>> -> memref<10368xf32, #tpu.memory_space<hbm>>
      tpu.wait_dma2 semaphore(%run_scoped3A_21 : memref<!tpu.dma_semaphore, #tpu.memory_space<semaphore_mem>>) src(%arg13 : memref<10368xf32, #tpu.memory_space<vmem>>) dst(%dma_wait3A_27 : memref<10368xf32, #tpu.memory_space<hbm>>)
      tpu.yield
    }) : () -> ()
    %run_scoped3A_20 = arith.constant 1 : i32
    "tpu.region"() ({
      %run_scoped3A_21 = tpu.sem_alloc : memref<!tpu.dma_semaphore, #tpu.memory_space<semaphore_mem>>
      %dma_start3A = tpu.memref_slice %arg6[%run_scoped3A_20, %mul3A_2] : memref<2x331776xf32, #tpu.memory_space<hbm>> -> memref<1x10368xf32, #tpu.memory_space<hbm>>
      %dma_start3A_22 = tpu.memref_squeeze %dma_start3A : memref<1x10368xf32, #tpu.memory_space<hbm>> -> memref<10368xf32, #tpu.memory_space<hbm>>
      %dma_start3A_23 = tpu.memref_slice %arg6[%run_scoped3A_20, %mul3A_2] : memref<2x331776xf32, #tpu.memory_space<hbm>> -> memref<1x10368xf32, #tpu.memory_space<hbm>>
      %dma_start3A_24 = tpu.memref_squeeze %dma_start3A_23 : memref<1x10368xf32, #tpu.memory_space<hbm>> -> memref<10368xf32, #tpu.memory_space<hbm>>
      tpu.enqueue_dma source(%arg14 : memref<10368xf32, #tpu.memory_space<vmem>>) target(%dma_start3A_24 : memref<10368xf32, #tpu.memory_space<hbm>>) target_semaphore(%run_scoped3A_21 : memref<!tpu.dma_semaphore, #tpu.memory_space<semaphore_mem>>)
      %dma_wait3A = tpu.memref_slice %arg6[%run_scoped3A_20, %mul3A_2] : memref<2x331776xf32, #tpu.memory_space<hbm>> -> memref<1x10368xf32, #tpu.memory_space<hbm>>
      %dma_wait3A_25 = tpu.memref_squeeze %dma_wait3A : memref<1x10368xf32, #tpu.memory_space<hbm>> -> memref<10368xf32, #tpu.memory_space<hbm>>
      %dma_wait3A_26 = tpu.memref_slice %arg6[%run_scoped3A_20, %mul3A_2] : memref<2x331776xf32, #tpu.memory_space<hbm>> -> memref<1x10368xf32, #tpu.memory_space<hbm>>
      %dma_wait3A_27 = tpu.memref_squeeze %dma_wait3A_26 : memref<1x10368xf32, #tpu.memory_space<hbm>> -> memref<10368xf32, #tpu.memory_space<hbm>>
      tpu.wait_dma2 semaphore(%run_scoped3A_21 : memref<!tpu.dma_semaphore, #tpu.memory_space<semaphore_mem>>) src(%arg14 : memref<10368xf32, #tpu.memory_space<vmem>>) dst(%dma_wait3A_27 : memref<10368xf32, #tpu.memory_space<hbm>>)
      tpu.yield
    }) : () -> ()
    "tpu.region"() ({
      %run_scoped3A_21 = tpu.sem_alloc : memref<!tpu.dma_semaphore, #tpu.memory_space<semaphore_mem>>
      %dma_start3A = arith.constant 0 : i32
      %dma_start3A_22 = tpu.memref_slice %arg7[%add3A, %dma_start3A] : memref<32x10240xf32, #tpu.memory_space<hbm>> -> memref<1x10240xf32, #tpu.memory_space<hbm>>
      %dma_start3A_23 = tpu.memref_squeeze %dma_start3A_22 : memref<1x10240xf32, #tpu.memory_space<hbm>> -> memref<10240xf32, #tpu.memory_space<hbm>>
      %dma_start3A_24 = arith.constant 0 : i32
      %dma_start3A_25 = tpu.memref_slice %arg7[%add3A, %dma_start3A_24] : memref<32x10240xf32, #tpu.memory_space<hbm>> -> memref<1x10240xf32, #tpu.memory_space<hbm>>
      %dma_start3A_26 = tpu.memref_squeeze %dma_start3A_25 : memref<1x10240xf32, #tpu.memory_space<hbm>> -> memref<10240xf32, #tpu.memory_space<hbm>>
      tpu.enqueue_dma source(%arg15 : memref<10240xf32, #tpu.memory_space<vmem>>) target(%dma_start3A_26 : memref<10240xf32, #tpu.memory_space<hbm>>) target_semaphore(%run_scoped3A_21 : memref<!tpu.dma_semaphore, #tpu.memory_space<semaphore_mem>>)
      %dma_wait3A = arith.constant 0 : i32
      %dma_wait3A_27 = tpu.memref_slice %arg7[%add3A, %dma_wait3A] : memref<32x10240xf32, #tpu.memory_space<hbm>> -> memref<1x10240xf32, #tpu.memory_space<hbm>>
      %dma_wait3A_28 = tpu.memref_squeeze %dma_wait3A_27 : memref<1x10240xf32, #tpu.memory_space<hbm>> -> memref<10240xf32, #tpu.memory_space<hbm>>
      %dma_wait3A_29 = arith.constant 0 : i32
      %dma_wait3A_30 = tpu.memref_slice %arg7[%add3A, %dma_wait3A_29] : memref<32x10240xf32, #tpu.memory_space<hbm>> -> memref<1x10240xf32, #tpu.memory_space<hbm>>
      %dma_wait3A_31 = tpu.memref_squeeze %dma_wait3A_30 : memref<1x10240xf32, #tpu.memory_space<hbm>> -> memref<10240xf32, #tpu.memory_space<hbm>>
      tpu.wait_dma2 semaphore(%run_scoped3A_21 : memref<!tpu.dma_semaphore, #tpu.memory_space<semaphore_mem>>) src(%arg15 : memref<10240xf32, #tpu.memory_space<vmem>>) dst(%dma_wait3A_31 : memref<10240xf32, #tpu.memory_space<hbm>>)
      tpu.yield
    }) : () -> ()
    "tpu.region"() ({
      %run_scoped3A_21 = tpu.sem_alloc : memref<!tpu.dma_semaphore, #tpu.memory_space<semaphore_mem>>
      %dma_start3A = arith.constant 0 : i32
      %dma_start3A_22 = tpu.memref_slice %arg8[%add3A, %dma_start3A] : memref<32x10240xf32, #tpu.memory_space<hbm>> -> memref<1x10240xf32, #tpu.memory_space<hbm>>
      %dma_start3A_23 = tpu.memref_squeeze %dma_start3A_22 : memref<1x10240xf32, #tpu.memory_space<hbm>> -> memref<10240xf32, #tpu.memory_space<hbm>>
      %dma_start3A_24 = arith.constant 0 : i32
      %dma_start3A_25 = tpu.memref_slice %arg8[%add3A, %dma_start3A_24] : memref<32x10240xf32, #tpu.memory_space<hbm>> -> memref<1x10240xf32, #tpu.memory_space<hbm>>
      %dma_start3A_26 = tpu.memref_squeeze %dma_start3A_25 : memref<1x10240xf32, #tpu.memory_space<hbm>> -> memref<10240xf32, #tpu.memory_space<hbm>>
      tpu.enqueue_dma source(%arg16 : memref<10240xf32, #tpu.memory_space<vmem>>) target(%dma_start3A_26 : memref<10240xf32, #tpu.memory_space<hbm>>) target_semaphore(%run_scoped3A_21 : memref<!tpu.dma_semaphore, #tpu.memory_space<semaphore_mem>>)
      %dma_wait3A = arith.constant 0 : i32
      %dma_wait3A_27 = tpu.memref_slice %arg8[%add3A, %dma_wait3A] : memref<32x10240xf32, #tpu.memory_space<hbm>> -> memref<1x10240xf32, #tpu.memory_space<hbm>>
      %dma_wait3A_28 = tpu.memref_squeeze %dma_wait3A_27 : memref<1x10240xf32, #tpu.memory_space<hbm>> -> memref<10240xf32, #tpu.memory_space<hbm>>
      %dma_wait3A_29 = arith.constant 0 : i32
      %dma_wait3A_30 = tpu.memref_slice %arg8[%add3A, %dma_wait3A_29] : memref<32x10240xf32, #tpu.memory_space<hbm>> -> memref<1x10240xf32, #tpu.memory_space<hbm>>
      %dma_wait3A_31 = tpu.memref_squeeze %dma_wait3A_30 : memref<1x10240xf32, #tpu.memory_space<hbm>> -> memref<10240xf32, #tpu.memory_space<hbm>>
      tpu.wait_dma2 semaphore(%run_scoped3A_21 : memref<!tpu.dma_semaphore, #tpu.memory_space<semaphore_mem>>) src(%arg16 : memref<10240xf32, #tpu.memory_space<vmem>>) dst(%dma_wait3A_31 : memref<10240xf32, #tpu.memory_space<hbm>>)
      tpu.yield
    }) : () -> ()
    return
  }
}

#map = affine_map<(d0, d1) -> (0)>
#map1 = affine_map<(d0, d1) -> (0, 0)>
#map2 = affine_map<(d0, d1) -> (0, 0, 0)>
module attributes {stable_mosaic.version = 14 : i64} {
  func.func @_k4(%arg0: i32, %arg1: i32, %arg2: memref<331776xi32, #tpu.memory_space<hbm>>, %arg3: memref<331776xi32, #tpu.memory_space<hbm>>, %arg4: memref<331776xf32, #tpu.memory_space<hbm>>, %arg5: memref<20000x128xf32, #tpu.memory_space<hbm>>, %arg6: memref<640x128xf32, #tpu.memory_space<hbm>>, %arg7: memref<2x10240x128xf32, #tpu.memory_space<hbm>>, %arg8: memref<10368xi32, #tpu.memory_space<vmem>>, %arg9: memref<10368xi32, #tpu.memory_space<vmem>>, %arg10: memref<10368xf32, #tpu.memory_space<vmem>>, %arg11: memref<128xi32, #tpu.memory_space<vmem>>, %arg12: memref<128xi32, #tpu.memory_space<vmem>>, %arg13: memref<128x128xf32, #tpu.memory_space<vmem>>, %arg14: memref<10240x128xf32, #tpu.memory_space<vmem_shared>>, %arg15: memref<!tpu.dma_semaphore, #tpu.memory_space<semaphore_mem>>) attributes {dimension_semantics = [#tpu.dimension_semantics<core_parallel>, #tpu.dimension_semantics<subcore_parallel>], iteration_bounds = array<i64: 2, 16>, scalar_prefetch = 0 : i64, scratch_operands = 8 : i64, tpu.core_type = #tpu.core_type<sc_vector_subcore>, window_params = [{transform_indices = #map}, {transform_indices = #map}, {transform_indices = #map}, {transform_indices = #map1}, {transform_indices = #map1}, {transform_indices = #map2}]} {
    %mul3A = arith.constant 2 : i32
    %mul3A_0 = arith.muli %arg1, %mul3A : i32
    %add3A = arith.addi %mul3A_0, %arg0 : i32
    %mul3A_1 = arith.constant 10368 : i32
    %mul3A_2 = arith.muli %add3A, %mul3A_1 : i32
    "tpu.region"() ({
      %run_scoped3A = tpu.sem_alloc : memref<!tpu.dma_semaphore, #tpu.memory_space<semaphore_mem>>
      %dma_start3A = tpu.memref_slice %arg2[%mul3A_2] : memref<331776xi32, #tpu.memory_space<hbm>> -> memref<10368xi32, #tpu.memory_space<hbm>>
      %dma_start3A_16 = tpu.memref_slice %arg2[%mul3A_2] : memref<331776xi32, #tpu.memory_space<hbm>> -> memref<10368xi32, #tpu.memory_space<hbm>>
      tpu.enqueue_dma source(%dma_start3A_16 : memref<10368xi32, #tpu.memory_space<hbm>>) target(%arg8 : memref<10368xi32, #tpu.memory_space<vmem>>) target_semaphore(%run_scoped3A : memref<!tpu.dma_semaphore, #tpu.memory_space<semaphore_mem>>)
      %dma_wait3A = tpu.memref_slice %arg2[%mul3A_2] : memref<331776xi32, #tpu.memory_space<hbm>> -> memref<10368xi32, #tpu.memory_space<hbm>>
      %dma_wait3A_17 = tpu.memref_slice %arg2[%mul3A_2] : memref<331776xi32, #tpu.memory_space<hbm>> -> memref<10368xi32, #tpu.memory_space<hbm>>
      tpu.wait_dma2 semaphore(%run_scoped3A : memref<!tpu.dma_semaphore, #tpu.memory_space<semaphore_mem>>) src(%dma_wait3A_17 : memref<10368xi32, #tpu.memory_space<hbm>>) dst(%arg8 : memref<10368xi32, #tpu.memory_space<vmem>>)
      tpu.yield
    }) : () -> ()
    "tpu.region"() ({
      %run_scoped3A = tpu.sem_alloc : memref<!tpu.dma_semaphore, #tpu.memory_space<semaphore_mem>>
      %dma_start3A = tpu.memref_slice %arg3[%mul3A_2] : memref<331776xi32, #tpu.memory_space<hbm>> -> memref<10368xi32, #tpu.memory_space<hbm>>
      %dma_start3A_16 = tpu.memref_slice %arg3[%mul3A_2] : memref<331776xi32, #tpu.memory_space<hbm>> -> memref<10368xi32, #tpu.memory_space<hbm>>
      tpu.enqueue_dma source(%dma_start3A_16 : memref<10368xi32, #tpu.memory_space<hbm>>) target(%arg9 : memref<10368xi32, #tpu.memory_space<vmem>>) target_semaphore(%run_scoped3A : memref<!tpu.dma_semaphore, #tpu.memory_space<semaphore_mem>>)
      %dma_wait3A = tpu.memref_slice %arg3[%mul3A_2] : memref<331776xi32, #tpu.memory_space<hbm>> -> memref<10368xi32, #tpu.memory_space<hbm>>
      %dma_wait3A_17 = tpu.memref_slice %arg3[%mul3A_2] : memref<331776xi32, #tpu.memory_space<hbm>> -> memref<10368xi32, #tpu.memory_space<hbm>>
      tpu.wait_dma2 semaphore(%run_scoped3A : memref<!tpu.dma_semaphore, #tpu.memory_space<semaphore_mem>>) src(%dma_wait3A_17 : memref<10368xi32, #tpu.memory_space<hbm>>) dst(%arg9 : memref<10368xi32, #tpu.memory_space<vmem>>)
      tpu.yield
    }) : () -> ()
    "tpu.region"() ({
      %run_scoped3A = tpu.sem_alloc : memref<!tpu.dma_semaphore, #tpu.memory_space<semaphore_mem>>
      %dma_start3A = tpu.memref_slice %arg4[%mul3A_2] : memref<331776xf32, #tpu.memory_space<hbm>> -> memref<10368xf32, #tpu.memory_space<hbm>>
      %dma_start3A_16 = tpu.memref_slice %arg4[%mul3A_2] : memref<331776xf32, #tpu.memory_space<hbm>> -> memref<10368xf32, #tpu.memory_space<hbm>>
      tpu.enqueue_dma source(%dma_start3A_16 : memref<10368xf32, #tpu.memory_space<hbm>>) target(%arg10 : memref<10368xf32, #tpu.memory_space<vmem>>) target_semaphore(%run_scoped3A : memref<!tpu.dma_semaphore, #tpu.memory_space<semaphore_mem>>)
      %dma_wait3A = tpu.memref_slice %arg4[%mul3A_2] : memref<331776xf32, #tpu.memory_space<hbm>> -> memref<10368xf32, #tpu.memory_space<hbm>>
      %dma_wait3A_17 = tpu.memref_slice %arg4[%mul3A_2] : memref<331776xf32, #tpu.memory_space<hbm>> -> memref<10368xf32, #tpu.memory_space<hbm>>
      tpu.wait_dma2 semaphore(%run_scoped3A : memref<!tpu.dma_semaphore, #tpu.memory_space<semaphore_mem>>) src(%dma_wait3A_17 : memref<10368xf32, #tpu.memory_space<hbm>>) dst(%arg10 : memref<10368xf32, #tpu.memory_space<vmem>>)
      tpu.yield
    }) : () -> ()
    %mul3A_3 = arith.constant 640 : i32
    %mul3A_4 = arith.muli %arg1, %mul3A_3 : i32
    "tpu.region"() ({
      %run_scoped3A = tpu.sem_alloc : memref<!tpu.dma_semaphore, #tpu.memory_space<semaphore_mem>>
      %dma_start3A = arith.constant 0 : i32
      %dma_start3A_16 = tpu.memref_slice %arg14[%mul3A_4, %dma_start3A] : memref<10240x128xf32, #tpu.memory_space<vmem_shared>> -> memref<640x128xf32, #tpu.memory_space<vmem_shared>>
      tpu.enqueue_dma source(%arg6 : memref<640x128xf32, #tpu.memory_space<hbm>>) target(%dma_start3A_16 : memref<640x128xf32, #tpu.memory_space<vmem_shared>>) target_semaphore(%run_scoped3A : memref<!tpu.dma_semaphore, #tpu.memory_space<semaphore_mem>>)
      %dma_wait3A = arith.constant 0 : i32
      %dma_wait3A_17 = tpu.memref_slice %arg14[%mul3A_4, %dma_wait3A] : memref<10240x128xf32, #tpu.memory_space<vmem_shared>> -> memref<640x128xf32, #tpu.memory_space<vmem_shared>>
      tpu.wait_dma2 semaphore(%run_scoped3A : memref<!tpu.dma_semaphore, #tpu.memory_space<semaphore_mem>>) src(%arg6 : memref<640x128xf32, #tpu.memory_space<hbm>>) dst(%dma_wait3A_17 : memref<640x128xf32, #tpu.memory_space<vmem_shared>>)
      tpu.yield
    }) : () -> ()
    %barrier3A = arith.constant 0 : index
    tpu.barrier barrier_id(%barrier3A)
    %scan3A = arith.constant 0 : i32
    %scan3A_5 = arith.constant 0 : i32
    %scan3A_6 = arith.constant 81 : i32
    %scan3A_7 = arith.addi %scan3A_5, %scan3A_6 : i32
    %scan3A_8 = arith.constant 1 : i32
    %scan3A_9 = scf.for %scan3A_16 = %scan3A_5 to %scan3A_7 step %scan3A_8 iter_args(%scan3A_17 = %scan3A) -> (i32)  : i32 {
      %mul3A_18 = arith.constant 128 : i32
      %mul3A_19 = arith.muli %scan3A_16, %mul3A_18 : i32
      %add3A_20 = arith.constant 0 : i32
      %add3A_21 = arith.addi %mul3A_19, %add3A_20 : i32
      %get3A = arith.index_cast %add3A_21 : i32 to index
      %get3A_22 = tpu.vector_load %arg8[%get3A] {strides = array<i32>} : memref<10368xi32, #tpu.memory_space<vmem>>, vector<16xi32>,
      %add3A_23 = arith.constant 0 : i32
      %add3A_24 = vector.broadcast %add3A_23 : i32 to vector<16xi32>
      %add3A_25 = arith.addi %get3A_22, %add3A_24 : vector<16xi32>
      %swap3A = arith.constant 0 : index
      %swap3A_26 = tpu.vector_load %arg11[%swap3A] {strides = array<i32>} : memref<128xi32, #tpu.memory_space<vmem>>, vector<16xi32>,
      tpu.vector_store %arg11[%swap3A], %add3A_25 {strides = array<i32>} : memref<128xi32, #tpu.memory_space<vmem>>, vector<16xi32>,
      %add3A_27 = arith.constant 0 : i32
      %add3A_28 = arith.addi %mul3A_19, %add3A_27 : i32
      %get3A_29 = arith.index_cast %add3A_28 : i32 to index
      %get3A_30 = tpu.vector_load %arg9[%get3A_29] {strides = array<i32>} : memref<10368xi32, #tpu.memory_space<vmem>>, vector<16xi32>,
      %swap3A_31 = arith.constant 0 : index
      %swap3A_32 = tpu.vector_load %arg12[%swap3A_31] {strides = array<i32>} : memref<128xi32, #tpu.memory_space<vmem>>, vector<16xi32>,
      tpu.vector_store %arg12[%swap3A_31], %get3A_30 {strides = array<i32>} : memref<128xi32, #tpu.memory_space<vmem>>, vector<16xi32>,
      %add3A_33 = arith.constant 16 : i32
      %add3A_34 = arith.addi %mul3A_19, %add3A_33 : i32
      %get3A_35 = arith.index_cast %add3A_34 : i32 to index
      %get3A_36 = tpu.vector_load %arg8[%get3A_35] {strides = array<i32>} : memref<10368xi32, #tpu.memory_space<vmem>>, vector<16xi32>,
      %add3A_37 = arith.constant 0 : i32
      %add3A_38 = vector.broadcast %add3A_37 : i32 to vector<16xi32>
      %add3A_39 = arith.addi %get3A_36, %add3A_38 : vector<16xi32>
      %swap3A_40 = arith.constant 16 : index
      %swap3A_41 = tpu.vector_load %arg11[%swap3A_40] {strides = array<i32>} : memref<128xi32, #tpu.memory_space<vmem>>, vector<16xi32>,
      tpu.vector_store %arg11[%swap3A_40], %add3A_39 {strides = array<i32>} : memref<128xi32, #tpu.memory_space<vmem>>, vector<16xi32>,
      %add3A_42 = arith.constant 16 : i32
      %add3A_43 = arith.addi %mul3A_19, %add3A_42 : i32
      %get3A_44 = arith.index_cast %add3A_43 : i32 to index
      %get3A_45 = tpu.vector_load %arg9[%get3A_44] {strides = array<i32>} : memref<10368xi32, #tpu.memory_space<vmem>>, vector<16xi32>,
      %swap3A_46 = arith.constant 16 : index
      %swap3A_47 = tpu.vector_load %arg12[%swap3A_46] {strides = array<i32>} : memref<128xi32, #tpu.memory_space<vmem>>, vector<16xi32>,
      tpu.vector_store %arg12[%swap3A_46], %get3A_45 {strides = array<i32>} : memref<128xi32, #tpu.memory_space<vmem>>, vector<16xi32>,
      %add3A_48 = arith.constant 32 : i32
      %add3A_49 = arith.addi %mul3A_19, %add3A_48 : i32
      %get3A_50 = arith.index_cast %add3A_49 : i32 to index
      %get3A_51 = tpu.vector_load %arg8[%get3A_50] {strides = array<i32>} : memref<10368xi32, #tpu.memory_space<vmem>>, vector<16xi32>,
      %add3A_52 = arith.constant 0 : i32
      %add3A_53 = vector.broadcast %add3A_52 : i32 to vector<16xi32>
      %add3A_54 = arith.addi %get3A_51, %add3A_53 : vector<16xi32>
      %swap3A_55 = arith.constant 32 : index
      %swap3A_56 = tpu.vector_load %arg11[%swap3A_55] {strides = array<i32>} : memref<128xi32, #tpu.memory_space<vmem>>, vector<16xi32>,
      tpu.vector_store %arg11[%swap3A_55], %add3A_54 {strides = array<i32>} : memref<128xi32, #tpu.memory_space<vmem>>, vector<16xi32>,
      %add3A_57 = arith.constant 32 : i32
      %add3A_58 = arith.addi %mul3A_19, %add3A_57 : i32
      %get3A_59 = arith.index_cast %add3A_58 : i32 to index
      %get3A_60 = tpu.vector_load %arg9[%get3A_59] {strides = array<i32>} : memref<10368xi32, #tpu.memory_space<vmem>>, vector<16xi32>,
      %swap3A_61 = arith.constant 32 : index
      %swap3A_62 = tpu.vector_load %arg12[%swap3A_61] {strides = array<i32>} : memref<128xi32, #tpu.memory_space<vmem>>, vector<16xi32>,
      tpu.vector_store %arg12[%swap3A_61], %get3A_60 {strides = array<i32>} : memref<128xi32, #tpu.memory_space<vmem>>, vector<16xi32>,
      %add3A_63 = arith.constant 48 : i32
      %add3A_64 = arith.addi %mul3A_19, %add3A_63 : i32
      %get3A_65 = arith.index_cast %add3A_64 : i32 to index
      %get3A_66 = tpu.vector_load %arg8[%get3A_65] {strides = array<i32>} : memref<10368xi32, #tpu.memory_space<vmem>>, vector<16xi32>,
      %add3A_67 = arith.constant 0 : i32
      %add3A_68 = vector.broadcast %add3A_67 : i32 to vector<16xi32>
      %add3A_69 = arith.addi %get3A_66, %add3A_68 : vector<16xi32>
      %swap3A_70 = arith.constant 48 : index
      %swap3A_71 = tpu.vector_load %arg11[%swap3A_70] {strides = array<i32>} : memref<128xi32, #tpu.memory_space<vmem>>, vector<16xi32>,
      tpu.vector_store %arg11[%swap3A_70], %add3A_69 {strides = array<i32>} : memref<128xi32, #tpu.memory_space<vmem>>, vector<16xi32>,
      %add3A_72 = arith.constant 48 : i32
      %add3A_73 = arith.addi %mul3A_19, %add3A_72 : i32
      %get3A_74 = arith.index_cast %add3A_73 : i32 to index
      %get3A_75 = tpu.vector_load %arg9[%get3A_74] {strides = array<i32>} : memref<10368xi32, #tpu.memory_space<vmem>>, vector<16xi32>,
      %swap3A_76 = arith.constant 48 : index
      %swap3A_77 = tpu.vector_load %arg12[%swap3A_76] {strides = array<i32>} : memref<128xi32, #tpu.memory_space<vmem>>, vector<16xi32>,
      tpu.vector_store %arg12[%swap3A_76], %get3A_75 {strides = array<i32>} : memref<128xi32, #tpu.memory_space<vmem>>, vector<16xi32>,
      %add3A_78 = arith.constant 64 : i32
      %add3A_79 = arith.addi %mul3A_19, %add3A_78 : i32
      %get3A_80 = arith.index_cast %add3A_79 : i32 to index
      %get3A_81 = tpu.vector_load %arg8[%get3A_80] {strides = array<i32>} : memref<10368xi32, #tpu.memory_space<vmem>>, vector<16xi32>,
      %add3A_82 = arith.constant 0 : i32
      %add3A_83 = vector.broadcast %add3A_82 : i32 to vector<16xi32>
      %add3A_84 = arith.addi %get3A_81, %add3A_83 : vector<16xi32>
      %swap3A_85 = arith.constant 64 : index
      %swap3A_86 = tpu.vector_load %arg11[%swap3A_85] {strides = array<i32>} : memref<128xi32, #tpu.memory_space<vmem>>, vector<16xi32>,
      tpu.vector_store %arg11[%swap3A_85], %add3A_84 {strides = array<i32>} : memref<128xi32, #tpu.memory_space<vmem>>, vector<16xi32>,
      %add3A_87 = arith.constant 64 : i32
      %add3A_88 = arith.addi %mul3A_19, %add3A_87 : i32
      %get3A_89 = arith.index_cast %add3A_88 : i32 to index
      %get3A_90 = tpu.vector_load %arg9[%get3A_89] {strides = array<i32>} : memref<10368xi32, #tpu.memory_space<vmem>>, vector<16xi32>,
      %swap3A_91 = arith.constant 64 : index
      %swap3A_92 = tpu.vector_load %arg12[%swap3A_91] {strides = array<i32>} : memref<128xi32, #tpu.memory_space<vmem>>, vector<16xi32>,
      tpu.vector_store %arg12[%swap3A_91], %get3A_90 {strides = array<i32>} : memref<128xi32, #tpu.memory_space<vmem>>, vector<16xi32>,
      %add3A_93 = arith.constant 80 : i32
      %add3A_94 = arith.addi %mul3A_19, %add3A_93 : i32
      %get3A_95 = arith.index_cast %add3A_94 : i32 to index
      %get3A_96 = tpu.vector_load %arg8[%get3A_95] {strides = array<i32>} : memref<10368xi32, #tpu.memory_space<vmem>>, vector<16xi32>,
      %add3A_97 = arith.constant 0 : i32
      %add3A_98 = vector.broadcast %add3A_97 : i32 to vector<16xi32>
      %add3A_99 = arith.addi %get3A_96, %add3A_98 : vector<16xi32>
      %swap3A_100 = arith.constant 80 : index
      %swap3A_101 = tpu.vector_load %arg11[%swap3A_100] {strides = array<i32>} : memref<128xi32, #tpu.memory_space<vmem>>, vector<16xi32>,
      tpu.vector_store %arg11[%swap3A_100], %add3A_99 {strides = array<i32>} : memref<128xi32, #tpu.memory_space<vmem>>, vector<16xi32>,
      %add3A_102 = arith.constant 80 : i32
      %add3A_103 = arith.addi %mul3A_19, %add3A_102 : i32
      %get3A_104 = arith.index_cast %add3A_103 : i32 to index
      %get3A_105 = tpu.vector_load %arg9[%get3A_104] {strides = array<i32>} : memref<10368xi32, #tpu.memory_space<vmem>>, vector<16xi32>,
      %swap3A_106 = arith.constant 80 : index
      %swap3A_107 = tpu.vector_load %arg12[%swap3A_106] {strides = array<i32>} : memref<128xi32, #tpu.memory_space<vmem>>, vector<16xi32>,
      tpu.vector_store %arg12[%swap3A_106], %get3A_105 {strides = array<i32>} : memref<128xi32, #tpu.memory_space<vmem>>, vector<16xi32>,
      %add3A_108 = arith.constant 96 : i32
      %add3A_109 = arith.addi %mul3A_19, %add3A_108 : i32
      %get3A_110 = arith.index_cast %add3A_109 : i32 to index
      %get3A_111 = tpu.vector_load %arg8[%get3A_110] {strides = array<i32>} : memref<10368xi32, #tpu.memory_space<vmem>>, vector<16xi32>,
      %add3A_112 = arith.constant 0 : i32
      %add3A_113 = vector.broadcast %add3A_112 : i32 to vector<16xi32>
      %add3A_114 = arith.addi %get3A_111, %add3A_113 : vector<16xi32>
      %swap3A_115 = arith.constant 96 : index
      %swap3A_116 = tpu.vector_load %arg11[%swap3A_115] {strides = array<i32>} : memref<128xi32, #tpu.memory_space<vmem>>, vector<16xi32>,
      tpu.vector_store %arg11[%swap3A_115], %add3A_114 {strides = array<i32>} : memref<128xi32, #tpu.memory_space<vmem>>, vector<16xi32>,
      %add3A_117 = arith.constant 96 : i32
      %add3A_118 = arith.addi %mul3A_19, %add3A_117 : i32
      %get3A_119 = arith.index_cast %add3A_118 : i32 to index
      %get3A_120 = tpu.vector_load %arg9[%get3A_119] {strides = array<i32>} : memref<10368xi32, #tpu.memory_space<vmem>>, vector<16xi32>,
      %swap3A_121 = arith.constant 96 : index
      %swap3A_122 = tpu.vector_load %arg12[%swap3A_121] {strides = array<i32>} : memref<128xi32, #tpu.memory_space<vmem>>, vector<16xi32>,
      tpu.vector_store %arg12[%swap3A_121], %get3A_120 {strides = array<i32>} : memref<128xi32, #tpu.memory_space<vmem>>, vector<16xi32>,
      %add3A_123 = arith.constant 112 : i32
      %add3A_124 = arith.addi %mul3A_19, %add3A_123 : i32
      %get3A_125 = arith.index_cast %add3A_124 : i32 to index
      %get3A_126 = tpu.vector_load %arg8[%get3A_125] {strides = array<i32>} : memref<10368xi32, #tpu.memory_space<vmem>>, vector<16xi32>,
      %add3A_127 = arith.constant 0 : i32
      %add3A_128 = vector.broadcast %add3A_127 : i32 to vector<16xi32>
      %add3A_129 = arith.addi %get3A_126, %add3A_128 : vector<16xi32>
      %swap3A_130 = arith.constant 112 : index
      %swap3A_131 = tpu.vector_load %arg11[%swap3A_130] {strides = array<i32>} : memref<128xi32, #tpu.memory_space<vmem>>, vector<16xi32>,
      tpu.vector_store %arg11[%swap3A_130], %add3A_129 {strides = array<i32>} : memref<128xi32, #tpu.memory_space<vmem>>, vector<16xi32>,
      %add3A_132 = arith.constant 112 : i32
      %add3A_133 = arith.addi %mul3A_19, %add3A_132 : i32
      %get3A_134 = arith.index_cast %add3A_133 : i32 to index
      %get3A_135 = tpu.vector_load %arg9[%get3A_134] {strides = array<i32>} : memref<10368xi32, #tpu.memory_space<vmem>>, vector<16xi32>,
      %swap3A_136 = arith.constant 112 : index
      %swap3A_137 = tpu.vector_load %arg12[%swap3A_136] {strides = array<i32>} : memref<128xi32, #tpu.memory_space<vmem>>, vector<16xi32>,
      tpu.vector_store %arg12[%swap3A_136], %get3A_135 {strides = array<i32>} : memref<128xi32, #tpu.memory_space<vmem>>, vector<16xi32>,
      %dma_start3A = arith.constant 0 : i32
      %dma_start3A_138 = arith.constant 0 : i32
      %dma_start3A_139 = tpu.memref_slice %arg5[%dma_start3A, %dma_start3A_138] : memref<20000x128xf32, #tpu.memory_space<hbm>> -> memref<20000x128xf32, #tpu.memory_space<hbm>>
      tpu.enqueue_indirect_dma source(%dma_start3A_139 : memref<20000x128xf32, #tpu.memory_space<hbm>>) target(%arg13 : memref<128x128xf32, #tpu.memory_space<vmem>>) offsets(%arg11 : memref<128xi32, #tpu.memory_space<vmem>>) semaphore(%arg15 : memref<!tpu.dma_semaphore, #tpu.memory_space<semaphore_mem>>)
      %dma_wait3A = arith.constant 0 : i32
      %dma_wait3A_140 = arith.constant 0 : i32
      %dma_wait3A_141 = tpu.memref_slice %arg5[%dma_wait3A, %dma_wait3A_140] : memref<20000x128xf32, #tpu.memory_space<hbm>> -> memref<20000x128xf32, #tpu.memory_space<hbm>>
      tpu.wait_indirect_dma semaphore(%arg15 : memref<!tpu.dma_semaphore, #tpu.memory_space<semaphore_mem>>) src(%dma_wait3A_141 : memref<20000x128xf32, #tpu.memory_space<hbm>>) dst(%arg13 : memref<128x128xf32, #tpu.memory_space<vmem>>)
      %scan3A_142 = arith.constant 0 : i32
      %scan3A_143 = arith.constant 0 : i32
      %scan3A_144 = arith.constant 128 : i32
      %scan3A_145 = arith.addi %scan3A_143, %scan3A_144 : i32
      %scan3A_146 = arith.constant 1 : i32
      %scan3A_147 = scf.for %scan3A_150 = %scan3A_143 to %scan3A_145 step %scan3A_146 iter_args(%scan3A_151 = %scan3A_142) -> (i32)  : i32 {
        %add3A_152 = arith.addi %mul3A_19, %scan3A_150 : i32
        %broadcast_in_dim3A = vector.broadcast %add3A_152 : i32 to vector<16xi32>
        %gather3A = tpu.vector_load_idx %arg10[%broadcast_in_dim3A] : memref<10368xf32, #tpu.memory_space<vmem>>[vector<16xi32>], vector<16xf32>,
        %get3A_153 = arith.index_cast %scan3A_150 : i32 to index
        %get3A_154 = arith.constant 0 : index
        %get3A_155 = tpu.vector_load %arg13[%get3A_153, %get3A_154] {strides = array<i32>} : memref<128x128xf32, #tpu.memory_space<vmem>>, vector<16xf32>,
        %mul3A_156 = arith.mulf %get3A_155, %gather3A : vector<16xf32>
        %swap3A_157 = arith.index_cast %scan3A_150 : i32 to index
        %swap3A_158 = arith.constant 0 : index
        %swap3A_159 = tpu.vector_load %arg13[%swap3A_157, %swap3A_158] {strides = array<i32>} : memref<128x128xf32, #tpu.memory_space<vmem>>, vector<16xf32>,
        tpu.vector_store %arg13[%swap3A_157, %swap3A_158], %mul3A_156 {strides = array<i32>} : memref<128x128xf32, #tpu.memory_space<vmem>>, vector<16xf32>,
        %get3A_160 = arith.index_cast %scan3A_150 : i32 to index
        %get3A_161 = arith.constant 16 : index
        %get3A_162 = tpu.vector_load %arg13[%get3A_160, %get3A_161] {strides = array<i32>} : memref<128x128xf32, #tpu.memory_space<vmem>>, vector<16xf32>,
        %mul3A_163 = arith.mulf %get3A_162, %gather3A : vector<16xf32>
        %swap3A_164 = arith.index_cast %scan3A_150 : i32 to index
        %swap3A_165 = arith.constant 16 : index
        %swap3A_166 = tpu.vector_load %arg13[%swap3A_164, %swap3A_165] {strides = array<i32>} : memref<128x128xf32, #tpu.memory_space<vmem>>, vector<16xf32>,
        tpu.vector_store %arg13[%swap3A_164, %swap3A_165], %mul3A_163 {strides = array<i32>} : memref<128x128xf32, #tpu.memory_space<vmem>>, vector<16xf32>,
        %get3A_167 = arith.index_cast %scan3A_150 : i32 to index
        %get3A_168 = arith.constant 32 : index
        %get3A_169 = tpu.vector_load %arg13[%get3A_167, %get3A_168] {strides = array<i32>} : memref<128x128xf32, #tpu.memory_space<vmem>>, vector<16xf32>,
        %mul3A_170 = arith.mulf %get3A_169, %gather3A : vector<16xf32>
        %swap3A_171 = arith.index_cast %scan3A_150 : i32 to index
        %swap3A_172 = arith.constant 32 : index
        %swap3A_173 = tpu.vector_load %arg13[%swap3A_171, %swap3A_172] {strides = array<i32>} : memref<128x128xf32, #tpu.memory_space<vmem>>, vector<16xf32>,
        tpu.vector_store %arg13[%swap3A_171, %swap3A_172], %mul3A_170 {strides = array<i32>} : memref<128x128xf32, #tpu.memory_space<vmem>>, vector<16xf32>,
        %get3A_174 = arith.index_cast %scan3A_150 : i32 to index
        %get3A_175 = arith.constant 48 : index
        %get3A_176 = tpu.vector_load %arg13[%get3A_174, %get3A_175] {strides = array<i32>} : memref<128x128xf32, #tpu.memory_space<vmem>>, vector<16xf32>,
        %mul3A_177 = arith.mulf %get3A_176, %gather3A : vector<16xf32>
        %swap3A_178 = arith.index_cast %scan3A_150 : i32 to index
        %swap3A_179 = arith.constant 48 : index
        %swap3A_180 = tpu.vector_load %arg13[%swap3A_178, %swap3A_179] {strides = array<i32>} : memref<128x128xf32, #tpu.memory_space<vmem>>, vector<16xf32>,
        tpu.vector_store %arg13[%swap3A_178, %swap3A_179], %mul3A_177 {strides = array<i32>} : memref<128x128xf32, #tpu.memory_space<vmem>>, vector<16xf32>,
        %get3A_181 = arith.index_cast %scan3A_150 : i32 to index
        %get3A_182 = arith.constant 64 : index
        %get3A_183 = tpu.vector_load %arg13[%get3A_181, %get3A_182] {strides = array<i32>} : memref<128x128xf32, #tpu.memory_space<vmem>>, vector<16xf32>,
        %mul3A_184 = arith.mulf %get3A_183, %gather3A : vector<16xf32>
        %swap3A_185 = arith.index_cast %scan3A_150 : i32 to index
        %swap3A_186 = arith.constant 64 : index
        %swap3A_187 = tpu.vector_load %arg13[%swap3A_185, %swap3A_186] {strides = array<i32>} : memref<128x128xf32, #tpu.memory_space<vmem>>, vector<16xf32>,
        tpu.vector_store %arg13[%swap3A_185, %swap3A_186], %mul3A_184 {strides = array<i32>} : memref<128x128xf32, #tpu.memory_space<vmem>>, vector<16xf32>,
        %get3A_188 = arith.index_cast %scan3A_150 : i32 to index
        %get3A_189 = arith.constant 80 : index
        %get3A_190 = tpu.vector_load %arg13[%get3A_188, %get3A_189] {strides = array<i32>} : memref<128x128xf32, #tpu.memory_space<vmem>>, vector<16xf32>,
        %mul3A_191 = arith.mulf %get3A_190, %gather3A : vector<16xf32>
        %swap3A_192 = arith.index_cast %scan3A_150 : i32 to index
        %swap3A_193 = arith.constant 80 : index
        %swap3A_194 = tpu.vector_load %arg13[%swap3A_192, %swap3A_193] {strides = array<i32>} : memref<128x128xf32, #tpu.memory_space<vmem>>, vector<16xf32>,
        tpu.vector_store %arg13[%swap3A_192, %swap3A_193], %mul3A_191 {strides = array<i32>} : memref<128x128xf32, #tpu.memory_space<vmem>>, vector<16xf32>,
        %get3A_195 = arith.index_cast %scan3A_150 : i32 to index
        %get3A_196 = arith.constant 96 : index
        %get3A_197 = tpu.vector_load %arg13[%get3A_195, %get3A_196] {strides = array<i32>} : memref<128x128xf32, #tpu.memory_space<vmem>>, vector<16xf32>,
        %mul3A_198 = arith.mulf %get3A_197, %gather3A : vector<16xf32>
        %swap3A_199 = arith.index_cast %scan3A_150 : i32 to index
        %swap3A_200 = arith.constant 96 : index
        %swap3A_201 = tpu.vector_load %arg13[%swap3A_199, %swap3A_200] {strides = array<i32>} : memref<128x128xf32, #tpu.memory_space<vmem>>, vector<16xf32>,
        tpu.vector_store %arg13[%swap3A_199, %swap3A_200], %mul3A_198 {strides = array<i32>} : memref<128x128xf32, #tpu.memory_space<vmem>>, vector<16xf32>,
        %get3A_202 = arith.index_cast %scan3A_150 : i32 to index
        %get3A_203 = arith.constant 112 : index
        %get3A_204 = tpu.vector_load %arg13[%get3A_202, %get3A_203] {strides = array<i32>} : memref<128x128xf32, #tpu.memory_space<vmem>>, vector<16xf32>,
        %mul3A_205 = arith.mulf %get3A_204, %gather3A : vector<16xf32>
        %swap3A_206 = arith.index_cast %scan3A_150 : i32 to index
        %swap3A_207 = arith.constant 112 : index
        %swap3A_208 = tpu.vector_load %arg13[%swap3A_206, %swap3A_207] {strides = array<i32>} : memref<128x128xf32, #tpu.memory_space<vmem>>, vector<16xf32>,
        tpu.vector_store %arg13[%swap3A_206, %swap3A_207], %mul3A_205 {strides = array<i32>} : memref<128x128xf32, #tpu.memory_space<vmem>>, vector<16xf32>,
        %scan3A_209 = arith.constant 0 : i32
        scf.yield %scan3A_209 : i32
      }
      %scan3A_148 = arith.constant 128 : i32
      "tpu.region"() ({
        %run_scoped3A = tpu.sem_alloc : memref<!tpu.dma_semaphore, #tpu.memory_space<semaphore_mem>>
        %dma_start3A_150 = arith.constant 0 : i32
        %dma_start3A_151 = arith.constant 0 : i32
        %dma_start3A_152 = tpu.memref_slice %arg14[%dma_start3A_150, %dma_start3A_151] : memref<10240x128xf32, #tpu.memory_space<vmem_shared>> -> memref<10240x128xf32, #tpu.memory_space<vmem_shared>>
        tpu.enqueue_indirect_dma source(%arg13 : memref<128x128xf32, #tpu.memory_space<vmem>>) target(%dma_start3A_152 : memref<10240x128xf32, #tpu.memory_space<vmem_shared>>) offsets(%arg12 : memref<128xi32, #tpu.memory_space<vmem>>) semaphore(%run_scoped3A : memref<!tpu.dma_semaphore, #tpu.memory_space<semaphore_mem>>) {add = true}
        %dma_wait3A_153 = arith.constant 0 : i32
        %dma_wait3A_154 = arith.constant 0 : i32
        %dma_wait3A_155 = tpu.memref_slice %arg14[%dma_wait3A_153, %dma_wait3A_154] : memref<10240x128xf32, #tpu.memory_space<vmem_shared>> -> memref<10240x128xf32, #tpu.memory_space<vmem_shared>>
        tpu.wait_indirect_dma semaphore(%run_scoped3A : memref<!tpu.dma_semaphore, #tpu.memory_space<semaphore_mem>>) src(%arg13 : memref<128x128xf32, #tpu.memory_space<vmem>>) dst(%dma_wait3A_155 : memref<10240x128xf32, #tpu.memory_space<vmem_shared>>)
        tpu.yield
      }) : () -> ()
      %scan3A_149 = arith.constant 0 : i32
      scf.yield %scan3A_149 : i32
    }
    %scan3A_10 = arith.constant 81 : i32
    %barrier3A_11 = arith.constant 0 : index
    tpu.barrier barrier_id(%barrier3A_11)
    %mul3A_12 = arith.constant 640 : i32
    %mul3A_13 = arith.muli %arg1, %mul3A_12 : i32
    %mul3A_14 = arith.constant 640 : i32
    %mul3A_15 = arith.muli %arg1, %mul3A_14 : i32
    "tpu.region"() ({
      %run_scoped3A = tpu.sem_alloc : memref<!tpu.dma_semaphore, #tpu.memory_space<semaphore_mem>>
      %dma_start3A = arith.constant 0 : i32
      %dma_start3A_16 = tpu.memref_slice %arg7[%arg0, %mul3A_15, %dma_start3A] : memref<2x10240x128xf32, #tpu.memory_space<hbm>> -> memref<1x640x128xf32, #tpu.memory_space<hbm>>
      %dma_start3A_17 = tpu.memref_squeeze %dma_start3A_16 : memref<1x640x128xf32, #tpu.memory_space<hbm>> -> memref<640x128xf32, #tpu.memory_space<hbm>>
      %dma_start3A_18 = arith.constant 0 : i32
      %dma_start3A_19 = tpu.memref_slice %arg14[%mul3A_13, %dma_start3A_18] : memref<10240x128xf32, #tpu.memory_space<vmem_shared>> -> memref<640x128xf32, #tpu.memory_space<vmem_shared>>
      tpu.enqueue_dma source(%dma_start3A_19 : memref<640x128xf32, #tpu.memory_space<vmem_shared>>) target(%dma_start3A_17 : memref<640x128xf32, #tpu.memory_space<hbm>>) target_semaphore(%run_scoped3A : memref<!tpu.dma_semaphore, #tpu.memory_space<semaphore_mem>>)
      %dma_wait3A = arith.constant 0 : i32
      %dma_wait3A_20 = tpu.memref_slice %arg7[%arg0, %mul3A_15, %dma_wait3A] : memref<2x10240x128xf32, #tpu.memory_space<hbm>> -> memref<1x640x128xf32, #tpu.memory_space<hbm>>
      %dma_wait3A_21 = tpu.memref_squeeze %dma_wait3A_20 : memref<1x640x128xf32, #tpu.memory_space<hbm>> -> memref<640x128xf32, #tpu.memory_space<hbm>>
      %dma_wait3A_22 = arith.constant 0 : i32
      %dma_wait3A_23 = tpu.memref_slice %arg14[%mul3A_13, %dma_wait3A_22] : memref<10240x128xf32, #tpu.memory_space<vmem_shared>> -> memref<640x128xf32, #tpu.memory_space<vmem_shared>>
      tpu.wait_dma2 semaphore(%run_scoped3A : memref<!tpu.dma_semaphore, #tpu.memory_space<semaphore_mem>>) src(%dma_wait3A_23 : memref<640x128xf32, #tpu.memory_space<vmem_shared>>) dst(%dma_wait3A_21 : memref<640x128xf32, #tpu.memory_space<hbm>>)
      tpu.yield
    }) : () -> ()
    return
  }
}

#map = affine_map<(d0, d1) -> (0)>
#map1 = affine_map<(d0, d1) -> (0, 0)>
#map2 = affine_map<(d0, d1) -> (0, 0, 0)>
module attributes {stable_mosaic.version = 14 : i64} {
  func.func @_k4(%arg0: i32, %arg1: i32, %arg2: memref<331776xi32, #tpu.memory_space<hbm>>, %arg3: memref<331776xi32, #tpu.memory_space<hbm>>, %arg4: memref<331776xf32, #tpu.memory_space<hbm>>, %arg5: memref<20000x128xf32, #tpu.memory_space<hbm>>, %arg6: memref<640x128xf32, #tpu.memory_space<hbm>>, %arg7: memref<2x10240x128xf32, #tpu.memory_space<hbm>>, %arg8: memref<10368xi32, #tpu.memory_space<vmem>>, %arg9: memref<10368xi32, #tpu.memory_space<vmem>>, %arg10: memref<10368xf32, #tpu.memory_space<vmem>>, %arg11: memref<128xi32, #tpu.memory_space<vmem>>, %arg12: memref<128xi32, #tpu.memory_space<vmem>>, %arg13: memref<128x128xf32, #tpu.memory_space<vmem>>, %arg14: memref<10240x128xf32, #tpu.memory_space<vmem_shared>>, %arg15: memref<!tpu.dma_semaphore, #tpu.memory_space<semaphore_mem>>) attributes {dimension_semantics = [#tpu.dimension_semantics<core_parallel>, #tpu.dimension_semantics<subcore_parallel>], iteration_bounds = array<i64: 2, 16>, scalar_prefetch = 0 : i64, scratch_operands = 8 : i64, tpu.core_type = #tpu.core_type<sc_vector_subcore>, window_params = [{transform_indices = #map}, {transform_indices = #map}, {transform_indices = #map}, {transform_indices = #map1}, {transform_indices = #map1}, {transform_indices = #map2}]} {
    %mul3A = arith.constant 2 : i32
    %mul3A_0 = arith.muli %arg1, %mul3A : i32
    %add3A = arith.addi %mul3A_0, %arg0 : i32
    %mul3A_1 = arith.constant 10368 : i32
    %mul3A_2 = arith.muli %add3A, %mul3A_1 : i32
    "tpu.region"() ({
      %run_scoped3A = tpu.sem_alloc : memref<!tpu.dma_semaphore, #tpu.memory_space<semaphore_mem>>
      %dma_start3A = tpu.memref_slice %arg2[%mul3A_2] : memref<331776xi32, #tpu.memory_space<hbm>> -> memref<10368xi32, #tpu.memory_space<hbm>>
      %dma_start3A_16 = tpu.memref_slice %arg2[%mul3A_2] : memref<331776xi32, #tpu.memory_space<hbm>> -> memref<10368xi32, #tpu.memory_space<hbm>>
      tpu.enqueue_dma source(%dma_start3A_16 : memref<10368xi32, #tpu.memory_space<hbm>>) target(%arg8 : memref<10368xi32, #tpu.memory_space<vmem>>) target_semaphore(%run_scoped3A : memref<!tpu.dma_semaphore, #tpu.memory_space<semaphore_mem>>)
      %dma_wait3A = tpu.memref_slice %arg2[%mul3A_2] : memref<331776xi32, #tpu.memory_space<hbm>> -> memref<10368xi32, #tpu.memory_space<hbm>>
      %dma_wait3A_17 = tpu.memref_slice %arg2[%mul3A_2] : memref<331776xi32, #tpu.memory_space<hbm>> -> memref<10368xi32, #tpu.memory_space<hbm>>
      tpu.wait_dma2 semaphore(%run_scoped3A : memref<!tpu.dma_semaphore, #tpu.memory_space<semaphore_mem>>) src(%dma_wait3A_17 : memref<10368xi32, #tpu.memory_space<hbm>>) dst(%arg8 : memref<10368xi32, #tpu.memory_space<vmem>>)
      tpu.yield
    }) : () -> ()
    "tpu.region"() ({
      %run_scoped3A = tpu.sem_alloc : memref<!tpu.dma_semaphore, #tpu.memory_space<semaphore_mem>>
      %dma_start3A = tpu.memref_slice %arg3[%mul3A_2] : memref<331776xi32, #tpu.memory_space<hbm>> -> memref<10368xi32, #tpu.memory_space<hbm>>
      %dma_start3A_16 = tpu.memref_slice %arg3[%mul3A_2] : memref<331776xi32, #tpu.memory_space<hbm>> -> memref<10368xi32, #tpu.memory_space<hbm>>
      tpu.enqueue_dma source(%dma_start3A_16 : memref<10368xi32, #tpu.memory_space<hbm>>) target(%arg9 : memref<10368xi32, #tpu.memory_space<vmem>>) target_semaphore(%run_scoped3A : memref<!tpu.dma_semaphore, #tpu.memory_space<semaphore_mem>>)
      %dma_wait3A = tpu.memref_slice %arg3[%mul3A_2] : memref<331776xi32, #tpu.memory_space<hbm>> -> memref<10368xi32, #tpu.memory_space<hbm>>
      %dma_wait3A_17 = tpu.memref_slice %arg3[%mul3A_2] : memref<331776xi32, #tpu.memory_space<hbm>> -> memref<10368xi32, #tpu.memory_space<hbm>>
      tpu.wait_dma2 semaphore(%run_scoped3A : memref<!tpu.dma_semaphore, #tpu.memory_space<semaphore_mem>>) src(%dma_wait3A_17 : memref<10368xi32, #tpu.memory_space<hbm>>) dst(%arg9 : memref<10368xi32, #tpu.memory_space<vmem>>)
      tpu.yield
    }) : () -> ()
    "tpu.region"() ({
      %run_scoped3A = tpu.sem_alloc : memref<!tpu.dma_semaphore, #tpu.memory_space<semaphore_mem>>
      %dma_start3A = tpu.memref_slice %arg4[%mul3A_2] : memref<331776xf32, #tpu.memory_space<hbm>> -> memref<10368xf32, #tpu.memory_space<hbm>>
      %dma_start3A_16 = tpu.memref_slice %arg4[%mul3A_2] : memref<331776xf32, #tpu.memory_space<hbm>> -> memref<10368xf32, #tpu.memory_space<hbm>>
      tpu.enqueue_dma source(%dma_start3A_16 : memref<10368xf32, #tpu.memory_space<hbm>>) target(%arg10 : memref<10368xf32, #tpu.memory_space<vmem>>) target_semaphore(%run_scoped3A : memref<!tpu.dma_semaphore, #tpu.memory_space<semaphore_mem>>)
      %dma_wait3A = tpu.memref_slice %arg4[%mul3A_2] : memref<331776xf32, #tpu.memory_space<hbm>> -> memref<10368xf32, #tpu.memory_space<hbm>>
      %dma_wait3A_17 = tpu.memref_slice %arg4[%mul3A_2] : memref<331776xf32, #tpu.memory_space<hbm>> -> memref<10368xf32, #tpu.memory_space<hbm>>
      tpu.wait_dma2 semaphore(%run_scoped3A : memref<!tpu.dma_semaphore, #tpu.memory_space<semaphore_mem>>) src(%dma_wait3A_17 : memref<10368xf32, #tpu.memory_space<hbm>>) dst(%arg10 : memref<10368xf32, #tpu.memory_space<vmem>>)
      tpu.yield
    }) : () -> ()
    %mul3A_3 = arith.constant 640 : i32
    %mul3A_4 = arith.muli %arg1, %mul3A_3 : i32
    "tpu.region"() ({
      %run_scoped3A = tpu.sem_alloc : memref<!tpu.dma_semaphore, #tpu.memory_space<semaphore_mem>>
      %dma_start3A = arith.constant 0 : i32
      %dma_start3A_16 = tpu.memref_slice %arg14[%mul3A_4, %dma_start3A] : memref<10240x128xf32, #tpu.memory_space<vmem_shared>> -> memref<640x128xf32, #tpu.memory_space<vmem_shared>>
      tpu.enqueue_dma source(%arg6 : memref<640x128xf32, #tpu.memory_space<hbm>>) target(%dma_start3A_16 : memref<640x128xf32, #tpu.memory_space<vmem_shared>>) target_semaphore(%run_scoped3A : memref<!tpu.dma_semaphore, #tpu.memory_space<semaphore_mem>>)
      %dma_wait3A = arith.constant 0 : i32
      %dma_wait3A_17 = tpu.memref_slice %arg14[%mul3A_4, %dma_wait3A] : memref<10240x128xf32, #tpu.memory_space<vmem_shared>> -> memref<640x128xf32, #tpu.memory_space<vmem_shared>>
      tpu.wait_dma2 semaphore(%run_scoped3A : memref<!tpu.dma_semaphore, #tpu.memory_space<semaphore_mem>>) src(%arg6 : memref<640x128xf32, #tpu.memory_space<hbm>>) dst(%dma_wait3A_17 : memref<640x128xf32, #tpu.memory_space<vmem_shared>>)
      tpu.yield
    }) : () -> ()
    %barrier3A = arith.constant 0 : index
    tpu.barrier barrier_id(%barrier3A)
    %scan3A = arith.constant 0 : i32
    %scan3A_5 = arith.constant 0 : i32
    %scan3A_6 = arith.constant 81 : i32
    %scan3A_7 = arith.addi %scan3A_5, %scan3A_6 : i32
    %scan3A_8 = arith.constant 1 : i32
    %scan3A_9 = scf.for %scan3A_16 = %scan3A_5 to %scan3A_7 step %scan3A_8 iter_args(%scan3A_17 = %scan3A) -> (i32)  : i32 {
      %mul3A_18 = arith.constant 128 : i32
      %mul3A_19 = arith.muli %scan3A_16, %mul3A_18 : i32
      %add3A_20 = arith.constant 0 : i32
      %add3A_21 = arith.addi %mul3A_19, %add3A_20 : i32
      %get3A = arith.index_cast %add3A_21 : i32 to index
      %get3A_22 = tpu.vector_load %arg8[%get3A] {strides = array<i32>} : memref<10368xi32, #tpu.memory_space<vmem>>, vector<16xi32>,
      %add3A_23 = arith.constant 10000 : i32
      %add3A_24 = vector.broadcast %add3A_23 : i32 to vector<16xi32>
      %add3A_25 = arith.addi %get3A_22, %add3A_24 : vector<16xi32>
      %swap3A = arith.constant 0 : index
      %swap3A_26 = tpu.vector_load %arg11[%swap3A] {strides = array<i32>} : memref<128xi32, #tpu.memory_space<vmem>>, vector<16xi32>,
      tpu.vector_store %arg11[%swap3A], %add3A_25 {strides = array<i32>} : memref<128xi32, #tpu.memory_space<vmem>>, vector<16xi32>,
      %add3A_27 = arith.constant 0 : i32
      %add3A_28 = arith.addi %mul3A_19, %add3A_27 : i32
      %get3A_29 = arith.index_cast %add3A_28 : i32 to index
      %get3A_30 = tpu.vector_load %arg9[%get3A_29] {strides = array<i32>} : memref<10368xi32, #tpu.memory_space<vmem>>, vector<16xi32>,
      %swap3A_31 = arith.constant 0 : index
      %swap3A_32 = tpu.vector_load %arg12[%swap3A_31] {strides = array<i32>} : memref<128xi32, #tpu.memory_space<vmem>>, vector<16xi32>,
      tpu.vector_store %arg12[%swap3A_31], %get3A_30 {strides = array<i32>} : memref<128xi32, #tpu.memory_space<vmem>>, vector<16xi32>,
      %add3A_33 = arith.constant 16 : i32
      %add3A_34 = arith.addi %mul3A_19, %add3A_33 : i32
      %get3A_35 = arith.index_cast %add3A_34 : i32 to index
      %get3A_36 = tpu.vector_load %arg8[%get3A_35] {strides = array<i32>} : memref<10368xi32, #tpu.memory_space<vmem>>, vector<16xi32>,
      %add3A_37 = arith.constant 10000 : i32
      %add3A_38 = vector.broadcast %add3A_37 : i32 to vector<16xi32>
      %add3A_39 = arith.addi %get3A_36, %add3A_38 : vector<16xi32>
      %swap3A_40 = arith.constant 16 : index
      %swap3A_41 = tpu.vector_load %arg11[%swap3A_40] {strides = array<i32>} : memref<128xi32, #tpu.memory_space<vmem>>, vector<16xi32>,
      tpu.vector_store %arg11[%swap3A_40], %add3A_39 {strides = array<i32>} : memref<128xi32, #tpu.memory_space<vmem>>, vector<16xi32>,
      %add3A_42 = arith.constant 16 : i32
      %add3A_43 = arith.addi %mul3A_19, %add3A_42 : i32
      %get3A_44 = arith.index_cast %add3A_43 : i32 to index
      %get3A_45 = tpu.vector_load %arg9[%get3A_44] {strides = array<i32>} : memref<10368xi32, #tpu.memory_space<vmem>>, vector<16xi32>,
      %swap3A_46 = arith.constant 16 : index
      %swap3A_47 = tpu.vector_load %arg12[%swap3A_46] {strides = array<i32>} : memref<128xi32, #tpu.memory_space<vmem>>, vector<16xi32>,
      tpu.vector_store %arg12[%swap3A_46], %get3A_45 {strides = array<i32>} : memref<128xi32, #tpu.memory_space<vmem>>, vector<16xi32>,
      %add3A_48 = arith.constant 32 : i32
      %add3A_49 = arith.addi %mul3A_19, %add3A_48 : i32
      %get3A_50 = arith.index_cast %add3A_49 : i32 to index
      %get3A_51 = tpu.vector_load %arg8[%get3A_50] {strides = array<i32>} : memref<10368xi32, #tpu.memory_space<vmem>>, vector<16xi32>,
      %add3A_52 = arith.constant 10000 : i32
      %add3A_53 = vector.broadcast %add3A_52 : i32 to vector<16xi32>
      %add3A_54 = arith.addi %get3A_51, %add3A_53 : vector<16xi32>
      %swap3A_55 = arith.constant 32 : index
      %swap3A_56 = tpu.vector_load %arg11[%swap3A_55] {strides = array<i32>} : memref<128xi32, #tpu.memory_space<vmem>>, vector<16xi32>,
      tpu.vector_store %arg11[%swap3A_55], %add3A_54 {strides = array<i32>} : memref<128xi32, #tpu.memory_space<vmem>>, vector<16xi32>,
      %add3A_57 = arith.constant 32 : i32
      %add3A_58 = arith.addi %mul3A_19, %add3A_57 : i32
      %get3A_59 = arith.index_cast %add3A_58 : i32 to index
      %get3A_60 = tpu.vector_load %arg9[%get3A_59] {strides = array<i32>} : memref<10368xi32, #tpu.memory_space<vmem>>, vector<16xi32>,
      %swap3A_61 = arith.constant 32 : index
      %swap3A_62 = tpu.vector_load %arg12[%swap3A_61] {strides = array<i32>} : memref<128xi32, #tpu.memory_space<vmem>>, vector<16xi32>,
      tpu.vector_store %arg12[%swap3A_61], %get3A_60 {strides = array<i32>} : memref<128xi32, #tpu.memory_space<vmem>>, vector<16xi32>,
      %add3A_63 = arith.constant 48 : i32
      %add3A_64 = arith.addi %mul3A_19, %add3A_63 : i32
      %get3A_65 = arith.index_cast %add3A_64 : i32 to index
      %get3A_66 = tpu.vector_load %arg8[%get3A_65] {strides = array<i32>} : memref<10368xi32, #tpu.memory_space<vmem>>, vector<16xi32>,
      %add3A_67 = arith.constant 10000 : i32
      %add3A_68 = vector.broadcast %add3A_67 : i32 to vector<16xi32>
      %add3A_69 = arith.addi %get3A_66, %add3A_68 : vector<16xi32>
      %swap3A_70 = arith.constant 48 : index
      %swap3A_71 = tpu.vector_load %arg11[%swap3A_70] {strides = array<i32>} : memref<128xi32, #tpu.memory_space<vmem>>, vector<16xi32>,
      tpu.vector_store %arg11[%swap3A_70], %add3A_69 {strides = array<i32>} : memref<128xi32, #tpu.memory_space<vmem>>, vector<16xi32>,
      %add3A_72 = arith.constant 48 : i32
      %add3A_73 = arith.addi %mul3A_19, %add3A_72 : i32
      %get3A_74 = arith.index_cast %add3A_73 : i32 to index
      %get3A_75 = tpu.vector_load %arg9[%get3A_74] {strides = array<i32>} : memref<10368xi32, #tpu.memory_space<vmem>>, vector<16xi32>,
      %swap3A_76 = arith.constant 48 : index
      %swap3A_77 = tpu.vector_load %arg12[%swap3A_76] {strides = array<i32>} : memref<128xi32, #tpu.memory_space<vmem>>, vector<16xi32>,
      tpu.vector_store %arg12[%swap3A_76], %get3A_75 {strides = array<i32>} : memref<128xi32, #tpu.memory_space<vmem>>, vector<16xi32>,
      %add3A_78 = arith.constant 64 : i32
      %add3A_79 = arith.addi %mul3A_19, %add3A_78 : i32
      %get3A_80 = arith.index_cast %add3A_79 : i32 to index
      %get3A_81 = tpu.vector_load %arg8[%get3A_80] {strides = array<i32>} : memref<10368xi32, #tpu.memory_space<vmem>>, vector<16xi32>,
      %add3A_82 = arith.constant 10000 : i32
      %add3A_83 = vector.broadcast %add3A_82 : i32 to vector<16xi32>
      %add3A_84 = arith.addi %get3A_81, %add3A_83 : vector<16xi32>
      %swap3A_85 = arith.constant 64 : index
      %swap3A_86 = tpu.vector_load %arg11[%swap3A_85] {strides = array<i32>} : memref<128xi32, #tpu.memory_space<vmem>>, vector<16xi32>,
      tpu.vector_store %arg11[%swap3A_85], %add3A_84 {strides = array<i32>} : memref<128xi32, #tpu.memory_space<vmem>>, vector<16xi32>,
      %add3A_87 = arith.constant 64 : i32
      %add3A_88 = arith.addi %mul3A_19, %add3A_87 : i32
      %get3A_89 = arith.index_cast %add3A_88 : i32 to index
      %get3A_90 = tpu.vector_load %arg9[%get3A_89] {strides = array<i32>} : memref<10368xi32, #tpu.memory_space<vmem>>, vector<16xi32>,
      %swap3A_91 = arith.constant 64 : index
      %swap3A_92 = tpu.vector_load %arg12[%swap3A_91] {strides = array<i32>} : memref<128xi32, #tpu.memory_space<vmem>>, vector<16xi32>,
      tpu.vector_store %arg12[%swap3A_91], %get3A_90 {strides = array<i32>} : memref<128xi32, #tpu.memory_space<vmem>>, vector<16xi32>,
      %add3A_93 = arith.constant 80 : i32
      %add3A_94 = arith.addi %mul3A_19, %add3A_93 : i32
      %get3A_95 = arith.index_cast %add3A_94 : i32 to index
      %get3A_96 = tpu.vector_load %arg8[%get3A_95] {strides = array<i32>} : memref<10368xi32, #tpu.memory_space<vmem>>, vector<16xi32>,
      %add3A_97 = arith.constant 10000 : i32
      %add3A_98 = vector.broadcast %add3A_97 : i32 to vector<16xi32>
      %add3A_99 = arith.addi %get3A_96, %add3A_98 : vector<16xi32>
      %swap3A_100 = arith.constant 80 : index
      %swap3A_101 = tpu.vector_load %arg11[%swap3A_100] {strides = array<i32>} : memref<128xi32, #tpu.memory_space<vmem>>, vector<16xi32>,
      tpu.vector_store %arg11[%swap3A_100], %add3A_99 {strides = array<i32>} : memref<128xi32, #tpu.memory_space<vmem>>, vector<16xi32>,
      %add3A_102 = arith.constant 80 : i32
      %add3A_103 = arith.addi %mul3A_19, %add3A_102 : i32
      %get3A_104 = arith.index_cast %add3A_103 : i32 to index
      %get3A_105 = tpu.vector_load %arg9[%get3A_104] {strides = array<i32>} : memref<10368xi32, #tpu.memory_space<vmem>>, vector<16xi32>,
      %swap3A_106 = arith.constant 80 : index
      %swap3A_107 = tpu.vector_load %arg12[%swap3A_106] {strides = array<i32>} : memref<128xi32, #tpu.memory_space<vmem>>, vector<16xi32>,
      tpu.vector_store %arg12[%swap3A_106], %get3A_105 {strides = array<i32>} : memref<128xi32, #tpu.memory_space<vmem>>, vector<16xi32>,
      %add3A_108 = arith.constant 96 : i32
      %add3A_109 = arith.addi %mul3A_19, %add3A_108 : i32
      %get3A_110 = arith.index_cast %add3A_109 : i32 to index
      %get3A_111 = tpu.vector_load %arg8[%get3A_110] {strides = array<i32>} : memref<10368xi32, #tpu.memory_space<vmem>>, vector<16xi32>,
      %add3A_112 = arith.constant 10000 : i32
      %add3A_113 = vector.broadcast %add3A_112 : i32 to vector<16xi32>
      %add3A_114 = arith.addi %get3A_111, %add3A_113 : vector<16xi32>
      %swap3A_115 = arith.constant 96 : index
      %swap3A_116 = tpu.vector_load %arg11[%swap3A_115] {strides = array<i32>} : memref<128xi32, #tpu.memory_space<vmem>>, vector<16xi32>,
      tpu.vector_store %arg11[%swap3A_115], %add3A_114 {strides = array<i32>} : memref<128xi32, #tpu.memory_space<vmem>>, vector<16xi32>,
      %add3A_117 = arith.constant 96 : i32
      %add3A_118 = arith.addi %mul3A_19, %add3A_117 : i32
      %get3A_119 = arith.index_cast %add3A_118 : i32 to index
      %get3A_120 = tpu.vector_load %arg9[%get3A_119] {strides = array<i32>} : memref<10368xi32, #tpu.memory_space<vmem>>, vector<16xi32>,
      %swap3A_121 = arith.constant 96 : index
      %swap3A_122 = tpu.vector_load %arg12[%swap3A_121] {strides = array<i32>} : memref<128xi32, #tpu.memory_space<vmem>>, vector<16xi32>,
      tpu.vector_store %arg12[%swap3A_121], %get3A_120 {strides = array<i32>} : memref<128xi32, #tpu.memory_space<vmem>>, vector<16xi32>,
      %add3A_123 = arith.constant 112 : i32
      %add3A_124 = arith.addi %mul3A_19, %add3A_123 : i32
      %get3A_125 = arith.index_cast %add3A_124 : i32 to index
      %get3A_126 = tpu.vector_load %arg8[%get3A_125] {strides = array<i32>} : memref<10368xi32, #tpu.memory_space<vmem>>, vector<16xi32>,
      %add3A_127 = arith.constant 10000 : i32
      %add3A_128 = vector.broadcast %add3A_127 : i32 to vector<16xi32>
      %add3A_129 = arith.addi %get3A_126, %add3A_128 : vector<16xi32>
      %swap3A_130 = arith.constant 112 : index
      %swap3A_131 = tpu.vector_load %arg11[%swap3A_130] {strides = array<i32>} : memref<128xi32, #tpu.memory_space<vmem>>, vector<16xi32>,
      tpu.vector_store %arg11[%swap3A_130], %add3A_129 {strides = array<i32>} : memref<128xi32, #tpu.memory_space<vmem>>, vector<16xi32>,
      %add3A_132 = arith.constant 112 : i32
      %add3A_133 = arith.addi %mul3A_19, %add3A_132 : i32
      %get3A_134 = arith.index_cast %add3A_133 : i32 to index
      %get3A_135 = tpu.vector_load %arg9[%get3A_134] {strides = array<i32>} : memref<10368xi32, #tpu.memory_space<vmem>>, vector<16xi32>,
      %swap3A_136 = arith.constant 112 : index
      %swap3A_137 = tpu.vector_load %arg12[%swap3A_136] {strides = array<i32>} : memref<128xi32, #tpu.memory_space<vmem>>, vector<16xi32>,
      tpu.vector_store %arg12[%swap3A_136], %get3A_135 {strides = array<i32>} : memref<128xi32, #tpu.memory_space<vmem>>, vector<16xi32>,
      %dma_start3A = arith.constant 0 : i32
      %dma_start3A_138 = arith.constant 0 : i32
      %dma_start3A_139 = tpu.memref_slice %arg5[%dma_start3A, %dma_start3A_138] : memref<20000x128xf32, #tpu.memory_space<hbm>> -> memref<20000x128xf32, #tpu.memory_space<hbm>>
      tpu.enqueue_indirect_dma source(%dma_start3A_139 : memref<20000x128xf32, #tpu.memory_space<hbm>>) target(%arg13 : memref<128x128xf32, #tpu.memory_space<vmem>>) offsets(%arg11 : memref<128xi32, #tpu.memory_space<vmem>>) semaphore(%arg15 : memref<!tpu.dma_semaphore, #tpu.memory_space<semaphore_mem>>)
      %dma_wait3A = arith.constant 0 : i32
      %dma_wait3A_140 = arith.constant 0 : i32
      %dma_wait3A_141 = tpu.memref_slice %arg5[%dma_wait3A, %dma_wait3A_140] : memref<20000x128xf32, #tpu.memory_space<hbm>> -> memref<20000x128xf32, #tpu.memory_space<hbm>>
      tpu.wait_indirect_dma semaphore(%arg15 : memref<!tpu.dma_semaphore, #tpu.memory_space<semaphore_mem>>) src(%dma_wait3A_141 : memref<20000x128xf32, #tpu.memory_space<hbm>>) dst(%arg13 : memref<128x128xf32, #tpu.memory_space<vmem>>)
      %scan3A_142 = arith.constant 0 : i32
      %scan3A_143 = arith.constant 0 : i32
      %scan3A_144 = arith.constant 128 : i32
      %scan3A_145 = arith.addi %scan3A_143, %scan3A_144 : i32
      %scan3A_146 = arith.constant 1 : i32
      %scan3A_147 = scf.for %scan3A_150 = %scan3A_143 to %scan3A_145 step %scan3A_146 iter_args(%scan3A_151 = %scan3A_142) -> (i32)  : i32 {
        %add3A_152 = arith.addi %mul3A_19, %scan3A_150 : i32
        %broadcast_in_dim3A = vector.broadcast %add3A_152 : i32 to vector<16xi32>
        %gather3A = tpu.vector_load_idx %arg10[%broadcast_in_dim3A] : memref<10368xf32, #tpu.memory_space<vmem>>[vector<16xi32>], vector<16xf32>,
        %get3A_153 = arith.index_cast %scan3A_150 : i32 to index
        %get3A_154 = arith.constant 0 : index
        %get3A_155 = tpu.vector_load %arg13[%get3A_153, %get3A_154] {strides = array<i32>} : memref<128x128xf32, #tpu.memory_space<vmem>>, vector<16xf32>,
        %mul3A_156 = arith.mulf %get3A_155, %gather3A : vector<16xf32>
        %swap3A_157 = arith.index_cast %scan3A_150 : i32 to index
        %swap3A_158 = arith.constant 0 : index
        %swap3A_159 = tpu.vector_load %arg13[%swap3A_157, %swap3A_158] {strides = array<i32>} : memref<128x128xf32, #tpu.memory_space<vmem>>, vector<16xf32>,
        tpu.vector_store %arg13[%swap3A_157, %swap3A_158], %mul3A_156 {strides = array<i32>} : memref<128x128xf32, #tpu.memory_space<vmem>>, vector<16xf32>,
        %get3A_160 = arith.index_cast %scan3A_150 : i32 to index
        %get3A_161 = arith.constant 16 : index
        %get3A_162 = tpu.vector_load %arg13[%get3A_160, %get3A_161] {strides = array<i32>} : memref<128x128xf32, #tpu.memory_space<vmem>>, vector<16xf32>,
        %mul3A_163 = arith.mulf %get3A_162, %gather3A : vector<16xf32>
        %swap3A_164 = arith.index_cast %scan3A_150 : i32 to index
        %swap3A_165 = arith.constant 16 : index
        %swap3A_166 = tpu.vector_load %arg13[%swap3A_164, %swap3A_165] {strides = array<i32>} : memref<128x128xf32, #tpu.memory_space<vmem>>, vector<16xf32>,
        tpu.vector_store %arg13[%swap3A_164, %swap3A_165], %mul3A_163 {strides = array<i32>} : memref<128x128xf32, #tpu.memory_space<vmem>>, vector<16xf32>,
        %get3A_167 = arith.index_cast %scan3A_150 : i32 to index
        %get3A_168 = arith.constant 32 : index
        %get3A_169 = tpu.vector_load %arg13[%get3A_167, %get3A_168] {strides = array<i32>} : memref<128x128xf32, #tpu.memory_space<vmem>>, vector<16xf32>,
        %mul3A_170 = arith.mulf %get3A_169, %gather3A : vector<16xf32>
        %swap3A_171 = arith.index_cast %scan3A_150 : i32 to index
        %swap3A_172 = arith.constant 32 : index
        %swap3A_173 = tpu.vector_load %arg13[%swap3A_171, %swap3A_172] {strides = array<i32>} : memref<128x128xf32, #tpu.memory_space<vmem>>, vector<16xf32>,
        tpu.vector_store %arg13[%swap3A_171, %swap3A_172], %mul3A_170 {strides = array<i32>} : memref<128x128xf32, #tpu.memory_space<vmem>>, vector<16xf32>,
        %get3A_174 = arith.index_cast %scan3A_150 : i32 to index
        %get3A_175 = arith.constant 48 : index
        %get3A_176 = tpu.vector_load %arg13[%get3A_174, %get3A_175] {strides = array<i32>} : memref<128x128xf32, #tpu.memory_space<vmem>>, vector<16xf32>,
        %mul3A_177 = arith.mulf %get3A_176, %gather3A : vector<16xf32>
        %swap3A_178 = arith.index_cast %scan3A_150 : i32 to index
        %swap3A_179 = arith.constant 48 : index
        %swap3A_180 = tpu.vector_load %arg13[%swap3A_178, %swap3A_179] {strides = array<i32>} : memref<128x128xf32, #tpu.memory_space<vmem>>, vector<16xf32>,
        tpu.vector_store %arg13[%swap3A_178, %swap3A_179], %mul3A_177 {strides = array<i32>} : memref<128x128xf32, #tpu.memory_space<vmem>>, vector<16xf32>,
        %get3A_181 = arith.index_cast %scan3A_150 : i32 to index
        %get3A_182 = arith.constant 64 : index
        %get3A_183 = tpu.vector_load %arg13[%get3A_181, %get3A_182] {strides = array<i32>} : memref<128x128xf32, #tpu.memory_space<vmem>>, vector<16xf32>,
        %mul3A_184 = arith.mulf %get3A_183, %gather3A : vector<16xf32>
        %swap3A_185 = arith.index_cast %scan3A_150 : i32 to index
        %swap3A_186 = arith.constant 64 : index
        %swap3A_187 = tpu.vector_load %arg13[%swap3A_185, %swap3A_186] {strides = array<i32>} : memref<128x128xf32, #tpu.memory_space<vmem>>, vector<16xf32>,
        tpu.vector_store %arg13[%swap3A_185, %swap3A_186], %mul3A_184 {strides = array<i32>} : memref<128x128xf32, #tpu.memory_space<vmem>>, vector<16xf32>,
        %get3A_188 = arith.index_cast %scan3A_150 : i32 to index
        %get3A_189 = arith.constant 80 : index
        %get3A_190 = tpu.vector_load %arg13[%get3A_188, %get3A_189] {strides = array<i32>} : memref<128x128xf32, #tpu.memory_space<vmem>>, vector<16xf32>,
        %mul3A_191 = arith.mulf %get3A_190, %gather3A : vector<16xf32>
        %swap3A_192 = arith.index_cast %scan3A_150 : i32 to index
        %swap3A_193 = arith.constant 80 : index
        %swap3A_194 = tpu.vector_load %arg13[%swap3A_192, %swap3A_193] {strides = array<i32>} : memref<128x128xf32, #tpu.memory_space<vmem>>, vector<16xf32>,
        tpu.vector_store %arg13[%swap3A_192, %swap3A_193], %mul3A_191 {strides = array<i32>} : memref<128x128xf32, #tpu.memory_space<vmem>>, vector<16xf32>,
        %get3A_195 = arith.index_cast %scan3A_150 : i32 to index
        %get3A_196 = arith.constant 96 : index
        %get3A_197 = tpu.vector_load %arg13[%get3A_195, %get3A_196] {strides = array<i32>} : memref<128x128xf32, #tpu.memory_space<vmem>>, vector<16xf32>,
        %mul3A_198 = arith.mulf %get3A_197, %gather3A : vector<16xf32>
        %swap3A_199 = arith.index_cast %scan3A_150 : i32 to index
        %swap3A_200 = arith.constant 96 : index
        %swap3A_201 = tpu.vector_load %arg13[%swap3A_199, %swap3A_200] {strides = array<i32>} : memref<128x128xf32, #tpu.memory_space<vmem>>, vector<16xf32>,
        tpu.vector_store %arg13[%swap3A_199, %swap3A_200], %mul3A_198 {strides = array<i32>} : memref<128x128xf32, #tpu.memory_space<vmem>>, vector<16xf32>,
        %get3A_202 = arith.index_cast %scan3A_150 : i32 to index
        %get3A_203 = arith.constant 112 : index
        %get3A_204 = tpu.vector_load %arg13[%get3A_202, %get3A_203] {strides = array<i32>} : memref<128x128xf32, #tpu.memory_space<vmem>>, vector<16xf32>,
        %mul3A_205 = arith.mulf %get3A_204, %gather3A : vector<16xf32>
        %swap3A_206 = arith.index_cast %scan3A_150 : i32 to index
        %swap3A_207 = arith.constant 112 : index
        %swap3A_208 = tpu.vector_load %arg13[%swap3A_206, %swap3A_207] {strides = array<i32>} : memref<128x128xf32, #tpu.memory_space<vmem>>, vector<16xf32>,
        tpu.vector_store %arg13[%swap3A_206, %swap3A_207], %mul3A_205 {strides = array<i32>} : memref<128x128xf32, #tpu.memory_space<vmem>>, vector<16xf32>,
        %scan3A_209 = arith.constant 0 : i32
        scf.yield %scan3A_209 : i32
      }
      %scan3A_148 = arith.constant 128 : i32
      "tpu.region"() ({
        %run_scoped3A = tpu.sem_alloc : memref<!tpu.dma_semaphore, #tpu.memory_space<semaphore_mem>>
        %dma_start3A_150 = arith.constant 0 : i32
        %dma_start3A_151 = arith.constant 0 : i32
        %dma_start3A_152 = tpu.memref_slice %arg14[%dma_start3A_150, %dma_start3A_151] : memref<10240x128xf32, #tpu.memory_space<vmem_shared>> -> memref<10240x128xf32, #tpu.memory_space<vmem_shared>>
        tpu.enqueue_indirect_dma source(%arg13 : memref<128x128xf32, #tpu.memory_space<vmem>>) target(%dma_start3A_152 : memref<10240x128xf32, #tpu.memory_space<vmem_shared>>) offsets(%arg12 : memref<128xi32, #tpu.memory_space<vmem>>) semaphore(%run_scoped3A : memref<!tpu.dma_semaphore, #tpu.memory_space<semaphore_mem>>) {add = true}
        %dma_wait3A_153 = arith.constant 0 : i32
        %dma_wait3A_154 = arith.constant 0 : i32
        %dma_wait3A_155 = tpu.memref_slice %arg14[%dma_wait3A_153, %dma_wait3A_154] : memref<10240x128xf32, #tpu.memory_space<vmem_shared>> -> memref<10240x128xf32, #tpu.memory_space<vmem_shared>>
        tpu.wait_indirect_dma semaphore(%run_scoped3A : memref<!tpu.dma_semaphore, #tpu.memory_space<semaphore_mem>>) src(%arg13 : memref<128x128xf32, #tpu.memory_space<vmem>>) dst(%dma_wait3A_155 : memref<10240x128xf32, #tpu.memory_space<vmem_shared>>)
        tpu.yield
      }) : () -> ()
      %scan3A_149 = arith.constant 0 : i32
      scf.yield %scan3A_149 : i32
    }
    %scan3A_10 = arith.constant 81 : i32
    %barrier3A_11 = arith.constant 0 : index
    tpu.barrier barrier_id(%barrier3A_11)
    %mul3A_12 = arith.constant 640 : i32
    %mul3A_13 = arith.muli %arg1, %mul3A_12 : i32
    %mul3A_14 = arith.constant 640 : i32
    %mul3A_15 = arith.muli %arg1, %mul3A_14 : i32
    "tpu.region"() ({
      %run_scoped3A = tpu.sem_alloc : memref<!tpu.dma_semaphore, #tpu.memory_space<semaphore_mem>>
      %dma_start3A = arith.constant 0 : i32
      %dma_start3A_16 = tpu.memref_slice %arg7[%arg0, %mul3A_15, %dma_start3A] : memref<2x10240x128xf32, #tpu.memory_space<hbm>> -> memref<1x640x128xf32, #tpu.memory_space<hbm>>
      %dma_start3A_17 = tpu.memref_squeeze %dma_start3A_16 : memref<1x640x128xf32, #tpu.memory_space<hbm>> -> memref<640x128xf32, #tpu.memory_space<hbm>>
      %dma_start3A_18 = arith.constant 0 : i32
      %dma_start3A_19 = tpu.memref_slice %arg14[%mul3A_13, %dma_start3A_18] : memref<10240x128xf32, #tpu.memory_space<vmem_shared>> -> memref<640x128xf32, #tpu.memory_space<vmem_shared>>
      tpu.enqueue_dma source(%dma_start3A_19 : memref<640x128xf32, #tpu.memory_space<vmem_shared>>) target(%dma_start3A_17 : memref<640x128xf32, #tpu.memory_space<hbm>>) target_semaphore(%run_scoped3A : memref<!tpu.dma_semaphore, #tpu.memory_space<semaphore_mem>>)
      %dma_wait3A = arith.constant 0 : i32
      %dma_wait3A_20 = tpu.memref_slice %arg7[%arg0, %mul3A_15, %dma_wait3A] : memref<2x10240x128xf32, #tpu.memory_space<hbm>> -> memref<1x640x128xf32, #tpu.memory_space<hbm>>
      %dma_wait3A_21 = tpu.memref_squeeze %dma_wait3A_20 : memref<1x640x128xf32, #tpu.memory_space<hbm>> -> memref<640x128xf32, #tpu.memory_space<hbm>>
      %dma_wait3A_22 = arith.constant 0 : i32
      %dma_wait3A_23 = tpu.memref_slice %arg14[%mul3A_13, %dma_wait3A_22] : memref<10240x128xf32, #tpu.memory_space<vmem_shared>> -> memref<640x128xf32, #tpu.memory_space<vmem_shared>>
      tpu.wait_dma2 semaphore(%run_scoped3A : memref<!tpu.dma_semaphore, #tpu.memory_space<semaphore_mem>>) src(%dma_wait3A_23 : memref<640x128xf32, #tpu.memory_space<vmem_shared>>) dst(%dma_wait3A_21 : memref<640x128xf32, #tpu.memory_space<hbm>>)
      tpu.yield
    }) : () -> ()
    return
  }
}

module attributes {stable_mosaic.version = 14 : i64} {
  func.func @_mm_body(%arg0: i32, %arg1: memref<1000x128xf32, #tpu.memory_space<vmem>>, %arg2: memref<128x128xf32, #tpu.memory_space<vmem>>, %arg3: memref<1000x128xf32, #tpu.memory_space<vmem>>) attributes {dimension_semantics = [#tpu.dimension_semantics<arbitrary>], iteration_bounds = array<i64: 10>, scalar_prefetch = 0 : i64, scratch_operands = 0 : i64, tpu.core_type = #tpu.core_type<tc>, window_params = [{transform_indices = @transform_0, window_bounds = array<i64: 1000, 128>}, {pipeline_mode = #tpu.pipeline_mode<synchronous>, transform_indices = @transform_1, window_bounds = array<i64: 128, 128>}, {transform_indices = @transform_2, window_bounds = array<i64: 1000, 128>}]} {
    %get3A = arith.constant 0 : index
    %get3A_0 = arith.constant 0 : index
    %get3A_1 = vector.load %arg1[%get3A, %get3A_0] : memref<1000x128xf32, #tpu.memory_space<vmem>>, vector<1000x128xf32>
    %get3A_2 = arith.constant 0 : index
    %get3A_3 = arith.constant 0 : index
    %get3A_4 = vector.load %arg2[%get3A_2, %get3A_3] : memref<128x128xf32, #tpu.memory_space<vmem>>, vector<128x128xf32>
    %dot_general3A = arith.constant dense<0.000000e+00> : vector<1000x128xf32>
    %dot_general3A_5 = tpu.matmul %get3A_1, %get3A_4, %dot_general3A {dimension_numbers = #tpu.dot_dimension_numbers<[1], [0], [0], [1], [0, 0, 1, 1], [], []>, transpose_lhs_hint = false} : vector<1000x128xf32>, vector<128x128xf32>, vector<1000x128xf32> -> vector<1000x128xf32>
    %swap3A = arith.constant 0 : index
    %swap3A_6 = arith.constant 0 : index
    %swap3A_7 = vector.load %arg3[%swap3A, %swap3A_6] : memref<1000x128xf32, #tpu.memory_space<vmem>>, vector<1000x128xf32>
    tpu.vector_store %arg3[%swap3A, %swap3A_6], %dot_general3A_5 {strides = array<i32>} : memref<1000x128xf32, #tpu.memory_space<vmem>>, vector<1000x128xf32>,
    return
  }
  func.func @transform_0(%arg0: i32) -> (i32, i32) {
    %c0_i32 = arith.constant 0 : i32
    %c0_i32_0 = arith.constant 0 : i32
    return %arg0, %c0_i32 : i32, i32
  }
  func.func @transform_1(%arg0: i32) -> (i32, i32) {
    %c0_i32 = arith.constant 0 : i32
    %c0_i32_0 = arith.constant 0 : i32
    %c0_i32_1 = arith.constant 0 : i32
    return %c0_i32, %c0_i32_0 : i32, i32
  }
  func.func @transform_2(%arg0: i32) -> (i32, i32) {
    %c0_i32 = arith.constant 0 : i32
    %c0_i32_0 = arith.constant 0 : i32
    return %arg0, %c0_i32 : i32, i32
  }
}

module attributes {stable_mosaic.version = 14 : i64} {
  func.func @_mm_body(%arg0: i32, %arg1: memref<1000x128xf32, #tpu.memory_space<vmem>>, %arg2: memref<128x512xf32, #tpu.memory_space<vmem>>, %arg3: memref<1000x512xf32, #tpu.memory_space<vmem>>) attributes {dimension_semantics = [#tpu.dimension_semantics<arbitrary>], iteration_bounds = array<i64: 10>, scalar_prefetch = 0 : i64, scratch_operands = 0 : i64, tpu.core_type = #tpu.core_type<tc>, window_params = [{transform_indices = @transform_0, window_bounds = array<i64: 1000, 128>}, {pipeline_mode = #tpu.pipeline_mode<synchronous>, transform_indices = @transform_1, window_bounds = array<i64: 128, 512>}, {transform_indices = @transform_2, window_bounds = array<i64: 1000, 512>}]} {
    %get3A = arith.constant 0 : index
    %get3A_0 = arith.constant 0 : index
    %get3A_1 = vector.load %arg1[%get3A, %get3A_0] : memref<1000x128xf32, #tpu.memory_space<vmem>>, vector<1000x128xf32>
    %get3A_2 = arith.constant 0 : index
    %get3A_3 = arith.constant 0 : index
    %get3A_4 = vector.load %arg2[%get3A_2, %get3A_3] : memref<128x512xf32, #tpu.memory_space<vmem>>, vector<128x512xf32>
    %dot_general3A = arith.constant dense<0.000000e+00> : vector<1000x512xf32>
    %dot_general3A_5 = tpu.matmul %get3A_1, %get3A_4, %dot_general3A {dimension_numbers = #tpu.dot_dimension_numbers<[1], [0], [0], [1], [0, 0, 1, 1], [], []>, transpose_lhs_hint = false} : vector<1000x128xf32>, vector<128x512xf32>, vector<1000x512xf32> -> vector<1000x512xf32>
    %swap3A = arith.constant 0 : index
    %swap3A_6 = arith.constant 0 : index
    %swap3A_7 = vector.load %arg3[%swap3A, %swap3A_6] : memref<1000x512xf32, #tpu.memory_space<vmem>>, vector<1000x512xf32>
    tpu.vector_store %arg3[%swap3A, %swap3A_6], %dot_general3A_5 {strides = array<i32>} : memref<1000x512xf32, #tpu.memory_space<vmem>>, vector<1000x512xf32>,
    return
  }
  func.func @transform_0(%arg0: i32) -> (i32, i32) {
    %c0_i32 = arith.constant 0 : i32
    %c0_i32_0 = arith.constant 0 : i32
    return %arg0, %c0_i32 : i32, i32
  }
  func.func @transform_1(%arg0: i32) -> (i32, i32) {
    %c0_i32 = arith.constant 0 : i32
    %c0_i32_0 = arith.constant 0 : i32
    %c0_i32_1 = arith.constant 0 : i32
    return %c0_i32, %c0_i32_0 : i32, i32
  }
  func.func @transform_2(%arg0: i32) -> (i32, i32) {
    %c0_i32 = arith.constant 0 : i32
    %c0_i32_0 = arith.constant 0 : i32
    return %arg0, %c0_i32 : i32, i32
  }
}

module attributes {stable_mosaic.version = 14 : i64} {
  func.func @_norm_body(%arg0: i32, %arg1: memref<1000x512xf32, #tpu.memory_space<vmem>>, %arg2: memref<1000x16xf32, #tpu.memory_space<vmem>>, %arg3: memref<1000x16xf32, #tpu.memory_space<vmem>>, %arg4: memref<1x512xf32, #tpu.memory_space<vmem>>, %arg5: memref<1000x512xf32, #tpu.memory_space<vmem>>) attributes {dimension_semantics = [#tpu.dimension_semantics<arbitrary>], iteration_bounds = array<i64: 10>, scalar_prefetch = 0 : i64, scratch_operands = 0 : i64, tpu.core_type = #tpu.core_type<tc>, window_params = [{transform_indices = @transform_0, window_bounds = array<i64: 1000, 512>}, {transform_indices = @transform_1, window_bounds = array<i64: 1000, 16>}, {transform_indices = @transform_2, window_bounds = array<i64: 1000, 16>}, {pipeline_mode = #tpu.pipeline_mode<synchronous>, transform_indices = @transform_3, window_bounds = array<i64: 1, 512>}, {transform_indices = @transform_4, window_bounds = array<i64: 1000, 512>}]} {
    %get3A = arith.constant 0 : index
    %get3A_0 = arith.constant 0 : index
    %get3A_1 = vector.load %arg1[%get3A, %get3A_0] : memref<1000x512xf32, #tpu.memory_space<vmem>>, vector<1000x512xf32>
    %get3A_2 = arith.constant 0 : index
    %get3A_3 = arith.constant 0 : index
    %get3A_4 = vector.load %arg2[%get3A_2, %get3A_3] : memref<1000x16xf32, #tpu.memory_space<vmem>>, vector<1000x16xf32>
    %slice3A = vector.extract_strided_slice %get3A_4 {offsets = [0, 0], sizes = [1000, 1], strides = [1, 1]} : vector<1000x16xf32> to vector<1000x1xf32>
    %add3A = arith.constant 1.000000e-16 : f32
    %add3A_5 = vector.broadcast %add3A : f32 to vector<1000x1xf32>
    %add3A_6 = arith.addf %slice3A, %add3A_5 : vector<1000x1xf32>
    %get3A_7 = arith.constant 0 : index
    %get3A_8 = arith.constant 0 : index
    %get3A_9 = vector.load %arg3[%get3A_7, %get3A_8] : memref<1000x16xf32, #tpu.memory_space<vmem>>, vector<1000x16xf32>
    %slice3A_10 = vector.extract_strided_slice %get3A_9 {offsets = [0, 0], sizes = [1000, 1], strides = [1, 1]} : vector<1000x16xf32> to vector<1000x1xf32>
    %add3A_11 = arith.constant 1.000000e-16 : f32
    %add3A_12 = vector.broadcast %add3A_11 : f32 to vector<1000x1xf32>
    %add3A_13 = arith.addf %slice3A_10, %add3A_12 : vector<1000x1xf32>
    %slice3A_14 = vector.extract_strided_slice %get3A_1 {offsets = [0, 0], sizes = [1000, 256], strides = [1, 1]} : vector<1000x512xf32> to vector<1000x256xf32>
    %div3A = vector.broadcast %add3A_6 : vector<1000x1xf32> to vector<1000x256xf32>
    %div3A_15 = arith.divf %slice3A_14, %div3A : vector<1000x256xf32>
    %slice3A_16 = vector.extract_strided_slice %get3A_1 {offsets = [0, 256], sizes = [1000, 256], strides = [1, 1]} : vector<1000x512xf32> to vector<1000x256xf32>
    %div3A_17 = vector.broadcast %add3A_13 : vector<1000x1xf32> to vector<1000x256xf32>
    %div3A_18 = arith.divf %slice3A_16, %div3A_17 : vector<1000x256xf32>
    %concatenate3A = tpu.concatenate %div3A_15, %div3A_18 in 1 : vector<1000x256xf32>, vector<1000x256xf32> -> vector<1000x512xf32>
    %get3A_19 = arith.constant 0 : index
    %get3A_20 = arith.constant 0 : index
    %get3A_21 = vector.load %arg4[%get3A_19, %get3A_20] : memref<1x512xf32, #tpu.memory_space<vmem>>, vector<1x512xf32>
    %add3A_22 = vector.broadcast %get3A_21 : vector<1x512xf32> to vector<1000x512xf32>
    %add3A_23 = arith.addf %concatenate3A, %add3A_22 : vector<1000x512xf32>
    %gt3A = arith.constant 0.000000e+00 : f32
    %gt3A_24 = vector.broadcast %gt3A : f32 to vector<1000x512xf32>
    %gt3A_25 = arith.cmpf ogt, %add3A_23, %gt3A_24 : vector<1000x512xf32>
    %min3A = arith.constant 0.000000e+00 : f32
    %min3A_26 = vector.broadcast %min3A : f32 to vector<1000x512xf32>
    %min3A_27 = arith.minimumf %add3A_23, %min3A_26 : vector<1000x512xf32>
    %exp3A = math.exp %min3A_27 : vector<1000x512xf32>
    %sub3A = arith.constant 1.000000e+00 : f32
    %sub3A_28 = vector.broadcast %sub3A : f32 to vector<1000x512xf32>
    %sub3A_29 = arith.subf %exp3A, %sub3A_28 : vector<1000x512xf32>
    %select_n3A = arith.select %gt3A_25, %add3A_23, %sub3A_29 : vector<1000x512xi1>, vector<1000x512xf32>
    %swap3A = arith.constant 0 : index
    %swap3A_30 = arith.constant 0 : index
    %swap3A_31 = vector.load %arg5[%swap3A, %swap3A_30] : memref<1000x512xf32, #tpu.memory_space<vmem>>, vector<1000x512xf32>
    tpu.vector_store %arg5[%swap3A, %swap3A_30], %select_n3A {strides = array<i32>} : memref<1000x512xf32, #tpu.memory_space<vmem>>, vector<1000x512xf32>,
    return
  }
  func.func @transform_0(%arg0: i32) -> (i32, i32) {
    %c0_i32 = arith.constant 0 : i32
    %c0_i32_0 = arith.constant 0 : i32
    return %arg0, %c0_i32 : i32, i32
  }
  func.func @transform_1(%arg0: i32) -> (i32, i32) {
    %c0_i32 = arith.constant 0 : i32
    %c0_i32_0 = arith.constant 0 : i32
    return %arg0, %c0_i32 : i32, i32
  }
  func.func @transform_2(%arg0: i32) -> (i32, i32) {
    %c0_i32 = arith.constant 0 : i32
    %c0_i32_0 = arith.constant 0 : i32
    return %arg0, %c0_i32 : i32, i32
  }
  func.func @transform_3(%arg0: i32) -> (i32, i32) {
    %c0_i32 = arith.constant 0 : i32
    %c0_i32_0 = arith.constant 0 : i32
    %c0_i32_1 = arith.constant 0 : i32
    return %c0_i32, %c0_i32_0 : i32, i32
  }
  func.func @transform_4(%arg0: i32) -> (i32, i32) {
    %c0_i32 = arith.constant 0 : i32
    %c0_i32_0 = arith.constant 0 : i32
    return %arg0, %c0_i32 : i32, i32
  }
}

module attributes {stable_mosaic.version = 14 : i64} {
  func.func @_mm_body(%arg0: i32, %arg1: memref<1000x512xf32, #tpu.memory_space<vmem>>, %arg2: memref<512x128xf32, #tpu.memory_space<vmem>>, %arg3: memref<1000x128xf32, #tpu.memory_space<vmem>>) attributes {dimension_semantics = [#tpu.dimension_semantics<arbitrary>], iteration_bounds = array<i64: 10>, scalar_prefetch = 0 : i64, scratch_operands = 0 : i64, tpu.core_type = #tpu.core_type<tc>, window_params = [{transform_indices = @transform_0, window_bounds = array<i64: 1000, 512>}, {pipeline_mode = #tpu.pipeline_mode<synchronous>, transform_indices = @transform_1, window_bounds = array<i64: 512, 128>}, {transform_indices = @transform_2, window_bounds = array<i64: 1000, 128>}]} {
    %get3A = arith.constant 0 : index
    %get3A_0 = arith.constant 0 : index
    %get3A_1 = vector.load %arg1[%get3A, %get3A_0] : memref<1000x512xf32, #tpu.memory_space<vmem>>, vector<1000x512xf32>
    %get3A_2 = arith.constant 0 : index
    %get3A_3 = arith.constant 0 : index
    %get3A_4 = vector.load %arg2[%get3A_2, %get3A_3] : memref<512x128xf32, #tpu.memory_space<vmem>>, vector<512x128xf32>
    %dot_general3A = arith.constant dense<0.000000e+00> : vector<1000x128xf32>
    %dot_general3A_5 = tpu.matmul %get3A_1, %get3A_4, %dot_general3A {dimension_numbers = #tpu.dot_dimension_numbers<[1], [0], [0], [1], [0, 0, 1, 1], [], []>, transpose_lhs_hint = false} : vector<1000x512xf32>, vector<512x128xf32>, vector<1000x128xf32> -> vector<1000x128xf32>
    %swap3A = arith.constant 0 : index
    %swap3A_6 = arith.constant 0 : index
    %swap3A_7 = vector.load %arg3[%swap3A, %swap3A_6] : memref<1000x128xf32, #tpu.memory_space<vmem>>, vector<1000x128xf32>
    tpu.vector_store %arg3[%swap3A, %swap3A_6], %dot_general3A_5 {strides = array<i32>} : memref<1000x128xf32, #tpu.memory_space<vmem>>, vector<1000x128xf32>,
    return
  }
  func.func @transform_0(%arg0: i32) -> (i32, i32) {
    %c0_i32 = arith.constant 0 : i32
    %c0_i32_0 = arith.constant 0 : i32
    return %arg0, %c0_i32 : i32, i32
  }
  func.func @transform_1(%arg0: i32) -> (i32, i32) {
    %c0_i32 = arith.constant 0 : i32
    %c0_i32_0 = arith.constant 0 : i32
    %c0_i32_1 = arith.constant 0 : i32
    return %c0_i32, %c0_i32_0 : i32, i32
  }
  func.func @transform_2(%arg0: i32) -> (i32, i32) {
    %c0_i32 = arith.constant 0 : i32
    %c0_i32_0 = arith.constant 0 : i32
    return %arg0, %c0_i32 : i32, i32
  }
}

module attributes {stable_mosaic.version = 14 : i64} {
  func.func @_mm_body(%arg0: i32, %arg1: memref<1000x512xf32, #tpu.memory_space<vmem>>, %arg2: memref<512x256xf32, #tpu.memory_space<vmem>>, %arg3: memref<1000x256xf32, #tpu.memory_space<vmem>>) attributes {dimension_semantics = [#tpu.dimension_semantics<arbitrary>], iteration_bounds = array<i64: 10>, scalar_prefetch = 0 : i64, scratch_operands = 0 : i64, tpu.core_type = #tpu.core_type<tc>, window_params = [{transform_indices = @transform_0, window_bounds = array<i64: 1000, 512>}, {pipeline_mode = #tpu.pipeline_mode<synchronous>, transform_indices = @transform_1, window_bounds = array<i64: 512, 256>}, {transform_indices = @transform_2, window_bounds = array<i64: 1000, 256>}]} {
    %get3A = arith.constant 0 : index
    %get3A_0 = arith.constant 0 : index
    %get3A_1 = vector.load %arg1[%get3A, %get3A_0] : memref<1000x512xf32, #tpu.memory_space<vmem>>, vector<1000x512xf32>
    %get3A_2 = arith.constant 0 : index
    %get3A_3 = arith.constant 0 : index
    %get3A_4 = vector.load %arg2[%get3A_2, %get3A_3] : memref<512x256xf32, #tpu.memory_space<vmem>>, vector<512x256xf32>
    %dot_general3A = arith.constant dense<0.000000e+00> : vector<1000x256xf32>
    %dot_general3A_5 = tpu.matmul %get3A_1, %get3A_4, %dot_general3A {dimension_numbers = #tpu.dot_dimension_numbers<[1], [0], [0], [1], [0, 0, 1, 1], [], []>, transpose_lhs_hint = false} : vector<1000x512xf32>, vector<512x256xf32>, vector<1000x256xf32> -> vector<1000x256xf32>
    %swap3A = arith.constant 0 : index
    %swap3A_6 = arith.constant 0 : index
    %swap3A_7 = vector.load %arg3[%swap3A, %swap3A_6] : memref<1000x256xf32, #tpu.memory_space<vmem>>, vector<1000x256xf32>
    tpu.vector_store %arg3[%swap3A, %swap3A_6], %dot_general3A_5 {strides = array<i32>} : memref<1000x256xf32, #tpu.memory_space<vmem>>, vector<1000x256xf32>,
    return
  }
  func.func @transform_0(%arg0: i32) -> (i32, i32) {
    %c0_i32 = arith.constant 0 : i32
    %c0_i32_0 = arith.constant 0 : i32
    return %arg0, %c0_i32 : i32, i32
  }
  func.func @transform_1(%arg0: i32) -> (i32, i32) {
    %c0_i32 = arith.constant 0 : i32
    %c0_i32_0 = arith.constant 0 : i32
    %c0_i32_1 = arith.constant 0 : i32
    return %c0_i32, %c0_i32_0 : i32, i32
  }
  func.func @transform_2(%arg0: i32) -> (i32, i32) {
    %c0_i32 = arith.constant 0 : i32
    %c0_i32_0 = arith.constant 0 : i32
    return %arg0, %c0_i32 : i32, i32
  }
}

module attributes {stable_mosaic.version = 14 : i64} {
  func.func @_norm_body(%arg0: i32, %arg1: memref<1000x256xf32, #tpu.memory_space<vmem>>, %arg2: memref<1000x16xf32, #tpu.memory_space<vmem>>, %arg3: memref<1000x16xf32, #tpu.memory_space<vmem>>, %arg4: memref<1x256xf32, #tpu.memory_space<vmem>>, %arg5: memref<1000x256xf32, #tpu.memory_space<vmem>>) attributes {dimension_semantics = [#tpu.dimension_semantics<arbitrary>], iteration_bounds = array<i64: 10>, scalar_prefetch = 0 : i64, scratch_operands = 0 : i64, tpu.core_type = #tpu.core_type<tc>, window_params = [{transform_indices = @transform_0, window_bounds = array<i64: 1000, 256>}, {transform_indices = @transform_1, window_bounds = array<i64: 1000, 16>}, {transform_indices = @transform_2, window_bounds = array<i64: 1000, 16>}, {pipeline_mode = #tpu.pipeline_mode<synchronous>, transform_indices = @transform_3, window_bounds = array<i64: 1, 256>}, {transform_indices = @transform_4, window_bounds = array<i64: 1000, 256>}]} {
    %get3A = arith.constant 0 : index
    %get3A_0 = arith.constant 0 : index
    %get3A_1 = vector.load %arg1[%get3A, %get3A_0] : memref<1000x256xf32, #tpu.memory_space<vmem>>, vector<1000x256xf32>
    %get3A_2 = arith.constant 0 : index
    %get3A_3 = arith.constant 0 : index
    %get3A_4 = vector.load %arg2[%get3A_2, %get3A_3] : memref<1000x16xf32, #tpu.memory_space<vmem>>, vector<1000x16xf32>
    %slice3A = vector.extract_strided_slice %get3A_4 {offsets = [0, 0], sizes = [1000, 1], strides = [1, 1]} : vector<1000x16xf32> to vector<1000x1xf32>
    %add3A = arith.constant 1.000000e-16 : f32
    %add3A_5 = vector.broadcast %add3A : f32 to vector<1000x1xf32>
    %add3A_6 = arith.addf %slice3A, %add3A_5 : vector<1000x1xf32>
    %get3A_7 = arith.constant 0 : index
    %get3A_8 = arith.constant 0 : index
    %get3A_9 = vector.load %arg3[%get3A_7, %get3A_8] : memref<1000x16xf32, #tpu.memory_space<vmem>>, vector<1000x16xf32>
    %slice3A_10 = vector.extract_strided_slice %get3A_9 {offsets = [0, 0], sizes = [1000, 1], strides = [1, 1]} : vector<1000x16xf32> to vector<1000x1xf32>
    %add3A_11 = arith.constant 1.000000e-16 : f32
    %add3A_12 = vector.broadcast %add3A_11 : f32 to vector<1000x1xf32>
    %add3A_13 = arith.addf %slice3A_10, %add3A_12 : vector<1000x1xf32>
    %slice3A_14 = vector.extract_strided_slice %get3A_1 {offsets = [0, 0], sizes = [1000, 128], strides = [1, 1]} : vector<1000x256xf32> to vector<1000x128xf32>
    %div3A = vector.broadcast %add3A_6 : vector<1000x1xf32> to vector<1000x128xf32>
    %div3A_15 = arith.divf %slice3A_14, %div3A : vector<1000x128xf32>
    %slice3A_16 = vector.extract_strided_slice %get3A_1 {offsets = [0, 128], sizes = [1000, 128], strides = [1, 1]} : vector<1000x256xf32> to vector<1000x128xf32>
    %div3A_17 = vector.broadcast %add3A_13 : vector<1000x1xf32> to vector<1000x128xf32>
    %div3A_18 = arith.divf %slice3A_16, %div3A_17 : vector<1000x128xf32>
    %concatenate3A = tpu.concatenate %div3A_15, %div3A_18 in 1 : vector<1000x128xf32>, vector<1000x128xf32> -> vector<1000x256xf32>
    %get3A_19 = arith.constant 0 : index
    %get3A_20 = arith.constant 0 : index
    %get3A_21 = vector.load %arg4[%get3A_19, %get3A_20] : memref<1x256xf32, #tpu.memory_space<vmem>>, vector<1x256xf32>
    %add3A_22 = vector.broadcast %get3A_21 : vector<1x256xf32> to vector<1000x256xf32>
    %add3A_23 = arith.addf %concatenate3A, %add3A_22 : vector<1000x256xf32>
    %gt3A = arith.constant 0.000000e+00 : f32
    %gt3A_24 = vector.broadcast %gt3A : f32 to vector<1000x256xf32>
    %gt3A_25 = arith.cmpf ogt, %add3A_23, %gt3A_24 : vector<1000x256xf32>
    %min3A = arith.constant 0.000000e+00 : f32
    %min3A_26 = vector.broadcast %min3A : f32 to vector<1000x256xf32>
    %min3A_27 = arith.minimumf %add3A_23, %min3A_26 : vector<1000x256xf32>
    %exp3A = math.exp %min3A_27 : vector<1000x256xf32>
    %sub3A = arith.constant 1.000000e+00 : f32
    %sub3A_28 = vector.broadcast %sub3A : f32 to vector<1000x256xf32>
    %sub3A_29 = arith.subf %exp3A, %sub3A_28 : vector<1000x256xf32>
    %select_n3A = arith.select %gt3A_25, %add3A_23, %sub3A_29 : vector<1000x256xi1>, vector<1000x256xf32>
    %swap3A = arith.constant 0 : index
    %swap3A_30 = arith.constant 0 : index
    %swap3A_31 = vector.load %arg5[%swap3A, %swap3A_30] : memref<1000x256xf32, #tpu.memory_space<vmem>>, vector<1000x256xf32>
    tpu.vector_store %arg5[%swap3A, %swap3A_30], %select_n3A {strides = array<i32>} : memref<1000x256xf32, #tpu.memory_space<vmem>>, vector<1000x256xf32>,
    return
  }
  func.func @transform_0(%arg0: i32) -> (i32, i32) {
    %c0_i32 = arith.constant 0 : i32
    %c0_i32_0 = arith.constant 0 : i32
    return %arg0, %c0_i32 : i32, i32
  }
  func.func @transform_1(%arg0: i32) -> (i32, i32) {
    %c0_i32 = arith.constant 0 : i32
    %c0_i32_0 = arith.constant 0 : i32
    return %arg0, %c0_i32 : i32, i32
  }
  func.func @transform_2(%arg0: i32) -> (i32, i32) {
    %c0_i32 = arith.constant 0 : i32
    %c0_i32_0 = arith.constant 0 : i32
    return %arg0, %c0_i32 : i32, i32
  }
  func.func @transform_3(%arg0: i32) -> (i32, i32) {
    %c0_i32 = arith.constant 0 : i32
    %c0_i32_0 = arith.constant 0 : i32
    %c0_i32_1 = arith.constant 0 : i32
    return %c0_i32, %c0_i32_0 : i32, i32
  }
  func.func @transform_4(%arg0: i32) -> (i32, i32) {
    %c0_i32 = arith.constant 0 : i32
    %c0_i32_0 = arith.constant 0 : i32
    return %arg0, %c0_i32 : i32, i32
  }
}

</mosaic_0001>

<sc_bundles>
// kernel: kernel.16.cloned.1.call-start
scs
__scs_entry_jumppad:
0x0: {  	(pc) =	sbr.rel $0x88, $3  }
0x1: {  	(tag) =	ssettag $0x0;
	lr =	simm.s32 $0x1  }
0x2: {  	[smem:$0x3F97] =	sst lr;
	_ =	strace $0xD0000000  }
0x3: {  	_ = 	snop  }
0x4: {  	_ = 	snop  }
0x5: {  	_ = 	snop  }
0x6: {  	_ = 	snop  }
0x7: {  	_ = 	snop  }
__scs_overlays_trampoline_lowered:
0x8: {  	[smem:$0x3FA6] =	sst s0  }
0x9: {  	[smem:$0x3FA7] =	sst s1  }
0xa: {  	[smem:$0x3FA8] =	sst s2  }
0xb: {  	[smem:$0x3FA9] =	sst s3  }
0xc: {  	[smem:$0x3FAA] =	sst s4  }
0xd: {  	[smem:$0x3FAB] =	sst s5  }
0xe: {  	[smem:$0x3FAC] =	sst s6  }
0xf: {  	[smem:$0x3FAD] =	sst s7  }
0x10: {  	[smem:$0x3FAE] =	sst s8  }
0x11: {  	[smem:$0x3FAF] =	sst s9;
	s0 =	simm.s32 @!p0 $0x0  }
0x12: {  	s1 =	sld [smem:$0x3F95];
	s0 =	simm.s32 @p0 $0x1  }
0x13: {  	[smem:$0x3FB0] =	sst s0;
	s0 =	simm.s32 @!p1 $0x0  }
0x14: {  	s2 =	sld [smem:$0x3F94];
	s0 =	simm.s32 @p1 $0x1  }
0x15: {  	[smem:$0x3FB1] =	sst s0;
	s0 =	simm.s32 @!p2 $0x0  }
0x16: {  	s3 =	sld [smem:$0x3FDB];
	s0 =	simm.s32 @p2 $0x1  }
0x17: {  	s4 =	simm.s32 $0x1BF5;
	[smem:$0x3FB3] =	sst s0  }
0x18: {  	s0 =	sld [smem:$0x3F96];
	_ =	swait.ge [sflag:s4], $0x0  }
0x19: {  	s7 =	sld [smem:$0x3F97]  }
0x1a: {  	s8 =	sadd.s32 $0xFFFFE003, lr  }
0x1b: {  	s9 =	sadd.s32 $0xFFFFFEF7, lr;
	s5 =	simm.s32 $0xFFFFFFFF;
	p2 =	slt.u32 s8, $0xFFFFF086  }
0x1c: {  	p1 =	slt.u32 s9, $0xF7A;
	s5 =	simm.s32 @!p2 $0x0  }
0x1d: {  	s5 =	simm.s32 @p1 $0x1;
	p0 =	seq.s32 s7, s2  }
0x1e: {  	s7 =	smul.u32 @!p0 $0xF7A, s2;
	p2 =	seq.s32 @!p0 s5, $0x0  }
0x1f: {  	s9 =	smul.u32 $0xF7A, s1;
	s8 =	simm.s32 @!p0 $0x1BF5;
	p2 =	por !p2, p0  }
0x20: {  	[sflag:s8] =	ssyncset.s32 @!p0 $0xFFFFF086;
	s6 =	sadd.s32 @!p0 s3, s7;
	s7 =	simm.s32 @!p0 $0x108  }
0x21: {  	s3 =	sadd.s32 s3, s9;
	s6 =	sadd.s32 @!p0 $0x88, s6;
	s7 =	simm.s32 @p2 $0x1082  }
0x22: {  	[simem:s7], [sflag:s8] =	dma.local @!p0 [hbm:s6], $0xF7A  }
0x23: {  	s9 =	sor.u32 $0xD0000000, s2;
	s6 =	simm.s32 $0x108;
	_ =	swait.ge @!p0 [sflag:s8], $0x0  }
0x24: {  	s3 =	sadd.s32 $0x88, s3;
	s6 =	simm.s32 @!p1 $0x1082;
	[sflag:s4] =	ssyncset.s32 $0xFFFFF086  }
0x25: {  	[simem:s6], [sflag:s4] =	dma.local [hbm:s3], $0xF7A  }
0x26: {  	[smem:$0x3F97] =	sst s1;
	(tag) =	ssettag s2;
	_ =	strace s9  }
0x27: {  	s1 =	sld [smem:$0x3FA7]  }
0x28: {  	s2 =	sld [smem:$0x3FA8]  }
0x29: {  	s4 =	sld [smem:$0x3FAA]  }
0x2a: {  	p0 =	seq.s32 s5, $0x0;
	s5 =	sld [smem:$0x3FAB]  }
0x2b: {  	s6 =	sld [smem:$0x3FAC]  }
0x2c: {  	s7 =	sld [smem:$0x3FAD]  }
0x2d: {  	s3 =	simm.s32 $0x108;
	s8 =	sld [smem:$0x3FAE]  }
0x2e: {  	s3 =	simm.s32 @!p0 $0x1082;
	s9 =	sld [smem:$0x3FAF]  }
0x2f: {  	lr =	sadd.s32 s0, s3;
	s0 =	sld [smem:$0x3FA6]  }
0x30: {  	s3 =	sld [smem:$0x3FA9]  }
0x31: {  	[smem:$0x3FB2] =	sst s10  }
0x32: {  	s10 =	sld [smem:$0x3FB0];
	_ =	sdelay $0x3  }
0x33: {  	p0 =	seq.s32 s10, $0x1;
	s10 =	sld [smem:$0x3FB2];
	_ =	sdelay $0x3  }
0x34: {  	[smem:$0x3FB2] =	sst s10  }
0x35: {  	s10 =	sld [smem:$0x3FB1];
	_ =	sdelay $0x3  }
0x36: {  	p1 =	seq.s32 s10, $0x1;
	s10 =	sld [smem:$0x3FB2];
	_ =	sdelay $0x3  }
0x37: {  	[smem:$0x3FB2] =	sst s10  }
0x38: {  	s10 =	sld [smem:$0x3FB3]  }
0x39: {  	_ = 	snop;
	(pc) =	sbr.ind lr, $3  }
0x3a: {  	_ = 	snop  }
0x3b: {  	_ = 	snop  }
0x3c: {  	p2 =	seq.s32 s10, $0x1;
	s10 =	sld [smem:$0x3FB2]  }
0x3d: {  	_ =	shalt  }
0x3e: {  	_ =	shalt  }
0x3f: {  	_ =	shalt  }
0x40: {  	_ =	shalt  }
0x41: {  	_ =	shalt  }
0x42: {  	_ =	shalt  }
0x43: {  	_ =	shalt  }
0x44: {  	_ =	shalt  }
0x45: {  	_ =	shalt  }
0x46: {  	_ =	shalt  }
0x47: {  	_ =	shalt  }
0x48: {  	_ =	shalt  }
0x49: {  	_ =	shalt  }
0x4a: {  	_ =	shalt  }
0x4b: {  	_ =	shalt  }
0x4c: {  	_ =	shalt  }
0x4d: {  	_ =	shalt  }
0x4e: {  	_ =	shalt  }
0x4f: {  	_ =	shalt  }
0x50: {  	_ =	shalt  }
0x51: {  	_ =	shalt  }
0x52: {  	_ =	shalt  }
0x53: {  	_ =	shalt  }
0x54: {  	_ =	shalt  }
0x55: {  	_ =	shalt  }
0x56: {  	_ =	shalt  }
0x57: {  	_ =	shalt  }
0x58: {  	_ =	shalt  }
0x59: {  	_ =	shalt  }
0x5a: {  	_ =	shalt  }
0x5b: {  	_ =	shalt  }
0x5c: {  	_ =	shalt  }
0x5d: {  	_ =	shalt  }
0x5e: {  	_ =	shalt  }
0x5f: {  	_ =	shalt  }
0x60: {  	_ =	shalt  }
0x61: {  	_ =	shalt  }
0x62: {  	_ =	shalt  }
0x63: {  	_ =	shalt  }
0x64: {  	_ =	shalt  }
0x65: {  	_ =	shalt  }
0x66: {  	_ =	shalt  }
0x67: {  	_ =	shalt  }
0x68: {  	_ =	shalt  }
0x69: {  	_ =	shalt  }
0x6a: {  	_ =	shalt  }
0x6b: {  	_ =	shalt  }
0x6c: {  	_ =	shalt  }
0x6d: {  	_ =	shalt  }
0x6e: {  	_ =	shalt  }
0x6f: {  	_ =	shalt  }
0x70: {  	_ =	shalt  }
0x71: {  	_ =	shalt  }
0x72: {  	_ =	shalt  }
0x73: {  	_ =	shalt  }
0x74: {  	_ =	shalt  }
0x75: {  	_ =	shalt  }
0x76: {  	_ =	shalt  }
0x77: {  	_ =	shalt  }
0x78: {  	_ =	shalt  }
0x79: {  	_ =	shalt  }
0x7a: {  	_ =	shalt  }
0x7b: {  	_ =	shalt  }
0x7c: {  	_ =	shalt  }
0x7d: {  	_ =	shalt  }
0x7e: {  	_ =	shalt  }
0x7f: {  	_ =	shalt  }
0x80: {  	_ =	shalt  }
0x81: {  	_ =	shalt  }
0x82: {  	_ =	shalt  }
0x83: {  	_ =	shalt  }
0x84: {  	_ =	shalt  }
0x85: {  	_ =	shalt  }
0x86: {  	_ =	shalt  }
0x87: {  	_ =	shalt  }
.Lfunc_end0:
.L_simem_size_0:
called_computation_lowered:
.L_overlay_start_0:
0x88: {  	s2 =	sld [smem:$0x3FD9]  }
0x89: {  	s3 =	sld [smem:$0x3FFE];
	_ =	sdelay $0x1  }
0x8a: {  	s1 =	srdreg.scid  }
0x8b: {  	s0 =	sand.u32 $0x1, s1  }
0x8c: {  	s14 =	sshll.u32 s0, $0xA;
	s2 =	sadd.s32 s3, s2  }
0x8d: {  	s2 =	sadd.s32 s2, s14  }
0x8e: {  	[smem:$0x3FBE] =	sst s2  }
0x8f: {  	_ = 	snop  }
0x90: {  	s2 =	sld [smem:$0x3FD0];
	_ =	sdelay $0x2  }
0x91: {  	s15 =	simm.s32 $0xD;
	s4 =	simm.s32 $0x10  }
0x92: {  	[smem:s4], [sflag:s15] =	dma.local [hbm:s2], $0x1  }
0x93: {  	_ =	swait.eq [sflag:s15], $0x1  }
0x94: {  	[sflag:s15] =	ssyncset.done $0x0  }
0x95: {  	s16 =	sld [smem:$0x10];
	[sflag:s15] =	ssyncadd.s32 $0xFFFFFFFF  }
0x96: {  	s17 =	sld [smem:$0x11];
	(tm) =	ssettm $0x1  }
0x97: {  	s18 =	sld [smem:$0x3FFB];
	_ =	sdelay $0x3  }
0x98: {  	_ =	strace s18  }
0x99: {  	s4 =	sld [smem:$0x3FFC];
	_ =	sdelay $0x3  }
0x9a: {  	_ =	strace s4  }
0x9b: {  	s4 =	sld [smem:$0x3FFD];
	_ =	sdelay $0x3  }
0x9c: {  	_ =	strace s4  }
0x9d: {  	_ =	strace $0x8FFFFFFF  }
0x9e: {  	s19 =	sld [smem:$0x3FDB];
	_ =	sdelay $0x1  }
0x9f: {  	s5 =	simm.s32 $_scs_section_size  }
0xa0: {  	s6 =	simm.s32 $_size__tile_overlayer_lowered;
	s7 =	simm.s32 $_tile_overlayer_lowered  }
0xa1: {  	s22 =	simm.s32 $0x1BFF;
	s21 =	sshll.u32 s7, $0x1;
	s4 =	sadd.s32 s5, s19  }
0xa2: {  	s8 =	simm.s32 $0x0;
	s20 =	sshll.u32 s6, $0x1;
	s6 =	sadd.s32 s21, s4  }
0xa3: {  	[timem:s8], [sflag:s22] =	dma.local [hbm:s6], s20  }
0xa4: {  	_ =	swait.ge [sflag:s22], s20  }
0xa5: {  	s5 =	ssub.s32 $0x0, s20;
	[sflag:s22] =	ssyncset.done $0x0  }
0xa6: {  	[sflag:s22] =	ssyncadd.s32 s5;
	_ =	sdelay $0x1  }
0xa7: {  	s23 =	simm.s32 $0x1B8B  }
0xa8: {  	_ =	swait.ge [sflag:s23], $0x1  }
0xa9: {  	[sflag:s23] =	ssyncset.done $0x0  }
0xaa: {  	s25 =	simm.s32 $0x1B8E;
	s24 =	sld [smem:$0x3FFE];
	[sflag:s23] =	ssyncadd.s32 $0xFFFFFFFF  }
0xab: {  	s26 =	simm.s32 $execute0_lowered;
	[smem:$0x3FD2] =	sst s25  }
0xac: {  	s6 =	sshll.u32 s26, $0x1;
	_ =	strace $0x80000046;
	[dreg:$0x1] =	wrdreg $0xFFFFFFFF  }
0xad: {  	s28 =	simm.s32 $_size_execute0_lowered;
	s4 =	sadd.s32 s4, s6;
	[dreg:$0x0] =	wrdreg $0x0  }
0xae: {  	s6 =	sshll.u32 s28, $0x1;
	[dreg:$0x2] =	wrdreg s4  }
0xaf: {  	[dreg:$0x3] =	wrdreg s6  }
0xb0: {  	[dreg:$0x4] =	wrdreg $0xC0  }
0xb1: {  	_ =	task [dreg:s8], $0x5FFFF  }
0xb2: {  	[dreg:$0x1] =	wrdreg $0xFFFFFFFF  }
0xb3: {  	[dreg:$0x0] =	wrdreg $0x60  }
0xb4: {  	[dreg:$0x2] =	wrdreg s24  }
0xb5: {  	[dreg:$0x3] =	wrdreg s16  }
0xb6: {  	[dreg:$0x4] =	wrdreg s17  }
0xb7: {  	[dreg:$0x5] =	wrdreg $0x9  }
0xb8: {  	_ =	task.clear_ibuf [dreg:s8], $0x6FFFF;
	_ =	strace $0x90000046  }
0xb9: {  	s29 =	simm.s32 $0x9;
	_ =	strace $0x80000048  }
0xba: {  	_ =	swait.ge [sflag:s29], $0x1  }
0xbb: {  	[sflag:s29] =	ssyncadd.s32 $0xFFFFFFFF  }
0xbc: {  	_ =	strace $0x90000048  }
0xbd: {  	_ =	sfence  }
0xbe: {  	s30 =	sld [smem:$0x0];
	_ =	sdelay $0x2  }
0xbf: {  	s31 =	sshll.u32 s1, $0xD;
	s1 =	sshrl.u32 s1, $0x2  }
0xc0: {  	s3 =	sand.u32 $0x4000, s31;
	s1 =	sadd.s32 s1, s30  }
0xc1: {  	s0 =	sor.u32 s3, s0;
	s1 =	sshll.u32 s1, $0x11  }
0xc2: {  	s0 =	sor.u32 s1, s0  }
0xc3: {  	s0 =	sadd.s32 $0x8F2B, s0  }
0xc4: {  	[sflag:s0] =	ssyncadd.remote.s32 $0x1  }
0xc5: {  	_ =	sfence.sel $0xFFFF  }
0xc6: {  	[dreg:$0x0] =	wrdreg $0xFFFFFFFF;
	(pc) =	sbr.abs _section_cstart, $3  }
0xc7: {  	[dreg:$0x1] =	wrdreg $0xFFFFFFFF  }
0xc8: {  	_ =	task.clear_ibuf [dreg:s8], $0x2FFFF;
	_ =	strace $0x9FFFFFFF  }
0xc9: {  	(tm) =	ssettm $0x7FFFFFFF  }
tec
execute0_lowered:
.L_overlay_start_1:
0x0: {  	(tag) =	ssettag $0x1  }
0x1: {  	s5 =	rddreg [dreg:$0x0];
	s1 =	srdreg.scid  }
0x2: {  	s0 =	stileid.u32;
	s2 =	rddreg [dreg:$0x1]  }
0x3: {  	s6 =	rddreg [dreg:$0x2];
	s3 =	simm.s32 $0x0;
	s16 =	simm.s32 $0xF100  }
0x4: {  	s17 =	simm.s32 $0x14280;
	s18 =	simm.s32 $0x16A80;
	s19 =	simm.s32 $0x80  }
0x5: {  	s20 =	simm.s32 $0x100;
	s21 =	simm.s32 $0xF180;
	s22 =	simm.s32 $0x11A00  }
0x6: {  	s23 =	simm.s32 $0x400;
	s24 =	simm.s32 $0x0;
	s7 =	sand.u32 $0x1, s1  }
0x7: {  	s1 =	rddreg [dreg:$0x3];
	s9 =	sshrl.u32 s0, $0x2;
	s14 =	smul.u32 $0x5100, s0  }
0x8: {  	s30 =	sshll.u32 s0, $0x1;
	[smem:$0x7FF] =	sst s3;
	s9 =	smul.u32 $0x14000, s9  }
0x9: {  	s8 =	sor.u32 s7, s30;
	_ =	strace $0x80000047;
	s15 =	smul.u32 $0x2880, s7  }
0xa: {  	s31 =	ssub.s32 $0x2, s7;
	s4 =	smul.u32 $0x2880, s8;
	s10 =	sshll.u32 s8, $0x7  }
0xb: {  	s12 =	sshrl.u32 s31, $0x1;
	s8 =	smul.u32 $0xA20, s8;
	s10 =	sand.u32 $0x380, s10  }
0xc: {  	s12 =	ssub.s32 s31, s12;
	s4 =	sshrl.u32 s4, $0x3;
	s9 =	sor.u32 s9, s10  }
0xd: {  	s6 =	sadd.s32 s6, s8;
	s11 =	sadd.s32 s4, s5;
	s9 =	sshrl.u32 s9, $0x3  }
0xe: {  	s4 =	sadd.s32 $0x18000, s5;
	s8 =	sadd.s32 $0x10, s6;
	s13 =	sadd.s32 s9, s5  }
0xf: {  	s5 =	sadd.s32 $0x3C00, s11;
	s7 =	sadd.s32 $0xDE00, s11;
	s11 =	smax.u32 s12, $0x1  }
0x10: {  	s12 =	sadd.s32 s15, s14;
	s14 =	simm.s32 $0x2880;
	s15 =	simm.s32 $0x5100  }
0x11: {  	v0 =	vimm.f32 $0.0e+00;
	s9 =	sadd.s32 $0x18200, s13;
	s10 =	sadd.s32 $0x22200, s13;
	s13 =	simm.s32 $0x1  }
.LBB2_1:
0x12: {  	[tilespmem:s3], [sflag:$0x1] =	stream.linear.gather [hbm4b:s5+s3], $0x2880, $0x38;
	[tilespmem:$0x19280] =	vst v63  }
0x13: {  	_ =	swait.ge [sflag:s13], $0x2880  }
0x14: {  	[sflag:s13] =	ssyncset.done $0x0  }
0x15: {  	[sflag:s13] =	ssyncadd.s32 $0xFFFFD780  }
0x16: {  	[tilespmem:s14], [sflag:$0x1] =	stream.linear.gather [hbm4b:s7+s3], $0x2880, $0x38;
	[tilespmem:$0x19280] =	vst v63  }
0x17: {  	_ =	swait.ge [sflag:s13], $0x2880  }
0x18: {  	[sflag:s13] =	ssyncset.done $0x0  }
0x19: {  	[sflag:s13] =	ssyncadd.s32 $0xFFFFD780  }
0x1a: {  	[tilespmem:s15], [sflag:$0x1] =	stream.linear.gather [hbm4b:s2+s3], $0xA000, $0x38;
	[tilespmem:$0x19280] =	vst v63  }
0x1b: {  	_ =	swait.ge [sflag:s13], $0xA000  }
0x1c: {  	[sflag:s13] =	ssyncset.done $0x0  }
0x1d: {  	[sflag:s13] =	ssyncadd.s32 $0xFFFF6000  }
0x1e: {  	[tilespmem:s16], [sflag:$0x1] =	stream.linear.gather [hbm4b:s4+s3], $0x80, $0x38;
	[tilespmem:$0x19280] =	vst v63  }
0x1f: {  	_ =	swait.ge [sflag:s13], $0x80  }
0x20: {  	[sflag:s13] =	ssyncset.done $0x0  }
0x21: {  	[sflag:s13] =	ssyncadd.s32 $0xFFFFFF80  }
0x22: {  	v1 =	vld [tilespmem:$0xF100]  }
0x23: {  	s25 =	simm.s32 $0x0;
	v2 =	vld [tilespmem:$0xF110]  }
.LBB2_2:
0x24: {  	p0 =	sne.s32 s25, $0x9FC0  }
.Ltmp0:
0x25: {  	_ = 	snop;
	(pc) =	sbr.rel @p0 .LBB2_2-.Ltmp0, $4  }
0x26: {  	_ = 	snop  }
0x27: {  	s26 =	sshra.s32 s25, $0x2  }
0x28: {  	[tilespmem:s26+$0x14280] =	vst v0  }
0x29: {  	s25 =	sadd.s32 $0x40, s25;
	[tilespmem:s26+$0x16A80] =	vst v0  }
0x2a: {  	s25 =	simm.s32 $0x0  }
0x2b: {  	v3 =	vld [tilespmem:s25+$0x2880]  }
0x2c: {  	v4 =	vld [tilespmem:s25+$0x0];
	_ =	sdelay $0x3  }
0x2d: {  	v5 =	vadd.s32 $0x5000, v3;
	_ =	sdelay $0x3  }
0x2e: {  	v6 =	vld.idx.msk [tilespmem:v4+s15+$0x0], $0xffff  }
0x2f: {  	v5 =	vld.idx.msk [tilespmem:v5+s15+$0x0], $0xffff;
	_ =	sdelay $0x4  }
0x30: {  	v5 =	vadd.f32 v5, v6;
	_ =	sdelay $0x1  }
0x31: {  	v6 =	vmul.f32 $2.000000030e-01, v5  }
0x32: {  	vm0 =	vgt.f32 v5, $0.0e+00  }
0x33: {  	v5 =	vsel vm0, v5, v6  }
0x34: {  	v5 =	vsub.f32 v5, v1;
	_ =	sdelay $0x1  }
0x35: {  	v5 =	vmul.f32 $1.442695020e+00, v5;
	_ =	sdelay $0x1  }
0x36: {  	(erf) = vpow2.f32 v5;
	_ =	sdelay $0x7  }
0x37: {  	v4 =	vadd.s32 $0x2800, v4  }
0x38: {  	p1 =	slt.u32 s12, $0x50910;
	v5 =	vadd.s32 $0x7800, v3;
	v6 =	vpop (erf)  }
0x39: {  	v6 =	vpsel !p1, $0x0, v6  }
0x3a: {  	[tilespmem:s25+$0xF180] =	vst v6  }
0x3b: {  	[tilespmem:v3+s17+$0x0] =	vst.idx.add.f32.msk $0xffff, v6  }
0x3c: {  	v4 =	vld.idx.msk [tilespmem:v4+s15+$0x0], $0xffff  }
0x3d: {  	v5 =	vld.idx.msk [tilespmem:v5+s15+$0x0], $0xffff;
	_ =	sdelay $0x4  }
0x3e: {  	v4 =	vadd.f32 v5, v4;
	_ =	sdelay $0x1  }
0x3f: {  	v5 =	vmul.f32 $2.000000030e-01, v4  }
0x40: {  	vm15 =	vgt.f32 v4, $0.0e+00  }
0x41: {  	v4 =	vsel vm15, v4, v5  }
0x42: {  	v4 =	vsub.f32 v4, v2;
	_ =	sdelay $0x1  }
0x43: {  	v4 =	vmul.f32 $1.442695020e+00, v4;
	_ =	sdelay $0x1  }
0x44: {  	(erf) = vpow2.f32 v4;
	_ =	sdelay $0x8  }
0x45: {  	s26 =	simm.s32 $0x40;
	s28 =	smov.u32 s12;
	v4 =	vpop (erf)  }
.LBB2_4:
0x46: {  	p0 =	sne.s32 s26, $0xA1C0  }
0x47: {  	v4 =	vpsel !p1, $0x0, v4;
	s28 =	sadd.s32 $0x10, s28;
	s29 =	smov.u32 s26;
	s26 =	sadd.s32 $0x40, s26  }
0x48: {  	[tilespmem:s25+$0x11A00] =	vst v4;
	s25 =	sshra.s32 s29, $0x2  }
0x49: {  	[tilespmem:v3+s18+$0x0] =	vst.idx.add.f32.msk $0xffff, v4  }
0x4a: {  	v3 =	vld [tilespmem:s25+$0x2880]  }
0x4b: {  	v4 =	vld [tilespmem:s25+$0x0];
	_ =	sdelay $0x3  }
0x4c: {  	v5 =	vadd.s32 $0x5000, v3;
	_ =	sdelay $0x3  }
0x4d: {  	v6 =	vld.idx.msk [tilespmem:v4+s15+$0x0], $0xffff  }
0x4e: {  	v5 =	vld.idx.msk [tilespmem:v5+s15+$0x0], $0xffff;
	_ =	sdelay $0x5  }
0x4f: {  	v5 =	vadd.f32 v5, v6;
	_ =	sdelay $0x1  }
0x50: {  	v6 =	vmul.f32 $2.000000030e-01, v5  }
0x51: {  	vm0 =	vgt.f32 v5, $0.0e+00  }
0x52: {  	v5 =	vsel vm0, v5, v6  }
0x53: {  	v5 =	vsub.f32 v5, v1;
	_ =	sdelay $0x1  }
0x54: {  	v5 =	vmul.f32 $1.442695020e+00, v5;
	_ =	sdelay $0x1  }
0x55: {  	(erf) = vpow2.f32 v5;
	_ =	sdelay $0x7  }
0x56: {  	v4 =	vadd.s32 $0x2800, v4;
	v5 =	vadd.s32 $0x7800, v3  }
0x57: {  	p1 =	slt.u32 s28, $0x50910;
	v6 =	vpop (erf)  }
0x58: {  	v6 =	vpsel !p1, $0x0, v6  }
0x59: {  	[tilespmem:s25+$0xF180] =	vst v6  }
0x5a: {  	[tilespmem:v3+s17+$0x0] =	vst.idx.add.f32.msk $0xffff, v6  }
0x5b: {  	v4 =	vld.idx.msk [tilespmem:v4+s15+$0x0], $0xffff  }
0x5c: {  	v5 =	vld.idx.msk [tilespmem:v5+s15+$0x0], $0xffff;
	_ =	sdelay $0x5  }
0x5d: {  	v4 =	vadd.f32 v5, v4;
	_ =	sdelay $0x1  }
0x5e: {  	vm0 =	vgt.f32 v4, $0.0e+00;
	v5 =	vmul.f32 $2.000000030e-01, v4;
	_ =	sdelay $0x1  }
0x5f: {  	v4 =	vsel vm0, v4, v5  }
0x60: {  	v4 =	vsub.f32 v4, v2;
	_ =	sdelay $0x1  }
0x61: {  	v4 =	vmul.f32 $1.442695020e+00, v4;
	_ =	sdelay $0x1  }
0x62: {  	(erf) = vpow2.f32 v4;
	_ =	sdelay $0x4  }
.Ltmp1:
0x63: {  	(pc) =	sbr.rel @p0 .LBB2_4-.Ltmp1, $2  }
0x64: {  	_ =	sdelay $0x2  }
0x65: {  	v4 =	vpop (erf)  }
0x66: {  	_ =	sdelay $0x1  }
0x67: {  	v1 =	vpsel !p1, $0x0, v4  }
0x68: {  	[tilespmem:s25+$0x11A00] =	vst v1  }
0x69: {  	[tilespmem:v3+s18+$0x0] =	vst.idx.add.f32.msk $0xffff, v1  }
0x6a: {  	[hbm4b:s6+s19] =	stream.strided.scatter [tilespmem:s21], [sflag:$0x1], $0x2880, s20, s19, $0x38;
	[tilespmem:$0x19280] =	vst v63  }
0x6b: {  	_ =	swait.ge [sflag:s13], $0x2880  }
0x6c: {  	[sflag:s13] =	ssyncset.done $0x0  }
0x6d: {  	[sflag:s13] =	ssyncadd.s32 $0xFFFFD780  }
0x6e: {  	[hbm4b:s8+s19] =	stream.strided.scatter [tilespmem:s22], [sflag:$0x1], $0x2880, s20, s19, $0x38;
	[tilespmem:$0x19280] =	vst v63  }
0x6f: {  	_ =	swait.ge [sflag:s13], $0x2880  }
0x70: {  	[sflag:s13] =	ssyncset.done $0x0  }
0x71: {  	[sflag:s13] =	ssyncadd.s32 $0xFFFFD780  }
0x72: {  	[hbm4b:s9+s19] =	stream.strided.scatter [tilespmem:s17], [sflag:$0x1], $0x2800, s23, s19, $0x38;
	[tilespmem:$0x19280] =	vst v63  }
0x73: {  	s24 =	sadd.s32 $0x1, s24;
	_ =	swait.ge [sflag:s13], $0x2800  }
0x74: {  	p0 =	sne.s32 s24, s11;
	[sflag:s13] =	ssyncset.done $0x0  }
.Ltmp2:
0x75: {  	[sflag:s13] =	ssyncadd.s32 $0xFFFFD800;
	(pc) =	sbr.rel @p0 .LBB2_1-.Ltmp2, $4  }
0x76: {  	[hbm4b:s10+s19] =	stream.strided.scatter [tilespmem:s18], [sflag:$0x1], $0x2800, s23, s19, $0x38;
	[tilespmem:$0x19280] =	vst v63  }
0x77: {  	_ =	swait.ge [sflag:s13], $0x2800  }
0x78: {  	[sflag:s13] =	ssyncset.done $0x0  }
0x79: {  	[sflag:s13] =	ssyncadd.s32 $0xFFFFD800  }
0x7a: {  	_ =	sfence.sel $0x180000  }
0x7b: {  	[bflag:$0x0] =	sbarrier.arrive $0xFFFF  }
0x7c: {  	p0 =	sne.s32 s0, $0x0;
	_ =	strace $0x90000047  }
0x7d: {  	s0 =	sadd.s32 @!p0 $0x100000, s1;
	[bflag:$0x2] =	sbarrier.arrive $0xFFFF  }
0x7e: {  	[sflag:s0] =	ssyncadd.tile.s32 @!p0 $0x1;
	_ =	shalt  }
.Lfunc_end2:
_tile_overlayer_lowered:
.L_overlay_start_2:
0x7f: {  	(tag) =	ssettag $0x2  }
0x80: {  	s0 =	rddreg [dreg:$0x0];
	s2 =	stileid.u32  }
0x81: {  	s1 =	rddreg [dreg:$0x1];
	p0 =	sne.s32 s2, $0x0  }
0x82: {  	s3 =	rddreg [dreg:$0x2];
	[bflag:$0x3] =	sbarrier.arrive $0xFFFF;
	s2 =	simm.s32 @!p0 $0x1C01  }
0x83: {  	[timem:s3], [sflag:s2] =	dma.local @!p0 [hbm:s0], s1  }
0x84: {  	s0 =	simm.s32 @!p0 $0x1  }
0x85: {  	_ =	swait.ge @!p0 [sflag:s0], s1  }
0x86: {  	s1 =	ssub.s32 @!p0 $0x0, s1;
	[sflag:s0] =	ssyncset.done @!p0 $0x0  }
0x87: {  	[sflag:s0] =	ssyncadd.s32 @!p0 s1  }
0x88: {  	[bflag:$0x3] =	sbarrier.arrive $0xFFFF  }
0x89: {  	_ =	shalt  }

// kernel: kernel.19.cloned.1.call-start
scs
__scs_entry_jumppad:
0x0: {  	(pc) =	sbr.rel $0x88, $3  }
0x1: {  	(tag) =	ssettag $0x0;
	lr =	simm.s32 $0x1  }
0x2: {  	[smem:$0x3F97] =	sst lr;
	_ =	strace $0xD0000000  }
0x3: {  	_ = 	snop  }
0x4: {  	_ = 	snop  }
0x5: {  	_ = 	snop  }
0x6: {  	_ = 	snop  }
0x7: {  	_ = 	snop  }
__scs_overlays_trampoline_lowered:
0x8: {  	[smem:$0x3FA6] =	sst s0  }
0x9: {  	[smem:$0x3FA7] =	sst s1  }
0xa: {  	[smem:$0x3FA8] =	sst s2  }
0xb: {  	[smem:$0x3FA9] =	sst s3  }
0xc: {  	[smem:$0x3FAA] =	sst s4  }
0xd: {  	[smem:$0x3FAB] =	sst s5  }
0xe: {  	[smem:$0x3FAC] =	sst s6  }
0xf: {  	[smem:$0x3FAD] =	sst s7  }
0x10: {  	[smem:$0x3FAE] =	sst s8  }
0x11: {  	[smem:$0x3FAF] =	sst s9;
	s0 =	simm.s32 @!p0 $0x0  }
0x12: {  	s1 =	sld [smem:$0x3F95];
	s0 =	simm.s32 @p0 $0x1  }
0x13: {  	[smem:$0x3FB0] =	sst s0;
	s0 =	simm.s32 @!p1 $0x0  }
0x14: {  	s2 =	sld [smem:$0x3F94];
	s0 =	simm.s32 @p1 $0x1  }
0x15: {  	[smem:$0x3FB1] =	sst s0;
	s0 =	simm.s32 @!p2 $0x0  }
0x16: {  	s3 =	sld [smem:$0x3FDB];
	s0 =	simm.s32 @p2 $0x1  }
0x17: {  	s4 =	simm.s32 $0x1BF5;
	[smem:$0x3FB3] =	sst s0  }
0x18: {  	s0 =	sld [smem:$0x3F96];
	_ =	swait.ge [sflag:s4], $0x0  }
0x19: {  	s7 =	sld [smem:$0x3F97]  }
0x1a: {  	s8 =	sadd.s32 $0xFFFFE003, lr  }
0x1b: {  	s9 =	sadd.s32 $0xFFFFFEF7, lr;
	s5 =	simm.s32 $0xFFFFFFFF;
	p2 =	slt.u32 s8, $0xFFFFF086  }
0x1c: {  	p1 =	slt.u32 s9, $0xF7A;
	s5 =	simm.s32 @!p2 $0x0  }
0x1d: {  	s5 =	simm.s32 @p1 $0x1;
	p0 =	seq.s32 s7, s2  }
0x1e: {  	s7 =	smul.u32 @!p0 $0xF7A, s2;
	p2 =	seq.s32 @!p0 s5, $0x0  }
0x1f: {  	s9 =	smul.u32 $0xF7A, s1;
	s8 =	simm.s32 @!p0 $0x1BF5;
	p2 =	por !p2, p0  }
0x20: {  	[sflag:s8] =	ssyncset.s32 @!p0 $0xFFFFF086;
	s6 =	sadd.s32 @!p0 s3, s7;
	s7 =	simm.s32 @!p0 $0x108  }
0x21: {  	s3 =	sadd.s32 s3, s9;
	s6 =	sadd.s32 @!p0 $0x88, s6;
	s7 =	simm.s32 @p2 $0x1082  }
0x22: {  	[simem:s7], [sflag:s8] =	dma.local @!p0 [hbm:s6], $0xF7A  }
0x23: {  	s9 =	sor.u32 $0xD0000000, s2;
	s6 =	simm.s32 $0x108;
	_ =	swait.ge @!p0 [sflag:s8], $0x0  }
0x24: {  	s3 =	sadd.s32 $0x88, s3;
	s6 =	simm.s32 @!p1 $0x1082;
	[sflag:s4] =	ssyncset.s32 $0xFFFFF086  }
0x25: {  	[simem:s6], [sflag:s4] =	dma.local [hbm:s3], $0xF7A  }
0x26: {  	[smem:$0x3F97] =	sst s1;
	(tag) =	ssettag s2;
	_ =	strace s9  }
0x27: {  	s1 =	sld [smem:$0x3FA7]  }
0x28: {  	s2 =	sld [smem:$0x3FA8]  }
0x29: {  	s4 =	sld [smem:$0x3FAA]  }
0x2a: {  	p0 =	seq.s32 s5, $0x0;
	s5 =	sld [smem:$0x3FAB]  }
0x2b: {  	s6 =	sld [smem:$0x3FAC]  }
0x2c: {  	s7 =	sld [smem:$0x3FAD]  }
0x2d: {  	s3 =	simm.s32 $0x108;
	s8 =	sld [smem:$0x3FAE]  }
0x2e: {  	s3 =	simm.s32 @!p0 $0x1082;
	s9 =	sld [smem:$0x3FAF]  }
0x2f: {  	lr =	sadd.s32 s0, s3;
	s0 =	sld [smem:$0x3FA6]  }
0x30: {  	s3 =	sld [smem:$0x3FA9]  }
0x31: {  	[smem:$0x3FB2] =	sst s10  }
0x32: {  	s10 =	sld [smem:$0x3FB0];
	_ =	sdelay $0x3  }
0x33: {  	p0 =	seq.s32 s10, $0x1;
	s10 =	sld [smem:$0x3FB2];
	_ =	sdelay $0x3  }
0x34: {  	[smem:$0x3FB2] =	sst s10  }
0x35: {  	s10 =	sld [smem:$0x3FB1];
	_ =	sdelay $0x3  }
0x36: {  	p1 =	seq.s32 s10, $0x1;
	s10 =	sld [smem:$0x3FB2];
	_ =	sdelay $0x3  }
0x37: {  	[smem:$0x3FB2] =	sst s10  }
0x38: {  	s10 =	sld [smem:$0x3FB3]  }
0x39: {  	_ = 	snop;
	(pc) =	sbr.ind lr, $3  }
0x3a: {  	_ = 	snop  }
0x3b: {  	_ = 	snop  }
0x3c: {  	p2 =	seq.s32 s10, $0x1;
	s10 =	sld [smem:$0x3FB2]  }
0x3d: {  	_ =	shalt  }
0x3e: {  	_ =	shalt  }
0x3f: {  	_ =	shalt  }
0x40: {  	_ =	shalt  }
0x41: {  	_ =	shalt  }
0x42: {  	_ =	shalt  }
0x43: {  	_ =	shalt  }
0x44: {  	_ =	shalt  }
0x45: {  	_ =	shalt  }
0x46: {  	_ =	shalt  }
0x47: {  	_ =	shalt  }
0x48: {  	_ =	shalt  }
0x49: {  	_ =	shalt  }
0x4a: {  	_ =	shalt  }
0x4b: {  	_ =	shalt  }
0x4c: {  	_ =	shalt  }
0x4d: {  	_ =	shalt  }
0x4e: {  	_ =	shalt  }
0x4f: {  	_ =	shalt  }
0x50: {  	_ =	shalt  }
0x51: {  	_ =	shalt  }
0x52: {  	_ =	shalt  }
0x53: {  	_ =	shalt  }
0x54: {  	_ =	shalt  }
0x55: {  	_ =	shalt  }
0x56: {  	_ =	shalt  }
0x57: {  	_ =	shalt  }
0x58: {  	_ =	shalt  }
0x59: {  	_ =	shalt  }
0x5a: {  	_ =	shalt  }
0x5b: {  	_ =	shalt  }
0x5c: {  	_ =	shalt  }
0x5d: {  	_ =	shalt  }
0x5e: {  	_ =	shalt  }
0x5f: {  	_ =	shalt  }
0x60: {  	_ =	shalt  }
0x61: {  	_ =	shalt  }
0x62: {  	_ =	shalt  }
0x63: {  	_ =	shalt  }
0x64: {  	_ =	shalt  }
0x65: {  	_ =	shalt  }
0x66: {  	_ =	shalt  }
0x67: {  	_ =	shalt  }
0x68: {  	_ =	shalt  }
0x69: {  	_ =	shalt  }
0x6a: {  	_ =	shalt  }
0x6b: {  	_ =	shalt  }
0x6c: {  	_ =	shalt  }
0x6d: {  	_ =	shalt  }
0x6e: {  	_ =	shalt  }
0x6f: {  	_ =	shalt  }
0x70: {  	_ =	shalt  }
0x71: {  	_ =	shalt  }
0x72: {  	_ =	shalt  }
0x73: {  	_ =	shalt  }
0x74: {  	_ =	shalt  }
0x75: {  	_ =	shalt  }
0x76: {  	_ =	shalt  }
0x77: {  	_ =	shalt  }
0x78: {  	_ =	shalt  }
0x79: {  	_ =	shalt  }
0x7a: {  	_ =	shalt  }
0x7b: {  	_ =	shalt  }
0x7c: {  	_ =	shalt  }
0x7d: {  	_ =	shalt  }
0x7e: {  	_ =	shalt  }
0x7f: {  	_ =	shalt  }
0x80: {  	_ =	shalt  }
0x81: {  	_ =	shalt  }
0x82: {  	_ =	shalt  }
0x83: {  	_ =	shalt  }
0x84: {  	_ =	shalt  }
0x85: {  	_ =	shalt  }
0x86: {  	_ =	shalt  }
0x87: {  	_ =	shalt  }
.Lfunc_end0:
.L_simem_size_0:
called_computation.1_lowered:
.L_overlay_start_0:
0x88: {  	s2 =	sld [smem:$0x3FD9]  }
0x89: {  	s3 =	sld [smem:$0x3FFE];
	_ =	sdelay $0x1  }
0x8a: {  	s1 =	srdreg.scid  }
0x8b: {  	s0 =	sand.u32 $0x1, s1  }
0x8c: {  	s14 =	sshll.u32 s0, $0xA;
	s2 =	sadd.s32 s3, s2  }
0x8d: {  	s2 =	sadd.s32 s2, s14  }
0x8e: {  	[smem:$0x3FBE] =	sst s2  }
0x8f: {  	_ = 	snop  }
0x90: {  	s2 =	sld [smem:$0x3FD0];
	_ =	sdelay $0x2  }
0x91: {  	s15 =	simm.s32 $0xD;
	s4 =	simm.s32 $0x10  }
0x92: {  	[smem:s4], [sflag:s15] =	dma.local [hbm:s2], $0x1  }
0x93: {  	_ =	swait.eq [sflag:s15], $0x1  }
0x94: {  	[sflag:s15] =	ssyncset.done $0x0  }
0x95: {  	[sflag:s15] =	ssyncadd.s32 $0xFFFFFFFF  }
0x96: {  	s16 =	sld [smem:$0x10];
	(tm) =	ssettm $0x1  }
0x97: {  	s17 =	sld [smem:$0x3FFB];
	_ =	sdelay $0x3  }
0x98: {  	_ =	strace s17  }
0x99: {  	s3 =	sld [smem:$0x3FFC];
	_ =	sdelay $0x3  }
0x9a: {  	_ =	strace s3  }
0x9b: {  	s3 =	sld [smem:$0x3FFD];
	_ =	sdelay $0x3  }
0x9c: {  	_ =	strace s3  }
0x9d: {  	_ =	strace $0x8FFFFFFF  }
0x9e: {  	s18 =	sld [smem:$0x3FDB];
	_ =	sdelay $0x1  }
0x9f: {  	s19 =	simm.s32 $_scs_section_size  }
0xa0: {  	s5 =	simm.s32 $_size__tile_overlayer_lowered;
	s6 =	simm.s32 $_tile_overlayer_lowered  }
0xa1: {  	s22 =	simm.s32 $0x1BFF;
	s21 =	sshll.u32 s6, $0x1;
	s3 =	sadd.s32 s19, s18  }
0xa2: {  	s7 =	simm.s32 $0x0;
	s20 =	sshll.u32 s5, $0x1;
	s5 =	sadd.s32 s21, s3  }
0xa3: {  	[timem:s7], [sflag:s22] =	dma.local [hbm:s5], s20  }
0xa4: {  	_ =	swait.ge [sflag:s22], s20  }
0xa5: {  	s4 =	ssub.s32 $0x0, s20;
	[sflag:s22] =	ssyncset.done $0x0  }
0xa6: {  	[sflag:s22] =	ssyncadd.s32 s4;
	_ =	sdelay $0x1  }
0xa7: {  	s23 =	simm.s32 $0x1B8B  }
0xa8: {  	_ =	swait.ge [sflag:s23], $0x1  }
0xa9: {  	[sflag:s23] =	ssyncset.done $0x0  }
0xaa: {  	s25 =	simm.s32 $0x1B8E;
	s24 =	sld [smem:$0x3FFE];
	[sflag:s23] =	ssyncadd.s32 $0xFFFFFFFF  }
0xab: {  	s26 =	simm.s32 $execute0_lowered;
	[smem:$0x3FD2] =	sst s25  }
0xac: {  	s5 =	sshll.u32 s26, $0x1;
	_ =	strace $0x80000049;
	[dreg:$0x1] =	wrdreg $0xFFFFFFFF  }
0xad: {  	s28 =	simm.s32 $_size_execute0_lowered;
	s3 =	sadd.s32 s3, s5;
	[dreg:$0x0] =	wrdreg $0x0  }
0xae: {  	s5 =	sshll.u32 s28, $0x1;
	[dreg:$0x2] =	wrdreg s3  }
0xaf: {  	[dreg:$0x3] =	wrdreg s5  }
0xb0: {  	[dreg:$0x4] =	wrdreg $0xC0  }
0xb1: {  	_ =	task [dreg:s7], $0x5FFFF  }
0xb2: {  	[dreg:$0x1] =	wrdreg $0xFFFFFFFF  }
0xb3: {  	[dreg:$0x0] =	wrdreg $0x60  }
0xb4: {  	[dreg:$0x2] =	wrdreg s24  }
0xb5: {  	[dreg:$0x3] =	wrdreg s16  }
0xb6: {  	[dreg:$0x4] =	wrdreg $0xBA800  }
0xb7: {  	[dreg:$0x5] =	wrdreg $0x9  }
0xb8: {  	_ =	task.clear_ibuf [dreg:s7], $0x6FFFF;
	_ =	strace $0x90000049  }
0xb9: {  	s29 =	simm.s32 $0x9;
	_ =	strace $0x8000004B  }
0xba: {  	_ =	swait.ge [sflag:s29], $0x1  }
0xbb: {  	[sflag:s29] =	ssyncadd.s32 $0xFFFFFFFF  }
0xbc: {  	_ =	strace $0x9000004B  }
0xbd: {  	_ =	sfence  }
0xbe: {  	s30 =	sld [smem:$0x0];
	_ =	sdelay $0x2  }
0xbf: {  	s31 =	sshll.u32 s1, $0xD;
	s1 =	sshrl.u32 s1, $0x2  }
0xc0: {  	s3 =	sand.u32 $0x4000, s31;
	s1 =	sadd.s32 s1, s30  }
0xc1: {  	s0 =	sor.u32 s3, s0;
	s1 =	sshll.u32 s1, $0x11  }
0xc2: {  	s0 =	sor.u32 s1, s0  }
0xc3: {  	s0 =	sadd.s32 $0x8F2B, s0  }
0xc4: {  	[sflag:s0] =	ssyncadd.remote.s32 $0x1  }
0xc5: {  	_ =	sfence.sel $0xFFFF  }
0xc6: {  	[dreg:$0x0] =	wrdreg $0xFFFFFFFF;
	(pc) =	sbr.abs _section_cstart, $3  }
0xc7: {  	[dreg:$0x1] =	wrdreg $0xFFFFFFFF  }
0xc8: {  	_ =	task.clear_ibuf [dreg:s7], $0x2FFFF;
	_ =	strace $0x9FFFFFFF  }
0xc9: {  	(tm) =	ssettm $0x7FFFFFFF  }
tec
execute0_lowered:
.L_overlay_start_1:
0x0: {  	(tag) =	ssettag $0x1  }
0x1: {  	s6 =	rddreg [dreg:$0x0]  }
0x2: {  	s1 =	srdreg.scid;
	s8 =	rddreg [dreg:$0x1]  }
0x3: {  	s0 =	stileid.u32;
	s2 =	rddreg [dreg:$0x2]  }
0x4: {  	s3 =	simm.s32 $0x0;
	s16 =	simm.s32 $0x80;
	s17 =	simm.s32 $0x7980  }
0x5: {  	s18 =	simm.s32 $0x7A80;
	s19 =	simm.s32 $0x1;
	s20 =	simm.s32 $0x7A00  }
0x6: {  	s21 =	simm.s32 $0x0;
	s7 =	sand.u32 $0x1, s1;
	s29 =	sshll.u32 s0, $0x1  }
0x7: {  	[smem:$0x7FF] =	sst s3;
	s11 =	smul.u32 $0x14000, s0;
	s4 =	sadd.s32 $0xC8600, s6  }
0x8: {  	s5 =	sadd.s32 $0x36400, s6;
	s13 =	smul.u32 $0x50000, s0;
	s14 =	sshll.u32 s0, $0x6  }
0x9: {  	s1 =	sor.u32 s7, s29;
	s10 =	smul.u32 $0x140000, s7;
	s7 =	ssub.s32 $0x2, s7  }
0xa: {  	s14 =	sor.u32 $0x1C02, s14;
	s9 =	smul.u32 $0x510, s1;
	s1 =	rddreg [dreg:$0x3]  }
0xb: {  	_ =	strace $0x8000004A;
	s30 =	sshrl.u32 s7, $0x1;
	s31 =	sshrl.u32 s13, $0x2  }
0xc: {  	s13 =	simm.s32 $0x5100;
	s10 =	sadd.s32 s11, s10;
	s11 =	ssub.s32 s7, s30  }
0xd: {  	s15 =	sadd.s32 s31, s2;
	s12 =	sadd.s32 s9, s6;
	s10 =	sshrl.u32 s10, $0x3  }
0xe: {  	s8 =	sadd.s32 s8, s9;
	s15 =	sshrl.u32 s15, $0x3;
	s10 =	sadd.s32 s10, s6  }
0xf: {  	s6 =	sadd.s32 $0x3C00, s12;
	s7 =	sadd.s32 $0xDE00, s12;
	s12 =	simm.s32 $0x2880  }
0x10: {  	s9 =	sadd.s32 $0x38C00, s10;
	s10 =	smax.u32 s11, $0x1;
	s11 =	simm.s32 $0x2  }
.LBB2_1:
0x11: {  	[tilespmem:s3], [sflag:$0x2] =	stream.linear.gather [hbm4b:s6+s3], $0x2880, $0x38;
	[tilespmem:$0x1FA80] =	vst v63  }
0x12: {  	_ =	swait.ge [sflag:s11], $0x2880  }
0x13: {  	[sflag:s11] =	ssyncset.done $0x0  }
0x14: {  	[sflag:s11] =	ssyncadd.s32 $0xFFFFD780  }
0x15: {  	[tilespmem:s12], [sflag:$0x2] =	stream.linear.gather [hbm4b:s7+s3], $0x2880, $0x38;
	[tilespmem:$0x1FA80] =	vst v63  }
0x16: {  	_ =	swait.ge [sflag:s11], $0x2880  }
0x17: {  	[sflag:s11] =	ssyncset.done $0x0  }
0x18: {  	[sflag:s11] =	ssyncadd.s32 $0xFFFFD780  }
0x19: {  	[tilespmem:s13], [sflag:$0x2] =	stream.linear.gather [hbm4b:s8+s3], $0x2880, $0x38;
	[tilespmem:$0x1FA80] =	vst v63  }
0x1a: {  	_ =	swait.ge [sflag:s11], $0x2880  }
0x1b: {  	[sflag:s11] =	ssyncset.done $0x0  }
0x1c: {  	[sflag:s11] =	ssyncadd.s32 $0xFFFFD780  }
0x1d: {  	[spmem:s15], [sflag:s14] =	dma.local [hbm:s5], $0x2800  }
0x1e: {  	_ =	swait.ge [sflag:s11], $0x2800  }
0x1f: {  	[sflag:s11] =	ssyncset.done $0x0  }
0x20: {  	[sflag:s11] =	ssyncadd.s32 $0xFFFFD800  }
0x21: {  	s22 =	simm.s32 $0x0;
	s23 =	simm.s32 $0x0;
	[bflag:$0x0] =	sbarrier.arrive $0xFFFF  }
.LBB2_2:
0x22: {  	s24 =	sshll.u32 s23, $0x7  }
0x23: {  	v0 =	vld [tilespmem:s24+$0x0];
	_ =	sdelay $0x4  }
0x24: {  	[tilespmem:$0x7980] =	vst v0  }
0x25: {  	v0 =	vld [tilespmem:s24+$0x2880];
	_ =	sdelay $0x4  }
0x26: {  	[tilespmem:$0x7A00] =	vst v0  }
0x27: {  	v0 =	vld [tilespmem:s24+$0x10];
	_ =	sdelay $0x4  }
0x28: {  	[tilespmem:$0x7990] =	vst v0  }
0x29: {  	v0 =	vld [tilespmem:s24+$0x2890];
	_ =	sdelay $0x4  }
0x2a: {  	[tilespmem:$0x7A10] =	vst v0  }
0x2b: {  	v0 =	vld [tilespmem:s24+$0x20];
	_ =	sdelay $0x4  }
0x2c: {  	[tilespmem:$0x79A0] =	vst v0  }
0x2d: {  	v0 =	vld [tilespmem:s24+$0x28A0];
	_ =	sdelay $0x4  }
0x2e: {  	[tilespmem:$0x7A20] =	vst v0  }
0x2f: {  	v0 =	vld [tilespmem:s24+$0x30];
	_ =	sdelay $0x4  }
0x30: {  	[tilespmem:$0x79B0] =	vst v0  }
0x31: {  	v0 =	vld [tilespmem:s24+$0x28B0];
	_ =	sdelay $0x4  }
0x32: {  	[tilespmem:$0x7A30] =	vst v0  }
0x33: {  	v0 =	vld [tilespmem:s24+$0x40];
	_ =	sdelay $0x4  }
0x34: {  	[tilespmem:$0x79C0] =	vst v0  }
0x35: {  	v0 =	vld [tilespmem:s24+$0x28C0];
	_ =	sdelay $0x4  }
0x36: {  	[tilespmem:$0x7A40] =	vst v0  }
0x37: {  	v0 =	vld [tilespmem:s24+$0x50];
	_ =	sdelay $0x4  }
0x38: {  	[tilespmem:$0x79D0] =	vst v0  }
0x39: {  	v0 =	vld [tilespmem:s24+$0x28D0];
	_ =	sdelay $0x4  }
0x3a: {  	[tilespmem:$0x7A50] =	vst v0  }
0x3b: {  	v0 =	vld [tilespmem:s24+$0x60];
	_ =	sdelay $0x4  }
0x3c: {  	[tilespmem:$0x79E0] =	vst v0  }
0x3d: {  	v0 =	vld [tilespmem:s24+$0x28E0];
	_ =	sdelay $0x4  }
0x3e: {  	[tilespmem:$0x7A60] =	vst v0  }
0x3f: {  	v0 =	vld [tilespmem:s24+$0x70];
	_ =	sdelay $0x4  }
0x40: {  	[tilespmem:$0x79F0] =	vst v0  }
0x41: {  	v0 =	vld [tilespmem:s24+$0x28F0];
	_ =	sdelay $0x4  }
0x42: {  	[tilespmem:$0x7A70] =	vst v0  }
0x43: {  	[tilespmem:s18], [sflag:$0x1] =	stream.indirect.gather [hbm4b:s4+s16], $0x80, s17, s16, $0xb8;
	[tilespmem:$0x1FA80] =	vst v63  }
0x44: {  	s31 =	sadd.s32 $0x0, s22;
	_ =	swait.ge [sflag:s19], $0x4000  }
0x45: {  	v0 =	vmov s31;
	[sflag:s19] =	ssyncset.done $0x0  }
0x46: {  	s24 =	simm.s32 $0x7AC0;
	[sflag:s19] =	ssyncadd.s32 $0xFFFFC000  }
0x47: {  	v4 =	vld [tilespmem:s24+$0x30]  }
0x48: {  	v7 =	vld [tilespmem:s24+$0x10]  }
0x49: {  	v5 =	vld [tilespmem:s24+$0xFFFFFFC0]  }
0x4a: {  	v1 =	vld.idx.msk [tilespmem:v0+s13+$0x0], $0xffff  }
0x4b: {  	v9 =	vld [tilespmem:s24+$0xFFFFFFE0]  }
0x4c: {  	v0 =	vld [tilespmem:s24+$0xFFFFFFF0]  }
0x4d: {  	v2 =	vld [tilespmem:s24+$0x20]  }
0x4e: {  	v3 =	vld [tilespmem:s24+$0xFFFFFFD0]  }
0x4f: {  	v8 =	vmul.f32 v4, v1;
	v4 =	vld [tilespmem:s24+$0x0]  }
0x50: {  	v6 =	vmul.f32 v5, v1  }
0x51: {  	s25 =	simm.s32 $0x1;
	s26 =	simm.s32 $0x7AC0;
	v5 =	vmul.f32 v9, v1;
	v7 =	vmul.f32 v7, v1  }
.LBB2_3:
0x52: {  	p0 =	sne.s32 s25, $0x7F  }
0x53: {  	v3 =	vmul.f32 v3, v1;
	v2 =	vmul.f32 v2, v1;
	[tilespmem:s24+$0x30] =	vst v8;
	s26 =	sadd.s32 $0x80, s26;
	s28 =	smov.u32 s25;
	s25 =	sadd.s32 $0x1, s25  }
0x54: {  	[tilespmem:s24+$0xFFFFFFC0] =	vst v6;
	v6 =	vmul.f32 v0, v1;
	v1 =	vmul.f32 v4, v1  }
0x55: {  	s28 =	sadd.s32 s28, s22;
	[tilespmem:s24+$0x10] =	vst v7  }
0x56: {  	v4 =	vmov s28;
	[tilespmem:s24+$0xFFFFFFE0] =	vst v5  }
0x57: {  	v0 =	vld [tilespmem:s26+$0xFFFFFFF0];
	[tilespmem:s24+$0xFFFFFFF0] =	vst v6  }
0x58: {  	v5 =	vld [tilespmem:s26+$0x30];
	[tilespmem:s24+$0x0] =	vst v1  }
0x59: {  	v7 =	vld [tilespmem:s26+$0x10];
	[tilespmem:s24+$0x20] =	vst v2  }
0x5a: {  	v6 =	vld [tilespmem:s26+$0xFFFFFFC0];
	[tilespmem:s24+$0xFFFFFFD0] =	vst v3;
	s24 =	smov.u32 s26  }
0x5b: {  	v1 =	vld.idx.msk [tilespmem:v4+s13+$0x0], $0xffff  }
0x5c: {  	v9 =	vld [tilespmem:s26+$0xFFFFFFE0]  }
0x5d: {  	v2 =	vld [tilespmem:s26+$0x20]  }
.Ltmp0:
0x5e: {  	v3 =	vld [tilespmem:s26+$0xFFFFFFD0];
	(pc) =	sbr.rel @p0 .LBB2_3-.Ltmp0, $3  }
0x5f: {  	v4 =	vld [tilespmem:s26+$0x0];
	_ =	sdelay $0x1  }
0x60: {  	v6 =	vmul.f32 v6, v1;
	v8 =	vmul.f32 v5, v1  }
0x61: {  	v7 =	vmul.f32 v7, v1;
	v5 =	vmul.f32 v9, v1  }
0x62: {  	[tilespmem:s24+$0x30] =	vst v8  }
0x63: {  	[tilespmem:s24+$0xFFFFFFC0] =	vst v6  }
0x64: {  	v0 =	vmul.f32 v0, v1;
	[tilespmem:s24+$0x10] =	vst v7  }
0x65: {  	v2 =	vmul.f32 v2, v1;
	[tilespmem:s24+$0xFFFFFFE0] =	vst v5  }
0x66: {  	v63 =	vmul.f32 v3, v1;
	[tilespmem:s24+$0xFFFFFFF0] =	vst v0  }
0x67: {  	s23 =	sadd.s32 $0x1, s23;
	v4 =	vmul.f32 v4, v1;
	[tilespmem:s24+$0x20] =	vst v2  }
0x68: {  	p0 =	sne.s32 s23, $0x51;
	[tilespmem:s24+$0xFFFFFFD0] =	vst v63  }
.Ltmp1:
0x69: {  	[tilespmem:s24+$0x0] =	vst v4;
	(pc) =	sbr.rel @p0 .LBB2_2-.Ltmp1, $4  }
0x6a: {  	[spmem:s2] =	stream.indirect.scatter.add.f32 [tilespmem:s18], [sflag:$0x2], $0x80, s20, s16, $0xb8;
	[tilespmem:$0x1FA80] =	vst v63  }
0x6b: {  	_ =	swait.ge [sflag:s11], $0x4000  }
0x6c: {  	[sflag:s11] =	ssyncset.done $0x0  }
0x6d: {  	s22 =	sadd.s32 $0x80, s22;
	[sflag:s11] =	ssyncadd.s32 $0xFFFFC000  }
0x6e: {  	s21 =	sadd.s32 $0x1, s21  }
0x6f: {  	p0 =	sne.s32 s21, s10  }
.Ltmp2:
0x70: {  	[bflag:$0x0] =	sbarrier.arrive $0xFFFF;
	(pc) =	sbr.rel @p0 .LBB2_1-.Ltmp2, $4  }
0x71: {  	[hbm:s9], [sflag:s14] =	dma.local [spmem:s15], $0x2800  }
0x72: {  	_ =	swait.ge [sflag:s11], $0x2800  }
0x73: {  	[sflag:s11] =	ssyncset.done $0x0  }
0x74: {  	[sflag:s11] =	ssyncadd.s32 $0xFFFFD800  }
0x75: {  	_ =	sfence.sel $0x180000  }
0x76: {  	[bflag:$0x0] =	sbarrier.arrive $0xFFFF  }
0x77: {  	p0 =	sne.s32 s0, $0x0;
	_ =	strace $0x9000004A  }
0x78: {  	s0 =	sadd.s32 @!p0 $0x100000, s1;
	[bflag:$0x2] =	sbarrier.arrive $0xFFFF  }
0x79: {  	[sflag:s0] =	ssyncadd.tile.s32 @!p0 $0x1;
	_ =	shalt  }
.Lfunc_end2:
_tile_overlayer_lowered:
.L_overlay_start_2:
0x7a: {  	(tag) =	ssettag $0x2  }
0x7b: {  	s0 =	rddreg [dreg:$0x0];
	s2 =	stileid.u32  }
0x7c: {  	s1 =	rddreg [dreg:$0x1];
	p0 =	sne.s32 s2, $0x0  }
0x7d: {  	s3 =	rddreg [dreg:$0x2];
	[bflag:$0x3] =	sbarrier.arrive $0xFFFF;
	s2 =	simm.s32 @!p0 $0x1C02  }
0x7e: {  	[timem:s3], [sflag:s2] =	dma.local @!p0 [hbm:s0], s1  }
0x7f: {  	s0 =	simm.s32 @!p0 $0x2  }
0x80: {  	_ =	swait.ge @!p0 [sflag:s0], s1  }
0x81: {  	s1 =	ssub.s32 @!p0 $0x0, s1;
	[sflag:s0] =	ssyncset.done @!p0 $0x0  }
0x82: {  	[sflag:s0] =	ssyncadd.s32 @!p0 s1  }
0x83: {  	[bflag:$0x3] =	sbarrier.arrive $0xFFFF  }
0x84: {  	_ =	shalt  }

// kernel: kernel.22.cloned.1.call-start
scs
__scs_entry_jumppad:
0x0: {  	(pc) =	sbr.rel $0x88, $3  }
0x1: {  	(tag) =	ssettag $0x0;
	lr =	simm.s32 $0x1  }
0x2: {  	[smem:$0x3F97] =	sst lr;
	_ =	strace $0xD0000000  }
0x3: {  	_ = 	snop  }
0x4: {  	_ = 	snop  }
0x5: {  	_ = 	snop  }
0x6: {  	_ = 	snop  }
0x7: {  	_ = 	snop  }
__scs_overlays_trampoline_lowered:
0x8: {  	[smem:$0x3FA6] =	sst s0  }
0x9: {  	[smem:$0x3FA7] =	sst s1  }
0xa: {  	[smem:$0x3FA8] =	sst s2  }
0xb: {  	[smem:$0x3FA9] =	sst s3  }
0xc: {  	[smem:$0x3FAA] =	sst s4  }
0xd: {  	[smem:$0x3FAB] =	sst s5  }
0xe: {  	[smem:$0x3FAC] =	sst s6  }
0xf: {  	[smem:$0x3FAD] =	sst s7  }
0x10: {  	[smem:$0x3FAE] =	sst s8  }
0x11: {  	[smem:$0x3FAF] =	sst s9;
	s0 =	simm.s32 @!p0 $0x0  }
0x12: {  	s1 =	sld [smem:$0x3F95];
	s0 =	simm.s32 @p0 $0x1  }
0x13: {  	[smem:$0x3FB0] =	sst s0;
	s0 =	simm.s32 @!p1 $0x0  }
0x14: {  	s2 =	sld [smem:$0x3F94];
	s0 =	simm.s32 @p1 $0x1  }
0x15: {  	[smem:$0x3FB1] =	sst s0;
	s0 =	simm.s32 @!p2 $0x0  }
0x16: {  	s3 =	sld [smem:$0x3FDB];
	s0 =	simm.s32 @p2 $0x1  }
0x17: {  	s4 =	simm.s32 $0x1BF5;
	[smem:$0x3FB3] =	sst s0  }
0x18: {  	s0 =	sld [smem:$0x3F96];
	_ =	swait.ge [sflag:s4], $0x0  }
0x19: {  	s7 =	sld [smem:$0x3F97]  }
0x1a: {  	s8 =	sadd.s32 $0xFFFFE003, lr  }
0x1b: {  	s9 =	sadd.s32 $0xFFFFFEF7, lr;
	s5 =	simm.s32 $0xFFFFFFFF;
	p2 =	slt.u32 s8, $0xFFFFF086  }
0x1c: {  	p1 =	slt.u32 s9, $0xF7A;
	s5 =	simm.s32 @!p2 $0x0  }
0x1d: {  	s5 =	simm.s32 @p1 $0x1;
	p0 =	seq.s32 s7, s2  }
0x1e: {  	s7 =	smul.u32 @!p0 $0xF7A, s2;
	p2 =	seq.s32 @!p0 s5, $0x0  }
0x1f: {  	s9 =	smul.u32 $0xF7A, s1;
	s8 =	simm.s32 @!p0 $0x1BF5;
	p2 =	por !p2, p0  }
0x20: {  	[sflag:s8] =	ssyncset.s32 @!p0 $0xFFFFF086;
	s6 =	sadd.s32 @!p0 s3, s7;
	s7 =	simm.s32 @!p0 $0x108  }
0x21: {  	s3 =	sadd.s32 s3, s9;
	s6 =	sadd.s32 @!p0 $0x88, s6;
	s7 =	simm.s32 @p2 $0x1082  }
0x22: {  	[simem:s7], [sflag:s8] =	dma.local @!p0 [hbm:s6], $0xF7A  }
0x23: {  	s9 =	sor.u32 $0xD0000000, s2;
	s6 =	simm.s32 $0x108;
	_ =	swait.ge @!p0 [sflag:s8], $0x0  }
0x24: {  	s3 =	sadd.s32 $0x88, s3;
	s6 =	simm.s32 @!p1 $0x1082;
	[sflag:s4] =	ssyncset.s32 $0xFFFFF086  }
0x25: {  	[simem:s6], [sflag:s4] =	dma.local [hbm:s3], $0xF7A  }
0x26: {  	[smem:$0x3F97] =	sst s1;
	(tag) =	ssettag s2;
	_ =	strace s9  }
0x27: {  	s1 =	sld [smem:$0x3FA7]  }
0x28: {  	s2 =	sld [smem:$0x3FA8]  }
0x29: {  	s4 =	sld [smem:$0x3FAA]  }
0x2a: {  	p0 =	seq.s32 s5, $0x0;
	s5 =	sld [smem:$0x3FAB]  }
0x2b: {  	s6 =	sld [smem:$0x3FAC]  }
0x2c: {  	s7 =	sld [smem:$0x3FAD]  }
0x2d: {  	s3 =	simm.s32 $0x108;
	s8 =	sld [smem:$0x3FAE]  }
0x2e: {  	s3 =	simm.s32 @!p0 $0x1082;
	s9 =	sld [smem:$0x3FAF]  }
0x2f: {  	lr =	sadd.s32 s0, s3;
	s0 =	sld [smem:$0x3FA6]  }
0x30: {  	s3 =	sld [smem:$0x3FA9]  }
0x31: {  	[smem:$0x3FB2] =	sst s10  }
0x32: {  	s10 =	sld [smem:$0x3FB0];
	_ =	sdelay $0x3  }
0x33: {  	p0 =	seq.s32 s10, $0x1;
	s10 =	sld [smem:$0x3FB2];
	_ =	sdelay $0x3  }
0x34: {  	[smem:$0x3FB2] =	sst s10  }
0x35: {  	s10 =	sld [smem:$0x3FB1];
	_ =	sdelay $0x3  }
0x36: {  	p1 =	seq.s32 s10, $0x1;
	s10 =	sld [smem:$0x3FB2];
	_ =	sdelay $0x3  }
0x37: {  	[smem:$0x3FB2] =	sst s10  }
0x38: {  	s10 =	sld [smem:$0x3FB3]  }
0x39: {  	_ = 	snop;
	(pc) =	sbr.ind lr, $3  }
0x3a: {  	_ = 	snop  }
0x3b: {  	_ = 	snop  }
0x3c: {  	p2 =	seq.s32 s10, $0x1;
	s10 =	sld [smem:$0x3FB2]  }
0x3d: {  	_ =	shalt  }
0x3e: {  	_ =	shalt  }
0x3f: {  	_ =	shalt  }
0x40: {  	_ =	shalt  }
0x41: {  	_ =	shalt  }
0x42: {  	_ =	shalt  }
0x43: {  	_ =	shalt  }
0x44: {  	_ =	shalt  }
0x45: {  	_ =	shalt  }
0x46: {  	_ =	shalt  }
0x47: {  	_ =	shalt  }
0x48: {  	_ =	shalt  }
0x49: {  	_ =	shalt  }
0x4a: {  	_ =	shalt  }
0x4b: {  	_ =	shalt  }
0x4c: {  	_ =	shalt  }
0x4d: {  	_ =	shalt  }
0x4e: {  	_ =	shalt  }
0x4f: {  	_ =	shalt  }
0x50: {  	_ =	shalt  }
0x51: {  	_ =	shalt  }
0x52: {  	_ =	shalt  }
0x53: {  	_ =	shalt  }
0x54: {  	_ =	shalt  }
0x55: {  	_ =	shalt  }
0x56: {  	_ =	shalt  }
0x57: {  	_ =	shalt  }
0x58: {  	_ =	shalt  }
0x59: {  	_ =	shalt  }
0x5a: {  	_ =	shalt  }
0x5b: {  	_ =	shalt  }
0x5c: {  	_ =	shalt  }
0x5d: {  	_ =	shalt  }
0x5e: {  	_ =	shalt  }
0x5f: {  	_ =	shalt  }
0x60: {  	_ =	shalt  }
0x61: {  	_ =	shalt  }
0x62: {  	_ =	shalt  }
0x63: {  	_ =	shalt  }
0x64: {  	_ =	shalt  }
0x65: {  	_ =	shalt  }
0x66: {  	_ =	shalt  }
0x67: {  	_ =	shalt  }
0x68: {  	_ =	shalt  }
0x69: {  	_ =	shalt  }
0x6a: {  	_ =	shalt  }
0x6b: {  	_ =	shalt  }
0x6c: {  	_ =	shalt  }
0x6d: {  	_ =	shalt  }
0x6e: {  	_ =	shalt  }
0x6f: {  	_ =	shalt  }
0x70: {  	_ =	shalt  }
0x71: {  	_ =	shalt  }
0x72: {  	_ =	shalt  }
0x73: {  	_ =	shalt  }
0x74: {  	_ =	shalt  }
0x75: {  	_ =	shalt  }
0x76: {  	_ =	shalt  }
0x77: {  	_ =	shalt  }
0x78: {  	_ =	shalt  }
0x79: {  	_ =	shalt  }
0x7a: {  	_ =	shalt  }
0x7b: {  	_ =	shalt  }
0x7c: {  	_ =	shalt  }
0x7d: {  	_ =	shalt  }
0x7e: {  	_ =	shalt  }
0x7f: {  	_ =	shalt  }
0x80: {  	_ =	shalt  }
0x81: {  	_ =	shalt  }
0x82: {  	_ =	shalt  }
0x83: {  	_ =	shalt  }
0x84: {  	_ =	shalt  }
0x85: {  	_ =	shalt  }
0x86: {  	_ =	shalt  }
0x87: {  	_ =	shalt  }
.Lfunc_end0:
.L_simem_size_0:
called_computation.2_lowered:
.L_overlay_start_0:
0x88: {  	s2 =	sld [smem:$0x3FD9]  }
0x89: {  	s3 =	sld [smem:$0x3FFE];
	_ =	sdelay $0x1  }
0x8a: {  	s1 =	srdreg.scid  }
0x8b: {  	s0 =	sand.u32 $0x1, s1  }
0x8c: {  	s15 =	sshll.u32 s0, $0xA;
	s2 =	sadd.s32 s3, s2  }
0x8d: {  	s2 =	sadd.s32 s2, s15  }
0x8e: {  	[smem:$0x3FBE] =	sst s2  }
0x8f: {  	_ = 	snop  }
0x90: {  	s2 =	sld [smem:$0x3FD0];
	_ =	sdelay $0x2  }
0x91: {  	s16 =	simm.s32 $0xD;
	s4 =	simm.s32 $0x10  }
0x92: {  	[smem:s4], [sflag:s16] =	dma.local [hbm:s2], $0x1  }
0x93: {  	_ =	swait.eq [sflag:s16], $0x1  }
0x94: {  	[sflag:s16] =	ssyncset.done $0x0  }
0x95: {  	[sflag:s16] =	ssyncadd.s32 $0xFFFFFFFF  }
0x96: {  	s17 =	sld [smem:$0x10];
	(tm) =	ssettm $0x1  }
0x97: {  	s18 =	sld [smem:$0x3FFB];
	_ =	sdelay $0x3  }
0x98: {  	_ =	strace s18  }
0x99: {  	s2 =	sld [smem:$0x3FFC];
	_ =	sdelay $0x3  }
0x9a: {  	_ =	strace s2  }
0x9b: {  	s2 =	sld [smem:$0x3FFD];
	_ =	sdelay $0x3  }
0x9c: {  	_ =	strace s2  }
0x9d: {  	_ =	strace $0x8FFFFFFF  }
0x9e: {  	s19 =	sld [smem:$0x3FDB];
	_ =	sdelay $0x1  }
0x9f: {  	s20 =	simm.s32 $_scs_section_size  }
0xa0: {  	s5 =	simm.s32 $_size__tile_overlayer_lowered;
	s6 =	simm.s32 $_tile_overlayer_lowered  }
0xa1: {  	s7 =	simm.s32 $0x1BFF;
	s21 =	sshll.u32 s6, $0x1;
	s4 =	sadd.s32 s20, s19  }
0xa2: {  	s22 =	simm.s32 $0x0;
	s5 =	sshll.u32 s5, $0x1;
	s6 =	sadd.s32 s21, s4  }
0xa3: {  	[timem:s22], [sflag:s7] =	dma.local [hbm:s6], s5  }
0xa4: {  	_ =	swait.ge [sflag:s7], s5  }
0xa5: {  	s5 =	ssub.s32 $0x0, s5;
	[sflag:s7] =	ssyncset.done $0x0  }
0xa6: {  	[sflag:s7] =	ssyncadd.s32 s5;
	_ =	sdelay $0x1  }
0xa7: {  	s23 =	simm.s32 $0x1B8B  }
0xa8: {  	_ =	swait.ge [sflag:s23], $0x1  }
0xa9: {  	[sflag:s23] =	ssyncset.done $0x0  }
0xaa: {  	[sflag:s23] =	ssyncadd.s32 $0xFFFFFFFF  }
0xab: {  	s5 =	sld [smem:$0x0]  }
0xac: {  	s6 =	sand.u32 $0xFFFFFFFE, s1  }
0xad: {  	p0 =	sne.s32 s1, s6  }
0xae: {  	s6 =	sshll.u32 @p0 s6, $0xE  }
0xaf: {  	s6 =	sadd.s32 @p0 $0x11B8D, s6;
	s7 =	sshll.u32 @p0 s5, $0x11  }
0xb0: {  	s6 =	sor.u32 @p0 s7, s6  }
0xb1: {  	[sflag:s6] =	ssyncadd.remote.s32 @p0 $0x1;
	_ =	sdelay $0x1  }
0xb2: {  	s6 =	simm.s32 @p0 $0x1B8D  }
0xb3: {  	_ =	swait.eq @p0 [sflag:s6], $0x1  }
0xb4: {  	[sflag:s6] =	ssyncadd.s32 @p0 $0xFFFFFFFF  }
0xb5: {  	s7 =	sshll.u32 @!p0 s1, $0xE  }
0xb6: {  	s7 =	sor.u32 @!p0 $0x4000, s7;
	s6 =	simm.s32 @!p0 $0x1B8D  }
0xb7: {  	s5 =	sshll.u32 @!p0 s5, $0x11;
	s7 =	sadd.s32 @!p0 $0x11B8D, s7;
	_ =	swait.eq @!p0 [sflag:s6], $0x1  }
0xb8: {  	s5 =	sor.u32 @!p0 s5, s7;
	[sflag:s6] =	ssyncadd.s32 @!p0 $0xFFFFFFFF  }
0xb9: {  	s25 =	simm.s32 $0x1B8E;
	s24 =	sld [smem:$0x3FFE];
	[sflag:s5] =	ssyncadd.remote.s32 @!p0 $0x1  }
0xba: {  	s26 =	simm.s32 $execute0_lowered;
	[smem:$0x3FD2] =	sst s25  }
0xbb: {  	s6 =	sshll.u32 s26, $0x1;
	_ =	strace $0x8000004C;
	[dreg:$0x1] =	wrdreg $0xFFFFFFFF  }
0xbc: {  	s28 =	simm.s32 $_size_execute0_lowered;
	s4 =	sadd.s32 s4, s6;
	[dreg:$0x0] =	wrdreg $0x0  }
0xbd: {  	s6 =	sshll.u32 s28, $0x1;
	[dreg:$0x2] =	wrdreg s4  }
0xbe: {  	[dreg:$0x3] =	wrdreg s6  }
0xbf: {  	[dreg:$0x4] =	wrdreg $0xC0  }
0xc0: {  	_ =	task [dreg:s22], $0x5FFFF  }
0xc1: {  	[dreg:$0x1] =	wrdreg $0xFFFFFFFF  }
0xc2: {  	[dreg:$0x0] =	wrdreg $0x60  }
0xc3: {  	[dreg:$0x2] =	wrdreg s24  }
0xc4: {  	[dreg:$0x3] =	wrdreg s17  }
0xc5: {  	[dreg:$0x4] =	wrdreg $0xBA800  }
0xc6: {  	[dreg:$0x5] =	wrdreg $0xA  }
0xc7: {  	_ =	task.clear_ibuf [dreg:s22], $0x6FFFF;
	_ =	strace $0x9000004C  }
0xc8: {  	s29 =	simm.s32 $0xA;
	_ =	strace $0x8000004E  }
0xc9: {  	_ =	swait.ge [sflag:s29], $0x1  }
0xca: {  	[sflag:s29] =	ssyncadd.s32 $0xFFFFFFFF  }
0xcb: {  	_ =	strace $0x9000004E  }
0xcc: {  	_ =	sfence  }
0xcd: {  	s30 =	sld [smem:$0x0];
	_ =	sdelay $0x2  }
0xce: {  	s31 =	sshll.u32 s1, $0xD;
	s1 =	sshrl.u32 s1, $0x2  }
0xcf: {  	s4 =	sand.u32 $0x4000, s31;
	s1 =	sadd.s32 s1, s30  }
0xd0: {  	s0 =	sor.u32 s4, s0;
	s1 =	sshll.u32 s1, $0x11  }
0xd1: {  	s0 =	sor.u32 s1, s0  }
0xd2: {  	s0 =	sadd.s32 $0x8F2B, s0  }
0xd3: {  	[sflag:s0] =	ssyncadd.remote.s32 $0x1  }
0xd4: {  	_ =	sfence.sel $0xFFFF  }
0xd5: {  	[dreg:$0x0] =	wrdreg $0xFFFFFFFF;
	(pc) =	sbr.abs _section_cstart, $3  }
0xd6: {  	[dreg:$0x1] =	wrdreg $0xFFFFFFFF  }
0xd7: {  	_ =	task.clear_ibuf [dreg:s22], $0x2FFFF;
	_ =	strace $0x9FFFFFFF  }
0xd8: {  	(tm) =	ssettm $0x7FFFFFFF  }
0xd9: {  	_ =	shalt  }
tec
execute0_lowered:
.L_overlay_start_1:
0x0: {  	(tag) =	ssettag $0x1  }
0x1: {  	s6 =	rddreg [dreg:$0x0]  }
0x2: {  	s1 =	srdreg.scid;
	s8 =	rddreg [dreg:$0x1]  }
0x3: {  	s0 =	stileid.u32;
	s2 =	rddreg [dreg:$0x2]  }
0x4: {  	s3 =	simm.s32 $0x0;
	s16 =	simm.s32 $0x80;
	s17 =	simm.s32 $0x7980  }
0x5: {  	s18 =	simm.s32 $0x7A80;
	s19 =	simm.s32 $0x1;
	s20 =	simm.s32 $0x7A00  }
0x6: {  	s21 =	simm.s32 $0x0;
	s7 =	sand.u32 $0x1, s1;
	s29 =	sshll.u32 s0, $0x1  }
0x7: {  	[smem:$0x7FF] =	sst s3;
	s11 =	smul.u32 $0x14000, s0;
	s4 =	sadd.s32 $0xC8600, s6  }
0x8: {  	s5 =	sadd.s32 $0x36400, s6;
	s13 =	smul.u32 $0x50000, s0;
	s14 =	sshll.u32 s0, $0x6  }
0x9: {  	s1 =	sor.u32 s7, s29;
	s10 =	smul.u32 $0x140000, s7;
	s7 =	ssub.s32 $0x2, s7  }
0xa: {  	s14 =	sor.u32 $0x1C02, s14;
	s9 =	smul.u32 $0x510, s1;
	s1 =	rddreg [dreg:$0x3]  }
0xb: {  	_ =	strace $0x8000004D;
	s30 =	sshrl.u32 s7, $0x1;
	s31 =	sshrl.u32 s13, $0x2  }
0xc: {  	s13 =	simm.s32 $0x5100;
	s10 =	sadd.s32 s11, s10;
	s11 =	ssub.s32 s7, s30  }
0xd: {  	s15 =	sadd.s32 s31, s2;
	s12 =	sadd.s32 s9, s6;
	s10 =	sshrl.u32 s10, $0x3  }
0xe: {  	s8 =	sadd.s32 s8, s9;
	s15 =	sshrl.u32 s15, $0x3;
	s10 =	sadd.s32 s10, s6  }
0xf: {  	s6 =	sadd.s32 $0x3C00, s12;
	s7 =	sadd.s32 $0xDE00, s12;
	s12 =	simm.s32 $0x2880  }
0x10: {  	s9 =	sadd.s32 $0x164A00, s10;
	s10 =	smax.u32 s11, $0x1;
	s11 =	simm.s32 $0x2  }
.LBB2_1:
0x11: {  	[tilespmem:s3], [sflag:$0x2] =	stream.linear.gather [hbm4b:s6+s3], $0x2880, $0x38;
	[tilespmem:$0x1FA80] =	vst v63  }
0x12: {  	_ =	swait.ge [sflag:s11], $0x2880  }
0x13: {  	[sflag:s11] =	ssyncset.done $0x0  }
0x14: {  	[sflag:s11] =	ssyncadd.s32 $0xFFFFD780  }
0x15: {  	[tilespmem:s12], [sflag:$0x2] =	stream.linear.gather [hbm4b:s7+s3], $0x2880, $0x38;
	[tilespmem:$0x1FA80] =	vst v63  }
0x16: {  	_ =	swait.ge [sflag:s11], $0x2880  }
0x17: {  	[sflag:s11] =	ssyncset.done $0x0  }
0x18: {  	[sflag:s11] =	ssyncadd.s32 $0xFFFFD780  }
0x19: {  	[tilespmem:s13], [sflag:$0x2] =	stream.linear.gather [hbm4b:s8+s3], $0x2880, $0x38;
	[tilespmem:$0x1FA80] =	vst v63  }
0x1a: {  	_ =	swait.ge [sflag:s11], $0x2880  }
0x1b: {  	[sflag:s11] =	ssyncset.done $0x0  }
0x1c: {  	[sflag:s11] =	ssyncadd.s32 $0xFFFFD780  }
0x1d: {  	[spmem:s15], [sflag:s14] =	dma.local [hbm:s5], $0x2800  }
0x1e: {  	_ =	swait.ge [sflag:s11], $0x2800  }
0x1f: {  	[sflag:s11] =	ssyncset.done $0x0  }
0x20: {  	[sflag:s11] =	ssyncadd.s32 $0xFFFFD800  }
0x21: {  	s22 =	simm.s32 $0x0;
	s23 =	simm.s32 $0x0;
	[bflag:$0x0] =	sbarrier.arrive $0xFFFF  }
.LBB2_2:
0x22: {  	s24 =	sshll.u32 s23, $0x7  }
0x23: {  	v0 =	vld [tilespmem:s24+$0x0];
	_ =	sdelay $0x4  }
0x24: {  	v0 =	vadd.s32 $0x2710, v0  }
0x25: {  	[tilespmem:$0x7980] =	vst v0  }
0x26: {  	v0 =	vld [tilespmem:s24+$0x2880];
	_ =	sdelay $0x4  }
0x27: {  	[tilespmem:$0x7A00] =	vst v0  }
0x28: {  	v0 =	vld [tilespmem:s24+$0x10];
	_ =	sdelay $0x4  }
0x29: {  	v0 =	vadd.s32 $0x2710, v0  }
0x2a: {  	[tilespmem:$0x7990] =	vst v0  }
0x2b: {  	v0 =	vld [tilespmem:s24+$0x2890];
	_ =	sdelay $0x4  }
0x2c: {  	[tilespmem:$0x7A10] =	vst v0  }
0x2d: {  	v0 =	vld [tilespmem:s24+$0x20];
	_ =	sdelay $0x4  }
0x2e: {  	v0 =	vadd.s32 $0x2710, v0  }
0x2f: {  	[tilespmem:$0x79A0] =	vst v0  }
0x30: {  	v0 =	vld [tilespmem:s24+$0x28A0];
	_ =	sdelay $0x4  }
0x31: {  	[tilespmem:$0x7A20] =	vst v0  }
0x32: {  	v0 =	vld [tilespmem:s24+$0x30];
	_ =	sdelay $0x4  }
0x33: {  	v0 =	vadd.s32 $0x2710, v0  }
0x34: {  	[tilespmem:$0x79B0] =	vst v0  }
0x35: {  	v0 =	vld [tilespmem:s24+$0x28B0];
	_ =	sdelay $0x4  }
0x36: {  	[tilespmem:$0x7A30] =	vst v0  }
0x37: {  	v0 =	vld [tilespmem:s24+$0x40];
	_ =	sdelay $0x4  }
0x38: {  	v0 =	vadd.s32 $0x2710, v0  }
0x39: {  	[tilespmem:$0x79C0] =	vst v0  }
0x3a: {  	v0 =	vld [tilespmem:s24+$0x28C0];
	_ =	sdelay $0x4  }
0x3b: {  	[tilespmem:$0x7A40] =	vst v0  }
0x3c: {  	v0 =	vld [tilespmem:s24+$0x50];
	_ =	sdelay $0x4  }
0x3d: {  	v0 =	vadd.s32 $0x2710, v0  }
0x3e: {  	[tilespmem:$0x79D0] =	vst v0  }
0x3f: {  	v0 =	vld [tilespmem:s24+$0x28D0];
	_ =	sdelay $0x4  }
0x40: {  	[tilespmem:$0x7A50] =	vst v0  }
0x41: {  	v0 =	vld [tilespmem:s24+$0x60];
	_ =	sdelay $0x4  }
0x42: {  	v0 =	vadd.s32 $0x2710, v0  }
0x43: {  	[tilespmem:$0x79E0] =	vst v0  }
0x44: {  	v0 =	vld [tilespmem:s24+$0x28E0];
	_ =	sdelay $0x4  }
0x45: {  	[tilespmem:$0x7A60] =	vst v0  }
0x46: {  	v0 =	vld [tilespmem:s24+$0x70];
	_ =	sdelay $0x4  }
0x47: {  	v0 =	vadd.s32 $0x2710, v0  }
0x48: {  	[tilespmem:$0x79F0] =	vst v0  }
0x49: {  	v0 =	vld [tilespmem:s24+$0x28F0];
	_ =	sdelay $0x4  }
0x4a: {  	[tilespmem:$0x7A70] =	vst v0  }
0x4b: {  	[tilespmem:s18], [sflag:$0x1] =	stream.indirect.gather [hbm4b:s4+s16], $0x80, s17, s16, $0xb8;
	[tilespmem:$0x1FA80] =	vst v63  }
0x4c: {  	s31 =	sadd.s32 $0x0, s22;
	_ =	swait.ge [sflag:s19], $0x4000  }
0x4d: {  	v0 =	vmov s31;
	[sflag:s19] =	ssyncset.done $0x0  }
0x4e: {  	s24 =	simm.s32 $0x7AC0;
	[sflag:s19] =	ssyncadd.s32 $0xFFFFC000  }
0x4f: {  	v4 =	vld [tilespmem:s24+$0x30]  }
0x50: {  	v7 =	vld [tilespmem:s24+$0x10]  }
0x51: {  	v5 =	vld [tilespmem:s24+$0xFFFFFFC0]  }
0x52: {  	v1 =	vld.idx.msk [tilespmem:v0+s13+$0x0], $0xffff  }
0x53: {  	v9 =	vld [tilespmem:s24+$0xFFFFFFE0]  }
0x54: {  	v0 =	vld [tilespmem:s24+$0xFFFFFFF0]  }
0x55: {  	v2 =	vld [tilespmem:s24+$0x20]  }
0x56: {  	v3 =	vld [tilespmem:s24+$0xFFFFFFD0]  }
0x57: {  	v8 =	vmul.f32 v4, v1;
	v4 =	vld [tilespmem:s24+$0x0]  }
0x58: {  	v6 =	vmul.f32 v5, v1  }
0x59: {  	s25 =	simm.s32 $0x1;
	s26 =	simm.s32 $0x7AC0;
	v5 =	vmul.f32 v9, v1;
	v7 =	vmul.f32 v7, v1  }
.LBB2_3:
0x5a: {  	p0 =	sne.s32 s25, $0x7F  }
0x5b: {  	v3 =	vmul.f32 v3, v1;
	v2 =	vmul.f32 v2, v1;
	[tilespmem:s24+$0x30] =	vst v8;
	s26 =	sadd.s32 $0x80, s26;
	s28 =	smov.u32 s25;
	s25 =	sadd.s32 $0x1, s25  }
0x5c: {  	[tilespmem:s24+$0xFFFFFFC0] =	vst v6;
	v6 =	vmul.f32 v0, v1;
	v1 =	vmul.f32 v4, v1  }
0x5d: {  	s28 =	sadd.s32 s28, s22;
	[tilespmem:s24+$0x10] =	vst v7  }
0x5e: {  	v4 =	vmov s28;
	[tilespmem:s24+$0xFFFFFFE0] =	vst v5  }
0x5f: {  	v0 =	vld [tilespmem:s26+$0xFFFFFFF0];
	[tilespmem:s24+$0xFFFFFFF0] =	vst v6  }
0x60: {  	v5 =	vld [tilespmem:s26+$0x30];
	[tilespmem:s24+$0x0] =	vst v1  }
0x61: {  	v7 =	vld [tilespmem:s26+$0x10];
	[tilespmem:s24+$0x20] =	vst v2  }
0x62: {  	v6 =	vld [tilespmem:s26+$0xFFFFFFC0];
	[tilespmem:s24+$0xFFFFFFD0] =	vst v3;
	s24 =	smov.u32 s26  }
0x63: {  	v1 =	vld.idx.msk [tilespmem:v4+s13+$0x0], $0xffff  }
0x64: {  	v9 =	vld [tilespmem:s26+$0xFFFFFFE0]  }
0x65: {  	v2 =	vld [tilespmem:s26+$0x20]  }
.Ltmp0:
0x66: {  	v3 =	vld [tilespmem:s26+$0xFFFFFFD0];
	(pc) =	sbr.rel @p0 .LBB2_3-.Ltmp0, $3  }
0x67: {  	v4 =	vld [tilespmem:s26+$0x0];
	_ =	sdelay $0x1  }
0x68: {  	v6 =	vmul.f32 v6, v1;
	v8 =	vmul.f32 v5, v1  }
0x69: {  	v7 =	vmul.f32 v7, v1;
	v5 =	vmul.f32 v9, v1  }
0x6a: {  	[tilespmem:s24+$0x30] =	vst v8  }
0x6b: {  	[tilespmem:s24+$0xFFFFFFC0] =	vst v6  }
0x6c: {  	v0 =	vmul.f32 v0, v1;
	[tilespmem:s24+$0x10] =	vst v7  }
0x6d: {  	v2 =	vmul.f32 v2, v1;
	[tilespmem:s24+$0xFFFFFFE0] =	vst v5  }
0x6e: {  	v63 =	vmul.f32 v3, v1;
	[tilespmem:s24+$0xFFFFFFF0] =	vst v0  }
0x6f: {  	s23 =	sadd.s32 $0x1, s23;
	v4 =	vmul.f32 v4, v1;
	[tilespmem:s24+$0x20] =	vst v2  }
0x70: {  	p0 =	sne.s32 s23, $0x51;
	[tilespmem:s24+$0xFFFFFFD0] =	vst v63  }
.Ltmp1:
0x71: {  	[tilespmem:s24+$0x0] =	vst v4;
	(pc) =	sbr.rel @p0 .LBB2_2-.Ltmp1, $4  }
0x72: {  	[spmem:s2] =	stream.indirect.scatter.add.f32 [tilespmem:s18], [sflag:$0x2], $0x80, s20, s16, $0xb8;
	[tilespmem:$0x1FA80] =	vst v63  }
0x73: {  	_ =	swait.ge [sflag:s11], $0x4000  }
0x74: {  	[sflag:s11] =	ssyncset.done $0x0  }
0x75: {  	s22 =	sadd.s32 $0x80, s22;
	[sflag:s11] =	ssyncadd.s32 $0xFFFFC000  }
0x76: {  	s21 =	sadd.s32 $0x1, s21  }
0x77: {  	p0 =	sne.s32 s21, s10  }
.Ltmp2:
0x78: {  	[bflag:$0x0] =	sbarrier.arrive $0xFFFF;
	(pc) =	sbr.rel @p0 .LBB2_1-.Ltmp2, $4  }
0x79: {  	[hbm:s9], [sflag:s14] =	dma.local [spmem:s15], $0x2800  }
0x7a: {  	_ =	swait.ge [sflag:s11], $0x2800  }
0x7b: {  	[sflag:s11] =	ssyncset.done $0x0  }
0x7c: {  	[sflag:s11] =	ssyncadd.s32 $0xFFFFD800  }
0x7d: {  	_ =	sfence.sel $0x180000  }
0x7e: {  	[bflag:$0x0] =	sbarrier.arrive $0xFFFF  }
0x7f: {  	p0 =	sne.s32 s0, $0x0;
	_ =	strace $0x9000004D  }
0x80: {  	s0 =	sadd.s32 @!p0 $0x100000, s1;
	[bflag:$0x2] =	sbarrier.arrive $0xFFFF  }
0x81: {  	[sflag:s0] =	ssyncadd.tile.s32 @!p0 $0x1;
	_ =	shalt  }
.Lfunc_end2:
_tile_overlayer_lowered:
.L_overlay_start_2:
0x82: {  	(tag) =	ssettag $0x2  }
0x83: {  	s0 =	rddreg [dreg:$0x0];
	s2 =	stileid.u32  }
0x84: {  	s1 =	rddreg [dreg:$0x1];
	p0 =	sne.s32 s2, $0x0  }
0x85: {  	s3 =	rddreg [dreg:$0x2];
	[bflag:$0x3] =	sbarrier.arrive $0xFFFF;
	s2 =	simm.s32 @!p0 $0x1C02  }
0x86: {  	[timem:s3], [sflag:s2] =	dma.local @!p0 [hbm:s0], s1  }
0x87: {  	s0 =	simm.s32 @!p0 $0x2  }
0x88: {  	_ =	swait.ge @!p0 [sflag:s0], s1  }
0x89: {  	s1 =	ssub.s32 @!p0 $0x0, s1;
	[sflag:s0] =	ssyncset.done @!p0 $0x0  }
0x8a: {  	[sflag:s0] =	ssyncadd.s32 @!p0 s1  }
0x8b: {  	[bflag:$0x3] =	sbarrier.arrive $0xFFFF  }
0x8c: {  	_ =	shalt  }

// kernel: kernel.25.cloned.1.call-start
scs
__scs_entry_jumppad:
0x0: {  	(pc) =	sbr.rel $0x88, $3  }
0x1: {  	(tag) =	ssettag $0x0;
	lr =	simm.s32 $0x1  }
0x2: {  	[smem:$0x3F97] =	sst lr;
	_ =	strace $0xD0000000  }
0x3: {  	_ = 	snop  }
0x4: {  	_ = 	snop  }
0x5: {  	_ = 	snop  }
0x6: {  	_ = 	snop  }
0x7: {  	_ = 	snop  }
__scs_overlays_trampoline_lowered:
0x8: {  	[smem:$0x3FA6] =	sst s0  }
0x9: {  	[smem:$0x3FA7] =	sst s1  }
0xa: {  	[smem:$0x3FA8] =	sst s2  }
0xb: {  	[smem:$0x3FA9] =	sst s3  }
0xc: {  	[smem:$0x3FAA] =	sst s4  }
0xd: {  	[smem:$0x3FAB] =	sst s5  }
0xe: {  	[smem:$0x3FAC] =	sst s6  }
0xf: {  	[smem:$0x3FAD] =	sst s7  }
0x10: {  	[smem:$0x3FAE] =	sst s8  }
0x11: {  	[smem:$0x3FAF] =	sst s9;
	s0 =	simm.s32 @!p0 $0x0  }
0x12: {  	s1 =	sld [smem:$0x3F95];
	s0 =	simm.s32 @p0 $0x1  }
0x13: {  	[smem:$0x3FB0] =	sst s0;
	s0 =	simm.s32 @!p1 $0x0  }
0x14: {  	s2 =	sld [smem:$0x3F94];
	s0 =	simm.s32 @p1 $0x1  }
0x15: {  	[smem:$0x3FB1] =	sst s0;
	s0 =	simm.s32 @!p2 $0x0  }
0x16: {  	s3 =	sld [smem:$0x3FDB];
	s0 =	simm.s32 @p2 $0x1  }
0x17: {  	s4 =	simm.s32 $0x1BF5;
	[smem:$0x3FB3] =	sst s0  }
0x18: {  	s0 =	sld [smem:$0x3F96];
	_ =	swait.ge [sflag:s4], $0x0  }
0x19: {  	s7 =	sld [smem:$0x3F97]  }
0x1a: {  	s8 =	sadd.s32 $0xFFFFE003, lr  }
0x1b: {  	s9 =	sadd.s32 $0xFFFFFEF7, lr;
	s5 =	simm.s32 $0xFFFFFFFF;
	p2 =	slt.u32 s8, $0xFFFFF086  }
0x1c: {  	p1 =	slt.u32 s9, $0xF7A;
	s5 =	simm.s32 @!p2 $0x0  }
0x1d: {  	s5 =	simm.s32 @p1 $0x1;
	p0 =	seq.s32 s7, s2  }
0x1e: {  	s7 =	smul.u32 @!p0 $0xF7A, s2;
	p2 =	seq.s32 @!p0 s5, $0x0  }
0x1f: {  	s9 =	smul.u32 $0xF7A, s1;
	s8 =	simm.s32 @!p0 $0x1BF5;
	p2 =	por !p2, p0  }
0x20: {  	[sflag:s8] =	ssyncset.s32 @!p0 $0xFFFFF086;
	s6 =	sadd.s32 @!p0 s3, s7;
	s7 =	simm.s32 @!p0 $0x108  }
0x21: {  	s3 =	sadd.s32 s3, s9;
	s6 =	sadd.s32 @!p0 $0x88, s6;
	s7 =	simm.s32 @p2 $0x1082  }
0x22: {  	[simem:s7], [sflag:s8] =	dma.local @!p0 [hbm:s6], $0xF7A  }
0x23: {  	s9 =	sor.u32 $0xD0000000, s2;
	s6 =	simm.s32 $0x108;
	_ =	swait.ge @!p0 [sflag:s8], $0x0  }
0x24: {  	s3 =	sadd.s32 $0x88, s3;
	s6 =	simm.s32 @!p1 $0x1082;
	[sflag:s4] =	ssyncset.s32 $0xFFFFF086  }
0x25: {  	[simem:s6], [sflag:s4] =	dma.local [hbm:s3], $0xF7A  }
0x26: {  	[smem:$0x3F97] =	sst s1;
	(tag) =	ssettag s2;
	_ =	strace s9  }
0x27: {  	s1 =	sld [smem:$0x3FA7]  }
0x28: {  	s2 =	sld [smem:$0x3FA8]  }
0x29: {  	s4 =	sld [smem:$0x3FAA]  }
0x2a: {  	p0 =	seq.s32 s5, $0x0;
	s5 =	sld [smem:$0x3FAB]  }
0x2b: {  	s6 =	sld [smem:$0x3FAC]  }
0x2c: {  	s7 =	sld [smem:$0x3FAD]  }
0x2d: {  	s3 =	simm.s32 $0x108;
	s8 =	sld [smem:$0x3FAE]  }
0x2e: {  	s3 =	simm.s32 @!p0 $0x1082;
	s9 =	sld [smem:$0x3FAF]  }
0x2f: {  	lr =	sadd.s32 s0, s3;
	s0 =	sld [smem:$0x3FA6]  }
0x30: {  	s3 =	sld [smem:$0x3FA9]  }
0x31: {  	[smem:$0x3FB2] =	sst s10  }
0x32: {  	s10 =	sld [smem:$0x3FB0];
	_ =	sdelay $0x3  }
0x33: {  	p0 =	seq.s32 s10, $0x1;
	s10 =	sld [smem:$0x3FB2];
	_ =	sdelay $0x3  }
0x34: {  	[smem:$0x3FB2] =	sst s10  }
0x35: {  	s10 =	sld [smem:$0x3FB1];
	_ =	sdelay $0x3  }
0x36: {  	p1 =	seq.s32 s10, $0x1;
	s10 =	sld [smem:$0x3FB2];
	_ =	sdelay $0x3  }
0x37: {  	[smem:$0x3FB2] =	sst s10  }
0x38: {  	s10 =	sld [smem:$0x3FB3]  }
0x39: {  	_ = 	snop;
	(pc) =	sbr.ind lr, $3  }
0x3a: {  	_ = 	snop  }
0x3b: {  	_ = 	snop  }
0x3c: {  	p2 =	seq.s32 s10, $0x1;
	s10 =	sld [smem:$0x3FB2]  }
0x3d: {  	_ =	shalt  }
0x3e: {  	_ =	shalt  }
0x3f: {  	_ =	shalt  }
0x40: {  	_ =	shalt  }
0x41: {  	_ =	shalt  }
0x42: {  	_ =	shalt  }
0x43: {  	_ =	shalt  }
0x44: {  	_ =	shalt  }
0x45: {  	_ =	shalt  }
0x46: {  	_ =	shalt  }
0x47: {  	_ =	shalt  }
0x48: {  	_ =	shalt  }
0x49: {  	_ =	shalt  }
0x4a: {  	_ =	shalt  }
0x4b: {  	_ =	shalt  }
0x4c: {  	_ =	shalt  }
0x4d: {  	_ =	shalt  }
0x4e: {  	_ =	shalt  }
0x4f: {  	_ =	shalt  }
0x50: {  	_ =	shalt  }
0x51: {  	_ =	shalt  }
0x52: {  	_ =	shalt  }
0x53: {  	_ =	shalt  }
0x54: {  	_ =	shalt  }
0x55: {  	_ =	shalt  }
0x56: {  	_ =	shalt  }
0x57: {  	_ =	shalt  }
0x58: {  	_ =	shalt  }
0x59: {  	_ =	shalt  }
0x5a: {  	_ =	shalt  }
0x5b: {  	_ =	shalt  }
0x5c: {  	_ =	shalt  }
0x5d: {  	_ =	shalt  }
0x5e: {  	_ =	shalt  }
0x5f: {  	_ =	shalt  }
0x60: {  	_ =	shalt  }
0x61: {  	_ =	shalt  }
0x62: {  	_ =	shalt  }
0x63: {  	_ =	shalt  }
0x64: {  	_ =	shalt  }
0x65: {  	_ =	shalt  }
0x66: {  	_ =	shalt  }
0x67: {  	_ =	shalt  }
0x68: {  	_ =	shalt  }
0x69: {  	_ =	shalt  }
0x6a: {  	_ =	shalt  }
0x6b: {  	_ =	shalt  }
0x6c: {  	_ =	shalt  }
0x6d: {  	_ =	shalt  }
0x6e: {  	_ =	shalt  }
0x6f: {  	_ =	shalt  }
0x70: {  	_ =	shalt  }
0x71: {  	_ =	shalt  }
0x72: {  	_ =	shalt  }
0x73: {  	_ =	shalt  }
0x74: {  	_ =	shalt  }
0x75: {  	_ =	shalt  }
0x76: {  	_ =	shalt  }
0x77: {  	_ =	shalt  }
0x78: {  	_ =	shalt  }
0x79: {  	_ =	shalt  }
0x7a: {  	_ =	shalt  }
0x7b: {  	_ =	shalt  }
0x7c: {  	_ =	shalt  }
0x7d: {  	_ =	shalt  }
0x7e: {  	_ =	shalt  }
0x7f: {  	_ =	shalt  }
0x80: {  	_ =	shalt  }
0x81: {  	_ =	shalt  }
0x82: {  	_ =	shalt  }
0x83: {  	_ =	shalt  }
0x84: {  	_ =	shalt  }
0x85: {  	_ =	shalt  }
0x86: {  	_ =	shalt  }
0x87: {  	_ =	shalt  }
.Lfunc_end0:
.L_simem_size_0:
called_computation.3_lowered:
.L_overlay_start_0:
0x88: {  	s2 =	sld [smem:$0x3FD9]  }
0x89: {  	s3 =	sld [smem:$0x3FFE];
	_ =	sdelay $0x1  }
0x8a: {  	s1 =	srdreg.scid  }
0x8b: {  	s0 =	sand.u32 $0x1, s1  }
0x8c: {  	s17 =	sshll.u32 s0, $0xA;
	s2 =	sadd.s32 s3, s2  }
0x8d: {  	s2 =	sadd.s32 s2, s17  }
0x8e: {  	[smem:$0x3FBE] =	sst s2  }
0x8f: {  	_ = 	snop  }
0x90: {  	(tm) =	ssettm $0x1  }
0x91: {  	s18 =	sld [smem:$0x3FFB];
	_ =	sdelay $0x3  }
0x92: {  	_ =	strace s18  }
0x93: {  	s2 =	sld [smem:$0x3FFC];
	_ =	sdelay $0x3  }
0x94: {  	_ =	strace s2  }
0x95: {  	s2 =	sld [smem:$0x3FFD];
	_ =	sdelay $0x3  }
0x96: {  	_ =	strace s2  }
0x97: {  	_ =	strace $0x8FFFFFFF  }
0x98: {  	s19 =	sld [smem:$0x3FDB];
	_ =	sdelay $0x1  }
0x99: {  	s20 =	simm.s32 $_scs_section_size  }
0x9a: {  	s4 =	simm.s32 $_size__tile_overlayer_lowered;
	s5 =	simm.s32 $_tile_overlayer_lowered  }
0x9b: {  	s6 =	simm.s32 $0x1BFF;
	s21 =	sshll.u32 s5, $0x1;
	s3 =	sadd.s32 s20, s19  }
0x9c: {  	s22 =	simm.s32 $0x0;
	s4 =	sshll.u32 s4, $0x1;
	s5 =	sadd.s32 s21, s3  }
0x9d: {  	[timem:s22], [sflag:s6] =	dma.local [hbm:s5], s4  }
0x9e: {  	_ =	swait.ge [sflag:s6], s4  }
0x9f: {  	s4 =	ssub.s32 $0x0, s4;
	[sflag:s6] =	ssyncset.done $0x0  }
0xa0: {  	[sflag:s6] =	ssyncadd.s32 s4;
	_ =	sdelay $0x1  }
0xa1: {  	s23 =	simm.s32 $0x1B8B  }
0xa2: {  	_ =	swait.ge [sflag:s23], $0x1  }
0xa3: {  	[sflag:s23] =	ssyncset.done $0x0  }
0xa4: {  	[sflag:s23] =	ssyncadd.s32 $0xFFFFFFFF  }
0xa5: {  	s4 =	sld [smem:$0x0]  }
0xa6: {  	s5 =	sand.u32 $0xFFFFFFFE, s1  }
0xa7: {  	p0 =	sne.s32 s1, s5  }
0xa8: {  	s5 =	sshll.u32 @p0 s5, $0xE  }
0xa9: {  	s5 =	sadd.s32 @p0 $0x11B8D, s5;
	s6 =	sshll.u32 @p0 s4, $0x11  }
0xaa: {  	s5 =	sor.u32 @p0 s6, s5  }
0xab: {  	[sflag:s5] =	ssyncadd.remote.s32 @p0 $0x1;
	_ =	sdelay $0x1  }
0xac: {  	s5 =	simm.s32 @p0 $0x1B8D  }
0xad: {  	_ =	swait.eq @p0 [sflag:s5], $0x1  }
0xae: {  	[sflag:s5] =	ssyncadd.s32 @p0 $0xFFFFFFFF  }
0xaf: {  	s6 =	sshll.u32 @!p0 s1, $0xE  }
0xb0: {  	s6 =	sor.u32 @!p0 $0x4000, s6;
	s5 =	simm.s32 @!p0 $0x1B8D  }
0xb1: {  	s4 =	sshll.u32 @!p0 s4, $0x11;
	s6 =	sadd.s32 @!p0 $0x11B8D, s6;
	_ =	swait.eq @!p0 [sflag:s5], $0x1  }
0xb2: {  	s4 =	sor.u32 @!p0 s4, s6;
	[sflag:s5] =	ssyncadd.s32 @!p0 $0xFFFFFFFF  }
0xb3: {  	s25 =	simm.s32 $0x1B8E;
	s24 =	sld [smem:$0x3FFE];
	[sflag:s4] =	ssyncadd.remote.s32 @!p0 $0x1  }
0xb4: {  	s26 =	simm.s32 $execute0_lowered;
	[smem:$0x3FD2] =	sst s25  }
0xb5: {  	s5 =	sshll.u32 s26, $0x1;
	_ =	strace $0x8000004F;
	[dreg:$0x1] =	wrdreg $0xFFFFFFFF  }
0xb6: {  	s28 =	simm.s32 $_size_execute0_lowered;
	s3 =	sadd.s32 s3, s5;
	[dreg:$0x0] =	wrdreg $0x0  }
0xb7: {  	s5 =	sshll.u32 s28, $0x1;
	[dreg:$0x2] =	wrdreg s3  }
0xb8: {  	[dreg:$0x3] =	wrdreg s5  }
0xb9: {  	[dreg:$0x4] =	wrdreg $0xC0  }
0xba: {  	_ =	task [dreg:s22], $0x5FFFF  }
0xbb: {  	[dreg:$0x1] =	wrdreg $0xFFFFFFFF  }
0xbc: {  	[dreg:$0x0] =	wrdreg $0x60  }
0xbd: {  	[dreg:$0x2] =	wrdreg s24  }
0xbe: {  	[dreg:$0x3] =	wrdreg $0xBA800  }
0xbf: {  	[dreg:$0x4] =	wrdreg $0xB  }
0xc0: {  	_ =	task.clear_ibuf [dreg:s22], $0x5FFFF;
	_ =	strace $0x9000004F  }
0xc1: {  	s29 =	simm.s32 $0xB;
	_ =	strace $0x80000051  }
0xc2: {  	_ =	swait.ge [sflag:s29], $0x1  }
0xc3: {  	[sflag:s29] =	ssyncadd.s32 $0xFFFFFFFF  }
0xc4: {  	_ =	strace $0x90000051  }
0xc5: {  	_ =	sfence  }
0xc6: {  	s30 =	sld [smem:$0x0];
	_ =	sdelay $0x2  }
0xc7: {  	s31 =	sshll.u32 s1, $0xD;
	s1 =	sshrl.u32 s1, $0x2  }
0xc8: {  	s4 =	sand.u32 $0x4000, s31;
	s1 =	sadd.s32 s1, s30  }
0xc9: {  	s0 =	sor.u32 s4, s0;
	s1 =	sshll.u32 s1, $0x11  }
0xca: {  	s0 =	sor.u32 s1, s0  }
0xcb: {  	s0 =	sadd.s32 $0x8F2B, s0  }
0xcc: {  	[sflag:s0] =	ssyncadd.remote.s32 $0x1  }
0xcd: {  	_ =	sfence.sel $0xFFFF  }
0xce: {  	[dreg:$0x0] =	wrdreg $0xFFFFFFFF;
	(pc) =	sbr.abs _section_cstart, $3  }
0xcf: {  	[dreg:$0x1] =	wrdreg $0xFFFFFFFF  }
0xd0: {  	_ =	task.clear_ibuf [dreg:s22], $0x2FFFF;
	_ =	strace $0x9FFFFFFF  }
0xd1: {  	(tm) =	ssettm $0x7FFFFFFF  }
tec
execute0_lowered:
.L_overlay_start_1:
0x0: {  	(tag) =	ssettag $0x1  }
0x1: {  	s1 =	srdreg.scid;
	s7 =	rddreg [dreg:$0x0]  }
0x2: {  	s0 =	stileid.u32;
	s2 =	rddreg [dreg:$0x1]  }
0x3: {  	s3 =	simm.s32 $0x0;
	s16 =	simm.s32 $0x80;
	s17 =	simm.s32 $0x7980  }
0x4: {  	s18 =	simm.s32 $0x7A80;
	s19 =	simm.s32 $0x1;
	s20 =	simm.s32 $0x7A00  }
0x5: {  	s21 =	simm.s32 $0x0;
	s6 =	sand.u32 $0x1, s1;
	s29 =	sshll.u32 s0, $0x1  }
0x6: {  	[smem:$0x7FF] =	sst s3;
	s9 =	smul.u32 $0x14000, s0;
	s5 =	sadd.s32 $0x36400, s7  }
0x7: {  	s11 =	smul.u32 $0x50000, s0;
	s14 =	sshll.u32 s0, $0x6;
	s1 =	sor.u32 s6, s29  }
0x8: {  	s8 =	smul.u32 $0x140000, s6;
	s6 =	ssub.s32 $0x2, s6;
	s14 =	sor.u32 $0x1C02, s14  }
0x9: {  	s4 =	smul.u32 $0x510, s1;
	s1 =	rddreg [dreg:$0x2];
	_ =	strace $0x80000050  }
0xa: {  	s30 =	sshrl.u32 s6, $0x1;
	s31 =	sshrl.u32 s11, $0x2;
	s11 =	simm.s32 $0x2  }
0xb: {  	s8 =	sadd.s32 s9, s8;
	s13 =	ssub.s32 s6, s30;
	s15 =	sadd.s32 s31, s2  }
0xc: {  	s10 =	sadd.s32 s4, s7;
	s4 =	sadd.s32 $0xC8600, s7;
	s8 =	sshrl.u32 s8, $0x3  }
0xd: {  	s15 =	sshrl.u32 s15, $0x3;
	s12 =	sadd.s32 s8, s7;
	s6 =	sadd.s32 $0x3C00, s10  }
0xe: {  	s7 =	sadd.s32 $0xDE00, s10;
	s8 =	sadd.s32 $0x2C200, s10;
	s10 =	smax.u32 s13, $0x1  }
0xf: {  	s13 =	simm.s32 $0x5100;
	s9 =	sadd.s32 $0x1B4A00, s12;
	s12 =	simm.s32 $0x2880  }
.LBB2_1:
0x10: {  	[tilespmem:s3], [sflag:$0x2] =	stream.linear.gather [hbm4b:s6+s3], $0x2880, $0x38;
	[tilespmem:$0x1FA80] =	vst v63  }
0x11: {  	_ =	swait.ge [sflag:s11], $0x2880  }
0x12: {  	[sflag:s11] =	ssyncset.done $0x0  }
0x13: {  	[sflag:s11] =	ssyncadd.s32 $0xFFFFD780  }
0x14: {  	[tilespmem:s12], [sflag:$0x2] =	stream.linear.gather [hbm4b:s7+s3], $0x2880, $0x38;
	[tilespmem:$0x1FA80] =	vst v63  }
0x15: {  	_ =	swait.ge [sflag:s11], $0x2880  }
0x16: {  	[sflag:s11] =	ssyncset.done $0x0  }
0x17: {  	[sflag:s11] =	ssyncadd.s32 $0xFFFFD780  }
0x18: {  	[tilespmem:s13], [sflag:$0x2] =	stream.linear.gather [hbm4b:s8+s3], $0x2880, $0x38;
	[tilespmem:$0x1FA80] =	vst v63  }
0x19: {  	_ =	swait.ge [sflag:s11], $0x2880  }
0x1a: {  	[sflag:s11] =	ssyncset.done $0x0  }
0x1b: {  	[sflag:s11] =	ssyncadd.s32 $0xFFFFD780  }
0x1c: {  	[spmem:s15], [sflag:s14] =	dma.local [hbm:s5], $0x2800  }
0x1d: {  	_ =	swait.ge [sflag:s11], $0x2800  }
0x1e: {  	[sflag:s11] =	ssyncset.done $0x0  }
0x1f: {  	[sflag:s11] =	ssyncadd.s32 $0xFFFFD800  }
0x20: {  	s22 =	simm.s32 $0x0;
	s23 =	simm.s32 $0x0;
	[bflag:$0x0] =	sbarrier.arrive $0xFFFF  }
.LBB2_2:
0x21: {  	s24 =	sshll.u32 s23, $0x7  }
0x22: {  	v0 =	vld [tilespmem:s24+$0x0];
	_ =	sdelay $0x4  }
0x23: {  	v0 =	vadd.s32 $0x4E20, v0  }
0x24: {  	[tilespmem:$0x7980] =	vst v0  }
0x25: {  	v0 =	vld [tilespmem:s24+$0x2880];
	_ =	sdelay $0x4  }
0x26: {  	[tilespmem:$0x7A00] =	vst v0  }
0x27: {  	v0 =	vld [tilespmem:s24+$0x10];
	_ =	sdelay $0x4  }
0x28: {  	v0 =	vadd.s32 $0x4E20, v0  }
0x29: {  	[tilespmem:$0x7990] =	vst v0  }
0x2a: {  	v0 =	vld [tilespmem:s24+$0x2890];
	_ =	sdelay $0x4  }
0x2b: {  	[tilespmem:$0x7A10] =	vst v0  }
0x2c: {  	v0 =	vld [tilespmem:s24+$0x20];
	_ =	sdelay $0x4  }
0x2d: {  	v0 =	vadd.s32 $0x4E20, v0  }
0x2e: {  	[tilespmem:$0x79A0] =	vst v0  }
0x2f: {  	v0 =	vld [tilespmem:s24+$0x28A0];
	_ =	sdelay $0x4  }
0x30: {  	[tilespmem:$0x7A20] =	vst v0  }
0x31: {  	v0 =	vld [tilespmem:s24+$0x30];
	_ =	sdelay $0x4  }
0x32: {  	v0 =	vadd.s32 $0x4E20, v0  }
0x33: {  	[tilespmem:$0x79B0] =	vst v0  }
0x34: {  	v0 =	vld [tilespmem:s24+$0x28B0];
	_ =	sdelay $0x4  }
0x35: {  	[tilespmem:$0x7A30] =	vst v0  }
0x36: {  	v0 =	vld [tilespmem:s24+$0x40];
	_ =	sdelay $0x4  }
0x37: {  	v0 =	vadd.s32 $0x4E20, v0  }
0x38: {  	[tilespmem:$0x79C0] =	vst v0  }
0x39: {  	v0 =	vld [tilespmem:s24+$0x28C0];
	_ =	sdelay $0x4  }
0x3a: {  	[tilespmem:$0x7A40] =	vst v0  }
0x3b: {  	v0 =	vld [tilespmem:s24+$0x50];
	_ =	sdelay $0x4  }
0x3c: {  	v0 =	vadd.s32 $0x4E20, v0  }
0x3d: {  	[tilespmem:$0x79D0] =	vst v0  }
0x3e: {  	v0 =	vld [tilespmem:s24+$0x28D0];
	_ =	sdelay $0x4  }
0x3f: {  	[tilespmem:$0x7A50] =	vst v0  }
0x40: {  	v0 =	vld [tilespmem:s24+$0x60];
	_ =	sdelay $0x4  }
0x41: {  	v0 =	vadd.s32 $0x4E20, v0  }
0x42: {  	[tilespmem:$0x79E0] =	vst v0  }
0x43: {  	v0 =	vld [tilespmem:s24+$0x28E0];
	_ =	sdelay $0x4  }
0x44: {  	[tilespmem:$0x7A60] =	vst v0  }
0x45: {  	v0 =	vld [tilespmem:s24+$0x70];
	_ =	sdelay $0x4  }
0x46: {  	v0 =	vadd.s32 $0x4E20, v0  }
0x47: {  	[tilespmem:$0x79F0] =	vst v0  }
0x48: {  	v0 =	vld [tilespmem:s24+$0x28F0];
	_ =	sdelay $0x4  }
0x49: {  	[tilespmem:$0x7A70] =	vst v0  }
0x4a: {  	[tilespmem:s18], [sflag:$0x1] =	stream.indirect.gather [hbm4b:s4+s16], $0x80, s17, s16, $0xb8;
	[tilespmem:$0x1FA80] =	vst v63  }
0x4b: {  	s31 =	sadd.s32 $0x0, s22;
	_ =	swait.ge [sflag:s19], $0x4000  }
0x4c: {  	v0 =	vmov s31;
	[sflag:s19] =	ssyncset.done $0x0  }
0x4d: {  	s24 =	simm.s32 $0x7AC0;
	[sflag:s19] =	ssyncadd.s32 $0xFFFFC000  }
0x4e: {  	v4 =	vld [tilespmem:s24+$0x30]  }
0x4f: {  	v7 =	vld [tilespmem:s24+$0x10]  }
0x50: {  	v5 =	vld [tilespmem:s24+$0xFFFFFFC0]  }
0x51: {  	v1 =	vld.idx.msk [tilespmem:v0+s13+$0x0], $0xffff  }
0x52: {  	v9 =	vld [tilespmem:s24+$0xFFFFFFE0]  }
0x53: {  	v0 =	vld [tilespmem:s24+$0xFFFFFFF0]  }
0x54: {  	v2 =	vld [tilespmem:s24+$0x20]  }
0x55: {  	v3 =	vld [tilespmem:s24+$0xFFFFFFD0]  }
0x56: {  	v8 =	vmul.f32 v4, v1;
	v4 =	vld [tilespmem:s24+$0x0]  }
0x57: {  	v6 =	vmul.f32 v5, v1  }
0x58: {  	s25 =	simm.s32 $0x1;
	s26 =	simm.s32 $0x7AC0;
	v5 =	vmul.f32 v9, v1;
	v7 =	vmul.f32 v7, v1  }
.LBB2_3:
0x59: {  	p0 =	sne.s32 s25, $0x7F  }
0x5a: {  	v3 =	vmul.f32 v3, v1;
	v2 =	vmul.f32 v2, v1;
	[tilespmem:s24+$0x30] =	vst v8;
	s26 =	sadd.s32 $0x80, s26;
	s28 =	smov.u32 s25;
	s25 =	sadd.s32 $0x1, s25  }
0x5b: {  	[tilespmem:s24+$0xFFFFFFC0] =	vst v6;
	v6 =	vmul.f32 v0, v1;
	v1 =	vmul.f32 v4, v1  }
0x5c: {  	s28 =	sadd.s32 s28, s22;
	[tilespmem:s24+$0x10] =	vst v7  }
0x5d: {  	v4 =	vmov s28;
	[tilespmem:s24+$0xFFFFFFE0] =	vst v5  }
0x5e: {  	v0 =	vld [tilespmem:s26+$0xFFFFFFF0];
	[tilespmem:s24+$0xFFFFFFF0] =	vst v6  }
0x5f: {  	v5 =	vld [tilespmem:s26+$0x30];
	[tilespmem:s24+$0x0] =	vst v1  }
0x60: {  	v7 =	vld [tilespmem:s26+$0x10];
	[tilespmem:s24+$0x20] =	vst v2  }
0x61: {  	v6 =	vld [tilespmem:s26+$0xFFFFFFC0];
	[tilespmem:s24+$0xFFFFFFD0] =	vst v3;
	s24 =	smov.u32 s26  }
0x62: {  	v1 =	vld.idx.msk [tilespmem:v4+s13+$0x0], $0xffff  }
0x63: {  	v9 =	vld [tilespmem:s26+$0xFFFFFFE0]  }
0x64: {  	v2 =	vld [tilespmem:s26+$0x20]  }
.Ltmp0:
0x65: {  	v3 =	vld [tilespmem:s26+$0xFFFFFFD0];
	(pc) =	sbr.rel @p0 .LBB2_3-.Ltmp0, $3  }
0x66: {  	v4 =	vld [tilespmem:s26+$0x0];
	_ =	sdelay $0x1  }
0x67: {  	v6 =	vmul.f32 v6, v1;
	v8 =	vmul.f32 v5, v1  }
0x68: {  	v7 =	vmul.f32 v7, v1;
	v5 =	vmul.f32 v9, v1  }
0x69: {  	[tilespmem:s24+$0x30] =	vst v8  }
0x6a: {  	[tilespmem:s24+$0xFFFFFFC0] =	vst v6  }
0x6b: {  	v0 =	vmul.f32 v0, v1;
	[tilespmem:s24+$0x10] =	vst v7  }
0x6c: {  	v2 =	vmul.f32 v2, v1;
	[tilespmem:s24+$0xFFFFFFE0] =	vst v5  }
0x6d: {  	v63 =	vmul.f32 v3, v1;
	[tilespmem:s24+$0xFFFFFFF0] =	vst v0  }
0x6e: {  	s23 =	sadd.s32 $0x1, s23;
	v4 =	vmul.f32 v4, v1;
	[tilespmem:s24+$0x20] =	vst v2  }
0x6f: {  	p0 =	sne.s32 s23, $0x51;
	[tilespmem:s24+$0xFFFFFFD0] =	vst v63  }
.Ltmp1:
0x70: {  	[tilespmem:s24+$0x0] =	vst v4;
	(pc) =	sbr.rel @p0 .LBB2_2-.Ltmp1, $4  }
0x71: {  	[spmem:s2] =	stream.indirect.scatter.add.f32 [tilespmem:s18], [sflag:$0x2], $0x80, s20, s16, $0xb8;
	[tilespmem:$0x1FA80] =	vst v63  }
0x72: {  	_ =	swait.ge [sflag:s11], $0x4000  }
0x73: {  	[sflag:s11] =	ssyncset.done $0x0  }
0x74: {  	s22 =	sadd.s32 $0x80, s22;
	[sflag:s11] =	ssyncadd.s32 $0xFFFFC000  }
0x75: {  	s21 =	sadd.s32 $0x1, s21  }
0x76: {  	p0 =	sne.s32 s21, s10  }
.Ltmp2:
0x77: {  	[bflag:$0x0] =	sbarrier.arrive $0xFFFF;
	(pc) =	sbr.rel @p0 .LBB2_1-.Ltmp2, $4  }
0x78: {  	[hbm:s9], [sflag:s14] =	dma.local [spmem:s15], $0x2800  }
0x79: {  	_ =	swait.ge [sflag:s11], $0x2800  }
0x7a: {  	[sflag:s11] =	ssyncset.done $0x0  }
0x7b: {  	[sflag:s11] =	ssyncadd.s32 $0xFFFFD800  }
0x7c: {  	_ =	sfence.sel $0x180000  }
0x7d: {  	[bflag:$0x0] =	sbarrier.arrive $0xFFFF  }
0x7e: {  	p0 =	sne.s32 s0, $0x0;
	_ =	strace $0x90000050  }
0x7f: {  	s0 =	sadd.s32 @!p0 $0x100000, s1;
	[bflag:$0x2] =	sbarrier.arrive $0xFFFF  }
0x80: {  	[sflag:s0] =	ssyncadd.tile.s32 @!p0 $0x1;
	_ =	shalt  }
.Lfunc_end2:
_tile_overlayer_lowered:
.L_overlay_start_2:
0x81: {  	(tag) =	ssettag $0x2  }
0x82: {  	s0 =	rddreg [dreg:$0x0];
	s2 =	stileid.u32  }
0x83: {  	s1 =	rddreg [dreg:$0x1];
	p0 =	sne.s32 s2, $0x0  }
0x84: {  	s3 =	rddreg [dreg:$0x2];
	[bflag:$0x3] =	sbarrier.arrive $0xFFFF;
	s2 =	simm.s32 @!p0 $0x1C02  }
0x85: {  	[timem:s3], [sflag:s2] =	dma.local @!p0 [hbm:s0], s1  }
0x86: {  	s0 =	simm.s32 @!p0 $0x2  }
0x87: {  	_ =	swait.ge @!p0 [sflag:s0], s1  }
0x88: {  	s1 =	ssub.s32 @!p0 $0x0, s1;
	[sflag:s0] =	ssyncset.done @!p0 $0x0  }
0x89: {  	[sflag:s0] =	ssyncadd.s32 @!p0 s1  }
0x8a: {  	[bflag:$0x3] =	sbarrier.arrive $0xFFFF  }
0x8b: {  	_ =	shalt  }

// kernel: kernel.28.cloned.1.call-start
scs
__scs_entry_jumppad:
0x0: {  	(pc) =	sbr.rel $0x88, $3  }
0x1: {  	(tag) =	ssettag $0x0;
	lr =	simm.s32 $0x1  }
0x2: {  	[smem:$0x3F97] =	sst lr;
	_ =	strace $0xD0000000  }
0x3: {  	_ = 	snop  }
0x4: {  	_ = 	snop  }
0x5: {  	_ = 	snop  }
0x6: {  	_ = 	snop  }
0x7: {  	_ = 	snop  }
__scs_overlays_trampoline_lowered:
0x8: {  	[smem:$0x3FA6] =	sst s0  }
0x9: {  	[smem:$0x3FA7] =	sst s1  }
0xa: {  	[smem:$0x3FA8] =	sst s2  }
0xb: {  	[smem:$0x3FA9] =	sst s3  }
0xc: {  	[smem:$0x3FAA] =	sst s4  }
0xd: {  	[smem:$0x3FAB] =	sst s5  }
0xe: {  	[smem:$0x3FAC] =	sst s6  }
0xf: {  	[smem:$0x3FAD] =	sst s7  }
0x10: {  	[smem:$0x3FAE] =	sst s8  }
0x11: {  	[smem:$0x3FAF] =	sst s9;
	s0 =	simm.s32 @!p0 $0x0  }
0x12: {  	s1 =	sld [smem:$0x3F95];
	s0 =	simm.s32 @p0 $0x1  }
0x13: {  	[smem:$0x3FB0] =	sst s0;
	s0 =	simm.s32 @!p1 $0x0  }
0x14: {  	s2 =	sld [smem:$0x3F94];
	s0 =	simm.s32 @p1 $0x1  }
0x15: {  	[smem:$0x3FB1] =	sst s0;
	s0 =	simm.s32 @!p2 $0x0  }
0x16: {  	s3 =	sld [smem:$0x3FDB];
	s0 =	simm.s32 @p2 $0x1  }
0x17: {  	s4 =	simm.s32 $0x1BF5;
	[smem:$0x3FB3] =	sst s0  }
0x18: {  	s0 =	sld [smem:$0x3F96];
	_ =	swait.ge [sflag:s4], $0x0  }
0x19: {  	s7 =	sld [smem:$0x3F97]  }
0x1a: {  	s8 =	sadd.s32 $0xFFFFE003, lr  }
0x1b: {  	s9 =	sadd.s32 $0xFFFFFEF7, lr;
	s5 =	simm.s32 $0xFFFFFFFF;
	p2 =	slt.u32 s8, $0xFFFFF086  }
0x1c: {  	p1 =	slt.u32 s9, $0xF7A;
	s5 =	simm.s32 @!p2 $0x0  }
0x1d: {  	s5 =	simm.s32 @p1 $0x1;
	p0 =	seq.s32 s7, s2  }
0x1e: {  	s7 =	smul.u32 @!p0 $0xF7A, s2;
	p2 =	seq.s32 @!p0 s5, $0x0  }
0x1f: {  	s9 =	smul.u32 $0xF7A, s1;
	s8 =	simm.s32 @!p0 $0x1BF5;
	p2 =	por !p2, p0  }
0x20: {  	[sflag:s8] =	ssyncset.s32 @!p0 $0xFFFFF086;
	s6 =	sadd.s32 @!p0 s3, s7;
	s7 =	simm.s32 @!p0 $0x108  }
0x21: {  	s3 =	sadd.s32 s3, s9;
	s6 =	sadd.s32 @!p0 $0x88, s6;
	s7 =	simm.s32 @p2 $0x1082  }
0x22: {  	[simem:s7], [sflag:s8] =	dma.local @!p0 [hbm:s6], $0xF7A  }
0x23: {  	s9 =	sor.u32 $0xD0000000, s2;
	s6 =	simm.s32 $0x108;
	_ =	swait.ge @!p0 [sflag:s8], $0x0  }
0x24: {  	s3 =	sadd.s32 $0x88, s3;
	s6 =	simm.s32 @!p1 $0x1082;
	[sflag:s4] =	ssyncset.s32 $0xFFFFF086  }
0x25: {  	[simem:s6], [sflag:s4] =	dma.local [hbm:s3], $0xF7A  }
0x26: {  	[smem:$0x3F97] =	sst s1;
	(tag) =	ssettag s2;
	_ =	strace s9  }
0x27: {  	s1 =	sld [smem:$0x3FA7]  }
0x28: {  	s2 =	sld [smem:$0x3FA8]  }
0x29: {  	s4 =	sld [smem:$0x3FAA]  }
0x2a: {  	p0 =	seq.s32 s5, $0x0;
	s5 =	sld [smem:$0x3FAB]  }
0x2b: {  	s6 =	sld [smem:$0x3FAC]  }
0x2c: {  	s7 =	sld [smem:$0x3FAD]  }
0x2d: {  	s3 =	simm.s32 $0x108;
	s8 =	sld [smem:$0x3FAE]  }
0x2e: {  	s3 =	simm.s32 @!p0 $0x1082;
	s9 =	sld [smem:$0x3FAF]  }
0x2f: {  	lr =	sadd.s32 s0, s3;
	s0 =	sld [smem:$0x3FA6]  }
0x30: {  	s3 =	sld [smem:$0x3FA9]  }
0x31: {  	[smem:$0x3FB2] =	sst s10  }
0x32: {  	s10 =	sld [smem:$0x3FB0];
	_ =	sdelay $0x3  }
0x33: {  	p0 =	seq.s32 s10, $0x1;
	s10 =	sld [smem:$0x3FB2];
	_ =	sdelay $0x3  }
0x34: {  	[smem:$0x3FB2] =	sst s10  }
0x35: {  	s10 =	sld [smem:$0x3FB1];
	_ =	sdelay $0x3  }
0x36: {  	p1 =	seq.s32 s10, $0x1;
	s10 =	sld [smem:$0x3FB2];
	_ =	sdelay $0x3  }
0x37: {  	[smem:$0x3FB2] =	sst s10  }
0x38: {  	s10 =	sld [smem:$0x3FB3]  }
0x39: {  	_ = 	snop;
	(pc) =	sbr.ind lr, $3  }
0x3a: {  	_ = 	snop  }
0x3b: {  	_ = 	snop  }
0x3c: {  	p2 =	seq.s32 s10, $0x1;
	s10 =	sld [smem:$0x3FB2]  }
0x3d: {  	_ =	shalt  }
0x3e: {  	_ =	shalt  }
0x3f: {  	_ =	shalt  }
0x40: {  	_ =	shalt  }
0x41: {  	_ =	shalt  }
0x42: {  	_ =	shalt  }
0x43: {  	_ =	shalt  }
0x44: {  	_ =	shalt  }
0x45: {  	_ =	shalt  }
0x46: {  	_ =	shalt  }
0x47: {  	_ =	shalt  }
0x48: {  	_ =	shalt  }
0x49: {  	_ =	shalt  }
0x4a: {  	_ =	shalt  }
0x4b: {  	_ =	shalt  }
0x4c: {  	_ =	shalt  }
0x4d: {  	_ =	shalt  }
0x4e: {  	_ =	shalt  }
0x4f: {  	_ =	shalt  }
0x50: {  	_ =	shalt  }
0x51: {  	_ =	shalt  }
0x52: {  	_ =	shalt  }
0x53: {  	_ =	shalt  }
0x54: {  	_ =	shalt  }
0x55: {  	_ =	shalt  }
0x56: {  	_ =	shalt  }
0x57: {  	_ =	shalt  }
0x58: {  	_ =	shalt  }
0x59: {  	_ =	shalt  }
0x5a: {  	_ =	shalt  }
0x5b: {  	_ =	shalt  }
0x5c: {  	_ =	shalt  }
0x5d: {  	_ =	shalt  }
0x5e: {  	_ =	shalt  }
0x5f: {  	_ =	shalt  }
0x60: {  	_ =	shalt  }
0x61: {  	_ =	shalt  }
0x62: {  	_ =	shalt  }
0x63: {  	_ =	shalt  }
0x64: {  	_ =	shalt  }
0x65: {  	_ =	shalt  }
0x66: {  	_ =	shalt  }
0x67: {  	_ =	shalt  }
0x68: {  	_ =	shalt  }
0x69: {  	_ =	shalt  }
0x6a: {  	_ =	shalt  }
0x6b: {  	_ =	shalt  }
0x6c: {  	_ =	shalt  }
0x6d: {  	_ =	shalt  }
0x6e: {  	_ =	shalt  }
0x6f: {  	_ =	shalt  }
0x70: {  	_ =	shalt  }
0x71: {  	_ =	shalt  }
0x72: {  	_ =	shalt  }
0x73: {  	_ =	shalt  }
0x74: {  	_ =	shalt  }
0x75: {  	_ =	shalt  }
0x76: {  	_ =	shalt  }
0x77: {  	_ =	shalt  }
0x78: {  	_ =	shalt  }
0x79: {  	_ =	shalt  }
0x7a: {  	_ =	shalt  }
0x7b: {  	_ =	shalt  }
0x7c: {  	_ =	shalt  }
0x7d: {  	_ =	shalt  }
0x7e: {  	_ =	shalt  }
0x7f: {  	_ =	shalt  }
0x80: {  	_ =	shalt  }
0x81: {  	_ =	shalt  }
0x82: {  	_ =	shalt  }
0x83: {  	_ =	shalt  }
0x84: {  	_ =	shalt  }
0x85: {  	_ =	shalt  }
0x86: {  	_ =	shalt  }
0x87: {  	_ =	shalt  }
.Lfunc_end0:
.L_simem_size_0:
called_computation.4_lowered:
.L_overlay_start_0:
0x88: {  	s2 =	sld [smem:$0x3FD9]  }
0x89: {  	s3 =	sld [smem:$0x3FFE];
	_ =	sdelay $0x1  }
0x8a: {  	s1 =	srdreg.scid  }
0x8b: {  	s0 =	sand.u32 $0x1, s1  }
0x8c: {  	s17 =	sshll.u32 s0, $0xA;
	s2 =	sadd.s32 s3, s2  }
0x8d: {  	s2 =	sadd.s32 s2, s17  }
0x8e: {  	[smem:$0x3FBE] =	sst s2  }
0x8f: {  	_ = 	snop  }
0x90: {  	(tm) =	ssettm $0x1  }
0x91: {  	s18 =	sld [smem:$0x3FFB];
	_ =	sdelay $0x3  }
0x92: {  	_ =	strace s18  }
0x93: {  	s2 =	sld [smem:$0x3FFC];
	_ =	sdelay $0x3  }
0x94: {  	_ =	strace s2  }
0x95: {  	s2 =	sld [smem:$0x3FFD];
	_ =	sdelay $0x3  }
0x96: {  	_ =	strace s2  }
0x97: {  	_ =	strace $0x8FFFFFFF  }
0x98: {  	s19 =	sld [smem:$0x3FDB];
	_ =	sdelay $0x1  }
0x99: {  	s20 =	simm.s32 $_scs_section_size  }
0x9a: {  	s4 =	simm.s32 $_size__tile_overlayer_lowered;
	s5 =	simm.s32 $_tile_overlayer_lowered  }
0x9b: {  	s6 =	simm.s32 $0x1BFF;
	s21 =	sshll.u32 s5, $0x1;
	s3 =	sadd.s32 s20, s19  }
0x9c: {  	s22 =	simm.s32 $0x0;
	s4 =	sshll.u32 s4, $0x1;
	s5 =	sadd.s32 s21, s3  }
0x9d: {  	[timem:s22], [sflag:s6] =	dma.local [hbm:s5], s4  }
0x9e: {  	_ =	swait.ge [sflag:s6], s4  }
0x9f: {  	s4 =	ssub.s32 $0x0, s4;
	[sflag:s6] =	ssyncset.done $0x0  }
0xa0: {  	[sflag:s6] =	ssyncadd.s32 s4;
	_ =	sdelay $0x1  }
0xa1: {  	s23 =	simm.s32 $0x1B8B  }
0xa2: {  	_ =	swait.ge [sflag:s23], $0x1  }
0xa3: {  	[sflag:s23] =	ssyncset.done $0x0  }
0xa4: {  	[sflag:s23] =	ssyncadd.s32 $0xFFFFFFFF  }
0xa5: {  	s4 =	sld [smem:$0x0]  }
0xa6: {  	s5 =	sand.u32 $0xFFFFFFFE, s1  }
0xa7: {  	p0 =	sne.s32 s1, s5  }
0xa8: {  	s5 =	sshll.u32 @p0 s5, $0xE  }
0xa9: {  	s5 =	sadd.s32 @p0 $0x11B8D, s5;
	s6 =	sshll.u32 @p0 s4, $0x11  }
0xaa: {  	s5 =	sor.u32 @p0 s6, s5  }
0xab: {  	[sflag:s5] =	ssyncadd.remote.s32 @p0 $0x1;
	_ =	sdelay $0x1  }
0xac: {  	s5 =	simm.s32 @p0 $0x1B8D  }
0xad: {  	_ =	swait.eq @p0 [sflag:s5], $0x1  }
0xae: {  	[sflag:s5] =	ssyncadd.s32 @p0 $0xFFFFFFFF  }
0xaf: {  	s6 =	sshll.u32 @!p0 s1, $0xE  }
0xb0: {  	s6 =	sor.u32 @!p0 $0x4000, s6;
	s5 =	simm.s32 @!p0 $0x1B8D  }
0xb1: {  	s4 =	sshll.u32 @!p0 s4, $0x11;
	s6 =	sadd.s32 @!p0 $0x11B8D, s6;
	_ =	swait.eq @!p0 [sflag:s5], $0x1  }
0xb2: {  	s4 =	sor.u32 @!p0 s4, s6;
	[sflag:s5] =	ssyncadd.s32 @!p0 $0xFFFFFFFF  }
0xb3: {  	s25 =	simm.s32 $0x1B8E;
	s24 =	sld [smem:$0x3FFE];
	[sflag:s4] =	ssyncadd.remote.s32 @!p0 $0x1  }
0xb4: {  	s26 =	simm.s32 $execute0_lowered;
	[smem:$0x3FD2] =	sst s25  }
0xb5: {  	s5 =	sshll.u32 s26, $0x1;
	_ =	strace $0x80000052;
	[dreg:$0x1] =	wrdreg $0xFFFFFFFF  }
0xb6: {  	s28 =	simm.s32 $_size_execute0_lowered;
	s3 =	sadd.s32 s3, s5;
	[dreg:$0x0] =	wrdreg $0x0  }
0xb7: {  	s5 =	sshll.u32 s28, $0x1;
	[dreg:$0x2] =	wrdreg s3  }
0xb8: {  	[dreg:$0x3] =	wrdreg s5  }
0xb9: {  	[dreg:$0x4] =	wrdreg $0xC0  }
0xba: {  	_ =	task [dreg:s22], $0x5FFFF  }
0xbb: {  	[dreg:$0x1] =	wrdreg $0xFFFFFFFF  }
0xbc: {  	[dreg:$0x0] =	wrdreg $0x60  }
0xbd: {  	[dreg:$0x2] =	wrdreg s24  }
0xbe: {  	[dreg:$0x3] =	wrdreg $0xBA800  }
0xbf: {  	[dreg:$0x4] =	wrdreg $0xC  }
0xc0: {  	_ =	task.clear_ibuf [dreg:s22], $0x5FFFF;
	_ =	strace $0x90000052  }
0xc1: {  	s29 =	simm.s32 $0xC;
	_ =	strace $0x80000054  }
0xc2: {  	_ =	swait.ge [sflag:s29], $0x1  }
0xc3: {  	[sflag:s29] =	ssyncadd.s32 $0xFFFFFFFF  }
0xc4: {  	_ =	strace $0x90000054  }
0xc5: {  	_ =	sfence  }
0xc6: {  	s30 =	sld [smem:$0x0];
	_ =	sdelay $0x2  }
0xc7: {  	s31 =	sshll.u32 s1, $0xD;
	s1 =	sshrl.u32 s1, $0x2  }
0xc8: {  	s4 =	sand.u32 $0x4000, s31;
	s1 =	sadd.s32 s1, s30  }
0xc9: {  	s0 =	sor.u32 s4, s0;
	s1 =	sshll.u32 s1, $0x11  }
0xca: {  	s0 =	sor.u32 s1, s0  }
0xcb: {  	s0 =	sadd.s32 $0x8F2B, s0  }
0xcc: {  	[sflag:s0] =	ssyncadd.remote.s32 $0x1  }
0xcd: {  	_ =	sfence.sel $0xFFFF  }
0xce: {  	[dreg:$0x0] =	wrdreg $0xFFFFFFFF;
	(pc) =	sbr.abs _section_cstart, $3  }
0xcf: {  	[dreg:$0x1] =	wrdreg $0xFFFFFFFF  }
0xd0: {  	_ =	task.clear_ibuf [dreg:s22], $0x2FFFF;
	_ =	strace $0x9FFFFFFF  }
0xd1: {  	(tm) =	ssettm $0x7FFFFFFF  }
tec
execute0_lowered:
.L_overlay_start_1:
0x0: {  	(tag) =	ssettag $0x1  }
0x1: {  	s1 =	srdreg.scid;
	s7 =	rddreg [dreg:$0x0]  }
0x2: {  	s0 =	stileid.u32;
	s2 =	rddreg [dreg:$0x1]  }
0x3: {  	s3 =	simm.s32 $0x0;
	s16 =	simm.s32 $0x80;
	s17 =	simm.s32 $0x7980  }
0x4: {  	s18 =	simm.s32 $0x7A80;
	s19 =	simm.s32 $0x1;
	s20 =	simm.s32 $0x7A00  }
0x5: {  	s21 =	simm.s32 $0x0;
	s6 =	sand.u32 $0x1, s1;
	s29 =	sshll.u32 s0, $0x1  }
0x6: {  	[smem:$0x7FF] =	sst s3;
	s9 =	smul.u32 $0x14000, s0;
	s5 =	sadd.s32 $0x36400, s7  }
0x7: {  	s11 =	smul.u32 $0x50000, s0;
	s14 =	sshll.u32 s0, $0x6;
	s1 =	sor.u32 s6, s29  }
0x8: {  	s8 =	smul.u32 $0x140000, s6;
	s6 =	ssub.s32 $0x2, s6;
	s14 =	sor.u32 $0x1C02, s14  }
0x9: {  	s4 =	smul.u32 $0x510, s1;
	s1 =	rddreg [dreg:$0x2];
	_ =	strace $0x80000053  }
0xa: {  	s30 =	sshrl.u32 s6, $0x1;
	s31 =	sshrl.u32 s11, $0x2;
	s11 =	simm.s32 $0x2  }
0xb: {  	s8 =	sadd.s32 s9, s8;
	s13 =	ssub.s32 s6, s30;
	s15 =	sadd.s32 s31, s2  }
0xc: {  	s10 =	sadd.s32 s4, s7;
	s4 =	sadd.s32 $0xC8600, s7;
	s8 =	sshrl.u32 s8, $0x3  }
0xd: {  	s15 =	sshrl.u32 s15, $0x3;
	s12 =	sadd.s32 s8, s7;
	s6 =	sadd.s32 $0x3C00, s10  }
0xe: {  	s7 =	sadd.s32 $0xDE00, s10;
	s8 =	sadd.s32 $0x2C200, s10;
	s10 =	smax.u32 s13, $0x1  }
0xf: {  	s13 =	simm.s32 $0x5100;
	s9 =	sadd.s32 $0x204A00, s12;
	s12 =	simm.s32 $0x2880  }
.LBB2_1:
0x10: {  	[tilespmem:s3], [sflag:$0x2] =	stream.linear.gather [hbm4b:s6+s3], $0x2880, $0x38;
	[tilespmem:$0x1FA80] =	vst v63  }
0x11: {  	_ =	swait.ge [sflag:s11], $0x2880  }
0x12: {  	[sflag:s11] =	ssyncset.done $0x0  }
0x13: {  	[sflag:s11] =	ssyncadd.s32 $0xFFFFD780  }
0x14: {  	[tilespmem:s12], [sflag:$0x2] =	stream.linear.gather [hbm4b:s7+s3], $0x2880, $0x38;
	[tilespmem:$0x1FA80] =	vst v63  }
0x15: {  	_ =	swait.ge [sflag:s11], $0x2880  }
0x16: {  	[sflag:s11] =	ssyncset.done $0x0  }
0x17: {  	[sflag:s11] =	ssyncadd.s32 $0xFFFFD780  }
0x18: {  	[tilespmem:s13], [sflag:$0x2] =	stream.linear.gather [hbm4b:s8+s3], $0x2880, $0x38;
	[tilespmem:$0x1FA80] =	vst v63  }
0x19: {  	_ =	swait.ge [sflag:s11], $0x2880  }
0x1a: {  	[sflag:s11] =	ssyncset.done $0x0  }
0x1b: {  	[sflag:s11] =	ssyncadd.s32 $0xFFFFD780  }
0x1c: {  	[spmem:s15], [sflag:s14] =	dma.local [hbm:s5], $0x2800  }
0x1d: {  	_ =	swait.ge [sflag:s11], $0x2800  }
0x1e: {  	[sflag:s11] =	ssyncset.done $0x0  }
0x1f: {  	[sflag:s11] =	ssyncadd.s32 $0xFFFFD800  }
0x20: {  	s22 =	simm.s32 $0x0;
	s23 =	simm.s32 $0x0;
	[bflag:$0x0] =	sbarrier.arrive $0xFFFF  }
.LBB2_2:
0x21: {  	s24 =	sshll.u32 s23, $0x7  }
0x22: {  	v0 =	vld [tilespmem:s24+$0x0];
	_ =	sdelay $0x4  }
0x23: {  	v0 =	vadd.s32 $0x7530, v0  }
0x24: {  	[tilespmem:$0x7980] =	vst v0  }
0x25: {  	v0 =	vld [tilespmem:s24+$0x2880];
	_ =	sdelay $0x4  }
0x26: {  	[tilespmem:$0x7A00] =	vst v0  }
0x27: {  	v0 =	vld [tilespmem:s24+$0x10];
	_ =	sdelay $0x4  }
0x28: {  	v0 =	vadd.s32 $0x7530, v0  }
0x29: {  	[tilespmem:$0x7990] =	vst v0  }
0x2a: {  	v0 =	vld [tilespmem:s24+$0x2890];
	_ =	sdelay $0x4  }
0x2b: {  	[tilespmem:$0x7A10] =	vst v0  }
0x2c: {  	v0 =	vld [tilespmem:s24+$0x20];
	_ =	sdelay $0x4  }
0x2d: {  	v0 =	vadd.s32 $0x7530, v0  }
0x2e: {  	[tilespmem:$0x79A0] =	vst v0  }
0x2f: {  	v0 =	vld [tilespmem:s24+$0x28A0];
	_ =	sdelay $0x4  }
0x30: {  	[tilespmem:$0x7A20] =	vst v0  }
0x31: {  	v0 =	vld [tilespmem:s24+$0x30];
	_ =	sdelay $0x4  }
0x32: {  	v0 =	vadd.s32 $0x7530, v0  }
0x33: {  	[tilespmem:$0x79B0] =	vst v0  }
0x34: {  	v0 =	vld [tilespmem:s24+$0x28B0];
	_ =	sdelay $0x4  }
0x35: {  	[tilespmem:$0x7A30] =	vst v0  }
0x36: {  	v0 =	vld [tilespmem:s24+$0x40];
	_ =	sdelay $0x4  }
0x37: {  	v0 =	vadd.s32 $0x7530, v0  }
0x38: {  	[tilespmem:$0x79C0] =	vst v0  }
0x39: {  	v0 =	vld [tilespmem:s24+$0x28C0];
	_ =	sdelay $0x4  }
0x3a: {  	[tilespmem:$0x7A40] =	vst v0  }
0x3b: {  	v0 =	vld [tilespmem:s24+$0x50];
	_ =	sdelay $0x4  }
0x3c: {  	v0 =	vadd.s32 $0x7530, v0  }
0x3d: {  	[tilespmem:$0x79D0] =	vst v0  }
0x3e: {  	v0 =	vld [tilespmem:s24+$0x28D0];
	_ =	sdelay $0x4  }
0x3f: {  	[tilespmem:$0x7A50] =	vst v0  }
0x40: {  	v0 =	vld [tilespmem:s24+$0x60];
	_ =	sdelay $0x4  }
0x41: {  	v0 =	vadd.s32 $0x7530, v0  }
0x42: {  	[tilespmem:$0x79E0] =	vst v0  }
0x43: {  	v0 =	vld [tilespmem:s24+$0x28E0];
	_ =	sdelay $0x4  }
0x44: {  	[tilespmem:$0x7A60] =	vst v0  }
0x45: {  	v0 =	vld [tilespmem:s24+$0x70];
	_ =	sdelay $0x4  }
0x46: {  	v0 =	vadd.s32 $0x7530, v0  }
0x47: {  	[tilespmem:$0x79F0] =	vst v0  }
0x48: {  	v0 =	vld [tilespmem:s24+$0x28F0];
	_ =	sdelay $0x4  }
0x49: {  	[tilespmem:$0x7A70] =	vst v0  }
0x4a: {  	[tilespmem:s18], [sflag:$0x1] =	stream.indirect.gather [hbm4b:s4+s16], $0x80, s17, s16, $0xb8;
	[tilespmem:$0x1FA80] =	vst v63  }
0x4b: {  	s31 =	sadd.s32 $0x0, s22;
	_ =	swait.ge [sflag:s19], $0x4000  }
0x4c: {  	v0 =	vmov s31;
	[sflag:s19] =	ssyncset.done $0x0  }
0x4d: {  	s24 =	simm.s32 $0x7AC0;
	[sflag:s19] =	ssyncadd.s32 $0xFFFFC000  }
0x4e: {  	v4 =	vld [tilespmem:s24+$0x30]  }
0x4f: {  	v7 =	vld [tilespmem:s24+$0x10]  }
0x50: {  	v5 =	vld [tilespmem:s24+$0xFFFFFFC0]  }
0x51: {  	v1 =	vld.idx.msk [tilespmem:v0+s13+$0x0], $0xffff  }
0x52: {  	v9 =	vld [tilespmem:s24+$0xFFFFFFE0]  }
0x53: {  	v0 =	vld [tilespmem:s24+$0xFFFFFFF0]  }
0x54: {  	v2 =	vld [tilespmem:s24+$0x20]  }
0x55: {  	v3 =	vld [tilespmem:s24+$0xFFFFFFD0]  }
0x56: {  	v8 =	vmul.f32 v4, v1;
	v4 =	vld [tilespmem:s24+$0x0]  }
0x57: {  	v6 =	vmul.f32 v5, v1  }
0x58: {  	s25 =	simm.s32 $0x1;
	s26 =	simm.s32 $0x7AC0;
	v5 =	vmul.f32 v9, v1;
	v7 =	vmul.f32 v7, v1  }
.LBB2_3:
0x59: {  	p0 =	sne.s32 s25, $0x7F  }
0x5a: {  	v3 =	vmul.f32 v3, v1;
	v2 =	vmul.f32 v2, v1;
	[tilespmem:s24+$0x30] =	vst v8;
	s26 =	sadd.s32 $0x80, s26;
	s28 =	smov.u32 s25;
	s25 =	sadd.s32 $0x1, s25  }
0x5b: {  	[tilespmem:s24+$0xFFFFFFC0] =	vst v6;
	v6 =	vmul.f32 v0, v1;
	v1 =	vmul.f32 v4, v1  }
0x5c: {  	s28 =	sadd.s32 s28, s22;
	[tilespmem:s24+$0x10] =	vst v7  }
0x5d: {  	v4 =	vmov s28;
	[tilespmem:s24+$0xFFFFFFE0] =	vst v5  }
0x5e: {  	v0 =	vld [tilespmem:s26+$0xFFFFFFF0];
	[tilespmem:s24+$0xFFFFFFF0] =	vst v6  }
0x5f: {  	v5 =	vld [tilespmem:s26+$0x30];
	[tilespmem:s24+$0x0] =	vst v1  }
0x60: {  	v7 =	vld [tilespmem:s26+$0x10];
	[tilespmem:s24+$0x20] =	vst v2  }
0x61: {  	v6 =	vld [tilespmem:s26+$0xFFFFFFC0];
	[tilespmem:s24+$0xFFFFFFD0] =	vst v3;
	s24 =	smov.u32 s26  }
0x62: {  	v1 =	vld.idx.msk [tilespmem:v4+s13+$0x0], $0xffff  }
0x63: {  	v9 =	vld [tilespmem:s26+$0xFFFFFFE0]  }
0x64: {  	v2 =	vld [tilespmem:s26+$0x20]  }
.Ltmp0:
0x65: {  	v3 =	vld [tilespmem:s26+$0xFFFFFFD0];
	(pc) =	sbr.rel @p0 .LBB2_3-.Ltmp0, $3  }
0x66: {  	v4 =	vld [tilespmem:s26+$0x0];
	_ =	sdelay $0x1  }
0x67: {  	v6 =	vmul.f32 v6, v1;
	v8 =	vmul.f32 v5, v1  }
0x68: {  	v7 =	vmul.f32 v7, v1;
	v5 =	vmul.f32 v9, v1  }
0x69: {  	[tilespmem:s24+$0x30] =	vst v8  }
0x6a: {  	[tilespmem:s24+$0xFFFFFFC0] =	vst v6  }
0x6b: {  	v0 =	vmul.f32 v0, v1;
	[tilespmem:s24+$0x10] =	vst v7  }
0x6c: {  	v2 =	vmul.f32 v2, v1;
	[tilespmem:s24+$0xFFFFFFE0] =	vst v5  }
0x6d: {  	v63 =	vmul.f32 v3, v1;
	[tilespmem:s24+$0xFFFFFFF0] =	vst v0  }
0x6e: {  	s23 =	sadd.s32 $0x1, s23;
	v4 =	vmul.f32 v4, v1;
	[tilespmem:s24+$0x20] =	vst v2  }
0x6f: {  	p0 =	sne.s32 s23, $0x51;
	[tilespmem:s24+$0xFFFFFFD0] =	vst v63  }
.Ltmp1:
0x70: {  	[tilespmem:s24+$0x0] =	vst v4;
	(pc) =	sbr.rel @p0 .LBB2_2-.Ltmp1, $4  }
0x71: {  	[spmem:s2] =	stream.indirect.scatter.add.f32 [tilespmem:s18], [sflag:$0x2], $0x80, s20, s16, $0xb8;
	[tilespmem:$0x1FA80] =	vst v63  }
0x72: {  	_ =	swait.ge [sflag:s11], $0x4000  }
0x73: {  	[sflag:s11] =	ssyncset.done $0x0  }
0x74: {  	s22 =	sadd.s32 $0x80, s22;
	[sflag:s11] =	ssyncadd.s32 $0xFFFFC000  }
0x75: {  	s21 =	sadd.s32 $0x1, s21  }
0x76: {  	p0 =	sne.s32 s21, s10  }
.Ltmp2:
0x77: {  	[bflag:$0x0] =	sbarrier.arrive $0xFFFF;
	(pc) =	sbr.rel @p0 .LBB2_1-.Ltmp2, $4  }
0x78: {  	[hbm:s9], [sflag:s14] =	dma.local [spmem:s15], $0x2800  }
0x79: {  	_ =	swait.ge [sflag:s11], $0x2800  }
0x7a: {  	[sflag:s11] =	ssyncset.done $0x0  }
0x7b: {  	[sflag:s11] =	ssyncadd.s32 $0xFFFFD800  }
0x7c: {  	_ =	sfence.sel $0x180000  }
0x7d: {  	[bflag:$0x0] =	sbarrier.arrive $0xFFFF  }
0x7e: {  	p0 =	sne.s32 s0, $0x0;
	_ =	strace $0x90000053  }
0x7f: {  	s0 =	sadd.s32 @!p0 $0x100000, s1;
	[bflag:$0x2] =	sbarrier.arrive $0xFFFF  }
0x80: {  	[sflag:s0] =	ssyncadd.tile.s32 @!p0 $0x1;
	_ =	shalt  }
.Lfunc_end2:
_tile_overlayer_lowered:
.L_overlay_start_2:
0x81: {  	(tag) =	ssettag $0x2  }
0x82: {  	s0 =	rddreg [dreg:$0x0];
	s2 =	stileid.u32  }
0x83: {  	s1 =	rddreg [dreg:$0x1];
	p0 =	sne.s32 s2, $0x0  }
0x84: {  	s3 =	rddreg [dreg:$0x2];
	[bflag:$0x3] =	sbarrier.arrive $0xFFFF;
	s2 =	simm.s32 @!p0 $0x1C02  }
0x85: {  	[timem:s3], [sflag:s2] =	dma.local @!p0 [hbm:s0], s1  }
0x86: {  	s0 =	simm.s32 @!p0 $0x2  }
0x87: {  	_ =	swait.ge @!p0 [sflag:s0], s1  }
0x88: {  	s1 =	ssub.s32 @!p0 $0x0, s1;
	[sflag:s0] =	ssyncset.done @!p0 $0x0  }
0x89: {  	[sflag:s0] =	ssyncadd.s32 @!p0 s1  }
0x8a: {  	[bflag:$0x3] =	sbarrier.arrive $0xFFFF  }
0x8b: {  	_ =	shalt  }

// kernel: kernel.31.cloned.1.call-start
scs
__scs_entry_jumppad:
0x0: {  	(pc) =	sbr.rel $0x88, $3  }
0x1: {  	(tag) =	ssettag $0x0;
	lr =	simm.s32 $0x1  }
0x2: {  	[smem:$0x3F97] =	sst lr;
	_ =	strace $0xD0000000  }
0x3: {  	_ = 	snop  }
0x4: {  	_ = 	snop  }
0x5: {  	_ = 	snop  }
0x6: {  	_ = 	snop  }
0x7: {  	_ = 	snop  }
__scs_overlays_trampoline_lowered:
0x8: {  	[smem:$0x3FA6] =	sst s0  }
0x9: {  	[smem:$0x3FA7] =	sst s1  }
0xa: {  	[smem:$0x3FA8] =	sst s2  }
0xb: {  	[smem:$0x3FA9] =	sst s3  }
0xc: {  	[smem:$0x3FAA] =	sst s4  }
0xd: {  	[smem:$0x3FAB] =	sst s5  }
0xe: {  	[smem:$0x3FAC] =	sst s6  }
0xf: {  	[smem:$0x3FAD] =	sst s7  }
0x10: {  	[smem:$0x3FAE] =	sst s8  }
0x11: {  	[smem:$0x3FAF] =	sst s9;
	s0 =	simm.s32 @!p0 $0x0  }
0x12: {  	s1 =	sld [smem:$0x3F95];
	s0 =	simm.s32 @p0 $0x1  }
0x13: {  	[smem:$0x3FB0] =	sst s0;
	s0 =	simm.s32 @!p1 $0x0  }
0x14: {  	s2 =	sld [smem:$0x3F94];
	s0 =	simm.s32 @p1 $0x1  }
0x15: {  	[smem:$0x3FB1] =	sst s0;
	s0 =	simm.s32 @!p2 $0x0  }
0x16: {  	s3 =	sld [smem:$0x3FDB];
	s0 =	simm.s32 @p2 $0x1  }
0x17: {  	s4 =	simm.s32 $0x1BF5;
	[smem:$0x3FB3] =	sst s0  }
0x18: {  	s0 =	sld [smem:$0x3F96];
	_ =	swait.ge [sflag:s4], $0x0  }
0x19: {  	s7 =	sld [smem:$0x3F97]  }
0x1a: {  	s8 =	sadd.s32 $0xFFFFE003, lr  }
0x1b: {  	s9 =	sadd.s32 $0xFFFFFEF7, lr;
	s5 =	simm.s32 $0xFFFFFFFF;
	p2 =	slt.u32 s8, $0xFFFFF086  }
0x1c: {  	p1 =	slt.u32 s9, $0xF7A;
	s5 =	simm.s32 @!p2 $0x0  }
0x1d: {  	s5 =	simm.s32 @p1 $0x1;
	p0 =	seq.s32 s7, s2  }
0x1e: {  	s7 =	smul.u32 @!p0 $0xF7A, s2;
	p2 =	seq.s32 @!p0 s5, $0x0  }
0x1f: {  	s9 =	smul.u32 $0xF7A, s1;
	s8 =	simm.s32 @!p0 $0x1BF5;
	p2 =	por !p2, p0  }
0x20: {  	[sflag:s8] =	ssyncset.s32 @!p0 $0xFFFFF086;
	s6 =	sadd.s32 @!p0 s3, s7;
	s7 =	simm.s32 @!p0 $0x108  }
0x21: {  	s3 =	sadd.s32 s3, s9;
	s6 =	sadd.s32 @!p0 $0x88, s6;
	s7 =	simm.s32 @p2 $0x1082  }
0x22: {  	[simem:s7], [sflag:s8] =	dma.local @!p0 [hbm:s6], $0xF7A  }
0x23: {  	s9 =	sor.u32 $0xD0000000, s2;
	s6 =	simm.s32 $0x108;
	_ =	swait.ge @!p0 [sflag:s8], $0x0  }
0x24: {  	s3 =	sadd.s32 $0x88, s3;
	s6 =	simm.s32 @!p1 $0x1082;
	[sflag:s4] =	ssyncset.s32 $0xFFFFF086  }
0x25: {  	[simem:s6], [sflag:s4] =	dma.local [hbm:s3], $0xF7A  }
0x26: {  	[smem:$0x3F97] =	sst s1;
	(tag) =	ssettag s2;
	_ =	strace s9  }
0x27: {  	s1 =	sld [smem:$0x3FA7]  }
0x28: {  	s2 =	sld [smem:$0x3FA8]  }
0x29: {  	s4 =	sld [smem:$0x3FAA]  }
0x2a: {  	p0 =	seq.s32 s5, $0x0;
	s5 =	sld [smem:$0x3FAB]  }
0x2b: {  	s6 =	sld [smem:$0x3FAC]  }
0x2c: {  	s7 =	sld [smem:$0x3FAD]  }
0x2d: {  	s3 =	simm.s32 $0x108;
	s8 =	sld [smem:$0x3FAE]  }
0x2e: {  	s3 =	simm.s32 @!p0 $0x1082;
	s9 =	sld [smem:$0x3FAF]  }
0x2f: {  	lr =	sadd.s32 s0, s3;
	s0 =	sld [smem:$0x3FA6]  }
0x30: {  	s3 =	sld [smem:$0x3FA9]  }
0x31: {  	[smem:$0x3FB2] =	sst s10  }
0x32: {  	s10 =	sld [smem:$0x3FB0];
	_ =	sdelay $0x3  }
0x33: {  	p0 =	seq.s32 s10, $0x1;
	s10 =	sld [smem:$0x3FB2];
	_ =	sdelay $0x3  }
0x34: {  	[smem:$0x3FB2] =	sst s10  }
0x35: {  	s10 =	sld [smem:$0x3FB1];
	_ =	sdelay $0x3  }
0x36: {  	p1 =	seq.s32 s10, $0x1;
	s10 =	sld [smem:$0x3FB2];
	_ =	sdelay $0x3  }
0x37: {  	[smem:$0x3FB2] =	sst s10  }
0x38: {  	s10 =	sld [smem:$0x3FB3]  }
0x39: {  	_ = 	snop;
	(pc) =	sbr.ind lr, $3  }
0x3a: {  	_ = 	snop  }
0x3b: {  	_ = 	snop  }
0x3c: {  	p2 =	seq.s32 s10, $0x1;
	s10 =	sld [smem:$0x3FB2]  }
0x3d: {  	_ =	shalt  }
0x3e: {  	_ =	shalt  }
0x3f: {  	_ =	shalt  }
0x40: {  	_ =	shalt  }
0x41: {  	_ =	shalt  }
0x42: {  	_ =	shalt  }
0x43: {  	_ =	shalt  }
0x44: {  	_ =	shalt  }
0x45: {  	_ =	shalt  }
0x46: {  	_ =	shalt  }
0x47: {  	_ =	shalt  }
0x48: {  	_ =	shalt  }
0x49: {  	_ =	shalt  }
0x4a: {  	_ =	shalt  }
0x4b: {  	_ =	shalt  }
0x4c: {  	_ =	shalt  }
0x4d: {  	_ =	shalt  }
0x4e: {  	_ =	shalt  }
0x4f: {  	_ =	shalt  }
0x50: {  	_ =	shalt  }
0x51: {  	_ =	shalt  }
0x52: {  	_ =	shalt  }
0x53: {  	_ =	shalt  }
0x54: {  	_ =	shalt  }
0x55: {  	_ =	shalt  }
0x56: {  	_ =	shalt  }
0x57: {  	_ =	shalt  }
0x58: {  	_ =	shalt  }
0x59: {  	_ =	shalt  }
0x5a: {  	_ =	shalt  }
0x5b: {  	_ =	shalt  }
0x5c: {  	_ =	shalt  }
0x5d: {  	_ =	shalt  }
0x5e: {  	_ =	shalt  }
0x5f: {  	_ =	shalt  }
0x60: {  	_ =	shalt  }
0x61: {  	_ =	shalt  }
0x62: {  	_ =	shalt  }
0x63: {  	_ =	shalt  }
0x64: {  	_ =	shalt  }
0x65: {  	_ =	shalt  }
0x66: {  	_ =	shalt  }
0x67: {  	_ =	shalt  }
0x68: {  	_ =	shalt  }
0x69: {  	_ =	shalt  }
0x6a: {  	_ =	shalt  }
0x6b: {  	_ =	shalt  }
0x6c: {  	_ =	shalt  }
0x6d: {  	_ =	shalt  }
0x6e: {  	_ =	shalt  }
0x6f: {  	_ =	shalt  }
0x70: {  	_ =	shalt  }
0x71: {  	_ =	shalt  }
0x72: {  	_ =	shalt  }
0x73: {  	_ =	shalt  }
0x74: {  	_ =	shalt  }
0x75: {  	_ =	shalt  }
0x76: {  	_ =	shalt  }
0x77: {  	_ =	shalt  }
0x78: {  	_ =	shalt  }
0x79: {  	_ =	shalt  }
0x7a: {  	_ =	shalt  }
0x7b: {  	_ =	shalt  }
0x7c: {  	_ =	shalt  }
0x7d: {  	_ =	shalt  }
0x7e: {  	_ =	shalt  }
0x7f: {  	_ =	shalt  }
0x80: {  	_ =	shalt  }
0x81: {  	_ =	shalt  }
0x82: {  	_ =	shalt  }
0x83: {  	_ =	shalt  }
0x84: {  	_ =	shalt  }
0x85: {  	_ =	shalt  }
0x86: {  	_ =	shalt  }
0x87: {  	_ =	shalt  }
.Lfunc_end0:
.L_simem_size_0:
called_computation.5_lowered:
.L_overlay_start_0:
0x88: {  	s2 =	sld [smem:$0x3FD9]  }
0x89: {  	s3 =	sld [smem:$0x3FFE];
	_ =	sdelay $0x1  }
0x8a: {  	s1 =	srdreg.scid  }
0x8b: {  	s0 =	sand.u32 $0x1, s1  }
0x8c: {  	s14 =	sshll.u32 s0, $0xA;
	s2 =	sadd.s32 s3, s2  }
0x8d: {  	s2 =	sadd.s32 s2, s14  }
0x8e: {  	[smem:$0x3FBE] =	sst s2  }
0x8f: {  	_ = 	snop  }
0x90: {  	s2 =	sld [smem:$0x3FD0];
	_ =	sdelay $0x2  }
0x91: {  	s15 =	simm.s32 $0xD;
	s4 =	simm.s32 $0x10  }
0x92: {  	[smem:s4], [sflag:s15] =	dma.local [hbm:s2], $0x1  }
0x93: {  	_ =	swait.eq [sflag:s15], $0x1  }
0x94: {  	[sflag:s15] =	ssyncset.done $0x0  }
0x95: {  	[sflag:s15] =	ssyncadd.s32 $0xFFFFFFFF  }
0x96: {  	s16 =	sld [smem:$0x11];
	(tm) =	ssettm $0x1  }
0x97: {  	s17 =	sld [smem:$0x3FFB];
	_ =	sdelay $0x3  }
0x98: {  	_ =	strace s17  }
0x99: {  	s3 =	sld [smem:$0x3FFC];
	_ =	sdelay $0x3  }
0x9a: {  	_ =	strace s3  }
0x9b: {  	s3 =	sld [smem:$0x3FFD];
	_ =	sdelay $0x3  }
0x9c: {  	_ =	strace s3  }
0x9d: {  	_ =	strace $0x8FFFFFFF  }
0x9e: {  	s18 =	sld [smem:$0x3FDB];
	_ =	sdelay $0x1  }
0x9f: {  	s19 =	simm.s32 $_scs_section_size  }
0xa0: {  	s5 =	simm.s32 $_size__tile_overlayer_lowered;
	s6 =	simm.s32 $_tile_overlayer_lowered  }
0xa1: {  	s22 =	simm.s32 $0x1BFF;
	s21 =	sshll.u32 s6, $0x1;
	s3 =	sadd.s32 s19, s18  }
0xa2: {  	s7 =	simm.s32 $0x0;
	s20 =	sshll.u32 s5, $0x1;
	s5 =	sadd.s32 s21, s3  }
0xa3: {  	[timem:s7], [sflag:s22] =	dma.local [hbm:s5], s20  }
0xa4: {  	_ =	swait.ge [sflag:s22], s20  }
0xa5: {  	s4 =	ssub.s32 $0x0, s20;
	[sflag:s22] =	ssyncset.done $0x0  }
0xa6: {  	[sflag:s22] =	ssyncadd.s32 s4;
	_ =	sdelay $0x1  }
0xa7: {  	s23 =	simm.s32 $0x1B8B  }
0xa8: {  	_ =	swait.ge [sflag:s23], $0x1  }
0xa9: {  	[sflag:s23] =	ssyncset.done $0x0  }
0xaa: {  	s25 =	simm.s32 $0x1B8E;
	s24 =	sld [smem:$0x3FFE];
	[sflag:s23] =	ssyncadd.s32 $0xFFFFFFFF  }
0xab: {  	s26 =	simm.s32 $execute0_lowered;
	[smem:$0x3FD2] =	sst s25  }
0xac: {  	s5 =	sshll.u32 s26, $0x1;
	_ =	strace $0x80000055;
	[dreg:$0x1] =	wrdreg $0xFFFFFFFF  }
0xad: {  	s28 =	simm.s32 $_size_execute0_lowered;
	s3 =	sadd.s32 s3, s5;
	[dreg:$0x0] =	wrdreg $0x0  }
0xae: {  	s5 =	sshll.u32 s28, $0x1;
	[dreg:$0x2] =	wrdreg s3  }
0xaf: {  	[dreg:$0x3] =	wrdreg s5  }
0xb0: {  	[dreg:$0x4] =	wrdreg $0xC0  }
0xb1: {  	_ =	task [dreg:s7], $0x5FFFF  }
0xb2: {  	[dreg:$0x1] =	wrdreg $0xFFFFFFFF  }
0xb3: {  	[dreg:$0x0] =	wrdreg $0x60  }
0xb4: {  	[dreg:$0x2] =	wrdreg s24  }
0xb5: {  	[dreg:$0x3] =	wrdreg s16  }
0xb6: {  	[dreg:$0x4] =	wrdreg $0x9  }
0xb7: {  	_ =	task.clear_ibuf [dreg:s7], $0x5FFFF;
	_ =	strace $0x90000055  }
0xb8: {  	s29 =	simm.s32 $0x9;
	_ =	strace $0x80000057  }
0xb9: {  	_ =	swait.ge [sflag:s29], $0x1  }
0xba: {  	[sflag:s29] =	ssyncadd.s32 $0xFFFFFFFF  }
0xbb: {  	_ =	strace $0x90000057  }
0xbc: {  	_ =	sfence  }
0xbd: {  	s30 =	sld [smem:$0x0];
	_ =	sdelay $0x2  }
0xbe: {  	s31 =	sshll.u32 s1, $0xD;
	s1 =	sshrl.u32 s1, $0x2  }
0xbf: {  	s3 =	sand.u32 $0x4000, s31;
	s1 =	sadd.s32 s1, s30  }
0xc0: {  	s0 =	sor.u32 s3, s0;
	s1 =	sshll.u32 s1, $0x11  }
0xc1: {  	s0 =	sor.u32 s1, s0  }
0xc2: {  	s0 =	sadd.s32 $0x8F2B, s0  }
0xc3: {  	[sflag:s0] =	ssyncadd.remote.s32 $0x1  }
0xc4: {  	_ =	sfence.sel $0xFFFF  }
0xc5: {  	[dreg:$0x0] =	wrdreg $0xFFFFFFFF;
	(pc) =	sbr.abs _section_cstart, $3  }
0xc6: {  	[dreg:$0x1] =	wrdreg $0xFFFFFFFF  }
0xc7: {  	_ =	task.clear_ibuf [dreg:s7], $0x2FFFF;
	_ =	strace $0x9FFFFFFF  }
0xc8: {  	(tm) =	ssettm $0x7FFFFFFF  }
0xc9: {  	_ =	shalt  }
tec
execute0_lowered:
.L_overlay_start_1:
0x0: {  	(tag) =	ssettag $0x1  }
0x1: {  	s5 =	rddreg [dreg:$0x0];
	s1 =	srdreg.scid  }
0x2: {  	s0 =	stileid.u32;
	s6 =	rddreg [dreg:$0x1]  }
0x3: {  	s2 =	simm.s32 $0x0;
	s15 =	simm.s32 $0x5100;
	s16 =	simm.s32 $0xF100  }
0x4: {  	s17 =	simm.s32 $0x14280;
	s18 =	simm.s32 $0x16A80;
	s19 =	simm.s32 $0x80  }
0x5: {  	s20 =	simm.s32 $0x100;
	s21 =	simm.s32 $0xF180;
	s22 =	simm.s32 $0x11A00  }
0x6: {  	s23 =	simm.s32 $0x400;
	s24 =	simm.s32 $0x0;
	s7 =	sand.u32 $0x1, s1  }
0x7: {  	s1 =	rddreg [dreg:$0x2];
	s4 =	sshrl.u32 s0, $0x2;
	s31 =	smul.u32 $0x5100, s0  }
0x8: {  	s3 =	sshll.u32 s0, $0x1;
	[smem:$0x7FF] =	sst s2;
	s9 =	smul.u32 $0x14000, s4  }
0x9: {  	s8 =	sor.u32 s7, s3;
	_ =	strace $0x80000056;
	s14 =	smul.u32 $0x2880, s7  }
0xa: {  	s4 =	sadd.s32 $0x3A00, s5;
	s3 =	smul.u32 $0x2880, s8;
	s29 =	sshll.u32 s8, $0x7  }
0xb: {  	s30 =	ssub.s32 $0x2, s7;
	s8 =	smul.u32 $0xA20, s8;
	s11 =	sand.u32 $0x380, s29  }
0xc: {  	s12 =	sshrl.u32 s30, $0x1;
	s3 =	sshrl.u32 s3, $0x3;
	s9 =	sor.u32 s9, s11  }
0xd: {  	s11 =	ssub.s32 s30, s12;
	s6 =	sadd.s32 s6, s8;
	s12 =	sadd.s32 s14, s31  }
0xe: {  	s14 =	simm.s32 $0x2880;
	s10 =	sadd.s32 s3, s5;
	s3 =	sadd.s32 $0x18000, s5  }
0xf: {  	s9 =	sshrl.u32 s9, $0x3;
	s8 =	sadd.s32 $0x10, s6;
	s11 =	smax.u32 s11, $0x1  }
0x10: {  	s13 =	sadd.s32 s9, s5;
	s5 =	sadd.s32 $0x3C00, s10;
	s7 =	sadd.s32 $0xDE00, s10  }
0x11: {  	v0 =	vimm.f32 $0.0e+00;
	s9 =	sadd.s32 $0x19400, s13;
	s10 =	sadd.s32 $0x23400, s13;
	s13 =	simm.s32 $0x1  }
.LBB2_1:
0x12: {  	[tilespmem:s2], [sflag:$0x1] =	stream.linear.gather [hbm4b:s5+s2], $0x2880, $0x38;
	[tilespmem:$0x19280] =	vst v63  }
0x13: {  	_ =	swait.ge [sflag:s13], $0x2880  }
0x14: {  	[sflag:s13] =	ssyncset.done $0x0  }
0x15: {  	[sflag:s13] =	ssyncadd.s32 $0xFFFFD780  }
0x16: {  	[tilespmem:s14], [sflag:$0x1] =	stream.linear.gather [hbm4b:s7+s2], $0x2880, $0x38;
	[tilespmem:$0x19280] =	vst v63  }
0x17: {  	_ =	swait.ge [sflag:s13], $0x2880  }
0x18: {  	[sflag:s13] =	ssyncset.done $0x0  }
0x19: {  	[sflag:s13] =	ssyncadd.s32 $0xFFFFD780  }
0x1a: {  	[tilespmem:s15], [sflag:$0x1] =	stream.linear.gather [hbm4b:s3+s2], $0xA000, $0x38;
	[tilespmem:$0x19280] =	vst v63  }
0x1b: {  	_ =	swait.ge [sflag:s13], $0xA000  }
0x1c: {  	[sflag:s13] =	ssyncset.done $0x0  }
0x1d: {  	[sflag:s13] =	ssyncadd.s32 $0xFFFF6000  }
0x1e: {  	[tilespmem:s16], [sflag:$0x1] =	stream.linear.gather [hbm4b:s4+s2], $0x80, $0x38;
	[tilespmem:$0x19280] =	vst v63  }
0x1f: {  	_ =	swait.ge [sflag:s13], $0x80  }
0x20: {  	[sflag:s13] =	ssyncset.done $0x0  }
0x21: {  	[sflag:s13] =	ssyncadd.s32 $0xFFFFFF80  }
0x22: {  	v1 =	vld [tilespmem:$0xF100]  }
0x23: {  	s25 =	simm.s32 $0x0;
	v2 =	vld [tilespmem:$0xF110]  }
.LBB2_2:
0x24: {  	p0 =	sne.s32 s25, $0x9FC0  }
.Ltmp0:
0x25: {  	_ = 	snop;
	(pc) =	sbr.rel @p0 .LBB2_2-.Ltmp0, $4  }
0x26: {  	_ = 	snop  }
0x27: {  	s26 =	sshra.s32 s25, $0x2  }
0x28: {  	[tilespmem:s26+$0x14280] =	vst v0  }
0x29: {  	s25 =	sadd.s32 $0x40, s25;
	[tilespmem:s26+$0x16A80] =	vst v0  }
0x2a: {  	s25 =	simm.s32 $0x0  }
0x2b: {  	v3 =	vld [tilespmem:s25+$0x2880]  }
0x2c: {  	v4 =	vld [tilespmem:s25+$0x0];
	_ =	sdelay $0x3  }
0x2d: {  	v5 =	vadd.s32 $0x5000, v3;
	_ =	sdelay $0x3  }
0x2e: {  	v6 =	vld.idx.msk [tilespmem:v4+s15+$0x0], $0xffff  }
0x2f: {  	v5 =	vld.idx.msk [tilespmem:v5+s15+$0x0], $0xffff;
	_ =	sdelay $0x4  }
0x30: {  	v5 =	vadd.f32 v5, v6;
	_ =	sdelay $0x1  }
0x31: {  	v6 =	vmul.f32 $2.000000030e-01, v5  }
0x32: {  	vm0 =	vgt.f32 v5, $0.0e+00  }
0x33: {  	v5 =	vsel vm0, v5, v6  }
0x34: {  	v5 =	vsub.f32 v5, v1;
	_ =	sdelay $0x1  }
0x35: {  	v5 =	vmul.f32 $1.442695020e+00, v5;
	_ =	sdelay $0x1  }
0x36: {  	(erf) = vpow2.f32 v5;
	_ =	sdelay $0x7  }
0x37: {  	v4 =	vadd.s32 $0x2800, v4  }
0x38: {  	p1 =	slt.u32 s12, $0x50910;
	v5 =	vadd.s32 $0x7800, v3;
	v6 =	vpop (erf)  }
0x39: {  	v6 =	vpsel !p1, $0x0, v6  }
0x3a: {  	[tilespmem:s25+$0xF180] =	vst v6  }
0x3b: {  	[tilespmem:v3+s17+$0x0] =	vst.idx.add.f32.msk $0xffff, v6  }
0x3c: {  	v4 =	vld.idx.msk [tilespmem:v4+s15+$0x0], $0xffff  }
0x3d: {  	v5 =	vld.idx.msk [tilespmem:v5+s15+$0x0], $0xffff;
	_ =	sdelay $0x4  }
0x3e: {  	v4 =	vadd.f32 v5, v4;
	_ =	sdelay $0x1  }
0x3f: {  	v5 =	vmul.f32 $2.000000030e-01, v4  }
0x40: {  	vm15 =	vgt.f32 v4, $0.0e+00  }
0x41: {  	v4 =	vsel vm15, v4, v5  }
0x42: {  	v4 =	vsub.f32 v4, v2;
	_ =	sdelay $0x1  }
0x43: {  	v4 =	vmul.f32 $1.442695020e+00, v4;
	_ =	sdelay $0x1  }
0x44: {  	(erf) = vpow2.f32 v4;
	_ =	sdelay $0x8  }
0x45: {  	s26 =	simm.s32 $0x40;
	s28 =	smov.u32 s12;
	v4 =	vpop (erf)  }
.LBB2_4:
0x46: {  	p0 =	sne.s32 s26, $0xA1C0  }
0x47: {  	v4 =	vpsel !p1, $0x0, v4;
	s28 =	sadd.s32 $0x10, s28;
	s29 =	smov.u32 s26;
	s26 =	sadd.s32 $0x40, s26  }
0x48: {  	[tilespmem:s25+$0x11A00] =	vst v4;
	s25 =	sshra.s32 s29, $0x2  }
0x49: {  	[tilespmem:v3+s18+$0x0] =	vst.idx.add.f32.msk $0xffff, v4  }
0x4a: {  	v3 =	vld [tilespmem:s25+$0x2880]  }
0x4b: {  	v4 =	vld [tilespmem:s25+$0x0];
	_ =	sdelay $0x3  }
0x4c: {  	v5 =	vadd.s32 $0x5000, v3;
	_ =	sdelay $0x3  }
0x4d: {  	v6 =	vld.idx.msk [tilespmem:v4+s15+$0x0], $0xffff  }
0x4e: {  	v5 =	vld.idx.msk [tilespmem:v5+s15+$0x0], $0xffff;
	_ =	sdelay $0x5  }
0x4f: {  	v5 =	vadd.f32 v5, v6;
	_ =	sdelay $0x1  }
0x50: {  	v6 =	vmul.f32 $2.000000030e-01, v5  }
0x51: {  	vm0 =	vgt.f32 v5, $0.0e+00  }
0x52: {  	v5 =	vsel vm0, v5, v6  }
0x53: {  	v5 =	vsub.f32 v5, v1;
	_ =	sdelay $0x1  }
0x54: {  	v5 =	vmul.f32 $1.442695020e+00, v5;
	_ =	sdelay $0x1  }
0x55: {  	(erf) = vpow2.f32 v5;
	_ =	sdelay $0x7  }
0x56: {  	v4 =	vadd.s32 $0x2800, v4;
	v5 =	vadd.s32 $0x7800, v3  }
0x57: {  	p1 =	slt.u32 s28, $0x50910;
	v6 =	vpop (erf)  }
0x58: {  	v6 =	vpsel !p1, $0x0, v6  }
0x59: {  	[tilespmem:s25+$0xF180] =	vst v6  }
0x5a: {  	[tilespmem:v3+s17+$0x0] =	vst.idx.add.f32.msk $0xffff, v6  }
0x5b: {  	v4 =	vld.idx.msk [tilespmem:v4+s15+$0x0], $0xffff  }
0x5c: {  	v5 =	vld.idx.msk [tilespmem:v5+s15+$0x0], $0xffff;
	_ =	sdelay $0x5  }
0x5d: {  	v4 =	vadd.f32 v5, v4;
	_ =	sdelay $0x1  }
0x5e: {  	vm0 =	vgt.f32 v4, $0.0e+00;
	v5 =	vmul.f32 $2.000000030e-01, v4;
	_ =	sdelay $0x1  }
0x5f: {  	v4 =	vsel vm0, v4, v5  }
0x60: {  	v4 =	vsub.f32 v4, v2;
	_ =	sdelay $0x1  }
0x61: {  	v4 =	vmul.f32 $1.442695020e+00, v4;
	_ =	sdelay $0x1  }
0x62: {  	(erf) = vpow2.f32 v4;
	_ =	sdelay $0x4  }
.Ltmp1:
0x63: {  	(pc) =	sbr.rel @p0 .LBB2_4-.Ltmp1, $2  }
0x64: {  	_ =	sdelay $0x2  }
0x65: {  	v4 =	vpop (erf)  }
0x66: {  	_ =	sdelay $0x1  }
0x67: {  	v1 =	vpsel !p1, $0x0, v4  }
0x68: {  	[tilespmem:s25+$0x11A00] =	vst v1  }
0x69: {  	[tilespmem:v3+s18+$0x0] =	vst.idx.add.f32.msk $0xffff, v1  }
0x6a: {  	[hbm4b:s6+s19] =	stream.strided.scatter [tilespmem:s21], [sflag:$0x1], $0x2880, s20, s19, $0x38;
	[tilespmem:$0x19280] =	vst v63  }
0x6b: {  	_ =	swait.ge [sflag:s13], $0x2880  }
0x6c: {  	[sflag:s13] =	ssyncset.done $0x0  }
0x6d: {  	[sflag:s13] =	ssyncadd.s32 $0xFFFFD780  }
0x6e: {  	[hbm4b:s8+s19] =	stream.strided.scatter [tilespmem:s22], [sflag:$0x1], $0x2880, s20, s19, $0x38;
	[tilespmem:$0x19280] =	vst v63  }
0x6f: {  	_ =	swait.ge [sflag:s13], $0x2880  }
0x70: {  	[sflag:s13] =	ssyncset.done $0x0  }
0x71: {  	[sflag:s13] =	ssyncadd.s32 $0xFFFFD780  }
0x72: {  	[hbm4b:s9+s19] =	stream.strided.scatter [tilespmem:s17], [sflag:$0x1], $0x2800, s23, s19, $0x38;
	[tilespmem:$0x19280] =	vst v63  }
0x73: {  	s24 =	sadd.s32 $0x1, s24;
	_ =	swait.ge [sflag:s13], $0x2800  }
0x74: {  	p0 =	sne.s32 s24, s11;
	[sflag:s13] =	ssyncset.done $0x0  }
.Ltmp2:
0x75: {  	[sflag:s13] =	ssyncadd.s32 $0xFFFFD800;
	(pc) =	sbr.rel @p0 .LBB2_1-.Ltmp2, $4  }
0x76: {  	[hbm4b:s10+s19] =	stream.strided.scatter [tilespmem:s18], [sflag:$0x1], $0x2800, s23, s19, $0x38;
	[tilespmem:$0x19280] =	vst v63  }
0x77: {  	_ =	swait.ge [sflag:s13], $0x2800  }
0x78: {  	[sflag:s13] =	ssyncset.done $0x0  }
0x79: {  	[sflag:s13] =	ssyncadd.s32 $0xFFFFD800  }
0x7a: {  	_ =	sfence.sel $0x180000  }
0x7b: {  	[bflag:$0x0] =	sbarrier.arrive $0xFFFF  }
0x7c: {  	p0 =	sne.s32 s0, $0x0;
	_ =	strace $0x90000056  }
0x7d: {  	s0 =	sadd.s32 @!p0 $0x100000, s1;
	[bflag:$0x2] =	sbarrier.arrive $0xFFFF  }
0x7e: {  	[sflag:s0] =	ssyncadd.tile.s32 @!p0 $0x1;
	_ =	shalt  }
.Lfunc_end2:
_tile_overlayer_lowered:
.L_overlay_start_2:
0x7f: {  	(tag) =	ssettag $0x2  }
0x80: {  	s0 =	rddreg [dreg:$0x0];
	s2 =	stileid.u32  }
0x81: {  	s1 =	rddreg [dreg:$0x1];
	p0 =	sne.s32 s2, $0x0  }
0x82: {  	s3 =	rddreg [dreg:$0x2];
	[bflag:$0x3] =	sbarrier.arrive $0xFFFF;
	s2 =	simm.s32 @!p0 $0x1C01  }
0x83: {  	[timem:s3], [sflag:s2] =	dma.local @!p0 [hbm:s0], s1  }
0x84: {  	s0 =	simm.s32 @!p0 $0x1  }
0x85: {  	_ =	swait.ge @!p0 [sflag:s0], s1  }
0x86: {  	s1 =	ssub.s32 @!p0 $0x0, s1;
	[sflag:s0] =	ssyncset.done @!p0 $0x0  }
0x87: {  	[sflag:s0] =	ssyncadd.s32 @!p0 s1  }
0x88: {  	[bflag:$0x3] =	sbarrier.arrive $0xFFFF  }
0x89: {  	_ =	shalt  }

// kernel: kernel.34.cloned.1.call-start
scs
__scs_entry_jumppad:
0x0: {  	(pc) =	sbr.rel $0x88, $3  }
0x1: {  	(tag) =	ssettag $0x0;
	lr =	simm.s32 $0x1  }
0x2: {  	[smem:$0x3F97] =	sst lr;
	_ =	strace $0xD0000000  }
0x3: {  	_ = 	snop  }
0x4: {  	_ = 	snop  }
0x5: {  	_ = 	snop  }
0x6: {  	_ = 	snop  }
0x7: {  	_ = 	snop  }
__scs_overlays_trampoline_lowered:
0x8: {  	[smem:$0x3FA6] =	sst s0  }
0x9: {  	[smem:$0x3FA7] =	sst s1  }
0xa: {  	[smem:$0x3FA8] =	sst s2  }
0xb: {  	[smem:$0x3FA9] =	sst s3  }
0xc: {  	[smem:$0x3FAA] =	sst s4  }
0xd: {  	[smem:$0x3FAB] =	sst s5  }
0xe: {  	[smem:$0x3FAC] =	sst s6  }
0xf: {  	[smem:$0x3FAD] =	sst s7  }
0x10: {  	[smem:$0x3FAE] =	sst s8  }
0x11: {  	[smem:$0x3FAF] =	sst s9;
	s0 =	simm.s32 @!p0 $0x0  }
0x12: {  	s1 =	sld [smem:$0x3F95];
	s0 =	simm.s32 @p0 $0x1  }
0x13: {  	[smem:$0x3FB0] =	sst s0;
	s0 =	simm.s32 @!p1 $0x0  }
0x14: {  	s2 =	sld [smem:$0x3F94];
	s0 =	simm.s32 @p1 $0x1  }
0x15: {  	[smem:$0x3FB1] =	sst s0;
	s0 =	simm.s32 @!p2 $0x0  }
0x16: {  	s3 =	sld [smem:$0x3FDB];
	s0 =	simm.s32 @p2 $0x1  }
0x17: {  	s4 =	simm.s32 $0x1BF5;
	[smem:$0x3FB3] =	sst s0  }
0x18: {  	s0 =	sld [smem:$0x3F96];
	_ =	swait.ge [sflag:s4], $0x0  }
0x19: {  	s7 =	sld [smem:$0x3F97]  }
0x1a: {  	s8 =	sadd.s32 $0xFFFFE003, lr  }
0x1b: {  	s9 =	sadd.s32 $0xFFFFFEF7, lr;
	s5 =	simm.s32 $0xFFFFFFFF;
	p2 =	slt.u32 s8, $0xFFFFF086  }
0x1c: {  	p1 =	slt.u32 s9, $0xF7A;
	s5 =	simm.s32 @!p2 $0x0  }
0x1d: {  	s5 =	simm.s32 @p1 $0x1;
	p0 =	seq.s32 s7, s2  }
0x1e: {  	s7 =	smul.u32 @!p0 $0xF7A, s2;
	p2 =	seq.s32 @!p0 s5, $0x0  }
0x1f: {  	s9 =	smul.u32 $0xF7A, s1;
	s8 =	simm.s32 @!p0 $0x1BF5;
	p2 =	por !p2, p0  }
0x20: {  	[sflag:s8] =	ssyncset.s32 @!p0 $0xFFFFF086;
	s6 =	sadd.s32 @!p0 s3, s7;
	s7 =	simm.s32 @!p0 $0x108  }
0x21: {  	s3 =	sadd.s32 s3, s9;
	s6 =	sadd.s32 @!p0 $0x88, s6;
	s7 =	simm.s32 @p2 $0x1082  }
0x22: {  	[simem:s7], [sflag:s8] =	dma.local @!p0 [hbm:s6], $0xF7A  }
0x23: {  	s9 =	sor.u32 $0xD0000000, s2;
	s6 =	simm.s32 $0x108;
	_ =	swait.ge @!p0 [sflag:s8], $0x0  }
0x24: {  	s3 =	sadd.s32 $0x88, s3;
	s6 =	simm.s32 @!p1 $0x1082;
	[sflag:s4] =	ssyncset.s32 $0xFFFFF086  }
0x25: {  	[simem:s6], [sflag:s4] =	dma.local [hbm:s3], $0xF7A  }
0x26: {  	[smem:$0x3F97] =	sst s1;
	(tag) =	ssettag s2;
	_ =	strace s9  }
0x27: {  	s1 =	sld [smem:$0x3FA7]  }
0x28: {  	s2 =	sld [smem:$0x3FA8]  }
0x29: {  	s4 =	sld [smem:$0x3FAA]  }
0x2a: {  	p0 =	seq.s32 s5, $0x0;
	s5 =	sld [smem:$0x3FAB]  }
0x2b: {  	s6 =	sld [smem:$0x3FAC]  }
0x2c: {  	s7 =	sld [smem:$0x3FAD]  }
0x2d: {  	s3 =	simm.s32 $0x108;
	s8 =	sld [smem:$0x3FAE]  }
0x2e: {  	s3 =	simm.s32 @!p0 $0x1082;
	s9 =	sld [smem:$0x3FAF]  }
0x2f: {  	lr =	sadd.s32 s0, s3;
	s0 =	sld [smem:$0x3FA6]  }
0x30: {  	s3 =	sld [smem:$0x3FA9]  }
0x31: {  	[smem:$0x3FB2] =	sst s10  }
0x32: {  	s10 =	sld [smem:$0x3FB0];
	_ =	sdelay $0x3  }
0x33: {  	p0 =	seq.s32 s10, $0x1;
	s10 =	sld [smem:$0x3FB2];
	_ =	sdelay $0x3  }
0x34: {  	[smem:$0x3FB2] =	sst s10  }
0x35: {  	s10 =	sld [smem:$0x3FB1];
	_ =	sdelay $0x3  }
0x36: {  	p1 =	seq.s32 s10, $0x1;
	s10 =	sld [smem:$0x3FB2];
	_ =	sdelay $0x3  }
0x37: {  	[smem:$0x3FB2] =	sst s10  }
0x38: {  	s10 =	sld [smem:$0x3FB3]  }
0x39: {  	_ = 	snop;
	(pc) =	sbr.ind lr, $3  }
0x3a: {  	_ = 	snop  }
0x3b: {  	_ = 	snop  }
0x3c: {  	p2 =	seq.s32 s10, $0x1;
	s10 =	sld [smem:$0x3FB2]  }
0x3d: {  	_ =	shalt  }
0x3e: {  	_ =	shalt  }
0x3f: {  	_ =	shalt  }
0x40: {  	_ =	shalt  }
0x41: {  	_ =	shalt  }
0x42: {  	_ =	shalt  }
0x43: {  	_ =	shalt  }
0x44: {  	_ =	shalt  }
0x45: {  	_ =	shalt  }
0x46: {  	_ =	shalt  }
0x47: {  	_ =	shalt  }
0x48: {  	_ =	shalt  }
0x49: {  	_ =	shalt  }
0x4a: {  	_ =	shalt  }
0x4b: {  	_ =	shalt  }
0x4c: {  	_ =	shalt  }
0x4d: {  	_ =	shalt  }
0x4e: {  	_ =	shalt  }
0x4f: {  	_ =	shalt  }
0x50: {  	_ =	shalt  }
0x51: {  	_ =	shalt  }
0x52: {  	_ =	shalt  }
0x53: {  	_ =	shalt  }
0x54: {  	_ =	shalt  }
0x55: {  	_ =	shalt  }
0x56: {  	_ =	shalt  }
0x57: {  	_ =	shalt  }
0x58: {  	_ =	shalt  }
0x59: {  	_ =	shalt  }
0x5a: {  	_ =	shalt  }
0x5b: {  	_ =	shalt  }
0x5c: {  	_ =	shalt  }
0x5d: {  	_ =	shalt  }
0x5e: {  	_ =	shalt  }
0x5f: {  	_ =	shalt  }
0x60: {  	_ =	shalt  }
0x61: {  	_ =	shalt  }
0x62: {  	_ =	shalt  }
0x63: {  	_ =	shalt  }
0x64: {  	_ =	shalt  }
0x65: {  	_ =	shalt  }
0x66: {  	_ =	shalt  }
0x67: {  	_ =	shalt  }
0x68: {  	_ =	shalt  }
0x69: {  	_ =	shalt  }
0x6a: {  	_ =	shalt  }
0x6b: {  	_ =	shalt  }
0x6c: {  	_ =	shalt  }
0x6d: {  	_ =	shalt  }
0x6e: {  	_ =	shalt  }
0x6f: {  	_ =	shalt  }
0x70: {  	_ =	shalt  }
0x71: {  	_ =	shalt  }
0x72: {  	_ =	shalt  }
0x73: {  	_ =	shalt  }
0x74: {  	_ =	shalt  }
0x75: {  	_ =	shalt  }
0x76: {  	_ =	shalt  }
0x77: {  	_ =	shalt  }
0x78: {  	_ =	shalt  }
0x79: {  	_ =	shalt  }
0x7a: {  	_ =	shalt  }
0x7b: {  	_ =	shalt  }
0x7c: {  	_ =	shalt  }
0x7d: {  	_ =	shalt  }
0x7e: {  	_ =	shalt  }
0x7f: {  	_ =	shalt  }
0x80: {  	_ =	shalt  }
0x81: {  	_ =	shalt  }
0x82: {  	_ =	shalt  }
0x83: {  	_ =	shalt  }
0x84: {  	_ =	shalt  }
0x85: {  	_ =	shalt  }
0x86: {  	_ =	shalt  }
0x87: {  	_ =	shalt  }
.Lfunc_end0:
.L_simem_size_0:
called_computation.6_lowered:
.L_overlay_start_0:
0x88: {  	s2 =	sld [smem:$0x3FD9]  }
0x89: {  	s3 =	sld [smem:$0x3FFE];
	_ =	sdelay $0x1  }
0x8a: {  	s1 =	srdreg.scid  }
0x8b: {  	s0 =	sand.u32 $0x1, s1  }
0x8c: {  	s14 =	sshll.u32 s0, $0xA;
	s2 =	sadd.s32 s3, s2  }
0x8d: {  	s2 =	sadd.s32 s2, s14  }
0x8e: {  	[smem:$0x3FBE] =	sst s2  }
0x8f: {  	_ = 	snop  }
0x90: {  	s2 =	sld [smem:$0x3FD0];
	_ =	sdelay $0x2  }
0x91: {  	s15 =	simm.s32 $0xD;
	s4 =	simm.s32 $0x10  }
0x92: {  	[smem:s4], [sflag:s15] =	dma.local [hbm:s2], $0x1  }
0x93: {  	_ =	swait.eq [sflag:s15], $0x1  }
0x94: {  	[sflag:s15] =	ssyncset.done $0x0  }
0x95: {  	[sflag:s15] =	ssyncadd.s32 $0xFFFFFFFF  }
0x96: {  	s16 =	sld [smem:$0x10];
	(tm) =	ssettm $0x1  }
0x97: {  	s17 =	sld [smem:$0x3FFB];
	_ =	sdelay $0x3  }
0x98: {  	_ =	strace s17  }
0x99: {  	s3 =	sld [smem:$0x3FFC];
	_ =	sdelay $0x3  }
0x9a: {  	_ =	strace s3  }
0x9b: {  	s3 =	sld [smem:$0x3FFD];
	_ =	sdelay $0x3  }
0x9c: {  	_ =	strace s3  }
0x9d: {  	_ =	strace $0x8FFFFFFF  }
0x9e: {  	s18 =	sld [smem:$0x3FDB];
	_ =	sdelay $0x1  }
0x9f: {  	s19 =	simm.s32 $_scs_section_size  }
0xa0: {  	s5 =	simm.s32 $_size__tile_overlayer_lowered;
	s6 =	simm.s32 $_tile_overlayer_lowered  }
0xa1: {  	s22 =	simm.s32 $0x1BFF;
	s21 =	sshll.u32 s6, $0x1;
	s3 =	sadd.s32 s19, s18  }
0xa2: {  	s7 =	simm.s32 $0x0;
	s20 =	sshll.u32 s5, $0x1;
	s5 =	sadd.s32 s21, s3  }
0xa3: {  	[timem:s7], [sflag:s22] =	dma.local [hbm:s5], s20  }
0xa4: {  	_ =	swait.ge [sflag:s22], s20  }
0xa5: {  	s4 =	ssub.s32 $0x0, s20;
	[sflag:s22] =	ssyncset.done $0x0  }
0xa6: {  	[sflag:s22] =	ssyncadd.s32 s4;
	_ =	sdelay $0x1  }
0xa7: {  	s23 =	simm.s32 $0x1B8B  }
0xa8: {  	_ =	swait.ge [sflag:s23], $0x1  }
0xa9: {  	[sflag:s23] =	ssyncset.done $0x0  }
0xaa: {  	s25 =	simm.s32 $0x1B8E;
	s24 =	sld [smem:$0x3FFE];
	[sflag:s23] =	ssyncadd.s32 $0xFFFFFFFF  }
0xab: {  	s26 =	simm.s32 $execute0_lowered;
	[smem:$0x3FD2] =	sst s25  }
0xac: {  	s5 =	sshll.u32 s26, $0x1;
	_ =	strace $0x80000058;
	[dreg:$0x1] =	wrdreg $0xFFFFFFFF  }
0xad: {  	s28 =	simm.s32 $_size_execute0_lowered;
	s3 =	sadd.s32 s3, s5;
	[dreg:$0x0] =	wrdreg $0x0  }
0xae: {  	s5 =	sshll.u32 s28, $0x1;
	[dreg:$0x2] =	wrdreg s3  }
0xaf: {  	[dreg:$0x3] =	wrdreg s5  }
0xb0: {  	[dreg:$0x4] =	wrdreg $0xC0  }
0xb1: {  	_ =	task [dreg:s7], $0x5FFFF  }
0xb2: {  	[dreg:$0x1] =	wrdreg $0xFFFFFFFF  }
0xb3: {  	[dreg:$0x0] =	wrdreg $0x60  }
0xb4: {  	[dreg:$0x2] =	wrdreg s24  }
0xb5: {  	[dreg:$0x3] =	wrdreg s16  }
0xb6: {  	[dreg:$0x4] =	wrdreg $0xBA800  }
0xb7: {  	[dreg:$0x5] =	wrdreg $0x9  }
0xb8: {  	_ =	task.clear_ibuf [dreg:s7], $0x6FFFF;
	_ =	strace $0x90000058  }
0xb9: {  	s29 =	simm.s32 $0x9;
	_ =	strace $0x8000005A  }
0xba: {  	_ =	swait.ge [sflag:s29], $0x1  }
0xbb: {  	[sflag:s29] =	ssyncadd.s32 $0xFFFFFFFF  }
0xbc: {  	_ =	strace $0x9000005A  }
0xbd: {  	_ =	sfence  }
0xbe: {  	s30 =	sld [smem:$0x0];
	_ =	sdelay $0x2  }
0xbf: {  	s31 =	sshll.u32 s1, $0xD;
	s1 =	sshrl.u32 s1, $0x2  }
0xc0: {  	s3 =	sand.u32 $0x4000, s31;
	s1 =	sadd.s32 s1, s30  }
0xc1: {  	s0 =	sor.u32 s3, s0;
	s1 =	sshll.u32 s1, $0x11  }
0xc2: {  	s0 =	sor.u32 s1, s0  }
0xc3: {  	s0 =	sadd.s32 $0x8F2B, s0  }
0xc4: {  	[sflag:s0] =	ssyncadd.remote.s32 $0x1  }
0xc5: {  	_ =	sfence.sel $0xFFFF  }
0xc6: {  	[dreg:$0x0] =	wrdreg $0xFFFFFFFF;
	(pc) =	sbr.abs _section_cstart, $3  }
0xc7: {  	[dreg:$0x1] =	wrdreg $0xFFFFFFFF  }
0xc8: {  	_ =	task.clear_ibuf [dreg:s7], $0x2FFFF;
	_ =	strace $0x9FFFFFFF  }
0xc9: {  	(tm) =	ssettm $0x7FFFFFFF  }
tec
execute0_lowered:
.L_overlay_start_1:
0x0: {  	(tag) =	ssettag $0x1  }
0x1: {  	s1 =	srdreg.scid;
	s6 =	rddreg [dreg:$0x0]  }
0x2: {  	s0 =	stileid.u32;
	s2 =	rddreg [dreg:$0x1]  }
0x3: {  	s3 =	rddreg [dreg:$0x2];
	s4 =	simm.s32 $0x0;
	s16 =	simm.s32 $0x80  }
0x4: {  	s17 =	simm.s32 $0x7980;
	s18 =	simm.s32 $0x7A80;
	s19 =	simm.s32 $0x1  }
0x5: {  	s20 =	simm.s32 $0x7A00;
	s21 =	simm.s32 $0x0;
	s7 =	sand.u32 $0x1, s1  }
0x6: {  	s29 =	sshll.u32 s0, $0x1;
	[smem:$0x7FF] =	sst s4;
	s9 =	smul.u32 $0x14000, s0  }
0x7: {  	s11 =	smul.u32 $0x50000, s0;
	s14 =	sshll.u32 s0, $0x6;
	s1 =	sor.u32 s7, s29  }
0x8: {  	s8 =	smul.u32 $0x140000, s7;
	s7 =	ssub.s32 $0x2, s7;
	s14 =	sor.u32 $0x1C02, s14  }
0x9: {  	s5 =	smul.u32 $0x510, s1;
	s1 =	rddreg [dreg:$0x3];
	_ =	strace $0x80000059  }
0xa: {  	s30 =	sshrl.u32 s7, $0x1;
	s31 =	sshrl.u32 s11, $0x2;
	s11 =	simm.s32 $0x2  }
0xb: {  	s8 =	sadd.s32 s9, s8;
	s13 =	ssub.s32 s7, s30;
	s15 =	sadd.s32 s31, s3  }
0xc: {  	s10 =	sadd.s32 s5, s6;
	s5 =	sadd.s32 $0x36400, s6;
	s8 =	sshrl.u32 s8, $0x3  }
0xd: {  	s15 =	sshrl.u32 s15, $0x3;
	s12 =	sadd.s32 s8, s6;
	s6 =	sadd.s32 $0x3C00, s10  }
0xe: {  	s7 =	sadd.s32 $0xDE00, s10;
	s8 =	sadd.s32 $0x38C00, s10;
	s10 =	smax.u32 s13, $0x1  }
0xf: {  	s13 =	simm.s32 $0x5100;
	s9 =	sadd.s32 $0x4D000, s12;
	s12 =	simm.s32 $0x2880  }
.LBB2_1:
0x10: {  	[tilespmem:s4], [sflag:$0x2] =	stream.linear.gather [hbm4b:s6+s4], $0x2880, $0x38;
	[tilespmem:$0x1FA80] =	vst v63  }
0x11: {  	_ =	swait.ge [sflag:s11], $0x2880  }
0x12: {  	[sflag:s11] =	ssyncset.done $0x0  }
0x13: {  	[sflag:s11] =	ssyncadd.s32 $0xFFFFD780  }
0x14: {  	[tilespmem:s12], [sflag:$0x2] =	stream.linear.gather [hbm4b:s7+s4], $0x2880, $0x38;
	[tilespmem:$0x1FA80] =	vst v63  }
0x15: {  	_ =	swait.ge [sflag:s11], $0x2880  }
0x16: {  	[sflag:s11] =	ssyncset.done $0x0  }
0x17: {  	[sflag:s11] =	ssyncadd.s32 $0xFFFFD780  }
0x18: {  	[tilespmem:s13], [sflag:$0x2] =	stream.linear.gather [hbm4b:s8+s4], $0x2880, $0x38;
	[tilespmem:$0x1FA80] =	vst v63  }
0x19: {  	_ =	swait.ge [sflag:s11], $0x2880  }
0x1a: {  	[sflag:s11] =	ssyncset.done $0x0  }
0x1b: {  	[sflag:s11] =	ssyncadd.s32 $0xFFFFD780  }
0x1c: {  	[spmem:s15], [sflag:s14] =	dma.local [hbm:s5], $0x2800  }
0x1d: {  	_ =	swait.ge [sflag:s11], $0x2800  }
0x1e: {  	[sflag:s11] =	ssyncset.done $0x0  }
0x1f: {  	[sflag:s11] =	ssyncadd.s32 $0xFFFFD800  }
0x20: {  	s22 =	simm.s32 $0x0;
	s23 =	simm.s32 $0x0;
	[bflag:$0x0] =	sbarrier.arrive $0xFFFF  }
.LBB2_2:
0x21: {  	s24 =	sshll.u32 s23, $0x7  }
0x22: {  	v0 =	vld [tilespmem:s24+$0x0];
	_ =	sdelay $0x4  }
0x23: {  	[tilespmem:$0x7980] =	vst v0  }
0x24: {  	v0 =	vld [tilespmem:s24+$0x2880];
	_ =	sdelay $0x4  }
0x25: {  	[tilespmem:$0x7A00] =	vst v0  }
0x26: {  	v0 =	vld [tilespmem:s24+$0x10];
	_ =	sdelay $0x4  }
0x27: {  	[tilespmem:$0x7990] =	vst v0  }
0x28: {  	v0 =	vld [tilespmem:s24+$0x2890];
	_ =	sdelay $0x4  }
0x29: {  	[tilespmem:$0x7A10] =	vst v0  }
0x2a: {  	v0 =	vld [tilespmem:s24+$0x20];
	_ =	sdelay $0x4  }
0x2b: {  	[tilespmem:$0x79A0] =	vst v0  }
0x2c: {  	v0 =	vld [tilespmem:s24+$0x28A0];
	_ =	sdelay $0x4  }
0x2d: {  	[tilespmem:$0x7A20] =	vst v0  }
0x2e: {  	v0 =	vld [tilespmem:s24+$0x30];
	_ =	sdelay $0x4  }
0x2f: {  	[tilespmem:$0x79B0] =	vst v0  }
0x30: {  	v0 =	vld [tilespmem:s24+$0x28B0];
	_ =	sdelay $0x4  }
0x31: {  	[tilespmem:$0x7A30] =	vst v0  }
0x32: {  	v0 =	vld [tilespmem:s24+$0x40];
	_ =	sdelay $0x4  }
0x33: {  	[tilespmem:$0x79C0] =	vst v0  }
0x34: {  	v0 =	vld [tilespmem:s24+$0x28C0];
	_ =	sdelay $0x4  }
0x35: {  	[tilespmem:$0x7A40] =	vst v0  }
0x36: {  	v0 =	vld [tilespmem:s24+$0x50];
	_ =	sdelay $0x4  }
0x37: {  	[tilespmem:$0x79D0] =	vst v0  }
0x38: {  	v0 =	vld [tilespmem:s24+$0x28D0];
	_ =	sdelay $0x4  }
0x39: {  	[tilespmem:$0x7A50] =	vst v0  }
0x3a: {  	v0 =	vld [tilespmem:s24+$0x60];
	_ =	sdelay $0x4  }
0x3b: {  	[tilespmem:$0x79E0] =	vst v0  }
0x3c: {  	v0 =	vld [tilespmem:s24+$0x28E0];
	_ =	sdelay $0x4  }
0x3d: {  	[tilespmem:$0x7A60] =	vst v0  }
0x3e: {  	v0 =	vld [tilespmem:s24+$0x70];
	_ =	sdelay $0x4  }
0x3f: {  	[tilespmem:$0x79F0] =	vst v0  }
0x40: {  	v0 =	vld [tilespmem:s24+$0x28F0];
	_ =	sdelay $0x4  }
0x41: {  	[tilespmem:$0x7A70] =	vst v0  }
0x42: {  	[tilespmem:s18], [sflag:$0x1] =	stream.indirect.gather [hbm4b:s2+s16], $0x80, s17, s16, $0xb8;
	[tilespmem:$0x1FA80] =	vst v63  }
0x43: {  	s31 =	sadd.s32 $0x0, s22;
	_ =	swait.ge [sflag:s19], $0x4000  }
0x44: {  	v0 =	vmov s31;
	[sflag:s19] =	ssyncset.done $0x0  }
0x45: {  	s24 =	simm.s32 $0x7AC0;
	[sflag:s19] =	ssyncadd.s32 $0xFFFFC000  }
0x46: {  	v4 =	vld [tilespmem:s24+$0x30]  }
0x47: {  	v7 =	vld [tilespmem:s24+$0x10]  }
0x48: {  	v5 =	vld [tilespmem:s24+$0xFFFFFFC0]  }
0x49: {  	v1 =	vld.idx.msk [tilespmem:v0+s13+$0x0], $0xffff  }
0x4a: {  	v9 =	vld [tilespmem:s24+$0xFFFFFFE0]  }
0x4b: {  	v0 =	vld [tilespmem:s24+$0xFFFFFFF0]  }
0x4c: {  	v2 =	vld [tilespmem:s24+$0x20]  }
0x4d: {  	v3 =	vld [tilespmem:s24+$0xFFFFFFD0]  }
0x4e: {  	v8 =	vmul.f32 v4, v1;
	v4 =	vld [tilespmem:s24+$0x0]  }
0x4f: {  	v6 =	vmul.f32 v5, v1  }
0x50: {  	s25 =	simm.s32 $0x1;
	s26 =	simm.s32 $0x7AC0;
	v5 =	vmul.f32 v9, v1;
	v7 =	vmul.f32 v7, v1  }
.LBB2_3:
0x51: {  	p0 =	sne.s32 s25, $0x7F  }
0x52: {  	v3 =	vmul.f32 v3, v1;
	v2 =	vmul.f32 v2, v1;
	[tilespmem:s24+$0x30] =	vst v8;
	s26 =	sadd.s32 $0x80, s26;
	s28 =	smov.u32 s25;
	s25 =	sadd.s32 $0x1, s25  }
0x53: {  	[tilespmem:s24+$0xFFFFFFC0] =	vst v6;
	v6 =	vmul.f32 v0, v1;
	v1 =	vmul.f32 v4, v1  }
0x54: {  	s28 =	sadd.s32 s28, s22;
	[tilespmem:s24+$0x10] =	vst v7  }
0x55: {  	v4 =	vmov s28;
	[tilespmem:s24+$0xFFFFFFE0] =	vst v5  }
0x56: {  	v0 =	vld [tilespmem:s26+$0xFFFFFFF0];
	[tilespmem:s24+$0xFFFFFFF0] =	vst v6  }
0x57: {  	v5 =	vld [tilespmem:s26+$0x30];
	[tilespmem:s24+$0x0] =	vst v1  }
0x58: {  	v7 =	vld [tilespmem:s26+$0x10];
	[tilespmem:s24+$0x20] =	vst v2  }
0x59: {  	v6 =	vld [tilespmem:s26+$0xFFFFFFC0];
	[tilespmem:s24+$0xFFFFFFD0] =	vst v3;
	s24 =	smov.u32 s26  }
0x5a: {  	v1 =	vld.idx.msk [tilespmem:v4+s13+$0x0], $0xffff  }
0x5b: {  	v9 =	vld [tilespmem:s26+$0xFFFFFFE0]  }
0x5c: {  	v2 =	vld [tilespmem:s26+$0x20]  }
.Ltmp0:
0x5d: {  	v3 =	vld [tilespmem:s26+$0xFFFFFFD0];
	(pc) =	sbr.rel @p0 .LBB2_3-.Ltmp0, $3  }
0x5e: {  	v4 =	vld [tilespmem:s26+$0x0];
	_ =	sdelay $0x1  }
0x5f: {  	v6 =	vmul.f32 v6, v1;
	v8 =	vmul.f32 v5, v1  }
0x60: {  	v7 =	vmul.f32 v7, v1;
	v5 =	vmul.f32 v9, v1  }
0x61: {  	[tilespmem:s24+$0x30] =	vst v8  }
0x62: {  	[tilespmem:s24+$0xFFFFFFC0] =	vst v6  }
0x63: {  	v0 =	vmul.f32 v0, v1;
	[tilespmem:s24+$0x10] =	vst v7  }
0x64: {  	v2 =	vmul.f32 v2, v1;
	[tilespmem:s24+$0xFFFFFFE0] =	vst v5  }
0x65: {  	v63 =	vmul.f32 v3, v1;
	[tilespmem:s24+$0xFFFFFFF0] =	vst v0  }
0x66: {  	s23 =	sadd.s32 $0x1, s23;
	v4 =	vmul.f32 v4, v1;
	[tilespmem:s24+$0x20] =	vst v2  }
0x67: {  	p0 =	sne.s32 s23, $0x51;
	[tilespmem:s24+$0xFFFFFFD0] =	vst v63  }
.Ltmp1:
0x68: {  	[tilespmem:s24+$0x0] =	vst v4;
	(pc) =	sbr.rel @p0 .LBB2_2-.Ltmp1, $4  }
0x69: {  	[spmem:s3] =	stream.indirect.scatter.add.f32 [tilespmem:s18], [sflag:$0x2], $0x80, s20, s16, $0xb8;
	[tilespmem:$0x1FA80] =	vst v63  }
0x6a: {  	_ =	swait.ge [sflag:s11], $0x4000  }
0x6b: {  	[sflag:s11] =	ssyncset.done $0x0  }
0x6c: {  	s22 =	sadd.s32 $0x80, s22;
	[sflag:s11] =	ssyncadd.s32 $0xFFFFC000  }
0x6d: {  	s21 =	sadd.s32 $0x1, s21  }
0x6e: {  	p0 =	sne.s32 s21, s10  }
.Ltmp2:
0x6f: {  	[bflag:$0x0] =	sbarrier.arrive $0xFFFF;
	(pc) =	sbr.rel @p0 .LBB2_1-.Ltmp2, $4  }
0x70: {  	[hbm:s9], [sflag:s14] =	dma.local [spmem:s15], $0x2800  }
0x71: {  	_ =	swait.ge [sflag:s11], $0x2800  }
0x72: {  	[sflag:s11] =	ssyncset.done $0x0  }
0x73: {  	[sflag:s11] =	ssyncadd.s32 $0xFFFFD800  }
0x74: {  	_ =	sfence.sel $0x180000  }
0x75: {  	[bflag:$0x0] =	sbarrier.arrive $0xFFFF  }
0x76: {  	p0 =	sne.s32 s0, $0x0;
	_ =	strace $0x90000059  }
0x77: {  	s0 =	sadd.s32 @!p0 $0x100000, s1;
	[bflag:$0x2] =	sbarrier.arrive $0xFFFF  }
0x78: {  	[sflag:s0] =	ssyncadd.tile.s32 @!p0 $0x1;
	_ =	shalt  }
.Lfunc_end2:
_tile_overlayer_lowered:
.L_overlay_start_2:
0x79: {  	(tag) =	ssettag $0x2  }
0x7a: {  	s0 =	rddreg [dreg:$0x0];
	s2 =	stileid.u32  }
0x7b: {  	s1 =	rddreg [dreg:$0x1];
	p0 =	sne.s32 s2, $0x0  }
0x7c: {  	s3 =	rddreg [dreg:$0x2];
	[bflag:$0x3] =	sbarrier.arrive $0xFFFF;
	s2 =	simm.s32 @!p0 $0x1C02  }
0x7d: {  	[timem:s3], [sflag:s2] =	dma.local @!p0 [hbm:s0], s1  }
0x7e: {  	s0 =	simm.s32 @!p0 $0x2  }
0x7f: {  	_ =	swait.ge @!p0 [sflag:s0], s1  }
0x80: {  	s1 =	ssub.s32 @!p0 $0x0, s1;
	[sflag:s0] =	ssyncset.done @!p0 $0x0  }
0x81: {  	[sflag:s0] =	ssyncadd.s32 @!p0 s1  }
0x82: {  	[bflag:$0x3] =	sbarrier.arrive $0xFFFF  }
0x83: {  	_ =	shalt  }

// kernel: kernel.37.cloned.1.call-start
scs
__scs_entry_jumppad:
0x0: {  	(pc) =	sbr.rel $0x88, $3  }
0x1: {  	(tag) =	ssettag $0x0;
	lr =	simm.s32 $0x1  }
0x2: {  	[smem:$0x3F97] =	sst lr;
	_ =	strace $0xD0000000  }
0x3: {  	_ = 	snop  }
0x4: {  	_ = 	snop  }
0x5: {  	_ = 	snop  }
0x6: {  	_ = 	snop  }
0x7: {  	_ = 	snop  }
__scs_overlays_trampoline_lowered:
0x8: {  	[smem:$0x3FA6] =	sst s0  }
0x9: {  	[smem:$0x3FA7] =	sst s1  }
0xa: {  	[smem:$0x3FA8] =	sst s2  }
0xb: {  	[smem:$0x3FA9] =	sst s3  }
0xc: {  	[smem:$0x3FAA] =	sst s4  }
0xd: {  	[smem:$0x3FAB] =	sst s5  }
0xe: {  	[smem:$0x3FAC] =	sst s6  }
0xf: {  	[smem:$0x3FAD] =	sst s7  }
0x10: {  	[smem:$0x3FAE] =	sst s8  }
0x11: {  	[smem:$0x3FAF] =	sst s9;
	s0 =	simm.s32 @!p0 $0x0  }
0x12: {  	s1 =	sld [smem:$0x3F95];
	s0 =	simm.s32 @p0 $0x1  }
0x13: {  	[smem:$0x3FB0] =	sst s0;
	s0 =	simm.s32 @!p1 $0x0  }
0x14: {  	s2 =	sld [smem:$0x3F94];
	s0 =	simm.s32 @p1 $0x1  }
0x15: {  	[smem:$0x3FB1] =	sst s0;
	s0 =	simm.s32 @!p2 $0x0  }
0x16: {  	s3 =	sld [smem:$0x3FDB];
	s0 =	simm.s32 @p2 $0x1  }
0x17: {  	s4 =	simm.s32 $0x1BF5;
	[smem:$0x3FB3] =	sst s0  }
0x18: {  	s0 =	sld [smem:$0x3F96];
	_ =	swait.ge [sflag:s4], $0x0  }
0x19: {  	s7 =	sld [smem:$0x3F97]  }
0x1a: {  	s8 =	sadd.s32 $0xFFFFE003, lr  }
0x1b: {  	s9 =	sadd.s32 $0xFFFFFEF7, lr;
	s5 =	simm.s32 $0xFFFFFFFF;
	p2 =	slt.u32 s8, $0xFFFFF086  }
0x1c: {  	p1 =	slt.u32 s9, $0xF7A;
	s5 =	simm.s32 @!p2 $0x0  }
0x1d: {  	s5 =	simm.s32 @p1 $0x1;
	p0 =	seq.s32 s7, s2  }
0x1e: {  	s7 =	smul.u32 @!p0 $0xF7A, s2;
	p2 =	seq.s32 @!p0 s5, $0x0  }
0x1f: {  	s9 =	smul.u32 $0xF7A, s1;
	s8 =	simm.s32 @!p0 $0x1BF5;
	p2 =	por !p2, p0  }
0x20: {  	[sflag:s8] =	ssyncset.s32 @!p0 $0xFFFFF086;
	s6 =	sadd.s32 @!p0 s3, s7;
	s7 =	simm.s32 @!p0 $0x108  }
0x21: {  	s3 =	sadd.s32 s3, s9;
	s6 =	sadd.s32 @!p0 $0x88, s6;
	s7 =	simm.s32 @p2 $0x1082  }
0x22: {  	[simem:s7], [sflag:s8] =	dma.local @!p0 [hbm:s6], $0xF7A  }
0x23: {  	s9 =	sor.u32 $0xD0000000, s2;
	s6 =	simm.s32 $0x108;
	_ =	swait.ge @!p0 [sflag:s8], $0x0  }
0x24: {  	s3 =	sadd.s32 $0x88, s3;
	s6 =	simm.s32 @!p1 $0x1082;
	[sflag:s4] =	ssyncset.s32 $0xFFFFF086  }
0x25: {  	[simem:s6], [sflag:s4] =	dma.local [hbm:s3], $0xF7A  }
0x26: {  	[smem:$0x3F97] =	sst s1;
	(tag) =	ssettag s2;
	_ =	strace s9  }
0x27: {  	s1 =	sld [smem:$0x3FA7]  }
0x28: {  	s2 =	sld [smem:$0x3FA8]  }
0x29: {  	s4 =	sld [smem:$0x3FAA]  }
0x2a: {  	p0 =	seq.s32 s5, $0x0;
	s5 =	sld [smem:$0x3FAB]  }
0x2b: {  	s6 =	sld [smem:$0x3FAC]  }
0x2c: {  	s7 =	sld [smem:$0x3FAD]  }
0x2d: {  	s3 =	simm.s32 $0x108;
	s8 =	sld [smem:$0x3FAE]  }
0x2e: {  	s3 =	simm.s32 @!p0 $0x1082;
	s9 =	sld [smem:$0x3FAF]  }
0x2f: {  	lr =	sadd.s32 s0, s3;
	s0 =	sld [smem:$0x3FA6]  }
0x30: {  	s3 =	sld [smem:$0x3FA9]  }
0x31: {  	[smem:$0x3FB2] =	sst s10  }
0x32: {  	s10 =	sld [smem:$0x3FB0];
	_ =	sdelay $0x3  }
0x33: {  	p0 =	seq.s32 s10, $0x1;
	s10 =	sld [smem:$0x3FB2];
	_ =	sdelay $0x3  }
0x34: {  	[smem:$0x3FB2] =	sst s10  }
0x35: {  	s10 =	sld [smem:$0x3FB1];
	_ =	sdelay $0x3  }
0x36: {  	p1 =	seq.s32 s10, $0x1;
	s10 =	sld [smem:$0x3FB2];
	_ =	sdelay $0x3  }
0x37: {  	[smem:$0x3FB2] =	sst s10  }
0x38: {  	s10 =	sld [smem:$0x3FB3]  }
0x39: {  	_ = 	snop;
	(pc) =	sbr.ind lr, $3  }
0x3a: {  	_ = 	snop  }
0x3b: {  	_ = 	snop  }
0x3c: {  	p2 =	seq.s32 s10, $0x1;
	s10 =	sld [smem:$0x3FB2]  }
0x3d: {  	_ =	shalt  }
0x3e: {  	_ =	shalt  }
0x3f: {  	_ =	shalt  }
0x40: {  	_ =	shalt  }
0x41: {  	_ =	shalt  }
0x42: {  	_ =	shalt  }
0x43: {  	_ =	shalt  }
0x44: {  	_ =	shalt  }
0x45: {  	_ =	shalt  }
0x46: {  	_ =	shalt  }
0x47: {  	_ =	shalt  }
0x48: {  	_ =	shalt  }
0x49: {  	_ =	shalt  }
0x4a: {  	_ =	shalt  }
0x4b: {  	_ =	shalt  }
0x4c: {  	_ =	shalt  }
0x4d: {  	_ =	shalt  }
0x4e: {  	_ =	shalt  }
0x4f: {  	_ =	shalt  }
0x50: {  	_ =	shalt  }
0x51: {  	_ =	shalt  }
0x52: {  	_ =	shalt  }
0x53: {  	_ =	shalt  }
0x54: {  	_ =	shalt  }
0x55: {  	_ =	shalt  }
0x56: {  	_ =	shalt  }
0x57: {  	_ =	shalt  }
0x58: {  	_ =	shalt  }
0x59: {  	_ =	shalt  }
0x5a: {  	_ =	shalt  }
0x5b: {  	_ =	shalt  }
0x5c: {  	_ =	shalt  }
0x5d: {  	_ =	shalt  }
0x5e: {  	_ =	shalt  }
0x5f: {  	_ =	shalt  }
0x60: {  	_ =	shalt  }
0x61: {  	_ =	shalt  }
0x62: {  	_ =	shalt  }
0x63: {  	_ =	shalt  }
0x64: {  	_ =	shalt  }
0x65: {  	_ =	shalt  }
0x66: {  	_ =	shalt  }
0x67: {  	_ =	shalt  }
0x68: {  	_ =	shalt  }
0x69: {  	_ =	shalt  }
0x6a: {  	_ =	shalt  }
0x6b: {  	_ =	shalt  }
0x6c: {  	_ =	shalt  }
0x6d: {  	_ =	shalt  }
0x6e: {  	_ =	shalt  }
0x6f: {  	_ =	shalt  }
0x70: {  	_ =	shalt  }
0x71: {  	_ =	shalt  }
0x72: {  	_ =	shalt  }
0x73: {  	_ =	shalt  }
0x74: {  	_ =	shalt  }
0x75: {  	_ =	shalt  }
0x76: {  	_ =	shalt  }
0x77: {  	_ =	shalt  }
0x78: {  	_ =	shalt  }
0x79: {  	_ =	shalt  }
0x7a: {  	_ =	shalt  }
0x7b: {  	_ =	shalt  }
0x7c: {  	_ =	shalt  }
0x7d: {  	_ =	shalt  }
0x7e: {  	_ =	shalt  }
0x7f: {  	_ =	shalt  }
0x80: {  	_ =	shalt  }
0x81: {  	_ =	shalt  }
0x82: {  	_ =	shalt  }
0x83: {  	_ =	shalt  }
0x84: {  	_ =	shalt  }
0x85: {  	_ =	shalt  }
0x86: {  	_ =	shalt  }
0x87: {  	_ =	shalt  }
.Lfunc_end0:
.L_simem_size_0:
called_computation.7_lowered:
.L_overlay_start_0:
0x88: {  	s2 =	sld [smem:$0x3FD9]  }
0x89: {  	s3 =	sld [smem:$0x3FFE];
	_ =	sdelay $0x1  }
0x8a: {  	s1 =	srdreg.scid  }
0x8b: {  	s0 =	sand.u32 $0x1, s1  }
0x8c: {  	s15 =	sshll.u32 s0, $0xA;
	s2 =	sadd.s32 s3, s2  }
0x8d: {  	s2 =	sadd.s32 s2, s15  }
0x8e: {  	[smem:$0x3FBE] =	sst s2  }
0x8f: {  	_ = 	snop  }
0x90: {  	s2 =	sld [smem:$0x3FD0];
	_ =	sdelay $0x2  }
0x91: {  	s16 =	simm.s32 $0xD;
	s4 =	simm.s32 $0x10  }
0x92: {  	[smem:s4], [sflag:s16] =	dma.local [hbm:s2], $0x1  }
0x93: {  	_ =	swait.eq [sflag:s16], $0x1  }
0x94: {  	[sflag:s16] =	ssyncset.done $0x0  }
0x95: {  	[sflag:s16] =	ssyncadd.s32 $0xFFFFFFFF  }
0x96: {  	s17 =	sld [smem:$0x10];
	(tm) =	ssettm $0x1  }
0x97: {  	s18 =	sld [smem:$0x3FFB];
	_ =	sdelay $0x3  }
0x98: {  	_ =	strace s18  }
0x99: {  	s2 =	sld [smem:$0x3FFC];
	_ =	sdelay $0x3  }
0x9a: {  	_ =	strace s2  }
0x9b: {  	s2 =	sld [smem:$0x3FFD];
	_ =	sdelay $0x3  }
0x9c: {  	_ =	strace s2  }
0x9d: {  	_ =	strace $0x8FFFFFFF  }
0x9e: {  	s19 =	sld [smem:$0x3FDB];
	_ =	sdelay $0x1  }
0x9f: {  	s20 =	simm.s32 $_scs_section_size  }
0xa0: {  	s5 =	simm.s32 $_size__tile_overlayer_lowered;
	s6 =	simm.s32 $_tile_overlayer_lowered  }
0xa1: {  	s7 =	simm.s32 $0x1BFF;
	s21 =	sshll.u32 s6, $0x1;
	s4 =	sadd.s32 s20, s19  }
0xa2: {  	s22 =	simm.s32 $0x0;
	s5 =	sshll.u32 s5, $0x1;
	s6 =	sadd.s32 s21, s4  }
0xa3: {  	[timem:s22], [sflag:s7] =	dma.local [hbm:s6], s5  }
0xa4: {  	_ =	swait.ge [sflag:s7], s5  }
0xa5: {  	s5 =	ssub.s32 $0x0, s5;
	[sflag:s7] =	ssyncset.done $0x0  }
0xa6: {  	[sflag:s7] =	ssyncadd.s32 s5;
	_ =	sdelay $0x1  }
0xa7: {  	s23 =	simm.s32 $0x1B8B  }
0xa8: {  	_ =	swait.ge [sflag:s23], $0x1  }
0xa9: {  	[sflag:s23] =	ssyncset.done $0x0  }
0xaa: {  	[sflag:s23] =	ssyncadd.s32 $0xFFFFFFFF  }
0xab: {  	s5 =	sld [smem:$0x0]  }
0xac: {  	s6 =	sand.u32 $0xFFFFFFFE, s1  }
0xad: {  	p0 =	sne.s32 s1, s6  }
0xae: {  	s6 =	sshll.u32 @p0 s6, $0xE  }
0xaf: {  	s6 =	sadd.s32 @p0 $0x11B8D, s6;
	s7 =	sshll.u32 @p0 s5, $0x11  }
0xb0: {  	s6 =	sor.u32 @p0 s7, s6  }
0xb1: {  	[sflag:s6] =	ssyncadd.remote.s32 @p0 $0x1;
	_ =	sdelay $0x1  }
0xb2: {  	s6 =	simm.s32 @p0 $0x1B8D  }
0xb3: {  	_ =	swait.eq @p0 [sflag:s6], $0x1  }
0xb4: {  	[sflag:s6] =	ssyncadd.s32 @p0 $0xFFFFFFFF  }
0xb5: {  	s7 =	sshll.u32 @!p0 s1, $0xE  }
0xb6: {  	s7 =	sor.u32 @!p0 $0x4000, s7;
	s6 =	simm.s32 @!p0 $0x1B8D  }
0xb7: {  	s5 =	sshll.u32 @!p0 s5, $0x11;
	s7 =	sadd.s32 @!p0 $0x11B8D, s7;
	_ =	swait.eq @!p0 [sflag:s6], $0x1  }
0xb8: {  	s5 =	sor.u32 @!p0 s5, s7;
	[sflag:s6] =	ssyncadd.s32 @!p0 $0xFFFFFFFF  }
0xb9: {  	s25 =	simm.s32 $0x1B8E;
	s24 =	sld [smem:$0x3FFE];
	[sflag:s5] =	ssyncadd.remote.s32 @!p0 $0x1  }
0xba: {  	s26 =	simm.s32 $execute0_lowered;
	[smem:$0x3FD2] =	sst s25  }
0xbb: {  	s6 =	sshll.u32 s26, $0x1;
	_ =	strace $0x8000005B;
	[dreg:$0x1] =	wrdreg $0xFFFFFFFF  }
0xbc: {  	s28 =	simm.s32 $_size_execute0_lowered;
	s4 =	sadd.s32 s4, s6;
	[dreg:$0x0] =	wrdreg $0x0  }
0xbd: {  	s6 =	sshll.u32 s28, $0x1;
	[dreg:$0x2] =	wrdreg s4  }
0xbe: {  	[dreg:$0x3] =	wrdreg s6  }
0xbf: {  	[dreg:$0x4] =	wrdreg $0xC0  }
0xc0: {  	_ =	task [dreg:s22], $0x5FFFF  }
0xc1: {  	[dreg:$0x1] =	wrdreg $0xFFFFFFFF  }
0xc2: {  	[dreg:$0x0] =	wrdreg $0x60  }
0xc3: {  	[dreg:$0x2] =	wrdreg s24  }
0xc4: {  	[dreg:$0x3] =	wrdreg s17  }
0xc5: {  	[dreg:$0x4] =	wrdreg $0xBA800  }
0xc6: {  	[dreg:$0x5] =	wrdreg $0xA  }
0xc7: {  	_ =	task.clear_ibuf [dreg:s22], $0x6FFFF;
	_ =	strace $0x9000005B  }
0xc8: {  	s29 =	simm.s32 $0xA;
	_ =	strace $0x8000005D  }
0xc9: {  	_ =	swait.ge [sflag:s29], $0x1  }
0xca: {  	[sflag:s29] =	ssyncadd.s32 $0xFFFFFFFF  }
0xcb: {  	_ =	strace $0x9000005D  }
0xcc: {  	_ =	sfence  }
0xcd: {  	s30 =	sld [smem:$0x0];
	_ =	sdelay $0x2  }
0xce: {  	s31 =	sshll.u32 s1, $0xD;
	s1 =	sshrl.u32 s1, $0x2  }
0xcf: {  	s4 =	sand.u32 $0x4000, s31;
	s1 =	sadd.s32 s1, s30  }
0xd0: {  	s0 =	sor.u32 s4, s0;
	s1 =	sshll.u32 s1, $0x11  }
0xd1: {  	s0 =	sor.u32 s1, s0  }
0xd2: {  	s0 =	sadd.s32 $0x8F2B, s0  }
0xd3: {  	[sflag:s0] =	ssyncadd.remote.s32 $0x1  }
0xd4: {  	_ =	sfence.sel $0xFFFF  }
0xd5: {  	[dreg:$0x0] =	wrdreg $0xFFFFFFFF;
	(pc) =	sbr.abs _section_cstart, $3  }
0xd6: {  	[dreg:$0x1] =	wrdreg $0xFFFFFFFF  }
0xd7: {  	_ =	task.clear_ibuf [dreg:s22], $0x2FFFF;
	_ =	strace $0x9FFFFFFF  }
0xd8: {  	(tm) =	ssettm $0x7FFFFFFF  }
0xd9: {  	_ =	shalt  }
tec
execute0_lowered:
.L_overlay_start_1:
0x0: {  	(tag) =	ssettag $0x1  }
0x1: {  	s1 =	srdreg.scid;
	s6 =	rddreg [dreg:$0x0]  }
0x2: {  	s0 =	stileid.u32;
	s2 =	rddreg [dreg:$0x1]  }
0x3: {  	s3 =	rddreg [dreg:$0x2];
	s4 =	simm.s32 $0x0;
	s16 =	simm.s32 $0x80  }
0x4: {  	s17 =	simm.s32 $0x7980;
	s18 =	simm.s32 $0x7A80;
	s19 =	simm.s32 $0x1  }
0x5: {  	s20 =	simm.s32 $0x7A00;
	s21 =	simm.s32 $0x0;
	s7 =	sand.u32 $0x1, s1  }
0x6: {  	s29 =	sshll.u32 s0, $0x1;
	[smem:$0x7FF] =	sst s4;
	s9 =	smul.u32 $0x14000, s0  }
0x7: {  	s11 =	smul.u32 $0x50000, s0;
	s14 =	sshll.u32 s0, $0x6;
	s1 =	sor.u32 s7, s29  }
0x8: {  	s8 =	smul.u32 $0x140000, s7;
	s7 =	ssub.s32 $0x2, s7;
	s14 =	sor.u32 $0x1C02, s14  }
0x9: {  	s5 =	smul.u32 $0x510, s1;
	s1 =	rddreg [dreg:$0x3];
	_ =	strace $0x8000005C  }
0xa: {  	s30 =	sshrl.u32 s7, $0x1;
	s31 =	sshrl.u32 s11, $0x2;
	s11 =	simm.s32 $0x2  }
0xb: {  	s8 =	sadd.s32 s9, s8;
	s13 =	ssub.s32 s7, s30;
	s15 =	sadd.s32 s31, s3  }
0xc: {  	s10 =	sadd.s32 s5, s6;
	s5 =	sadd.s32 $0x36400, s6;
	s8 =	sshrl.u32 s8, $0x3  }
0xd: {  	s15 =	sshrl.u32 s15, $0x3;
	s12 =	sadd.s32 s8, s6;
	s6 =	sadd.s32 $0x3C00, s10  }
0xe: {  	s7 =	sadd.s32 $0xDE00, s10;
	s8 =	sadd.s32 $0x42E00, s10;
	s10 =	smax.u32 s13, $0x1  }
0xf: {  	s13 =	simm.s32 $0x5100;
	s9 =	sadd.s32 $0x9D000, s12;
	s12 =	simm.s32 $0x2880  }
.LBB2_1:
0x10: {  	[tilespmem:s4], [sflag:$0x2] =	stream.linear.gather [hbm4b:s6+s4], $0x2880, $0x38;
	[tilespmem:$0x1FA80] =	vst v63  }
0x11: {  	_ =	swait.ge [sflag:s11], $0x2880  }
0x12: {  	[sflag:s11] =	ssyncset.done $0x0  }
0x13: {  	[sflag:s11] =	ssyncadd.s32 $0xFFFFD780  }
0x14: {  	[tilespmem:s12], [sflag:$0x2] =	stream.linear.gather [hbm4b:s7+s4], $0x2880, $0x38;
	[tilespmem:$0x1FA80] =	vst v63  }
0x15: {  	_ =	swait.ge [sflag:s11], $0x2880  }
0x16: {  	[sflag:s11] =	ssyncset.done $0x0  }
0x17: {  	[sflag:s11] =	ssyncadd.s32 $0xFFFFD780  }
0x18: {  	[tilespmem:s13], [sflag:$0x2] =	stream.linear.gather [hbm4b:s8+s4], $0x2880, $0x38;
	[tilespmem:$0x1FA80] =	vst v63  }
0x19: {  	_ =	swait.ge [sflag:s11], $0x2880  }
0x1a: {  	[sflag:s11] =	ssyncset.done $0x0  }
0x1b: {  	[sflag:s11] =	ssyncadd.s32 $0xFFFFD780  }
0x1c: {  	[spmem:s15], [sflag:s14] =	dma.local [hbm:s5], $0x2800  }
0x1d: {  	_ =	swait.ge [sflag:s11], $0x2800  }
0x1e: {  	[sflag:s11] =	ssyncset.done $0x0  }
0x1f: {  	[sflag:s11] =	ssyncadd.s32 $0xFFFFD800  }
0x20: {  	s22 =	simm.s32 $0x0;
	s23 =	simm.s32 $0x0;
	[bflag:$0x0] =	sbarrier.arrive $0xFFFF  }
.LBB2_2:
0x21: {  	s24 =	sshll.u32 s23, $0x7  }
0x22: {  	v0 =	vld [tilespmem:s24+$0x0];
	_ =	sdelay $0x4  }
0x23: {  	v0 =	vadd.s32 $0x2710, v0  }
0x24: {  	[tilespmem:$0x7980] =	vst v0  }
0x25: {  	v0 =	vld [tilespmem:s24+$0x2880];
	_ =	sdelay $0x4  }
0x26: {  	[tilespmem:$0x7A00] =	vst v0  }
0x27: {  	v0 =	vld [tilespmem:s24+$0x10];
	_ =	sdelay $0x4  }
0x28: {  	v0 =	vadd.s32 $0x2710, v0  }
0x29: {  	[tilespmem:$0x7990] =	vst v0  }
0x2a: {  	v0 =	vld [tilespmem:s24+$0x2890];
	_ =	sdelay $0x4  }
0x2b: {  	[tilespmem:$0x7A10] =	vst v0  }
0x2c: {  	v0 =	vld [tilespmem:s24+$0x20];
	_ =	sdelay $0x4  }
0x2d: {  	v0 =	vadd.s32 $0x2710, v0  }
0x2e: {  	[tilespmem:$0x79A0] =	vst v0  }
0x2f: {  	v0 =	vld [tilespmem:s24+$0x28A0];
	_ =	sdelay $0x4  }
0x30: {  	[tilespmem:$0x7A20] =	vst v0  }
0x31: {  	v0 =	vld [tilespmem:s24+$0x30];
	_ =	sdelay $0x4  }
0x32: {  	v0 =	vadd.s32 $0x2710, v0  }
0x33: {  	[tilespmem:$0x79B0] =	vst v0  }
0x34: {  	v0 =	vld [tilespmem:s24+$0x28B0];
	_ =	sdelay $0x4  }
0x35: {  	[tilespmem:$0x7A30] =	vst v0  }
0x36: {  	v0 =	vld [tilespmem:s24+$0x40];
	_ =	sdelay $0x4  }
0x37: {  	v0 =	vadd.s32 $0x2710, v0  }
0x38: {  	[tilespmem:$0x79C0] =	vst v0  }
0x39: {  	v0 =	vld [tilespmem:s24+$0x28C0];
	_ =	sdelay $0x4  }
0x3a: {  	[tilespmem:$0x7A40] =	vst v0  }
0x3b: {  	v0 =	vld [tilespmem:s24+$0x50];
	_ =	sdelay $0x4  }
0x3c: {  	v0 =	vadd.s32 $0x2710, v0  }
0x3d: {  	[tilespmem:$0x79D0] =	vst v0  }
0x3e: {  	v0 =	vld [tilespmem:s24+$0x28D0];
	_ =	sdelay $0x4  }
0x3f: {  	[tilespmem:$0x7A50] =	vst v0  }
0x40: {  	v0 =	vld [tilespmem:s24+$0x60];
	_ =	sdelay $0x4  }
0x41: {  	v0 =	vadd.s32 $0x2710, v0  }
0x42: {  	[tilespmem:$0x79E0] =	vst v0  }
0x43: {  	v0 =	vld [tilespmem:s24+$0x28E0];
	_ =	sdelay $0x4  }
0x44: {  	[tilespmem:$0x7A60] =	vst v0  }
0x45: {  	v0 =	vld [tilespmem:s24+$0x70];
	_ =	sdelay $0x4  }
0x46: {  	v0 =	vadd.s32 $0x2710, v0  }
0x47: {  	[tilespmem:$0x79F0] =	vst v0  }
0x48: {  	v0 =	vld [tilespmem:s24+$0x28F0];
	_ =	sdelay $0x4  }
0x49: {  	[tilespmem:$0x7A70] =	vst v0  }
0x4a: {  	[tilespmem:s18], [sflag:$0x1] =	stream.indirect.gather [hbm4b:s2+s16], $0x80, s17, s16, $0xb8;
	[tilespmem:$0x1FA80] =	vst v63  }
0x4b: {  	s31 =	sadd.s32 $0x0, s22;
	_ =	swait.ge [sflag:s19], $0x4000  }
0x4c: {  	v0 =	vmov s31;
	[sflag:s19] =	ssyncset.done $0x0  }
0x4d: {  	s24 =	simm.s32 $0x7AC0;
	[sflag:s19] =	ssyncadd.s32 $0xFFFFC000  }
0x4e: {  	v4 =	vld [tilespmem:s24+$0x30]  }
0x4f: {  	v7 =	vld [tilespmem:s24+$0x10]  }
0x50: {  	v5 =	vld [tilespmem:s24+$0xFFFFFFC0]  }
0x51: {  	v1 =	vld.idx.msk [tilespmem:v0+s13+$0x0], $0xffff  }
0x52: {  	v9 =	vld [tilespmem:s24+$0xFFFFFFE0]  }
0x53: {  	v0 =	vld [tilespmem:s24+$0xFFFFFFF0]  }
0x54: {  	v2 =	vld [tilespmem:s24+$0x20]  }
0x55: {  	v3 =	vld [tilespmem:s24+$0xFFFFFFD0]  }
0x56: {  	v8 =	vmul.f32 v4, v1;
	v4 =	vld [tilespmem:s24+$0x0]  }
0x57: {  	v6 =	vmul.f32 v5, v1  }
0x58: {  	s25 =	simm.s32 $0x1;
	s26 =	simm.s32 $0x7AC0;
	v5 =	vmul.f32 v9, v1;
	v7 =	vmul.f32 v7, v1  }
.LBB2_3:
0x59: {  	p0 =	sne.s32 s25, $0x7F  }
0x5a: {  	v3 =	vmul.f32 v3, v1;
	v2 =	vmul.f32 v2, v1;
	[tilespmem:s24+$0x30] =	vst v8;
	s26 =	sadd.s32 $0x80, s26;
	s28 =	smov.u32 s25;
	s25 =	sadd.s32 $0x1, s25  }
0x5b: {  	[tilespmem:s24+$0xFFFFFFC0] =	vst v6;
	v6 =	vmul.f32 v0, v1;
	v1 =	vmul.f32 v4, v1  }
0x5c: {  	s28 =	sadd.s32 s28, s22;
	[tilespmem:s24+$0x10] =	vst v7  }
0x5d: {  	v4 =	vmov s28;
	[tilespmem:s24+$0xFFFFFFE0] =	vst v5  }
0x5e: {  	v0 =	vld [tilespmem:s26+$0xFFFFFFF0];
	[tilespmem:s24+$0xFFFFFFF0] =	vst v6  }
0x5f: {  	v5 =	vld [tilespmem:s26+$0x30];
	[tilespmem:s24+$0x0] =	vst v1  }
0x60: {  	v7 =	vld [tilespmem:s26+$0x10];
	[tilespmem:s24+$0x20] =	vst v2  }
0x61: {  	v6 =	vld [tilespmem:s26+$0xFFFFFFC0];
	[tilespmem:s24+$0xFFFFFFD0] =	vst v3;
	s24 =	smov.u32 s26  }
0x62: {  	v1 =	vld.idx.msk [tilespmem:v4+s13+$0x0], $0xffff  }
0x63: {  	v9 =	vld [tilespmem:s26+$0xFFFFFFE0]  }
0x64: {  	v2 =	vld [tilespmem:s26+$0x20]  }
.Ltmp0:
0x65: {  	v3 =	vld [tilespmem:s26+$0xFFFFFFD0];
	(pc) =	sbr.rel @p0 .LBB2_3-.Ltmp0, $3  }
0x66: {  	v4 =	vld [tilespmem:s26+$0x0];
	_ =	sdelay $0x1  }
0x67: {  	v6 =	vmul.f32 v6, v1;
	v8 =	vmul.f32 v5, v1  }
0x68: {  	v7 =	vmul.f32 v7, v1;
	v5 =	vmul.f32 v9, v1  }
0x69: {  	[tilespmem:s24+$0x30] =	vst v8  }
0x6a: {  	[tilespmem:s24+$0xFFFFFFC0] =	vst v6  }
0x6b: {  	v0 =	vmul.f32 v0, v1;
	[tilespmem:s24+$0x10] =	vst v7  }
0x6c: {  	v2 =	vmul.f32 v2, v1;
	[tilespmem:s24+$0xFFFFFFE0] =	vst v5  }
0x6d: {  	v63 =	vmul.f32 v3, v1;
	[tilespmem:s24+$0xFFFFFFF0] =	vst v0  }
0x6e: {  	s23 =	sadd.s32 $0x1, s23;
	v4 =	vmul.f32 v4, v1;
	[tilespmem:s24+$0x20] =	vst v2  }
0x6f: {  	p0 =	sne.s32 s23, $0x51;
	[tilespmem:s24+$0xFFFFFFD0] =	vst v63  }
.Ltmp1:
0x70: {  	[tilespmem:s24+$0x0] =	vst v4;
	(pc) =	sbr.rel @p0 .LBB2_2-.Ltmp1, $4  }
0x71: {  	[spmem:s3] =	stream.indirect.scatter.add.f32 [tilespmem:s18], [sflag:$0x2], $0x80, s20, s16, $0xb8;
	[tilespmem:$0x1FA80] =	vst v63  }
0x72: {  	_ =	swait.ge [sflag:s11], $0x4000  }
0x73: {  	[sflag:s11] =	ssyncset.done $0x0  }
0x74: {  	s22 =	sadd.s32 $0x80, s22;
	[sflag:s11] =	ssyncadd.s32 $0xFFFFC000  }
0x75: {  	s21 =	sadd.s32 $0x1, s21  }
0x76: {  	p0 =	sne.s32 s21, s10  }
.Ltmp2:
0x77: {  	[bflag:$0x0] =	sbarrier.arrive $0xFFFF;
	(pc) =	sbr.rel @p0 .LBB2_1-.Ltmp2, $4  }
0x78: {  	[hbm:s9], [sflag:s14] =	dma.local [spmem:s15], $0x2800  }
0x79: {  	_ =	swait.ge [sflag:s11], $0x2800  }
0x7a: {  	[sflag:s11] =	ssyncset.done $0x0  }
0x7b: {  	[sflag:s11] =	ssyncadd.s32 $0xFFFFD800  }
0x7c: {  	_ =	sfence.sel $0x180000  }
0x7d: {  	[bflag:$0x0] =	sbarrier.arrive $0xFFFF  }
0x7e: {  	p0 =	sne.s32 s0, $0x0;
	_ =	strace $0x9000005C  }
0x7f: {  	s0 =	sadd.s32 @!p0 $0x100000, s1;
	[bflag:$0x2] =	sbarrier.arrive $0xFFFF  }
0x80: {  	[sflag:s0] =	ssyncadd.tile.s32 @!p0 $0x1;
	_ =	shalt  }
.Lfunc_end2:
_tile_overlayer_lowered:
.L_overlay_start_2:
0x81: {  	(tag) =	ssettag $0x2  }
0x82: {  	s0 =	rddreg [dreg:$0x0];
	s2 =	stileid.u32  }
0x83: {  	s1 =	rddreg [dreg:$0x1];
	p0 =	sne.s32 s2, $0x0  }
0x84: {  	s3 =	rddreg [dreg:$0x2];
	[bflag:$0x3] =	sbarrier.arrive $0xFFFF;
	s2 =	simm.s32 @!p0 $0x1C02  }
0x85: {  	[timem:s3], [sflag:s2] =	dma.local @!p0 [hbm:s0], s1  }
0x86: {  	s0 =	simm.s32 @!p0 $0x2  }
0x87: {  	_ =	swait.ge @!p0 [sflag:s0], s1  }
0x88: {  	s1 =	ssub.s32 @!p0 $0x0, s1;
	[sflag:s0] =	ssyncset.done @!p0 $0x0  }
0x89: {  	[sflag:s0] =	ssyncadd.s32 @!p0 s1  }
0x8a: {  	[bflag:$0x3] =	sbarrier.arrive $0xFFFF  }
0x8b: {  	_ =	shalt  }

</sc_bundles>
